<compile_context>
chip_gen: v7x
topology: tpu7x:2x2x1
jax: 0.10.2.dev20260603
libtpu: 0.0.44.dev20260713+nightly
codegen_flags: <defaults>
</compile_context>

<pallas_src>
import functools

import jax
import jax.numpy as jnp
from jax import lax
from jax.experimental import pallas as pl
from jax.experimental.pallas import tpu as pltpu
from jax.experimental.pallas import tpu_sc as plsc

B, T, D, K = 128, 8192, 64, 32
RB = 64
CH = 8
PH = 2
BP = B // PH


def _topk_body(s_ref, vals_ref, idx_ref):
    sb = s_ref[...]
    iota = lax.broadcasted_iota(jnp.int32, (RB, T), 1)
    kiota = lax.broadcasted_iota(jnp.int32, (RB, K), 1)
    neg = jnp.float32(-jnp.inf)

    def body(k, carry):
        sb, vals, idxs = carry
        m = jnp.max(sb, axis=1, keepdims=True)
        im = jnp.min(jnp.where(sb == m, iota, T), axis=1, keepdims=True)
        vals = jnp.where(kiota == k, m, vals)
        idxs = jnp.where(kiota == k, im, idxs)
        sb = jnp.where(iota == im, neg, sb)
        return sb, vals, idxs

    carry = (sb, jnp.zeros((RB, K), jnp.float32), jnp.zeros((RB, K), jnp.int32))
    for k in range(K):
        carry = body(k, carry)
    _, vals, idxs = carry
    vals_ref[...] = vals
    idx_ref[...] = idxs


_topk = pl.pallas_call(
    _topk_body,
    grid=(BP // RB,),
    in_specs=[pl.BlockSpec((RB, T), lambda i: (i, 0))],
    out_specs=[
        pl.BlockSpec((RB, K), lambda i: (i, 0)),
        pl.BlockSpec((RB, K), lambda i: (i, 0)),
    ],
    out_shape=[
        jax.ShapeDtypeStruct((BP, K), jnp.float32),
        jax.ShapeDtypeStruct((BP, K), jnp.int32),
    ],
)


def _make_gather(b_off):
    info = plsc.get_sparse_core_info()
    nw = info.num_cores * info.num_subcores
    n = BP * K
    per_w = n // nw
    mesh = plsc.VectorSubcoreMesh(core_axis_name="c", subcore_axis_name="s")

    @functools.partial(
        pl.kernel,
        out_type=jax.ShapeDtypeStruct((n * D,), jnp.float32),
        mesh=mesh,
        compiler_params=pltpu.CompilerParams(needs_layout_passes=False),
        scratch_types=[
            pltpu.VMEM((per_w + 16,), jnp.int32),
            pltpu.VMEM((CH, D, 128), jnp.float32),
            pltpu.VMEM((per_w * D,), jnp.float32),
            pltpu.SemaphoreType.DMA,
        ],
    )
    def gather(xt_hbm, idx_hbm, out_hbm, idx_v, blocks, rows, sem):
        wid = lax.axis_index("s") * info.num_cores + lax.axis_index("c")
        base = wid * per_w
        lane = lax.iota(jnp.int32, 16)
        pltpu.sync_copy(idx_hbm.at[pl.ds(base, per_w)], idx_v.at[pl.ds(0, per_w)])

        def block_copy(t, i, u):
            b = b_off + (base + i) // K
            off = pl.multiple_of((t // 128) * 128, 128)
            return pltpu.make_async_copy(
                xt_hbm.at[b, :, pl.ds(off, 128)], blocks.at[u], sem
            )

        def chunk(c, _):
            i0 = c * CH
            iv = idx_v[pl.ds(pl.multiple_of(i0, CH), 16)]
            ts = [jnp.max(jnp.where(lane == u, iv, 0)) for u in range(CH)]
            for u in range(CH):
                block_copy(ts[u], i0 + u, u).start()
            for u in range(CH):
                block_copy(ts[u], i0 + u, u).wait()
            for u in range(CH):
                i = i0 + u
                j = jnp.full((16,), ts[u] % 128, jnp.int32)
                uu = jnp.full((16,), u, jnp.int32)
                for g in range(D // 16):
                    v = plsc.load_gather(blocks, [uu, g * 16 + lane, j])
                    plsc.store_scatter(rows, [i * D + g * 16 + lane], v)
            return 0

        lax.fori_loop(0, per_w // CH, chunk, 0)
        pltpu.sync_copy(rows, out_hbm.at[pl.ds(base * D, per_w * D)])

    return gather


_gathers = [_make_gather(h * BP) for h in range(PH)]


@jax.jit
def kernel(s, x):
    s2 = s.reshape(B, T)
    xt = jnp.transpose(x, (0, 2, 1))
    outs = []
    for h in range(PH):
        vals, idx = _topk(lax.slice(s2, (h * BP, 0), ((h + 1) * BP, T)))
        rows = _gathers[h](xt, idx.reshape(BP * K))
        outs.append(
            jnp.concatenate(
                [vals.reshape(BP, K, 1), rows.reshape(BP, K, D)], axis=-1
            )
        )
    return jnp.concatenate(outs, axis=0)

# --- scband reference (transcript-rebuilt; emitter-appended) ---
"""Pipeline reference for scband-kmax-conc-pooling-26482768347140 (READ-ONLY COPY).

The authoritative reference and input builder live on the scoring server;
editing this copy changes nothing except your own understanding.
"""

import jax, jax.numpy as jnp
import numpy as np

K = 32

def setup_inputs(seed: int = 0) -> dict:
    key = jax.random.key(seed)
    k1, k2 = jax.random.split(key)
    s = jax.random.normal(k1, (128, 8192, 1), dtype=jnp.float32)
    x = jax.random.normal(k2, (128, 8192, 64), dtype=jnp.float32)
    return {"s": s, "x": x}

def reference(s, x):
    # s: [B, T, 1] scores; x: [B, T, d] features
    shifted_s = jnp.transpose(s, (0, 2, 1))  # [B, 1, T]
    top_k_vals, top_k_idx = jax.lax.top_k(shifted_s, K)  # [B, 1, K], sorted descending
    s_top_k = jnp.transpose(top_k_vals, (0, 2, 1))  # [B, K, 1]
    # fetch_top_k_in_x: gather rows of x at top-k time indices (C==1 so flatten works)
    idx = top_k_idx.reshape(top_k_idx.shape[0], -1)  # [B, K]
    x_top_k = jnp.take_along_axis(x, idx[:, :, None], axis=1)  # [B, K, d]
    return jnp.concatenate([s_top_k, x_top_k], axis=-1)  # [B, K, d+1]

if __name__ == "__main__":
    import jax
    _d = setup_inputs()
    print(jax.jit(kernel)(*tuple(_d.values())))

</pallas_src>

<mosaic_0001>
#map = affine_map<(d0, d1) -> (0, 0, 0)>
#map1 = affine_map<(d0, d1) -> (0)>
module attributes {stable_mosaic.version = 14 : i64} {
  func.func @gather(%arg0: i32, %arg1: i32, %arg2: memref<128x64x8192xf32, #tpu.memory_space<hbm>>, %arg3: memref<2048xi32, #tpu.memory_space<hbm>>, %arg4: memref<131072xf32, #tpu.memory_space<hbm>>, %arg5: memref<80xi32, #tpu.memory_space<vmem>>, %arg6: memref<8x64x128xf32, #tpu.memory_space<vmem>>, %arg7: memref<4096xf32, #tpu.memory_space<vmem>>, %arg8: memref<!tpu.dma_semaphore, #tpu.memory_space<semaphore_mem>>) attributes {dimension_semantics = [#tpu.dimension_semantics<core_parallel>, #tpu.dimension_semantics<subcore_parallel>], iteration_bounds = array<i64: 2, 16>, scalar_prefetch = 0 : i64, scratch_operands = 4 : i64, tpu.core_type = #tpu.core_type<sc_vector_subcore>, window_params = [{transform_indices = #map}, {transform_indices = #map1}, {transform_indices = #map1}]} {
    %mul3A = arith.constant 2 : i32
    %mul3A_0 = arith.muli %arg1, %mul3A : i32
    %add3A = arith.addi %mul3A_0, %arg0 : i32
    %mul3A_1 = arith.constant 64 : i32
    %mul3A_2 = arith.muli %add3A, %mul3A_1 : i32
    %iota3A = tpu.iota {dimensions = array<i32: 0>} : vector<16xi32>
    "tpu.region"() ({
      %run_scoped3A = tpu.sem_alloc : memref<!tpu.dma_semaphore, #tpu.memory_space<semaphore_mem>>
      %dma_start3A = arith.constant 0 : i32
      %dma_start3A_11 = tpu.memref_slice %arg5[%dma_start3A] : memref<80xi32, #tpu.memory_space<vmem>> -> memref<64xi32, #tpu.memory_space<vmem>>
      %dma_start3A_12 = tpu.memref_slice %arg3[%mul3A_2] : memref<2048xi32, #tpu.memory_space<hbm>> -> memref<64xi32, #tpu.memory_space<hbm>>
      %dma_start3A_13 = arith.constant 0 : i32
      %dma_start3A_14 = tpu.memref_slice %arg5[%dma_start3A_13] : memref<80xi32, #tpu.memory_space<vmem>> -> memref<64xi32, #tpu.memory_space<vmem>>
      %dma_start3A_15 = tpu.memref_slice %arg3[%mul3A_2] : memref<2048xi32, #tpu.memory_space<hbm>> -> memref<64xi32, #tpu.memory_space<hbm>>
      tpu.enqueue_dma source(%dma_start3A_15 : memref<64xi32, #tpu.memory_space<hbm>>) target(%dma_start3A_14 : memref<64xi32, #tpu.memory_space<vmem>>) target_semaphore(%run_scoped3A : memref<!tpu.dma_semaphore, #tpu.memory_space<semaphore_mem>>)
      %dma_wait3A = arith.constant 0 : i32
      %dma_wait3A_16 = tpu.memref_slice %arg5[%dma_wait3A] : memref<80xi32, #tpu.memory_space<vmem>> -> memref<64xi32, #tpu.memory_space<vmem>>
      %dma_wait3A_17 = tpu.memref_slice %arg3[%mul3A_2] : memref<2048xi32, #tpu.memory_space<hbm>> -> memref<64xi32, #tpu.memory_space<hbm>>
      %dma_wait3A_18 = arith.constant 0 : i32
      %dma_wait3A_19 = tpu.memref_slice %arg5[%dma_wait3A_18] : memref<80xi32, #tpu.memory_space<vmem>> -> memref<64xi32, #tpu.memory_space<vmem>>
      %dma_wait3A_20 = tpu.memref_slice %arg3[%mul3A_2] : memref<2048xi32, #tpu.memory_space<hbm>> -> memref<64xi32, #tpu.memory_space<hbm>>
      tpu.wait_dma2 semaphore(%run_scoped3A : memref<!tpu.dma_semaphore, #tpu.memory_space<semaphore_mem>>) src(%dma_wait3A_20 : memref<64xi32, #tpu.memory_space<hbm>>) dst(%dma_wait3A_19 : memref<64xi32, #tpu.memory_space<vmem>>)
      tpu.yield
    }) : () -> ()
    %scan3A = arith.constant 0 : i32
    %scan3A_3 = arith.constant 0 : i32
    %scan3A_4 = arith.constant 8 : i32
    %scan3A_5 = arith.addi %scan3A_3, %scan3A_4 : i32
    %scan3A_6 = arith.constant 1 : i32
    %scan3A_7 = scf.for %scan3A_11 = %scan3A_3 to %scan3A_5 step %scan3A_6 iter_args(%scan3A_12 = %scan3A) -> (i32)  : i32 {
      %mul3A_13 = arith.constant 8 : i32
      %mul3A_14 = arith.muli %scan3A_11, %mul3A_13 : i32
      %multiple_of3A = tpu.assume_multiple %mul3A_14, 8 : i32
      %get3A = arith.index_cast %multiple_of3A : i32 to index
      %get3A_15 = tpu.vector_load %arg5[%get3A] {strides = array<i32>} : memref<80xi32, #tpu.memory_space<vmem>>, vector<16xi32>,
      %eq3A = arith.constant 0 : i32
      %eq3A_16 = vector.broadcast %eq3A : i32 to vector<16xi32>
      %eq3A_17 = arith.cmpi eq, %iota3A, %eq3A_16 : vector<16xi32>
      %jit3A = arith.constant 0 : i32
      %broadcast_in_dim3A = vector.broadcast %jit3A : i32 to vector<16xi32>
      %select_n3A = arith.select %eq3A_17, %get3A_15, %broadcast_in_dim3A : vector<16xi1>, vector<16xi32>
      %reduce_max3A = arith.constant true
      %reduce_max3A_18 = vector.broadcast %reduce_max3A : i1 to vector<16xi1>
      %reduce_max3A_19 = arith.constant -2147483648 : i32
      %reduce_max3A_20 = vector.broadcast %reduce_max3A_19 : i32 to vector<16xi32>
      %reduce_max3A_21 = arith.xori %select_n3A, %reduce_max3A_20 : vector<16xi32>
      %reduce_max3A_22 = tpu.scan <max>, %reduce_max3A_21 masked %reduce_max3A_18 : vector<16xi32>, vector<16xi1> -> vector<16xi32>
      %reduce_max3A_23 = arith.xori %reduce_max3A_22, %reduce_max3A_20 : vector<16xi32>
      %reduce_max3A_24 = vector.extract %reduce_max3A_23[15] : i32 from vector<16xi32>
      %eq3A_25 = arith.constant 1 : i32
      %eq3A_26 = vector.broadcast %eq3A_25 : i32 to vector<16xi32>
      %eq3A_27 = arith.cmpi eq, %iota3A, %eq3A_26 : vector<16xi32>
      %jit3A_28 = arith.constant 0 : i32
      %broadcast_in_dim3A_29 = vector.broadcast %jit3A_28 : i32 to vector<16xi32>
      %select_n3A_30 = arith.select %eq3A_27, %get3A_15, %broadcast_in_dim3A_29 : vector<16xi1>, vector<16xi32>
      %reduce_max3A_31 = arith.constant true
      %reduce_max3A_32 = vector.broadcast %reduce_max3A_31 : i1 to vector<16xi1>
      %reduce_max3A_33 = arith.constant -2147483648 : i32
      %reduce_max3A_34 = vector.broadcast %reduce_max3A_33 : i32 to vector<16xi32>
      %reduce_max3A_35 = arith.xori %select_n3A_30, %reduce_max3A_34 : vector<16xi32>
      %reduce_max3A_36 = tpu.scan <max>, %reduce_max3A_35 masked %reduce_max3A_32 : vector<16xi32>, vector<16xi1> -> vector<16xi32>
      %reduce_max3A_37 = arith.xori %reduce_max3A_36, %reduce_max3A_34 : vector<16xi32>
      %reduce_max3A_38 = vector.extract %reduce_max3A_37[15] : i32 from vector<16xi32>
      %eq3A_39 = arith.constant 2 : i32
      %eq3A_40 = vector.broadcast %eq3A_39 : i32 to vector<16xi32>
      %eq3A_41 = arith.cmpi eq, %iota3A, %eq3A_40 : vector<16xi32>
      %jit3A_42 = arith.constant 0 : i32
      %broadcast_in_dim3A_43 = vector.broadcast %jit3A_42 : i32 to vector<16xi32>
      %select_n3A_44 = arith.select %eq3A_41, %get3A_15, %broadcast_in_dim3A_43 : vector<16xi1>, vector<16xi32>
      %reduce_max3A_45 = arith.constant true
      %reduce_max3A_46 = vector.broadcast %reduce_max3A_45 : i1 to vector<16xi1>
      %reduce_max3A_47 = arith.constant -2147483648 : i32
      %reduce_max3A_48 = vector.broadcast %reduce_max3A_47 : i32 to vector<16xi32>
      %reduce_max3A_49 = arith.xori %select_n3A_44, %reduce_max3A_48 : vector<16xi32>
      %reduce_max3A_50 = tpu.scan <max>, %reduce_max3A_49 masked %reduce_max3A_46 : vector<16xi32>, vector<16xi1> -> vector<16xi32>
      %reduce_max3A_51 = arith.xori %reduce_max3A_50, %reduce_max3A_48 : vector<16xi32>
      %reduce_max3A_52 = vector.extract %reduce_max3A_51[15] : i32 from vector<16xi32>
      %eq3A_53 = arith.constant 3 : i32
      %eq3A_54 = vector.broadcast %eq3A_53 : i32 to vector<16xi32>
      %eq3A_55 = arith.cmpi eq, %iota3A, %eq3A_54 : vector<16xi32>
      %jit3A_56 = arith.constant 0 : i32
      %broadcast_in_dim3A_57 = vector.broadcast %jit3A_56 : i32 to vector<16xi32>
      %select_n3A_58 = arith.select %eq3A_55, %get3A_15, %broadcast_in_dim3A_57 : vector<16xi1>, vector<16xi32>
      %reduce_max3A_59 = arith.constant true
      %reduce_max3A_60 = vector.broadcast %reduce_max3A_59 : i1 to vector<16xi1>
      %reduce_max3A_61 = arith.constant -2147483648 : i32
      %reduce_max3A_62 = vector.broadcast %reduce_max3A_61 : i32 to vector<16xi32>
      %reduce_max3A_63 = arith.xori %select_n3A_58, %reduce_max3A_62 : vector<16xi32>
      %reduce_max3A_64 = tpu.scan <max>, %reduce_max3A_63 masked %reduce_max3A_60 : vector<16xi32>, vector<16xi1> -> vector<16xi32>
      %reduce_max3A_65 = arith.xori %reduce_max3A_64, %reduce_max3A_62 : vector<16xi32>
      %reduce_max3A_66 = vector.extract %reduce_max3A_65[15] : i32 from vector<16xi32>
      %eq3A_67 = arith.constant 4 : i32
      %eq3A_68 = vector.broadcast %eq3A_67 : i32 to vector<16xi32>
      %eq3A_69 = arith.cmpi eq, %iota3A, %eq3A_68 : vector<16xi32>
      %jit3A_70 = arith.constant 0 : i32
      %broadcast_in_dim3A_71 = vector.broadcast %jit3A_70 : i32 to vector<16xi32>
      %select_n3A_72 = arith.select %eq3A_69, %get3A_15, %broadcast_in_dim3A_71 : vector<16xi1>, vector<16xi32>
      %reduce_max3A_73 = arith.constant true
      %reduce_max3A_74 = vector.broadcast %reduce_max3A_73 : i1 to vector<16xi1>
      %reduce_max3A_75 = arith.constant -2147483648 : i32
      %reduce_max3A_76 = vector.broadcast %reduce_max3A_75 : i32 to vector<16xi32>
      %reduce_max3A_77 = arith.xori %select_n3A_72, %reduce_max3A_76 : vector<16xi32>
      %reduce_max3A_78 = tpu.scan <max>, %reduce_max3A_77 masked %reduce_max3A_74 : vector<16xi32>, vector<16xi1> -> vector<16xi32>
      %reduce_max3A_79 = arith.xori %reduce_max3A_78, %reduce_max3A_76 : vector<16xi32>
      %reduce_max3A_80 = vector.extract %reduce_max3A_79[15] : i32 from vector<16xi32>
      %eq3A_81 = arith.constant 5 : i32
      %eq3A_82 = vector.broadcast %eq3A_81 : i32 to vector<16xi32>
      %eq3A_83 = arith.cmpi eq, %iota3A, %eq3A_82 : vector<16xi32>
      %jit3A_84 = arith.constant 0 : i32
      %broadcast_in_dim3A_85 = vector.broadcast %jit3A_84 : i32 to vector<16xi32>
      %select_n3A_86 = arith.select %eq3A_83, %get3A_15, %broadcast_in_dim3A_85 : vector<16xi1>, vector<16xi32>
      %reduce_max3A_87 = arith.constant true
      %reduce_max3A_88 = vector.broadcast %reduce_max3A_87 : i1 to vector<16xi1>
      %reduce_max3A_89 = arith.constant -2147483648 : i32
      %reduce_max3A_90 = vector.broadcast %reduce_max3A_89 : i32 to vector<16xi32>
      %reduce_max3A_91 = arith.xori %select_n3A_86, %reduce_max3A_90 : vector<16xi32>
      %reduce_max3A_92 = tpu.scan <max>, %reduce_max3A_91 masked %reduce_max3A_88 : vector<16xi32>, vector<16xi1> -> vector<16xi32>
      %reduce_max3A_93 = arith.xori %reduce_max3A_92, %reduce_max3A_90 : vector<16xi32>
      %reduce_max3A_94 = vector.extract %reduce_max3A_93[15] : i32 from vector<16xi32>
      %eq3A_95 = arith.constant 6 : i32
      %eq3A_96 = vector.broadcast %eq3A_95 : i32 to vector<16xi32>
      %eq3A_97 = arith.cmpi eq, %iota3A, %eq3A_96 : vector<16xi32>
      %jit3A_98 = arith.constant 0 : i32
      %broadcast_in_dim3A_99 = vector.broadcast %jit3A_98 : i32 to vector<16xi32>
      %select_n3A_100 = arith.select %eq3A_97, %get3A_15, %broadcast_in_dim3A_99 : vector<16xi1>, vector<16xi32>
      %reduce_max3A_101 = arith.constant true
      %reduce_max3A_102 = vector.broadcast %reduce_max3A_101 : i1 to vector<16xi1>
      %reduce_max3A_103 = arith.constant -2147483648 : i32
      %reduce_max3A_104 = vector.broadcast %reduce_max3A_103 : i32 to vector<16xi32>
      %reduce_max3A_105 = arith.xori %select_n3A_100, %reduce_max3A_104 : vector<16xi32>
      %reduce_max3A_106 = tpu.scan <max>, %reduce_max3A_105 masked %reduce_max3A_102 : vector<16xi32>, vector<16xi1> -> vector<16xi32>
      %reduce_max3A_107 = arith.xori %reduce_max3A_106, %reduce_max3A_104 : vector<16xi32>
      %reduce_max3A_108 = vector.extract %reduce_max3A_107[15] : i32 from vector<16xi32>
      %eq3A_109 = arith.constant 7 : i32
      %eq3A_110 = vector.broadcast %eq3A_109 : i32 to vector<16xi32>
      %eq3A_111 = arith.cmpi eq, %iota3A, %eq3A_110 : vector<16xi32>
      %jit3A_112 = arith.constant 0 : i32
      %broadcast_in_dim3A_113 = vector.broadcast %jit3A_112 : i32 to vector<16xi32>
      %select_n3A_114 = arith.select %eq3A_111, %get3A_15, %broadcast_in_dim3A_113 : vector<16xi1>, vector<16xi32>
      %reduce_max3A_115 = arith.constant true
      %reduce_max3A_116 = vector.broadcast %reduce_max3A_115 : i1 to vector<16xi1>
      %reduce_max3A_117 = arith.constant -2147483648 : i32
      %reduce_max3A_118 = vector.broadcast %reduce_max3A_117 : i32 to vector<16xi32>
      %reduce_max3A_119 = arith.xori %select_n3A_114, %reduce_max3A_118 : vector<16xi32>
      %reduce_max3A_120 = tpu.scan <max>, %reduce_max3A_119 masked %reduce_max3A_116 : vector<16xi32>, vector<16xi1> -> vector<16xi32>
      %reduce_max3A_121 = arith.xori %reduce_max3A_120, %reduce_max3A_118 : vector<16xi32>
      %reduce_max3A_122 = vector.extract %reduce_max3A_121[15] : i32 from vector<16xi32>
      %add3A_123 = arith.constant 0 : i32
      %add3A_124 = arith.addi %mul3A_14, %add3A_123 : i32
      %add3A_125 = arith.addi %mul3A_2, %add3A_124 : i32
      %jit3A_126 = arith.constant 32 : i32
      %div3A = arith.divsi %add3A_125, %jit3A_126 : i32
      %sign3A = arith.constant 0 : i32
      %sign3A_127 = arith.cmpi sgt, %add3A_125, %sign3A : i32
      %sign3A_128 = arith.extui %sign3A_127 : i1 to i32
      %sign3A_129 = arith.constant 0 : i32
      %sign3A_130 = arith.cmpi slt, %add3A_125, %sign3A_129 : i32
      %sign3A_131 = arith.extui %sign3A_130 : i1 to i32
      %sign3A_132 = arith.subi %sign3A_128, %sign3A_131 : i32
      %sign3A_133 = arith.constant 0 : i32
      %sign3A_134 = arith.cmpi sgt, %jit3A_126, %sign3A_133 : i32
      %sign3A_135 = arith.extui %sign3A_134 : i1 to i32
      %sign3A_136 = arith.constant 0 : i32
      %sign3A_137 = arith.cmpi slt, %jit3A_126, %sign3A_136 : i32
      %sign3A_138 = arith.extui %sign3A_137 : i1 to i32
      %sign3A_139 = arith.subi %sign3A_135, %sign3A_138 : i32
      %ne3A = arith.cmpi ne, %sign3A_132, %sign3A_139 : i32
      %rem3A = arith.remsi %add3A_125, %jit3A_126 : i32
      %ne3A_140 = arith.constant 0 : i32
      %ne3A_141 = arith.cmpi ne, %rem3A, %ne3A_140 : i32
      %and3A = arith.andi %ne3A, %ne3A_141 : i1
      %sub3A = arith.constant 1 : i32
      %sub3A_142 = arith.subi %div3A, %sub3A : i32
      %select_n3A_143 = arith.select %and3A, %sub3A_142, %div3A : i32
      %add3A_144 = arith.constant 64 : i32
      %add3A_145 = arith.addi %add3A_144, %select_n3A_143 : i32
      %jit3A_146 = arith.constant 128 : i32
      %div3A_147 = arith.divsi %reduce_max3A_24, %jit3A_146 : i32
      %sign3A_148 = arith.constant 0 : i32
      %sign3A_149 = arith.cmpi sgt, %reduce_max3A_24, %sign3A_148 : i32
      %sign3A_150 = arith.extui %sign3A_149 : i1 to i32
      %sign3A_151 = arith.constant 0 : i32
      %sign3A_152 = arith.cmpi slt, %reduce_max3A_24, %sign3A_151 : i32
      %sign3A_153 = arith.extui %sign3A_152 : i1 to i32
      %sign3A_154 = arith.subi %sign3A_150, %sign3A_153 : i32
      %sign3A_155 = arith.constant 0 : i32
      %sign3A_156 = arith.cmpi sgt, %jit3A_146, %sign3A_155 : i32
      %sign3A_157 = arith.extui %sign3A_156 : i1 to i32
      %sign3A_158 = arith.constant 0 : i32
      %sign3A_159 = arith.cmpi slt, %jit3A_146, %sign3A_158 : i32
      %sign3A_160 = arith.extui %sign3A_159 : i1 to i32
      %sign3A_161 = arith.subi %sign3A_157, %sign3A_160 : i32
      %ne3A_162 = arith.cmpi ne, %sign3A_154, %sign3A_161 : i32
      %rem3A_163 = arith.remsi %reduce_max3A_24, %jit3A_146 : i32
      %ne3A_164 = arith.constant 0 : i32
      %ne3A_165 = arith.cmpi ne, %rem3A_163, %ne3A_164 : i32
      %and3A_166 = arith.andi %ne3A_162, %ne3A_165 : i1
      %sub3A_167 = arith.constant 1 : i32
      %sub3A_168 = arith.subi %div3A_147, %sub3A_167 : i32
      %select_n3A_169 = arith.select %and3A_166, %sub3A_168, %div3A_147 : i32
      %mul3A_170 = arith.constant 128 : i32
      %mul3A_171 = arith.muli %select_n3A_169, %mul3A_170 : i32
      %multiple_of3A_172 = tpu.assume_multiple %mul3A_171, 128 : i32
      %dma_start3A = arith.constant 0 : i32
      %dma_start3A_173 = arith.constant 0 : i32
      %dma_start3A_174 = arith.constant 0 : i32
      %dma_start3A_175 = tpu.memref_slice %arg6[%dma_start3A, %dma_start3A_173, %dma_start3A_174] : memref<8x64x128xf32, #tpu.memory_space<vmem>> -> memref<1x64x128xf32, #tpu.memory_space<vmem>>
      %dma_start3A_176 = tpu.memref_squeeze %dma_start3A_175 : memref<1x64x128xf32, #tpu.memory_space<vmem>> -> memref<64x128xf32, #tpu.memory_space<vmem>>
      %dma_start3A_177 = arith.constant 0 : i32
      %dma_start3A_178 = tpu.memref_slice %arg2[%add3A_145, %dma_start3A_177, %multiple_of3A_172] : memref<128x64x8192xf32, #tpu.memory_space<hbm>> -> memref<1x64x128xf32, #tpu.memory_space<hbm>>
      %dma_start3A_179 = tpu.memref_squeeze %dma_start3A_178 : memref<1x64x128xf32, #tpu.memory_space<hbm>> -> memref<64x128xf32, #tpu.memory_space<hbm>>
      %dma_start3A_180 = arith.constant 0 : i32
      %dma_start3A_181 = arith.constant 0 : i32
      %dma_start3A_182 = tpu.memref_slice %arg6[%dma_start3A, %dma_start3A_180, %dma_start3A_181] : memref<8x64x128xf32, #tpu.memory_space<vmem>> -> memref<1x64x128xf32, #tpu.memory_space<vmem>>
      %dma_start3A_183 = tpu.memref_squeeze %dma_start3A_182 : memref<1x64x128xf32, #tpu.memory_space<vmem>> -> memref<64x128xf32, #tpu.memory_space<vmem>>
      %dma_start3A_184 = arith.constant 0 : i32
      %dma_start3A_185 = tpu.memref_slice %arg2[%add3A_145, %dma_start3A_184, %multiple_of3A_172] : memref<128x64x8192xf32, #tpu.memory_space<hbm>> -> memref<1x64x128xf32, #tpu.memory_space<hbm>>
      %dma_start3A_186 = tpu.memref_squeeze %dma_start3A_185 : memref<1x64x128xf32, #tpu.memory_space<hbm>> -> memref<64x128xf32, #tpu.memory_space<hbm>>
      tpu.enqueue_dma source(%dma_start3A_186 : memref<64x128xf32, #tpu.memory_space<hbm>>) target(%dma_start3A_183 : memref<64x128xf32, #tpu.memory_space<vmem>>) target_semaphore(%arg8 : memref<!tpu.dma_semaphore, #tpu.memory_space<semaphore_mem>>)
      %add3A_187 = arith.constant 1 : i32
      %add3A_188 = arith.addi %mul3A_14, %add3A_187 : i32
      %add3A_189 = arith.addi %mul3A_2, %add3A_188 : i32
      %jit3A_190 = arith.constant 32 : i32
      %div3A_191 = arith.divsi %add3A_189, %jit3A_190 : i32
      %sign3A_192 = arith.constant 0 : i32
      %sign3A_193 = arith.cmpi sgt, %add3A_189, %sign3A_192 : i32
      %sign3A_194 = arith.extui %sign3A_193 : i1 to i32
      %sign3A_195 = arith.constant 0 : i32
      %sign3A_196 = arith.cmpi slt, %add3A_189, %sign3A_195 : i32
      %sign3A_197 = arith.extui %sign3A_196 : i1 to i32
      %sign3A_198 = arith.subi %sign3A_194, %sign3A_197 : i32
      %sign3A_199 = arith.constant 0 : i32
      %sign3A_200 = arith.cmpi sgt, %jit3A_190, %sign3A_199 : i32
      %sign3A_201 = arith.extui %sign3A_200 : i1 to i32
      %sign3A_202 = arith.constant 0 : i32
      %sign3A_203 = arith.cmpi slt, %jit3A_190, %sign3A_202 : i32
      %sign3A_204 = arith.extui %sign3A_203 : i1 to i32
      %sign3A_205 = arith.subi %sign3A_201, %sign3A_204 : i32
      %ne3A_206 = arith.cmpi ne, %sign3A_198, %sign3A_205 : i32
      %rem3A_207 = arith.remsi %add3A_189, %jit3A_190 : i32
      %ne3A_208 = arith.constant 0 : i32
      %ne3A_209 = arith.cmpi ne, %rem3A_207, %ne3A_208 : i32
      %and3A_210 = arith.andi %ne3A_206, %ne3A_209 : i1
      %sub3A_211 = arith.constant 1 : i32
      %sub3A_212 = arith.subi %div3A_191, %sub3A_211 : i32
      %select_n3A_213 = arith.select %and3A_210, %sub3A_212, %div3A_191 : i32
      %add3A_214 = arith.constant 64 : i32
      %add3A_215 = arith.addi %add3A_214, %select_n3A_213 : i32
      %jit3A_216 = arith.constant 128 : i32
      %div3A_217 = arith.divsi %reduce_max3A_38, %jit3A_216 : i32
      %sign3A_218 = arith.constant 0 : i32
      %sign3A_219 = arith.cmpi sgt, %reduce_max3A_38, %sign3A_218 : i32
      %sign3A_220 = arith.extui %sign3A_219 : i1 to i32
      %sign3A_221 = arith.constant 0 : i32
      %sign3A_222 = arith.cmpi slt, %reduce_max3A_38, %sign3A_221 : i32
      %sign3A_223 = arith.extui %sign3A_222 : i1 to i32
      %sign3A_224 = arith.subi %sign3A_220, %sign3A_223 : i32
      %sign3A_225 = arith.constant 0 : i32
      %sign3A_226 = arith.cmpi sgt, %jit3A_216, %sign3A_225 : i32
      %sign3A_227 = arith.extui %sign3A_226 : i1 to i32
      %sign3A_228 = arith.constant 0 : i32
      %sign3A_229 = arith.cmpi slt, %jit3A_216, %sign3A_228 : i32
      %sign3A_230 = arith.extui %sign3A_229 : i1 to i32
      %sign3A_231 = arith.subi %sign3A_227, %sign3A_230 : i32
      %ne3A_232 = arith.cmpi ne, %sign3A_224, %sign3A_231 : i32
      %rem3A_233 = arith.remsi %reduce_max3A_38, %jit3A_216 : i32
      %ne3A_234 = arith.constant 0 : i32
      %ne3A_235 = arith.cmpi ne, %rem3A_233, %ne3A_234 : i32
      %and3A_236 = arith.andi %ne3A_232, %ne3A_235 : i1
      %sub3A_237 = arith.constant 1 : i32
      %sub3A_238 = arith.subi %div3A_217, %sub3A_237 : i32
      %select_n3A_239 = arith.select %and3A_236, %sub3A_238, %div3A_217 : i32
      %mul3A_240 = arith.constant 128 : i32
      %mul3A_241 = arith.muli %select_n3A_239, %mul3A_240 : i32
      %multiple_of3A_242 = tpu.assume_multiple %mul3A_241, 128 : i32
      %dma_start3A_243 = arith.constant 1 : i32
      %dma_start3A_244 = arith.constant 0 : i32
      %dma_start3A_245 = arith.constant 0 : i32
      %dma_start3A_246 = tpu.memref_slice %arg6[%dma_start3A_243, %dma_start3A_244, %dma_start3A_245] : memref<8x64x128xf32, #tpu.memory_space<vmem>> -> memref<1x64x128xf32, #tpu.memory_space<vmem>>
      %dma_start3A_247 = tpu.memref_squeeze %dma_start3A_246 : memref<1x64x128xf32, #tpu.memory_space<vmem>> -> memref<64x128xf32, #tpu.memory_space<vmem>>
      %dma_start3A_248 = arith.constant 0 : i32
      %dma_start3A_249 = tpu.memref_slice %arg2[%add3A_215, %dma_start3A_248, %multiple_of3A_242] : memref<128x64x8192xf32, #tpu.memory_space<hbm>> -> memref<1x64x128xf32, #tpu.memory_space<hbm>>
      %dma_start3A_250 = tpu.memref_squeeze %dma_start3A_249 : memref<1x64x128xf32, #tpu.memory_space<hbm>> -> memref<64x128xf32, #tpu.memory_space<hbm>>
      %dma_start3A_251 = arith.constant 0 : i32
      %dma_start3A_252 = arith.constant 0 : i32
      %dma_start3A_253 = tpu.memref_slice %arg6[%dma_start3A_243, %dma_start3A_251, %dma_start3A_252] : memref<8x64x128xf32, #tpu.memory_space<vmem>> -> memref<1x64x128xf32, #tpu.memory_space<vmem>>
      %dma_start3A_254 = tpu.memref_squeeze %dma_start3A_253 : memref<1x64x128xf32, #tpu.memory_space<vmem>> -> memref<64x128xf32, #tpu.memory_space<vmem>>
      %dma_start3A_255 = arith.constant 0 : i32
      %dma_start3A_256 = tpu.memref_slice %arg2[%add3A_215, %dma_start3A_255, %multiple_of3A_242] : memref<128x64x8192xf32, #tpu.memory_space<hbm>> -> memref<1x64x128xf32, #tpu.memory_space<hbm>>
      %dma_start3A_257 = tpu.memref_squeeze %dma_start3A_256 : memref<1x64x128xf32, #tpu.memory_space<hbm>> -> memref<64x128xf32, #tpu.memory_space<hbm>>
      tpu.enqueue_dma source(%dma_start3A_257 : memref<64x128xf32, #tpu.memory_space<hbm>>) target(%dma_start3A_254 : memref<64x128xf32, #tpu.memory_space<vmem>>) target_semaphore(%arg8 : memref<!tpu.dma_semaphore, #tpu.memory_space<semaphore_mem>>)
      %add3A_258 = arith.constant 2 : i32
      %add3A_259 = arith.addi %mul3A_14, %add3A_258 : i32
      %add3A_260 = arith.addi %mul3A_2, %add3A_259 : i32
      %jit3A_261 = arith.constant 32 : i32
      %div3A_262 = arith.divsi %add3A_260, %jit3A_261 : i32
      %sign3A_263 = arith.constant 0 : i32
      %sign3A_264 = arith.cmpi sgt, %add3A_260, %sign3A_263 : i32
      %sign3A_265 = arith.extui %sign3A_264 : i1 to i32
      %sign3A_266 = arith.constant 0 : i32
      %sign3A_267 = arith.cmpi slt, %add3A_260, %sign3A_266 : i32
      %sign3A_268 = arith.extui %sign3A_267 : i1 to i32
      %sign3A_269 = arith.subi %sign3A_265, %sign3A_268 : i32
      %sign3A_270 = arith.constant 0 : i32
      %sign3A_271 = arith.cmpi sgt, %jit3A_261, %sign3A_270 : i32
      %sign3A_272 = arith.extui %sign3A_271 : i1 to i32
      %sign3A_273 = arith.constant 0 : i32
      %sign3A_274 = arith.cmpi slt, %jit3A_261, %sign3A_273 : i32
      %sign3A_275 = arith.extui %sign3A_274 : i1 to i32
      %sign3A_276 = arith.subi %sign3A_272, %sign3A_275 : i32
      %ne3A_277 = arith.cmpi ne, %sign3A_269, %sign3A_276 : i32
      %rem3A_278 = arith.remsi %add3A_260, %jit3A_261 : i32
      %ne3A_279 = arith.constant 0 : i32
      %ne3A_280 = arith.cmpi ne, %rem3A_278, %ne3A_279 : i32
      %and3A_281 = arith.andi %ne3A_277, %ne3A_280 : i1
      %sub3A_282 = arith.constant 1 : i32
      %sub3A_283 = arith.subi %div3A_262, %sub3A_282 : i32
      %select_n3A_284 = arith.select %and3A_281, %sub3A_283, %div3A_262 : i32
      %add3A_285 = arith.constant 64 : i32
      %add3A_286 = arith.addi %add3A_285, %select_n3A_284 : i32
      %jit3A_287 = arith.constant 128 : i32
      %div3A_288 = arith.divsi %reduce_max3A_52, %jit3A_287 : i32
      %sign3A_289 = arith.constant 0 : i32
      %sign3A_290 = arith.cmpi sgt, %reduce_max3A_52, %sign3A_289 : i32
      %sign3A_291 = arith.extui %sign3A_290 : i1 to i32
      %sign3A_292 = arith.constant 0 : i32
      %sign3A_293 = arith.cmpi slt, %reduce_max3A_52, %sign3A_292 : i32
      %sign3A_294 = arith.extui %sign3A_293 : i1 to i32
      %sign3A_295 = arith.subi %sign3A_291, %sign3A_294 : i32
      %sign3A_296 = arith.constant 0 : i32
      %sign3A_297 = arith.cmpi sgt, %jit3A_287, %sign3A_296 : i32
      %sign3A_298 = arith.extui %sign3A_297 : i1 to i32
      %sign3A_299 = arith.constant 0 : i32
      %sign3A_300 = arith.cmpi slt, %jit3A_287, %sign3A_299 : i32
      %sign3A_301 = arith.extui %sign3A_300 : i1 to i32
      %sign3A_302 = arith.subi %sign3A_298, %sign3A_301 : i32
      %ne3A_303 = arith.cmpi ne, %sign3A_295, %sign3A_302 : i32
      %rem3A_304 = arith.remsi %reduce_max3A_52, %jit3A_287 : i32
      %ne3A_305 = arith.constant 0 : i32
      %ne3A_306 = arith.cmpi ne, %rem3A_304, %ne3A_305 : i32
      %and3A_307 = arith.andi %ne3A_303, %ne3A_306 : i1
      %sub3A_308 = arith.constant 1 : i32
      %sub3A_309 = arith.subi %div3A_288, %sub3A_308 : i32
      %select_n3A_310 = arith.select %and3A_307, %sub3A_309, %div3A_288 : i32
      %mul3A_311 = arith.constant 128 : i32
      %mul3A_312 = arith.muli %select_n3A_310, %mul3A_311 : i32
      %multiple_of3A_313 = tpu.assume_multiple %mul3A_312, 128 : i32
      %dma_start3A_314 = arith.constant 2 : i32
      %dma_start3A_315 = arith.constant 0 : i32
      %dma_start3A_316 = arith.constant 0 : i32
      %dma_start3A_317 = tpu.memref_slice %arg6[%dma_start3A_314, %dma_start3A_315, %dma_start3A_316] : memref<8x64x128xf32, #tpu.memory_space<vmem>> -> memref<1x64x128xf32, #tpu.memory_space<vmem>>
      %dma_start3A_318 = tpu.memref_squeeze %dma_start3A_317 : memref<1x64x128xf32, #tpu.memory_space<vmem>> -> memref<64x128xf32, #tpu.memory_space<vmem>>
      %dma_start3A_319 = arith.constant 0 : i32
      %dma_start3A_320 = tpu.memref_slice %arg2[%add3A_286, %dma_start3A_319, %multiple_of3A_313] : memref<128x64x8192xf32, #tpu.memory_space<hbm>> -> memref<1x64x128xf32, #tpu.memory_space<hbm>>
      %dma_start3A_321 = tpu.memref_squeeze %dma_start3A_320 : memref<1x64x128xf32, #tpu.memory_space<hbm>> -> memref<64x128xf32, #tpu.memory_space<hbm>>
      %dma_start3A_322 = arith.constant 0 : i32
      %dma_start3A_323 = arith.constant 0 : i32
      %dma_start3A_324 = tpu.memref_slice %arg6[%dma_start3A_314, %dma_start3A_322, %dma_start3A_323] : memref<8x64x128xf32, #tpu.memory_space<vmem>> -> memref<1x64x128xf32, #tpu.memory_space<vmem>>
      %dma_start3A_325 = tpu.memref_squeeze %dma_start3A_324 : memref<1x64x128xf32, #tpu.memory_space<vmem>> -> memref<64x128xf32, #tpu.memory_space<vmem>>
      %dma_start3A_326 = arith.constant 0 : i32
      %dma_start3A_327 = tpu.memref_slice %arg2[%add3A_286, %dma_start3A_326, %multiple_of3A_313] : memref<128x64x8192xf32, #tpu.memory_space<hbm>> -> memref<1x64x128xf32, #tpu.memory_space<hbm>>
      %dma_start3A_328 = tpu.memref_squeeze %dma_start3A_327 : memref<1x64x128xf32, #tpu.memory_space<hbm>> -> memref<64x128xf32, #tpu.memory_space<hbm>>
      tpu.enqueue_dma source(%dma_start3A_328 : memref<64x128xf32, #tpu.memory_space<hbm>>) target(%dma_start3A_325 : memref<64x128xf32, #tpu.memory_space<vmem>>) target_semaphore(%arg8 : memref<!tpu.dma_semaphore, #tpu.memory_space<semaphore_mem>>)
      %add3A_329 = arith.constant 3 : i32
      %add3A_330 = arith.addi %mul3A_14, %add3A_329 : i32
      %add3A_331 = arith.addi %mul3A_2, %add3A_330 : i32
      %jit3A_332 = arith.constant 32 : i32
      %div3A_333 = arith.divsi %add3A_331, %jit3A_332 : i32
      %sign3A_334 = arith.constant 0 : i32
      %sign3A_335 = arith.cmpi sgt, %add3A_331, %sign3A_334 : i32
      %sign3A_336 = arith.extui %sign3A_335 : i1 to i32
      %sign3A_337 = arith.constant 0 : i32
      %sign3A_338 = arith.cmpi slt, %add3A_331, %sign3A_337 : i32
      %sign3A_339 = arith.extui %sign3A_338 : i1 to i32
      %sign3A_340 = arith.subi %sign3A_336, %sign3A_339 : i32
      %sign3A_341 = arith.constant 0 : i32
      %sign3A_342 = arith.cmpi sgt, %jit3A_332, %sign3A_341 : i32
      %sign3A_343 = arith.extui %sign3A_342 : i1 to i32
      %sign3A_344 = arith.constant 0 : i32
      %sign3A_345 = arith.cmpi slt, %jit3A_332, %sign3A_344 : i32
      %sign3A_346 = arith.extui %sign3A_345 : i1 to i32
      %sign3A_347 = arith.subi %sign3A_343, %sign3A_346 : i32
      %ne3A_348 = arith.cmpi ne, %sign3A_340, %sign3A_347 : i32
      %rem3A_349 = arith.remsi %add3A_331, %jit3A_332 : i32
      %ne3A_350 = arith.constant 0 : i32
      %ne3A_351 = arith.cmpi ne, %rem3A_349, %ne3A_350 : i32
      %and3A_352 = arith.andi %ne3A_348, %ne3A_351 : i1
      %sub3A_353 = arith.constant 1 : i32
      %sub3A_354 = arith.subi %div3A_333, %sub3A_353 : i32
      %select_n3A_355 = arith.select %and3A_352, %sub3A_354, %div3A_333 : i32
      %add3A_356 = arith.constant 64 : i32
      %add3A_357 = arith.addi %add3A_356, %select_n3A_355 : i32
      %jit3A_358 = arith.constant 128 : i32
      %div3A_359 = arith.divsi %reduce_max3A_66, %jit3A_358 : i32
      %sign3A_360 = arith.constant 0 : i32
      %sign3A_361 = arith.cmpi sgt, %reduce_max3A_66, %sign3A_360 : i32
      %sign3A_362 = arith.extui %sign3A_361 : i1 to i32
      %sign3A_363 = arith.constant 0 : i32
      %sign3A_364 = arith.cmpi slt, %reduce_max3A_66, %sign3A_363 : i32
      %sign3A_365 = arith.extui %sign3A_364 : i1 to i32
      %sign3A_366 = arith.subi %sign3A_362, %sign3A_365 : i32
      %sign3A_367 = arith.constant 0 : i32
      %sign3A_368 = arith.cmpi sgt, %jit3A_358, %sign3A_367 : i32
      %sign3A_369 = arith.extui %sign3A_368 : i1 to i32
      %sign3A_370 = arith.constant 0 : i32
      %sign3A_371 = arith.cmpi slt, %jit3A_358, %sign3A_370 : i32
      %sign3A_372 = arith.extui %sign3A_371 : i1 to i32
      %sign3A_373 = arith.subi %sign3A_369, %sign3A_372 : i32
      %ne3A_374 = arith.cmpi ne, %sign3A_366, %sign3A_373 : i32
      %rem3A_375 = arith.remsi %reduce_max3A_66, %jit3A_358 : i32
      %ne3A_376 = arith.constant 0 : i32
      %ne3A_377 = arith.cmpi ne, %rem3A_375, %ne3A_376 : i32
      %and3A_378 = arith.andi %ne3A_374, %ne3A_377 : i1
      %sub3A_379 = arith.constant 1 : i32
      %sub3A_380 = arith.subi %div3A_359, %sub3A_379 : i32
      %select_n3A_381 = arith.select %and3A_378, %sub3A_380, %div3A_359 : i32
      %mul3A_382 = arith.constant 128 : i32
      %mul3A_383 = arith.muli %select_n3A_381, %mul3A_382 : i32
      %multiple_of3A_384 = tpu.assume_multiple %mul3A_383, 128 : i32
      %dma_start3A_385 = arith.constant 3 : i32
      %dma_start3A_386 = arith.constant 0 : i32
      %dma_start3A_387 = arith.constant 0 : i32
      %dma_start3A_388 = tpu.memref_slice %arg6[%dma_start3A_385, %dma_start3A_386, %dma_start3A_387] : memref<8x64x128xf32, #tpu.memory_space<vmem>> -> memref<1x64x128xf32, #tpu.memory_space<vmem>>
      %dma_start3A_389 = tpu.memref_squeeze %dma_start3A_388 : memref<1x64x128xf32, #tpu.memory_space<vmem>> -> memref<64x128xf32, #tpu.memory_space<vmem>>
      %dma_start3A_390 = arith.constant 0 : i32
      %dma_start3A_391 = tpu.memref_slice %arg2[%add3A_357, %dma_start3A_390, %multiple_of3A_384] : memref<128x64x8192xf32, #tpu.memory_space<hbm>> -> memref<1x64x128xf32, #tpu.memory_space<hbm>>
      %dma_start3A_392 = tpu.memref_squeeze %dma_start3A_391 : memref<1x64x128xf32, #tpu.memory_space<hbm>> -> memref<64x128xf32, #tpu.memory_space<hbm>>
      %dma_start3A_393 = arith.constant 0 : i32
      %dma_start3A_394 = arith.constant 0 : i32
      %dma_start3A_395 = tpu.memref_slice %arg6[%dma_start3A_385, %dma_start3A_393, %dma_start3A_394] : memref<8x64x128xf32, #tpu.memory_space<vmem>> -> memref<1x64x128xf32, #tpu.memory_space<vmem>>
      %dma_start3A_396 = tpu.memref_squeeze %dma_start3A_395 : memref<1x64x128xf32, #tpu.memory_space<vmem>> -> memref<64x128xf32, #tpu.memory_space<vmem>>
      %dma_start3A_397 = arith.constant 0 : i32
      %dma_start3A_398 = tpu.memref_slice %arg2[%add3A_357, %dma_start3A_397, %multiple_of3A_384] : memref<128x64x8192xf32, #tpu.memory_space<hbm>> -> memref<1x64x128xf32, #tpu.memory_space<hbm>>
      %dma_start3A_399 = tpu.memref_squeeze %dma_start3A_398 : memref<1x64x128xf32, #tpu.memory_space<hbm>> -> memref<64x128xf32, #tpu.memory_space<hbm>>
      tpu.enqueue_dma source(%dma_start3A_399 : memref<64x128xf32, #tpu.memory_space<hbm>>) target(%dma_start3A_396 : memref<64x128xf32, #tpu.memory_space<vmem>>) target_semaphore(%arg8 : memref<!tpu.dma_semaphore, #tpu.memory_space<semaphore_mem>>)
      %add3A_400 = arith.constant 4 : i32
      %add3A_401 = arith.addi %mul3A_14, %add3A_400 : i32
      %add3A_402 = arith.addi %mul3A_2, %add3A_401 : i32
      %jit3A_403 = arith.constant 32 : i32
      %div3A_404 = arith.divsi %add3A_402, %jit3A_403 : i32
      %sign3A_405 = arith.constant 0 : i32
      %sign3A_406 = arith.cmpi sgt, %add3A_402, %sign3A_405 : i32
      %sign3A_407 = arith.extui %sign3A_406 : i1 to i32
      %sign3A_408 = arith.constant 0 : i32
      %sign3A_409 = arith.cmpi slt, %add3A_402, %sign3A_408 : i32
      %sign3A_410 = arith.extui %sign3A_409 : i1 to i32
      %sign3A_411 = arith.subi %sign3A_407, %sign3A_410 : i32
      %sign3A_412 = arith.constant 0 : i32
      %sign3A_413 = arith.cmpi sgt, %jit3A_403, %sign3A_412 : i32
      %sign3A_414 = arith.extui %sign3A_413 : i1 to i32
      %sign3A_415 = arith.constant 0 : i32
      %sign3A_416 = arith.cmpi slt, %jit3A_403, %sign3A_415 : i32
      %sign3A_417 = arith.extui %sign3A_416 : i1 to i32
      %sign3A_418 = arith.subi %sign3A_414, %sign3A_417 : i32
      %ne3A_419 = arith.cmpi ne, %sign3A_411, %sign3A_418 : i32
      %rem3A_420 = arith.remsi %add3A_402, %jit3A_403 : i32
      %ne3A_421 = arith.constant 0 : i32
      %ne3A_422 = arith.cmpi ne, %rem3A_420, %ne3A_421 : i32
      %and3A_423 = arith.andi %ne3A_419, %ne3A_422 : i1
      %sub3A_424 = arith.constant 1 : i32
      %sub3A_425 = arith.subi %div3A_404, %sub3A_424 : i32
      %select_n3A_426 = arith.select %and3A_423, %sub3A_425, %div3A_404 : i32
      %add3A_427 = arith.constant 64 : i32
      %add3A_428 = arith.addi %add3A_427, %select_n3A_426 : i32
      %jit3A_429 = arith.constant 128 : i32
      %div3A_430 = arith.divsi %reduce_max3A_80, %jit3A_429 : i32
      %sign3A_431 = arith.constant 0 : i32
      %sign3A_432 = arith.cmpi sgt, %reduce_max3A_80, %sign3A_431 : i32
      %sign3A_433 = arith.extui %sign3A_432 : i1 to i32
      %sign3A_434 = arith.constant 0 : i32
      %sign3A_435 = arith.cmpi slt, %reduce_max3A_80, %sign3A_434 : i32
      %sign3A_436 = arith.extui %sign3A_435 : i1 to i32
      %sign3A_437 = arith.subi %sign3A_433, %sign3A_436 : i32
      %sign3A_438 = arith.constant 0 : i32
      %sign3A_439 = arith.cmpi sgt, %jit3A_429, %sign3A_438 : i32
      %sign3A_440 = arith.extui %sign3A_439 : i1 to i32
      %sign3A_441 = arith.constant 0 : i32
      %sign3A_442 = arith.cmpi slt, %jit3A_429, %sign3A_441 : i32
      %sign3A_443 = arith.extui %sign3A_442 : i1 to i32
      %sign3A_444 = arith.subi %sign3A_440, %sign3A_443 : i32
      %ne3A_445 = arith.cmpi ne, %sign3A_437, %sign3A_444 : i32
      %rem3A_446 = arith.remsi %reduce_max3A_80, %jit3A_429 : i32
      %ne3A_447 = arith.constant 0 : i32
      %ne3A_448 = arith.cmpi ne, %rem3A_446, %ne3A_447 : i32
      %and3A_449 = arith.andi %ne3A_445, %ne3A_448 : i1
      %sub3A_450 = arith.constant 1 : i32
      %sub3A_451 = arith.subi %div3A_430, %sub3A_450 : i32
      %select_n3A_452 = arith.select %and3A_449, %sub3A_451, %div3A_430 : i32
      %mul3A_453 = arith.constant 128 : i32
      %mul3A_454 = arith.muli %select_n3A_452, %mul3A_453 : i32
      %multiple_of3A_455 = tpu.assume_multiple %mul3A_454, 128 : i32
      %dma_start3A_456 = arith.constant 4 : i32
      %dma_start3A_457 = arith.constant 0 : i32
      %dma_start3A_458 = arith.constant 0 : i32
      %dma_start3A_459 = tpu.memref_slice %arg6[%dma_start3A_456, %dma_start3A_457, %dma_start3A_458] : memref<8x64x128xf32, #tpu.memory_space<vmem>> -> memref<1x64x128xf32, #tpu.memory_space<vmem>>
      %dma_start3A_460 = tpu.memref_squeeze %dma_start3A_459 : memref<1x64x128xf32, #tpu.memory_space<vmem>> -> memref<64x128xf32, #tpu.memory_space<vmem>>
      %dma_start3A_461 = arith.constant 0 : i32
      %dma_start3A_462 = tpu.memref_slice %arg2[%add3A_428, %dma_start3A_461, %multiple_of3A_455] : memref<128x64x8192xf32, #tpu.memory_space<hbm>> -> memref<1x64x128xf32, #tpu.memory_space<hbm>>
      %dma_start3A_463 = tpu.memref_squeeze %dma_start3A_462 : memref<1x64x128xf32, #tpu.memory_space<hbm>> -> memref<64x128xf32, #tpu.memory_space<hbm>>
      %dma_start3A_464 = arith.constant 0 : i32
      %dma_start3A_465 = arith.constant 0 : i32
      %dma_start3A_466 = tpu.memref_slice %arg6[%dma_start3A_456, %dma_start3A_464, %dma_start3A_465] : memref<8x64x128xf32, #tpu.memory_space<vmem>> -> memref<1x64x128xf32, #tpu.memory_space<vmem>>
      %dma_start3A_467 = tpu.memref_squeeze %dma_start3A_466 : memref<1x64x128xf32, #tpu.memory_space<vmem>> -> memref<64x128xf32, #tpu.memory_space<vmem>>
      %dma_start3A_468 = arith.constant 0 : i32
      %dma_start3A_469 = tpu.memref_slice %arg2[%add3A_428, %dma_start3A_468, %multiple_of3A_455] : memref<128x64x8192xf32, #tpu.memory_space<hbm>> -> memref<1x64x128xf32, #tpu.memory_space<hbm>>
      %dma_start3A_470 = tpu.memref_squeeze %dma_start3A_469 : memref<1x64x128xf32, #tpu.memory_space<hbm>> -> memref<64x128xf32, #tpu.memory_space<hbm>>
      tpu.enqueue_dma source(%dma_start3A_470 : memref<64x128xf32, #tpu.memory_space<hbm>>) target(%dma_start3A_467 : memref<64x128xf32, #tpu.memory_space<vmem>>) target_semaphore(%arg8 : memref<!tpu.dma_semaphore, #tpu.memory_space<semaphore_mem>>)
      %add3A_471 = arith.constant 5 : i32
      %add3A_472 = arith.addi %mul3A_14, %add3A_471 : i32
      %add3A_473 = arith.addi %mul3A_2, %add3A_472 : i32
      %jit3A_474 = arith.constant 32 : i32
      %div3A_475 = arith.divsi %add3A_473, %jit3A_474 : i32
      %sign3A_476 = arith.constant 0 : i32
      %sign3A_477 = arith.cmpi sgt, %add3A_473, %sign3A_476 : i32
      %sign3A_478 = arith.extui %sign3A_477 : i1 to i32
      %sign3A_479 = arith.constant 0 : i32
      %sign3A_480 = arith.cmpi slt, %add3A_473, %sign3A_479 : i32
      %sign3A_481 = arith.extui %sign3A_480 : i1 to i32
      %sign3A_482 = arith.subi %sign3A_478, %sign3A_481 : i32
      %sign3A_483 = arith.constant 0 : i32
      %sign3A_484 = arith.cmpi sgt, %jit3A_474, %sign3A_483 : i32
      %sign3A_485 = arith.extui %sign3A_484 : i1 to i32
      %sign3A_486 = arith.constant 0 : i32
      %sign3A_487 = arith.cmpi slt, %jit3A_474, %sign3A_486 : i32
      %sign3A_488 = arith.extui %sign3A_487 : i1 to i32
      %sign3A_489 = arith.subi %sign3A_485, %sign3A_488 : i32
      %ne3A_490 = arith.cmpi ne, %sign3A_482, %sign3A_489 : i32
      %rem3A_491 = arith.remsi %add3A_473, %jit3A_474 : i32
      %ne3A_492 = arith.constant 0 : i32
      %ne3A_493 = arith.cmpi ne, %rem3A_491, %ne3A_492 : i32
      %and3A_494 = arith.andi %ne3A_490, %ne3A_493 : i1
      %sub3A_495 = arith.constant 1 : i32
      %sub3A_496 = arith.subi %div3A_475, %sub3A_495 : i32
      %select_n3A_497 = arith.select %and3A_494, %sub3A_496, %div3A_475 : i32
      %add3A_498 = arith.constant 64 : i32
      %add3A_499 = arith.addi %add3A_498, %select_n3A_497 : i32
      %jit3A_500 = arith.constant 128 : i32
      %div3A_501 = arith.divsi %reduce_max3A_94, %jit3A_500 : i32
      %sign3A_502 = arith.constant 0 : i32
      %sign3A_503 = arith.cmpi sgt, %reduce_max3A_94, %sign3A_502 : i32
      %sign3A_504 = arith.extui %sign3A_503 : i1 to i32
      %sign3A_505 = arith.constant 0 : i32
      %sign3A_506 = arith.cmpi slt, %reduce_max3A_94, %sign3A_505 : i32
      %sign3A_507 = arith.extui %sign3A_506 : i1 to i32
      %sign3A_508 = arith.subi %sign3A_504, %sign3A_507 : i32
      %sign3A_509 = arith.constant 0 : i32
      %sign3A_510 = arith.cmpi sgt, %jit3A_500, %sign3A_509 : i32
      %sign3A_511 = arith.extui %sign3A_510 : i1 to i32
      %sign3A_512 = arith.constant 0 : i32
      %sign3A_513 = arith.cmpi slt, %jit3A_500, %sign3A_512 : i32
      %sign3A_514 = arith.extui %sign3A_513 : i1 to i32
      %sign3A_515 = arith.subi %sign3A_511, %sign3A_514 : i32
      %ne3A_516 = arith.cmpi ne, %sign3A_508, %sign3A_515 : i32
      %rem3A_517 = arith.remsi %reduce_max3A_94, %jit3A_500 : i32
      %ne3A_518 = arith.constant 0 : i32
      %ne3A_519 = arith.cmpi ne, %rem3A_517, %ne3A_518 : i32
      %and3A_520 = arith.andi %ne3A_516, %ne3A_519 : i1
      %sub3A_521 = arith.constant 1 : i32
      %sub3A_522 = arith.subi %div3A_501, %sub3A_521 : i32
      %select_n3A_523 = arith.select %and3A_520, %sub3A_522, %div3A_501 : i32
      %mul3A_524 = arith.constant 128 : i32
      %mul3A_525 = arith.muli %select_n3A_523, %mul3A_524 : i32
      %multiple_of3A_526 = tpu.assume_multiple %mul3A_525, 128 : i32
      %dma_start3A_527 = arith.constant 5 : i32
      %dma_start3A_528 = arith.constant 0 : i32
      %dma_start3A_529 = arith.constant 0 : i32
      %dma_start3A_530 = tpu.memref_slice %arg6[%dma_start3A_527, %dma_start3A_528, %dma_start3A_529] : memref<8x64x128xf32, #tpu.memory_space<vmem>> -> memref<1x64x128xf32, #tpu.memory_space<vmem>>
      %dma_start3A_531 = tpu.memref_squeeze %dma_start3A_530 : memref<1x64x128xf32, #tpu.memory_space<vmem>> -> memref<64x128xf32, #tpu.memory_space<vmem>>
      %dma_start3A_532 = arith.constant 0 : i32
      %dma_start3A_533 = tpu.memref_slice %arg2[%add3A_499, %dma_start3A_532, %multiple_of3A_526] : memref<128x64x8192xf32, #tpu.memory_space<hbm>> -> memref<1x64x128xf32, #tpu.memory_space<hbm>>
      %dma_start3A_534 = tpu.memref_squeeze %dma_start3A_533 : memref<1x64x128xf32, #tpu.memory_space<hbm>> -> memref<64x128xf32, #tpu.memory_space<hbm>>
      %dma_start3A_535 = arith.constant 0 : i32
      %dma_start3A_536 = arith.constant 0 : i32
      %dma_start3A_537 = tpu.memref_slice %arg6[%dma_start3A_527, %dma_start3A_535, %dma_start3A_536] : memref<8x64x128xf32, #tpu.memory_space<vmem>> -> memref<1x64x128xf32, #tpu.memory_space<vmem>>
      %dma_start3A_538 = tpu.memref_squeeze %dma_start3A_537 : memref<1x64x128xf32, #tpu.memory_space<vmem>> -> memref<64x128xf32, #tpu.memory_space<vmem>>
      %dma_start3A_539 = arith.constant 0 : i32
      %dma_start3A_540 = tpu.memref_slice %arg2[%add3A_499, %dma_start3A_539, %multiple_of3A_526] : memref<128x64x8192xf32, #tpu.memory_space<hbm>> -> memref<1x64x128xf32, #tpu.memory_space<hbm>>
      %dma_start3A_541 = tpu.memref_squeeze %dma_start3A_540 : memref<1x64x128xf32, #tpu.memory_space<hbm>> -> memref<64x128xf32, #tpu.memory_space<hbm>>
      tpu.enqueue_dma source(%dma_start3A_541 : memref<64x128xf32, #tpu.memory_space<hbm>>) target(%dma_start3A_538 : memref<64x128xf32, #tpu.memory_space<vmem>>) target_semaphore(%arg8 : memref<!tpu.dma_semaphore, #tpu.memory_space<semaphore_mem>>)
      %add3A_542 = arith.constant 6 : i32
      %add3A_543 = arith.addi %mul3A_14, %add3A_542 : i32
      %add3A_544 = arith.addi %mul3A_2, %add3A_543 : i32
      %jit3A_545 = arith.constant 32 : i32
      %div3A_546 = arith.divsi %add3A_544, %jit3A_545 : i32
      %sign3A_547 = arith.constant 0 : i32
      %sign3A_548 = arith.cmpi sgt, %add3A_544, %sign3A_547 : i32
      %sign3A_549 = arith.extui %sign3A_548 : i1 to i32
      %sign3A_550 = arith.constant 0 : i32
      %sign3A_551 = arith.cmpi slt, %add3A_544, %sign3A_550 : i32
      %sign3A_552 = arith.extui %sign3A_551 : i1 to i32
      %sign3A_553 = arith.subi %sign3A_549, %sign3A_552 : i32
      %sign3A_554 = arith.constant 0 : i32
      %sign3A_555 = arith.cmpi sgt, %jit3A_545, %sign3A_554 : i32
      %sign3A_556 = arith.extui %sign3A_555 : i1 to i32
      %sign3A_557 = arith.constant 0 : i32
      %sign3A_558 = arith.cmpi slt, %jit3A_545, %sign3A_557 : i32
      %sign3A_559 = arith.extui %sign3A_558 : i1 to i32
      %sign3A_560 = arith.subi %sign3A_556, %sign3A_559 : i32
      %ne3A_561 = arith.cmpi ne, %sign3A_553, %sign3A_560 : i32
      %rem3A_562 = arith.remsi %add3A_544, %jit3A_545 : i32
      %ne3A_563 = arith.constant 0 : i32
      %ne3A_564 = arith.cmpi ne, %rem3A_562, %ne3A_563 : i32
      %and3A_565 = arith.andi %ne3A_561, %ne3A_564 : i1
      %sub3A_566 = arith.constant 1 : i32
      %sub3A_567 = arith.subi %div3A_546, %sub3A_566 : i32
      %select_n3A_568 = arith.select %and3A_565, %sub3A_567, %div3A_546 : i32
      %add3A_569 = arith.constant 64 : i32
      %add3A_570 = arith.addi %add3A_569, %select_n3A_568 : i32
      %jit3A_571 = arith.constant 128 : i32
      %div3A_572 = arith.divsi %reduce_max3A_108, %jit3A_571 : i32
      %sign3A_573 = arith.constant 0 : i32
      %sign3A_574 = arith.cmpi sgt, %reduce_max3A_108, %sign3A_573 : i32
      %sign3A_575 = arith.extui %sign3A_574 : i1 to i32
      %sign3A_576 = arith.constant 0 : i32
      %sign3A_577 = arith.cmpi slt, %reduce_max3A_108, %sign3A_576 : i32
      %sign3A_578 = arith.extui %sign3A_577 : i1 to i32
      %sign3A_579 = arith.subi %sign3A_575, %sign3A_578 : i32
      %sign3A_580 = arith.constant 0 : i32
      %sign3A_581 = arith.cmpi sgt, %jit3A_571, %sign3A_580 : i32
      %sign3A_582 = arith.extui %sign3A_581 : i1 to i32
      %sign3A_583 = arith.constant 0 : i32
      %sign3A_584 = arith.cmpi slt, %jit3A_571, %sign3A_583 : i32
      %sign3A_585 = arith.extui %sign3A_584 : i1 to i32
      %sign3A_586 = arith.subi %sign3A_582, %sign3A_585 : i32
      %ne3A_587 = arith.cmpi ne, %sign3A_579, %sign3A_586 : i32
      %rem3A_588 = arith.remsi %reduce_max3A_108, %jit3A_571 : i32
      %ne3A_589 = arith.constant 0 : i32
      %ne3A_590 = arith.cmpi ne, %rem3A_588, %ne3A_589 : i32
      %and3A_591 = arith.andi %ne3A_587, %ne3A_590 : i1
      %sub3A_592 = arith.constant 1 : i32
      %sub3A_593 = arith.subi %div3A_572, %sub3A_592 : i32
      %select_n3A_594 = arith.select %and3A_591, %sub3A_593, %div3A_572 : i32
      %mul3A_595 = arith.constant 128 : i32
      %mul3A_596 = arith.muli %select_n3A_594, %mul3A_595 : i32
      %multiple_of3A_597 = tpu.assume_multiple %mul3A_596, 128 : i32
      %dma_start3A_598 = arith.constant 6 : i32
      %dma_start3A_599 = arith.constant 0 : i32
      %dma_start3A_600 = arith.constant 0 : i32
      %dma_start3A_601 = tpu.memref_slice %arg6[%dma_start3A_598, %dma_start3A_599, %dma_start3A_600] : memref<8x64x128xf32, #tpu.memory_space<vmem>> -> memref<1x64x128xf32, #tpu.memory_space<vmem>>
      %dma_start3A_602 = tpu.memref_squeeze %dma_start3A_601 : memref<1x64x128xf32, #tpu.memory_space<vmem>> -> memref<64x128xf32, #tpu.memory_space<vmem>>
      %dma_start3A_603 = arith.constant 0 : i32
      %dma_start3A_604 = tpu.memref_slice %arg2[%add3A_570, %dma_start3A_603, %multiple_of3A_597] : memref<128x64x8192xf32, #tpu.memory_space<hbm>> -> memref<1x64x128xf32, #tpu.memory_space<hbm>>
      %dma_start3A_605 = tpu.memref_squeeze %dma_start3A_604 : memref<1x64x128xf32, #tpu.memory_space<hbm>> -> memref<64x128xf32, #tpu.memory_space<hbm>>
      %dma_start3A_606 = arith.constant 0 : i32
      %dma_start3A_607 = arith.constant 0 : i32
      %dma_start3A_608 = tpu.memref_slice %arg6[%dma_start3A_598, %dma_start3A_606, %dma_start3A_607] : memref<8x64x128xf32, #tpu.memory_space<vmem>> -> memref<1x64x128xf32, #tpu.memory_space<vmem>>
      %dma_start3A_609 = tpu.memref_squeeze %dma_start3A_608 : memref<1x64x128xf32, #tpu.memory_space<vmem>> -> memref<64x128xf32, #tpu.memory_space<vmem>>
      %dma_start3A_610 = arith.constant 0 : i32
      %dma_start3A_611 = tpu.memref_slice %arg2[%add3A_570, %dma_start3A_610, %multiple_of3A_597] : memref<128x64x8192xf32, #tpu.memory_space<hbm>> -> memref<1x64x128xf32, #tpu.memory_space<hbm>>
      %dma_start3A_612 = tpu.memref_squeeze %dma_start3A_611 : memref<1x64x128xf32, #tpu.memory_space<hbm>> -> memref<64x128xf32, #tpu.memory_space<hbm>>
      tpu.enqueue_dma source(%dma_start3A_612 : memref<64x128xf32, #tpu.memory_space<hbm>>) target(%dma_start3A_609 : memref<64x128xf32, #tpu.memory_space<vmem>>) target_semaphore(%arg8 : memref<!tpu.dma_semaphore, #tpu.memory_space<semaphore_mem>>)
      %add3A_613 = arith.constant 7 : i32
      %add3A_614 = arith.addi %mul3A_14, %add3A_613 : i32
      %add3A_615 = arith.addi %mul3A_2, %add3A_614 : i32
      %jit3A_616 = arith.constant 32 : i32
      %div3A_617 = arith.divsi %add3A_615, %jit3A_616 : i32
      %sign3A_618 = arith.constant 0 : i32
      %sign3A_619 = arith.cmpi sgt, %add3A_615, %sign3A_618 : i32
      %sign3A_620 = arith.extui %sign3A_619 : i1 to i32
      %sign3A_621 = arith.constant 0 : i32
      %sign3A_622 = arith.cmpi slt, %add3A_615, %sign3A_621 : i32
      %sign3A_623 = arith.extui %sign3A_622 : i1 to i32
      %sign3A_624 = arith.subi %sign3A_620, %sign3A_623 : i32
      %sign3A_625 = arith.constant 0 : i32
      %sign3A_626 = arith.cmpi sgt, %jit3A_616, %sign3A_625 : i32
      %sign3A_627 = arith.extui %sign3A_626 : i1 to i32
      %sign3A_628 = arith.constant 0 : i32
      %sign3A_629 = arith.cmpi slt, %jit3A_616, %sign3A_628 : i32
      %sign3A_630 = arith.extui %sign3A_629 : i1 to i32
      %sign3A_631 = arith.subi %sign3A_627, %sign3A_630 : i32
      %ne3A_632 = arith.cmpi ne, %sign3A_624, %sign3A_631 : i32
      %rem3A_633 = arith.remsi %add3A_615, %jit3A_616 : i32
      %ne3A_634 = arith.constant 0 : i32
      %ne3A_635 = arith.cmpi ne, %rem3A_633, %ne3A_634 : i32
      %and3A_636 = arith.andi %ne3A_632, %ne3A_635 : i1
      %sub3A_637 = arith.constant 1 : i32
      %sub3A_638 = arith.subi %div3A_617, %sub3A_637 : i32
      %select_n3A_639 = arith.select %and3A_636, %sub3A_638, %div3A_617 : i32
      %add3A_640 = arith.constant 64 : i32
      %add3A_641 = arith.addi %add3A_640, %select_n3A_639 : i32
      %jit3A_642 = arith.constant 128 : i32
      %div3A_643 = arith.divsi %reduce_max3A_122, %jit3A_642 : i32
      %sign3A_644 = arith.constant 0 : i32
      %sign3A_645 = arith.cmpi sgt, %reduce_max3A_122, %sign3A_644 : i32
      %sign3A_646 = arith.extui %sign3A_645 : i1 to i32
      %sign3A_647 = arith.constant 0 : i32
      %sign3A_648 = arith.cmpi slt, %reduce_max3A_122, %sign3A_647 : i32
      %sign3A_649 = arith.extui %sign3A_648 : i1 to i32
      %sign3A_650 = arith.subi %sign3A_646, %sign3A_649 : i32
      %sign3A_651 = arith.constant 0 : i32
      %sign3A_652 = arith.cmpi sgt, %jit3A_642, %sign3A_651 : i32
      %sign3A_653 = arith.extui %sign3A_652 : i1 to i32
      %sign3A_654 = arith.constant 0 : i32
      %sign3A_655 = arith.cmpi slt, %jit3A_642, %sign3A_654 : i32
      %sign3A_656 = arith.extui %sign3A_655 : i1 to i32
      %sign3A_657 = arith.subi %sign3A_653, %sign3A_656 : i32
      %ne3A_658 = arith.cmpi ne, %sign3A_650, %sign3A_657 : i32
      %rem3A_659 = arith.remsi %reduce_max3A_122, %jit3A_642 : i32
      %ne3A_660 = arith.constant 0 : i32
      %ne3A_661 = arith.cmpi ne, %rem3A_659, %ne3A_660 : i32
      %and3A_662 = arith.andi %ne3A_658, %ne3A_661 : i1
      %sub3A_663 = arith.constant 1 : i32
      %sub3A_664 = arith.subi %div3A_643, %sub3A_663 : i32
      %select_n3A_665 = arith.select %and3A_662, %sub3A_664, %div3A_643 : i32
      %mul3A_666 = arith.constant 128 : i32
      %mul3A_667 = arith.muli %select_n3A_665, %mul3A_666 : i32
      %multiple_of3A_668 = tpu.assume_multiple %mul3A_667, 128 : i32
      %dma_start3A_669 = arith.constant 7 : i32
      %dma_start3A_670 = arith.constant 0 : i32
      %dma_start3A_671 = arith.constant 0 : i32
      %dma_start3A_672 = tpu.memref_slice %arg6[%dma_start3A_669, %dma_start3A_670, %dma_start3A_671] : memref<8x64x128xf32, #tpu.memory_space<vmem>> -> memref<1x64x128xf32, #tpu.memory_space<vmem>>
      %dma_start3A_673 = tpu.memref_squeeze %dma_start3A_672 : memref<1x64x128xf32, #tpu.memory_space<vmem>> -> memref<64x128xf32, #tpu.memory_space<vmem>>
      %dma_start3A_674 = arith.constant 0 : i32
      %dma_start3A_675 = tpu.memref_slice %arg2[%add3A_641, %dma_start3A_674, %multiple_of3A_668] : memref<128x64x8192xf32, #tpu.memory_space<hbm>> -> memref<1x64x128xf32, #tpu.memory_space<hbm>>
      %dma_start3A_676 = tpu.memref_squeeze %dma_start3A_675 : memref<1x64x128xf32, #tpu.memory_space<hbm>> -> memref<64x128xf32, #tpu.memory_space<hbm>>
      %dma_start3A_677 = arith.constant 0 : i32
      %dma_start3A_678 = arith.constant 0 : i32
      %dma_start3A_679 = tpu.memref_slice %arg6[%dma_start3A_669, %dma_start3A_677, %dma_start3A_678] : memref<8x64x128xf32, #tpu.memory_space<vmem>> -> memref<1x64x128xf32, #tpu.memory_space<vmem>>
      %dma_start3A_680 = tpu.memref_squeeze %dma_start3A_679 : memref<1x64x128xf32, #tpu.memory_space<vmem>> -> memref<64x128xf32, #tpu.memory_space<vmem>>
      %dma_start3A_681 = arith.constant 0 : i32
      %dma_start3A_682 = tpu.memref_slice %arg2[%add3A_641, %dma_start3A_681, %multiple_of3A_668] : memref<128x64x8192xf32, #tpu.memory_space<hbm>> -> memref<1x64x128xf32, #tpu.memory_space<hbm>>
      %dma_start3A_683 = tpu.memref_squeeze %dma_start3A_682 : memref<1x64x128xf32, #tpu.memory_space<hbm>> -> memref<64x128xf32, #tpu.memory_space<hbm>>
      tpu.enqueue_dma source(%dma_start3A_683 : memref<64x128xf32, #tpu.memory_space<hbm>>) target(%dma_start3A_680 : memref<64x128xf32, #tpu.memory_space<vmem>>) target_semaphore(%arg8 : memref<!tpu.dma_semaphore, #tpu.memory_space<semaphore_mem>>)
      %add3A_684 = arith.constant 0 : i32
      %add3A_685 = arith.addi %mul3A_14, %add3A_684 : i32
      %add3A_686 = arith.addi %mul3A_2, %add3A_685 : i32
      %jit3A_687 = arith.constant 32 : i32
      %div3A_688 = arith.divsi %add3A_686, %jit3A_687 : i32
      %sign3A_689 = arith.constant 0 : i32
      %sign3A_690 = arith.cmpi sgt, %add3A_686, %sign3A_689 : i32
      %sign3A_691 = arith.extui %sign3A_690 : i1 to i32
      %sign3A_692 = arith.constant 0 : i32
      %sign3A_693 = arith.cmpi slt, %add3A_686, %sign3A_692 : i32
      %sign3A_694 = arith.extui %sign3A_693 : i1 to i32
      %sign3A_695 = arith.subi %sign3A_691, %sign3A_694 : i32
      %sign3A_696 = arith.constant 0 : i32
      %sign3A_697 = arith.cmpi sgt, %jit3A_687, %sign3A_696 : i32
      %sign3A_698 = arith.extui %sign3A_697 : i1 to i32
      %sign3A_699 = arith.constant 0 : i32
      %sign3A_700 = arith.cmpi slt, %jit3A_687, %sign3A_699 : i32
      %sign3A_701 = arith.extui %sign3A_700 : i1 to i32
      %sign3A_702 = arith.subi %sign3A_698, %sign3A_701 : i32
      %ne3A_703 = arith.cmpi ne, %sign3A_695, %sign3A_702 : i32
      %rem3A_704 = arith.remsi %add3A_686, %jit3A_687 : i32
      %ne3A_705 = arith.constant 0 : i32
      %ne3A_706 = arith.cmpi ne, %rem3A_704, %ne3A_705 : i32
      %and3A_707 = arith.andi %ne3A_703, %ne3A_706 : i1
      %sub3A_708 = arith.constant 1 : i32
      %sub3A_709 = arith.subi %div3A_688, %sub3A_708 : i32
      %select_n3A_710 = arith.select %and3A_707, %sub3A_709, %div3A_688 : i32
      %add3A_711 = arith.constant 64 : i32
      %add3A_712 = arith.addi %add3A_711, %select_n3A_710 : i32
      %jit3A_713 = arith.constant 128 : i32
      %div3A_714 = arith.divsi %reduce_max3A_24, %jit3A_713 : i32
      %sign3A_715 = arith.constant 0 : i32
      %sign3A_716 = arith.cmpi sgt, %reduce_max3A_24, %sign3A_715 : i32
      %sign3A_717 = arith.extui %sign3A_716 : i1 to i32
      %sign3A_718 = arith.constant 0 : i32
      %sign3A_719 = arith.cmpi slt, %reduce_max3A_24, %sign3A_718 : i32
      %sign3A_720 = arith.extui %sign3A_719 : i1 to i32
      %sign3A_721 = arith.subi %sign3A_717, %sign3A_720 : i32
      %sign3A_722 = arith.constant 0 : i32
      %sign3A_723 = arith.cmpi sgt, %jit3A_713, %sign3A_722 : i32
      %sign3A_724 = arith.extui %sign3A_723 : i1 to i32
      %sign3A_725 = arith.constant 0 : i32
      %sign3A_726 = arith.cmpi slt, %jit3A_713, %sign3A_725 : i32
      %sign3A_727 = arith.extui %sign3A_726 : i1 to i32
      %sign3A_728 = arith.subi %sign3A_724, %sign3A_727 : i32
      %ne3A_729 = arith.cmpi ne, %sign3A_721, %sign3A_728 : i32
      %rem3A_730 = arith.remsi %reduce_max3A_24, %jit3A_713 : i32
      %ne3A_731 = arith.constant 0 : i32
      %ne3A_732 = arith.cmpi ne, %rem3A_730, %ne3A_731 : i32
      %and3A_733 = arith.andi %ne3A_729, %ne3A_732 : i1
      %sub3A_734 = arith.constant 1 : i32
      %sub3A_735 = arith.subi %div3A_714, %sub3A_734 : i32
      %select_n3A_736 = arith.select %and3A_733, %sub3A_735, %div3A_714 : i32
      %mul3A_737 = arith.constant 128 : i32
      %mul3A_738 = arith.muli %select_n3A_736, %mul3A_737 : i32
      %multiple_of3A_739 = tpu.assume_multiple %mul3A_738, 128 : i32
      %dma_wait3A = arith.constant 0 : i32
      %dma_wait3A_740 = arith.constant 0 : i32
      %dma_wait3A_741 = arith.constant 0 : i32
      %dma_wait3A_742 = tpu.memref_slice %arg6[%dma_wait3A, %dma_wait3A_740, %dma_wait3A_741] : memref<8x64x128xf32, #tpu.memory_space<vmem>> -> memref<1x64x128xf32, #tpu.memory_space<vmem>>
      %dma_wait3A_743 = tpu.memref_squeeze %dma_wait3A_742 : memref<1x64x128xf32, #tpu.memory_space<vmem>> -> memref<64x128xf32, #tpu.memory_space<vmem>>
      %dma_wait3A_744 = arith.constant 0 : i32
      %dma_wait3A_745 = tpu.memref_slice %arg2[%add3A_712, %dma_wait3A_744, %multiple_of3A_739] : memref<128x64x8192xf32, #tpu.memory_space<hbm>> -> memref<1x64x128xf32, #tpu.memory_space<hbm>>
      %dma_wait3A_746 = tpu.memref_squeeze %dma_wait3A_745 : memref<1x64x128xf32, #tpu.memory_space<hbm>> -> memref<64x128xf32, #tpu.memory_space<hbm>>
      %dma_wait3A_747 = arith.constant 0 : i32
      %dma_wait3A_748 = arith.constant 0 : i32
      %dma_wait3A_749 = tpu.memref_slice %arg6[%dma_wait3A, %dma_wait3A_747, %dma_wait3A_748] : memref<8x64x128xf32, #tpu.memory_space<vmem>> -> memref<1x64x128xf32, #tpu.memory_space<vmem>>
      %dma_wait3A_750 = tpu.memref_squeeze %dma_wait3A_749 : memref<1x64x128xf32, #tpu.memory_space<vmem>> -> memref<64x128xf32, #tpu.memory_space<vmem>>
      %dma_wait3A_751 = arith.constant 0 : i32
      %dma_wait3A_752 = tpu.memref_slice %arg2[%add3A_712, %dma_wait3A_751, %multiple_of3A_739] : memref<128x64x8192xf32, #tpu.memory_space<hbm>> -> memref<1x64x128xf32, #tpu.memory_space<hbm>>
      %dma_wait3A_753 = tpu.memref_squeeze %dma_wait3A_752 : memref<1x64x128xf32, #tpu.memory_space<hbm>> -> memref<64x128xf32, #tpu.memory_space<hbm>>
      tpu.wait_dma2 semaphore(%arg8 : memref<!tpu.dma_semaphore, #tpu.memory_space<semaphore_mem>>) src(%dma_wait3A_753 : memref<64x128xf32, #tpu.memory_space<hbm>>) dst(%dma_wait3A_750 : memref<64x128xf32, #tpu.memory_space<vmem>>)
      %add3A_754 = arith.constant 1 : i32
      %add3A_755 = arith.addi %mul3A_14, %add3A_754 : i32
      %add3A_756 = arith.addi %mul3A_2, %add3A_755 : i32
      %jit3A_757 = arith.constant 32 : i32
      %div3A_758 = arith.divsi %add3A_756, %jit3A_757 : i32
      %sign3A_759 = arith.constant 0 : i32
      %sign3A_760 = arith.cmpi sgt, %add3A_756, %sign3A_759 : i32
      %sign3A_761 = arith.extui %sign3A_760 : i1 to i32
      %sign3A_762 = arith.constant 0 : i32
      %sign3A_763 = arith.cmpi slt, %add3A_756, %sign3A_762 : i32
      %sign3A_764 = arith.extui %sign3A_763 : i1 to i32
      %sign3A_765 = arith.subi %sign3A_761, %sign3A_764 : i32
      %sign3A_766 = arith.constant 0 : i32
      %sign3A_767 = arith.cmpi sgt, %jit3A_757, %sign3A_766 : i32
      %sign3A_768 = arith.extui %sign3A_767 : i1 to i32
      %sign3A_769 = arith.constant 0 : i32
      %sign3A_770 = arith.cmpi slt, %jit3A_757, %sign3A_769 : i32
      %sign3A_771 = arith.extui %sign3A_770 : i1 to i32
      %sign3A_772 = arith.subi %sign3A_768, %sign3A_771 : i32
      %ne3A_773 = arith.cmpi ne, %sign3A_765, %sign3A_772 : i32
      %rem3A_774 = arith.remsi %add3A_756, %jit3A_757 : i32
      %ne3A_775 = arith.constant 0 : i32
      %ne3A_776 = arith.cmpi ne, %rem3A_774, %ne3A_775 : i32
      %and3A_777 = arith.andi %ne3A_773, %ne3A_776 : i1
      %sub3A_778 = arith.constant 1 : i32
      %sub3A_779 = arith.subi %div3A_758, %sub3A_778 : i32
      %select_n3A_780 = arith.select %and3A_777, %sub3A_779, %div3A_758 : i32
      %add3A_781 = arith.constant 64 : i32
      %add3A_782 = arith.addi %add3A_781, %select_n3A_780 : i32
      %jit3A_783 = arith.constant 128 : i32
      %div3A_784 = arith.divsi %reduce_max3A_38, %jit3A_783 : i32
      %sign3A_785 = arith.constant 0 : i32
      %sign3A_786 = arith.cmpi sgt, %reduce_max3A_38, %sign3A_785 : i32
      %sign3A_787 = arith.extui %sign3A_786 : i1 to i32
      %sign3A_788 = arith.constant 0 : i32
      %sign3A_789 = arith.cmpi slt, %reduce_max3A_38, %sign3A_788 : i32
      %sign3A_790 = arith.extui %sign3A_789 : i1 to i32
      %sign3A_791 = arith.subi %sign3A_787, %sign3A_790 : i32
      %sign3A_792 = arith.constant 0 : i32
      %sign3A_793 = arith.cmpi sgt, %jit3A_783, %sign3A_792 : i32
      %sign3A_794 = arith.extui %sign3A_793 : i1 to i32
      %sign3A_795 = arith.constant 0 : i32
      %sign3A_796 = arith.cmpi slt, %jit3A_783, %sign3A_795 : i32
      %sign3A_797 = arith.extui %sign3A_796 : i1 to i32
      %sign3A_798 = arith.subi %sign3A_794, %sign3A_797 : i32
      %ne3A_799 = arith.cmpi ne, %sign3A_791, %sign3A_798 : i32
      %rem3A_800 = arith.remsi %reduce_max3A_38, %jit3A_783 : i32
      %ne3A_801 = arith.constant 0 : i32
      %ne3A_802 = arith.cmpi ne, %rem3A_800, %ne3A_801 : i32
      %and3A_803 = arith.andi %ne3A_799, %ne3A_802 : i1
      %sub3A_804 = arith.constant 1 : i32
      %sub3A_805 = arith.subi %div3A_784, %sub3A_804 : i32
      %select_n3A_806 = arith.select %and3A_803, %sub3A_805, %div3A_784 : i32
      %mul3A_807 = arith.constant 128 : i32
      %mul3A_808 = arith.muli %select_n3A_806, %mul3A_807 : i32
      %multiple_of3A_809 = tpu.assume_multiple %mul3A_808, 128 : i32
      %dma_wait3A_810 = arith.constant 1 : i32
      %dma_wait3A_811 = arith.constant 0 : i32
      %dma_wait3A_812 = arith.constant 0 : i32
      %dma_wait3A_813 = tpu.memref_slice %arg6[%dma_wait3A_810, %dma_wait3A_811, %dma_wait3A_812] : memref<8x64x128xf32, #tpu.memory_space<vmem>> -> memref<1x64x128xf32, #tpu.memory_space<vmem>>
      %dma_wait3A_814 = tpu.memref_squeeze %dma_wait3A_813 : memref<1x64x128xf32, #tpu.memory_space<vmem>> -> memref<64x128xf32, #tpu.memory_space<vmem>>
      %dma_wait3A_815 = arith.constant 0 : i32
      %dma_wait3A_816 = tpu.memref_slice %arg2[%add3A_782, %dma_wait3A_815, %multiple_of3A_809] : memref<128x64x8192xf32, #tpu.memory_space<hbm>> -> memref<1x64x128xf32, #tpu.memory_space<hbm>>
      %dma_wait3A_817 = tpu.memref_squeeze %dma_wait3A_816 : memref<1x64x128xf32, #tpu.memory_space<hbm>> -> memref<64x128xf32, #tpu.memory_space<hbm>>
      %dma_wait3A_818 = arith.constant 0 : i32
      %dma_wait3A_819 = arith.constant 0 : i32
      %dma_wait3A_820 = tpu.memref_slice %arg6[%dma_wait3A_810, %dma_wait3A_818, %dma_wait3A_819] : memref<8x64x128xf32, #tpu.memory_space<vmem>> -> memref<1x64x128xf32, #tpu.memory_space<vmem>>
      %dma_wait3A_821 = tpu.memref_squeeze %dma_wait3A_820 : memref<1x64x128xf32, #tpu.memory_space<vmem>> -> memref<64x128xf32, #tpu.memory_space<vmem>>
      %dma_wait3A_822 = arith.constant 0 : i32
      %dma_wait3A_823 = tpu.memref_slice %arg2[%add3A_782, %dma_wait3A_822, %multiple_of3A_809] : memref<128x64x8192xf32, #tpu.memory_space<hbm>> -> memref<1x64x128xf32, #tpu.memory_space<hbm>>
      %dma_wait3A_824 = tpu.memref_squeeze %dma_wait3A_823 : memref<1x64x128xf32, #tpu.memory_space<hbm>> -> memref<64x128xf32, #tpu.memory_space<hbm>>
      tpu.wait_dma2 semaphore(%arg8 : memref<!tpu.dma_semaphore, #tpu.memory_space<semaphore_mem>>) src(%dma_wait3A_824 : memref<64x128xf32, #tpu.memory_space<hbm>>) dst(%dma_wait3A_821 : memref<64x128xf32, #tpu.memory_space<vmem>>)
      %add3A_825 = arith.constant 2 : i32
      %add3A_826 = arith.addi %mul3A_14, %add3A_825 : i32
      %add3A_827 = arith.addi %mul3A_2, %add3A_826 : i32
      %jit3A_828 = arith.constant 32 : i32
      %div3A_829 = arith.divsi %add3A_827, %jit3A_828 : i32
      %sign3A_830 = arith.constant 0 : i32
      %sign3A_831 = arith.cmpi sgt, %add3A_827, %sign3A_830 : i32
      %sign3A_832 = arith.extui %sign3A_831 : i1 to i32
      %sign3A_833 = arith.constant 0 : i32
      %sign3A_834 = arith.cmpi slt, %add3A_827, %sign3A_833 : i32
      %sign3A_835 = arith.extui %sign3A_834 : i1 to i32
      %sign3A_836 = arith.subi %sign3A_832, %sign3A_835 : i32
      %sign3A_837 = arith.constant 0 : i32
      %sign3A_838 = arith.cmpi sgt, %jit3A_828, %sign3A_837 : i32
      %sign3A_839 = arith.extui %sign3A_838 : i1 to i32
      %sign3A_840 = arith.constant 0 : i32
      %sign3A_841 = arith.cmpi slt, %jit3A_828, %sign3A_840 : i32
      %sign3A_842 = arith.extui %sign3A_841 : i1 to i32
      %sign3A_843 = arith.subi %sign3A_839, %sign3A_842 : i32
      %ne3A_844 = arith.cmpi ne, %sign3A_836, %sign3A_843 : i32
      %rem3A_845 = arith.remsi %add3A_827, %jit3A_828 : i32
      %ne3A_846 = arith.constant 0 : i32
      %ne3A_847 = arith.cmpi ne, %rem3A_845, %ne3A_846 : i32
      %and3A_848 = arith.andi %ne3A_844, %ne3A_847 : i1
      %sub3A_849 = arith.constant 1 : i32
      %sub3A_850 = arith.subi %div3A_829, %sub3A_849 : i32
      %select_n3A_851 = arith.select %and3A_848, %sub3A_850, %div3A_829 : i32
      %add3A_852 = arith.constant 64 : i32
      %add3A_853 = arith.addi %add3A_852, %select_n3A_851 : i32
      %jit3A_854 = arith.constant 128 : i32
      %div3A_855 = arith.divsi %reduce_max3A_52, %jit3A_854 : i32
      %sign3A_856 = arith.constant 0 : i32
      %sign3A_857 = arith.cmpi sgt, %reduce_max3A_52, %sign3A_856 : i32
      %sign3A_858 = arith.extui %sign3A_857 : i1 to i32
      %sign3A_859 = arith.constant 0 : i32
      %sign3A_860 = arith.cmpi slt, %reduce_max3A_52, %sign3A_859 : i32
      %sign3A_861 = arith.extui %sign3A_860 : i1 to i32
      %sign3A_862 = arith.subi %sign3A_858, %sign3A_861 : i32
      %sign3A_863 = arith.constant 0 : i32
      %sign3A_864 = arith.cmpi sgt, %jit3A_854, %sign3A_863 : i32
      %sign3A_865 = arith.extui %sign3A_864 : i1 to i32
      %sign3A_866 = arith.constant 0 : i32
      %sign3A_867 = arith.cmpi slt, %jit3A_854, %sign3A_866 : i32
      %sign3A_868 = arith.extui %sign3A_867 : i1 to i32
      %sign3A_869 = arith.subi %sign3A_865, %sign3A_868 : i32
      %ne3A_870 = arith.cmpi ne, %sign3A_862, %sign3A_869 : i32
      %rem3A_871 = arith.remsi %reduce_max3A_52, %jit3A_854 : i32
      %ne3A_872 = arith.constant 0 : i32
      %ne3A_873 = arith.cmpi ne, %rem3A_871, %ne3A_872 : i32
      %and3A_874 = arith.andi %ne3A_870, %ne3A_873 : i1
      %sub3A_875 = arith.constant 1 : i32
      %sub3A_876 = arith.subi %div3A_855, %sub3A_875 : i32
      %select_n3A_877 = arith.select %and3A_874, %sub3A_876, %div3A_855 : i32
      %mul3A_878 = arith.constant 128 : i32
      %mul3A_879 = arith.muli %select_n3A_877, %mul3A_878 : i32
      %multiple_of3A_880 = tpu.assume_multiple %mul3A_879, 128 : i32
      %dma_wait3A_881 = arith.constant 2 : i32
      %dma_wait3A_882 = arith.constant 0 : i32
      %dma_wait3A_883 = arith.constant 0 : i32
      %dma_wait3A_884 = tpu.memref_slice %arg6[%dma_wait3A_881, %dma_wait3A_882, %dma_wait3A_883] : memref<8x64x128xf32, #tpu.memory_space<vmem>> -> memref<1x64x128xf32, #tpu.memory_space<vmem>>
      %dma_wait3A_885 = tpu.memref_squeeze %dma_wait3A_884 : memref<1x64x128xf32, #tpu.memory_space<vmem>> -> memref<64x128xf32, #tpu.memory_space<vmem>>
      %dma_wait3A_886 = arith.constant 0 : i32
      %dma_wait3A_887 = tpu.memref_slice %arg2[%add3A_853, %dma_wait3A_886, %multiple_of3A_880] : memref<128x64x8192xf32, #tpu.memory_space<hbm>> -> memref<1x64x128xf32, #tpu.memory_space<hbm>>
      %dma_wait3A_888 = tpu.memref_squeeze %dma_wait3A_887 : memref<1x64x128xf32, #tpu.memory_space<hbm>> -> memref<64x128xf32, #tpu.memory_space<hbm>>
      %dma_wait3A_889 = arith.constant 0 : i32
      %dma_wait3A_890 = arith.constant 0 : i32
      %dma_wait3A_891 = tpu.memref_slice %arg6[%dma_wait3A_881, %dma_wait3A_889, %dma_wait3A_890] : memref<8x64x128xf32, #tpu.memory_space<vmem>> -> memref<1x64x128xf32, #tpu.memory_space<vmem>>
      %dma_wait3A_892 = tpu.memref_squeeze %dma_wait3A_891 : memref<1x64x128xf32, #tpu.memory_space<vmem>> -> memref<64x128xf32, #tpu.memory_space<vmem>>
      %dma_wait3A_893 = arith.constant 0 : i32
      %dma_wait3A_894 = tpu.memref_slice %arg2[%add3A_853, %dma_wait3A_893, %multiple_of3A_880] : memref<128x64x8192xf32, #tpu.memory_space<hbm>> -> memref<1x64x128xf32, #tpu.memory_space<hbm>>
      %dma_wait3A_895 = tpu.memref_squeeze %dma_wait3A_894 : memref<1x64x128xf32, #tpu.memory_space<hbm>> -> memref<64x128xf32, #tpu.memory_space<hbm>>
      tpu.wait_dma2 semaphore(%arg8 : memref<!tpu.dma_semaphore, #tpu.memory_space<semaphore_mem>>) src(%dma_wait3A_895 : memref<64x128xf32, #tpu.memory_space<hbm>>) dst(%dma_wait3A_892 : memref<64x128xf32, #tpu.memory_space<vmem>>)
      %add3A_896 = arith.constant 3 : i32
      %add3A_897 = arith.addi %mul3A_14, %add3A_896 : i32
      %add3A_898 = arith.addi %mul3A_2, %add3A_897 : i32
      %jit3A_899 = arith.constant 32 : i32
      %div3A_900 = arith.divsi %add3A_898, %jit3A_899 : i32
      %sign3A_901 = arith.constant 0 : i32
      %sign3A_902 = arith.cmpi sgt, %add3A_898, %sign3A_901 : i32
      %sign3A_903 = arith.extui %sign3A_902 : i1 to i32
      %sign3A_904 = arith.constant 0 : i32
      %sign3A_905 = arith.cmpi slt, %add3A_898, %sign3A_904 : i32
      %sign3A_906 = arith.extui %sign3A_905 : i1 to i32
      %sign3A_907 = arith.subi %sign3A_903, %sign3A_906 : i32
      %sign3A_908 = arith.constant 0 : i32
      %sign3A_909 = arith.cmpi sgt, %jit3A_899, %sign3A_908 : i32
      %sign3A_910 = arith.extui %sign3A_909 : i1 to i32
      %sign3A_911 = arith.constant 0 : i32
      %sign3A_912 = arith.cmpi slt, %jit3A_899, %sign3A_911 : i32
      %sign3A_913 = arith.extui %sign3A_912 : i1 to i32
      %sign3A_914 = arith.subi %sign3A_910, %sign3A_913 : i32
      %ne3A_915 = arith.cmpi ne, %sign3A_907, %sign3A_914 : i32
      %rem3A_916 = arith.remsi %add3A_898, %jit3A_899 : i32
      %ne3A_917 = arith.constant 0 : i32
      %ne3A_918 = arith.cmpi ne, %rem3A_916, %ne3A_917 : i32
      %and3A_919 = arith.andi %ne3A_915, %ne3A_918 : i1
      %sub3A_920 = arith.constant 1 : i32
      %sub3A_921 = arith.subi %div3A_900, %sub3A_920 : i32
      %select_n3A_922 = arith.select %and3A_919, %sub3A_921, %div3A_900 : i32
      %add3A_923 = arith.constant 64 : i32
      %add3A_924 = arith.addi %add3A_923, %select_n3A_922 : i32
      %jit3A_925 = arith.constant 128 : i32
      %div3A_926 = arith.divsi %reduce_max3A_66, %jit3A_925 : i32
      %sign3A_927 = arith.constant 0 : i32
      %sign3A_928 = arith.cmpi sgt, %reduce_max3A_66, %sign3A_927 : i32
      %sign3A_929 = arith.extui %sign3A_928 : i1 to i32
      %sign3A_930 = arith.constant 0 : i32
      %sign3A_931 = arith.cmpi slt, %reduce_max3A_66, %sign3A_930 : i32
      %sign3A_932 = arith.extui %sign3A_931 : i1 to i32
      %sign3A_933 = arith.subi %sign3A_929, %sign3A_932 : i32
      %sign3A_934 = arith.constant 0 : i32
      %sign3A_935 = arith.cmpi sgt, %jit3A_925, %sign3A_934 : i32
      %sign3A_936 = arith.extui %sign3A_935 : i1 to i32
      %sign3A_937 = arith.constant 0 : i32
      %sign3A_938 = arith.cmpi slt, %jit3A_925, %sign3A_937 : i32
      %sign3A_939 = arith.extui %sign3A_938 : i1 to i32
      %sign3A_940 = arith.subi %sign3A_936, %sign3A_939 : i32
      %ne3A_941 = arith.cmpi ne, %sign3A_933, %sign3A_940 : i32
      %rem3A_942 = arith.remsi %reduce_max3A_66, %jit3A_925 : i32
      %ne3A_943 = arith.constant 0 : i32
      %ne3A_944 = arith.cmpi ne, %rem3A_942, %ne3A_943 : i32
      %and3A_945 = arith.andi %ne3A_941, %ne3A_944 : i1
      %sub3A_946 = arith.constant 1 : i32
      %sub3A_947 = arith.subi %div3A_926, %sub3A_946 : i32
      %select_n3A_948 = arith.select %and3A_945, %sub3A_947, %div3A_926 : i32
      %mul3A_949 = arith.constant 128 : i32
      %mul3A_950 = arith.muli %select_n3A_948, %mul3A_949 : i32
      %multiple_of3A_951 = tpu.assume_multiple %mul3A_950, 128 : i32
      %dma_wait3A_952 = arith.constant 3 : i32
      %dma_wait3A_953 = arith.constant 0 : i32
      %dma_wait3A_954 = arith.constant 0 : i32
      %dma_wait3A_955 = tpu.memref_slice %arg6[%dma_wait3A_952, %dma_wait3A_953, %dma_wait3A_954] : memref<8x64x128xf32, #tpu.memory_space<vmem>> -> memref<1x64x128xf32, #tpu.memory_space<vmem>>
      %dma_wait3A_956 = tpu.memref_squeeze %dma_wait3A_955 : memref<1x64x128xf32, #tpu.memory_space<vmem>> -> memref<64x128xf32, #tpu.memory_space<vmem>>
      %dma_wait3A_957 = arith.constant 0 : i32
      %dma_wait3A_958 = tpu.memref_slice %arg2[%add3A_924, %dma_wait3A_957, %multiple_of3A_951] : memref<128x64x8192xf32, #tpu.memory_space<hbm>> -> memref<1x64x128xf32, #tpu.memory_space<hbm>>
      %dma_wait3A_959 = tpu.memref_squeeze %dma_wait3A_958 : memref<1x64x128xf32, #tpu.memory_space<hbm>> -> memref<64x128xf32, #tpu.memory_space<hbm>>
      %dma_wait3A_960 = arith.constant 0 : i32
      %dma_wait3A_961 = arith.constant 0 : i32
      %dma_wait3A_962 = tpu.memref_slice %arg6[%dma_wait3A_952, %dma_wait3A_960, %dma_wait3A_961] : memref<8x64x128xf32, #tpu.memory_space<vmem>> -> memref<1x64x128xf32, #tpu.memory_space<vmem>>
      %dma_wait3A_963 = tpu.memref_squeeze %dma_wait3A_962 : memref<1x64x128xf32, #tpu.memory_space<vmem>> -> memref<64x128xf32, #tpu.memory_space<vmem>>
      %dma_wait3A_964 = arith.constant 0 : i32
      %dma_wait3A_965 = tpu.memref_slice %arg2[%add3A_924, %dma_wait3A_964, %multiple_of3A_951] : memref<128x64x8192xf32, #tpu.memory_space<hbm>> -> memref<1x64x128xf32, #tpu.memory_space<hbm>>
      %dma_wait3A_966 = tpu.memref_squeeze %dma_wait3A_965 : memref<1x64x128xf32, #tpu.memory_space<hbm>> -> memref<64x128xf32, #tpu.memory_space<hbm>>
      tpu.wait_dma2 semaphore(%arg8 : memref<!tpu.dma_semaphore, #tpu.memory_space<semaphore_mem>>) src(%dma_wait3A_966 : memref<64x128xf32, #tpu.memory_space<hbm>>) dst(%dma_wait3A_963 : memref<64x128xf32, #tpu.memory_space<vmem>>)
      %add3A_967 = arith.constant 4 : i32
      %add3A_968 = arith.addi %mul3A_14, %add3A_967 : i32
      %add3A_969 = arith.addi %mul3A_2, %add3A_968 : i32
      %jit3A_970 = arith.constant 32 : i32
      %div3A_971 = arith.divsi %add3A_969, %jit3A_970 : i32
      %sign3A_972 = arith.constant 0 : i32
      %sign3A_973 = arith.cmpi sgt, %add3A_969, %sign3A_972 : i32
      %sign3A_974 = arith.extui %sign3A_973 : i1 to i32
      %sign3A_975 = arith.constant 0 : i32
      %sign3A_976 = arith.cmpi slt, %add3A_969, %sign3A_975 : i32
      %sign3A_977 = arith.extui %sign3A_976 : i1 to i32
      %sign3A_978 = arith.subi %sign3A_974, %sign3A_977 : i32
      %sign3A_979 = arith.constant 0 : i32
      %sign3A_980 = arith.cmpi sgt, %jit3A_970, %sign3A_979 : i32
      %sign3A_981 = arith.extui %sign3A_980 : i1 to i32
      %sign3A_982 = arith.constant 0 : i32
      %sign3A_983 = arith.cmpi slt, %jit3A_970, %sign3A_982 : i32
      %sign3A_984 = arith.extui %sign3A_983 : i1 to i32
      %sign3A_985 = arith.subi %sign3A_981, %sign3A_984 : i32
      %ne3A_986 = arith.cmpi ne, %sign3A_978, %sign3A_985 : i32
      %rem3A_987 = arith.remsi %add3A_969, %jit3A_970 : i32
      %ne3A_988 = arith.constant 0 : i32
      %ne3A_989 = arith.cmpi ne, %rem3A_987, %ne3A_988 : i32
      %and3A_990 = arith.andi %ne3A_986, %ne3A_989 : i1
      %sub3A_991 = arith.constant 1 : i32
      %sub3A_992 = arith.subi %div3A_971, %sub3A_991 : i32
      %select_n3A_993 = arith.select %and3A_990, %sub3A_992, %div3A_971 : i32
      %add3A_994 = arith.constant 64 : i32
      %add3A_995 = arith.addi %add3A_994, %select_n3A_993 : i32
      %jit3A_996 = arith.constant 128 : i32
      %div3A_997 = arith.divsi %reduce_max3A_80, %jit3A_996 : i32
      %sign3A_998 = arith.constant 0 : i32
      %sign3A_999 = arith.cmpi sgt, %reduce_max3A_80, %sign3A_998 : i32
      %sign3A_1000 = arith.extui %sign3A_999 : i1 to i32
      %sign3A_1001 = arith.constant 0 : i32
      %sign3A_1002 = arith.cmpi slt, %reduce_max3A_80, %sign3A_1001 : i32
      %sign3A_1003 = arith.extui %sign3A_1002 : i1 to i32
      %sign3A_1004 = arith.subi %sign3A_1000, %sign3A_1003 : i32
      %sign3A_1005 = arith.constant 0 : i32
      %sign3A_1006 = arith.cmpi sgt, %jit3A_996, %sign3A_1005 : i32
      %sign3A_1007 = arith.extui %sign3A_1006 : i1 to i32
      %sign3A_1008 = arith.constant 0 : i32
      %sign3A_1009 = arith.cmpi slt, %jit3A_996, %sign3A_1008 : i32
      %sign3A_1010 = arith.extui %sign3A_1009 : i1 to i32
      %sign3A_1011 = arith.subi %sign3A_1007, %sign3A_1010 : i32
      %ne3A_1012 = arith.cmpi ne, %sign3A_1004, %sign3A_1011 : i32
      %rem3A_1013 = arith.remsi %reduce_max3A_80, %jit3A_996 : i32
      %ne3A_1014 = arith.constant 0 : i32
      %ne3A_1015 = arith.cmpi ne, %rem3A_1013, %ne3A_1014 : i32
      %and3A_1016 = arith.andi %ne3A_1012, %ne3A_1015 : i1
      %sub3A_1017 = arith.constant 1 : i32
      %sub3A_1018 = arith.subi %div3A_997, %sub3A_1017 : i32
      %select_n3A_1019 = arith.select %and3A_1016, %sub3A_1018, %div3A_997 : i32
      %mul3A_1020 = arith.constant 128 : i32
      %mul3A_1021 = arith.muli %select_n3A_1019, %mul3A_1020 : i32
      %multiple_of3A_1022 = tpu.assume_multiple %mul3A_1021, 128 : i32
      %dma_wait3A_1023 = arith.constant 4 : i32
      %dma_wait3A_1024 = arith.constant 0 : i32
      %dma_wait3A_1025 = arith.constant 0 : i32
      %dma_wait3A_1026 = tpu.memref_slice %arg6[%dma_wait3A_1023, %dma_wait3A_1024, %dma_wait3A_1025] : memref<8x64x128xf32, #tpu.memory_space<vmem>> -> memref<1x64x128xf32, #tpu.memory_space<vmem>>
      %dma_wait3A_1027 = tpu.memref_squeeze %dma_wait3A_1026 : memref<1x64x128xf32, #tpu.memory_space<vmem>> -> memref<64x128xf32, #tpu.memory_space<vmem>>
      %dma_wait3A_1028 = arith.constant 0 : i32
      %dma_wait3A_1029 = tpu.memref_slice %arg2[%add3A_995, %dma_wait3A_1028, %multiple_of3A_1022] : memref<128x64x8192xf32, #tpu.memory_space<hbm>> -> memref<1x64x128xf32, #tpu.memory_space<hbm>>
      %dma_wait3A_1030 = tpu.memref_squeeze %dma_wait3A_1029 : memref<1x64x128xf32, #tpu.memory_space<hbm>> -> memref<64x128xf32, #tpu.memory_space<hbm>>
      %dma_wait3A_1031 = arith.constant 0 : i32
      %dma_wait3A_1032 = arith.constant 0 : i32
      %dma_wait3A_1033 = tpu.memref_slice %arg6[%dma_wait3A_1023, %dma_wait3A_1031, %dma_wait3A_1032] : memref<8x64x128xf32, #tpu.memory_space<vmem>> -> memref<1x64x128xf32, #tpu.memory_space<vmem>>
      %dma_wait3A_1034 = tpu.memref_squeeze %dma_wait3A_1033 : memref<1x64x128xf32, #tpu.memory_space<vmem>> -> memref<64x128xf32, #tpu.memory_space<vmem>>
      %dma_wait3A_1035 = arith.constant 0 : i32
      %dma_wait3A_1036 = tpu.memref_slice %arg2[%add3A_995, %dma_wait3A_1035, %multiple_of3A_1022] : memref<128x64x8192xf32, #tpu.memory_space<hbm>> -> memref<1x64x128xf32, #tpu.memory_space<hbm>>
      %dma_wait3A_1037 = tpu.memref_squeeze %dma_wait3A_1036 : memref<1x64x128xf32, #tpu.memory_space<hbm>> -> memref<64x128xf32, #tpu.memory_space<hbm>>
      tpu.wait_dma2 semaphore(%arg8 : memref<!tpu.dma_semaphore, #tpu.memory_space<semaphore_mem>>) src(%dma_wait3A_1037 : memref<64x128xf32, #tpu.memory_space<hbm>>) dst(%dma_wait3A_1034 : memref<64x128xf32, #tpu.memory_space<vmem>>)
      %add3A_1038 = arith.constant 5 : i32
      %add3A_1039 = arith.addi %mul3A_14, %add3A_1038 : i32
      %add3A_1040 = arith.addi %mul3A_2, %add3A_1039 : i32
      %jit3A_1041 = arith.constant 32 : i32
      %div3A_1042 = arith.divsi %add3A_1040, %jit3A_1041 : i32
      %sign3A_1043 = arith.constant 0 : i32
      %sign3A_1044 = arith.cmpi sgt, %add3A_1040, %sign3A_1043 : i32
      %sign3A_1045 = arith.extui %sign3A_1044 : i1 to i32
      %sign3A_1046 = arith.constant 0 : i32
      %sign3A_1047 = arith.cmpi slt, %add3A_1040, %sign3A_1046 : i32
      %sign3A_1048 = arith.extui %sign3A_1047 : i1 to i32
      %sign3A_1049 = arith.subi %sign3A_1045, %sign3A_1048 : i32
      %sign3A_1050 = arith.constant 0 : i32
      %sign3A_1051 = arith.cmpi sgt, %jit3A_1041, %sign3A_1050 : i32
      %sign3A_1052 = arith.extui %sign3A_1051 : i1 to i32
      %sign3A_1053 = arith.constant 0 : i32
      %sign3A_1054 = arith.cmpi slt, %jit3A_1041, %sign3A_1053 : i32
      %sign3A_1055 = arith.extui %sign3A_1054 : i1 to i32
      %sign3A_1056 = arith.subi %sign3A_1052, %sign3A_1055 : i32
      %ne3A_1057 = arith.cmpi ne, %sign3A_1049, %sign3A_1056 : i32
      %rem3A_1058 = arith.remsi %add3A_1040, %jit3A_1041 : i32
      %ne3A_1059 = arith.constant 0 : i32
      %ne3A_1060 = arith.cmpi ne, %rem3A_1058, %ne3A_1059 : i32
      %and3A_1061 = arith.andi %ne3A_1057, %ne3A_1060 : i1
      %sub3A_1062 = arith.constant 1 : i32
      %sub3A_1063 = arith.subi %div3A_1042, %sub3A_1062 : i32
      %select_n3A_1064 = arith.select %and3A_1061, %sub3A_1063, %div3A_1042 : i32
      %add3A_1065 = arith.constant 64 : i32
      %add3A_1066 = arith.addi %add3A_1065, %select_n3A_1064 : i32
      %jit3A_1067 = arith.constant 128 : i32
      %div3A_1068 = arith.divsi %reduce_max3A_94, %jit3A_1067 : i32
      %sign3A_1069 = arith.constant 0 : i32
      %sign3A_1070 = arith.cmpi sgt, %reduce_max3A_94, %sign3A_1069 : i32
      %sign3A_1071 = arith.extui %sign3A_1070 : i1 to i32
      %sign3A_1072 = arith.constant 0 : i32
      %sign3A_1073 = arith.cmpi slt, %reduce_max3A_94, %sign3A_1072 : i32
      %sign3A_1074 = arith.extui %sign3A_1073 : i1 to i32
      %sign3A_1075 = arith.subi %sign3A_1071, %sign3A_1074 : i32
      %sign3A_1076 = arith.constant 0 : i32
      %sign3A_1077 = arith.cmpi sgt, %jit3A_1067, %sign3A_1076 : i32
      %sign3A_1078 = arith.extui %sign3A_1077 : i1 to i32
      %sign3A_1079 = arith.constant 0 : i32
      %sign3A_1080 = arith.cmpi slt, %jit3A_1067, %sign3A_1079 : i32
      %sign3A_1081 = arith.extui %sign3A_1080 : i1 to i32
      %sign3A_1082 = arith.subi %sign3A_1078, %sign3A_1081 : i32
      %ne3A_1083 = arith.cmpi ne, %sign3A_1075, %sign3A_1082 : i32
      %rem3A_1084 = arith.remsi %reduce_max3A_94, %jit3A_1067 : i32
      %ne3A_1085 = arith.constant 0 : i32
      %ne3A_1086 = arith.cmpi ne, %rem3A_1084, %ne3A_1085 : i32
      %and3A_1087 = arith.andi %ne3A_1083, %ne3A_1086 : i1
      %sub3A_1088 = arith.constant 1 : i32
      %sub3A_1089 = arith.subi %div3A_1068, %sub3A_1088 : i32
      %select_n3A_1090 = arith.select %and3A_1087, %sub3A_1089, %div3A_1068 : i32
      %mul3A_1091 = arith.constant 128 : i32
      %mul3A_1092 = arith.muli %select_n3A_1090, %mul3A_1091 : i32
      %multiple_of3A_1093 = tpu.assume_multiple %mul3A_1092, 128 : i32
      %dma_wait3A_1094 = arith.constant 5 : i32
      %dma_wait3A_1095 = arith.constant 0 : i32
      %dma_wait3A_1096 = arith.constant 0 : i32
      %dma_wait3A_1097 = tpu.memref_slice %arg6[%dma_wait3A_1094, %dma_wait3A_1095, %dma_wait3A_1096] : memref<8x64x128xf32, #tpu.memory_space<vmem>> -> memref<1x64x128xf32, #tpu.memory_space<vmem>>
      %dma_wait3A_1098 = tpu.memref_squeeze %dma_wait3A_1097 : memref<1x64x128xf32, #tpu.memory_space<vmem>> -> memref<64x128xf32, #tpu.memory_space<vmem>>
      %dma_wait3A_1099 = arith.constant 0 : i32
      %dma_wait3A_1100 = tpu.memref_slice %arg2[%add3A_1066, %dma_wait3A_1099, %multiple_of3A_1093] : memref<128x64x8192xf32, #tpu.memory_space<hbm>> -> memref<1x64x128xf32, #tpu.memory_space<hbm>>
      %dma_wait3A_1101 = tpu.memref_squeeze %dma_wait3A_1100 : memref<1x64x128xf32, #tpu.memory_space<hbm>> -> memref<64x128xf32, #tpu.memory_space<hbm>>
      %dma_wait3A_1102 = arith.constant 0 : i32
      %dma_wait3A_1103 = arith.constant 0 : i32
      %dma_wait3A_1104 = tpu.memref_slice %arg6[%dma_wait3A_1094, %dma_wait3A_1102, %dma_wait3A_1103] : memref<8x64x128xf32, #tpu.memory_space<vmem>> -> memref<1x64x128xf32, #tpu.memory_space<vmem>>
      %dma_wait3A_1105 = tpu.memref_squeeze %dma_wait3A_1104 : memref<1x64x128xf32, #tpu.memory_space<vmem>> -> memref<64x128xf32, #tpu.memory_space<vmem>>
      %dma_wait3A_1106 = arith.constant 0 : i32
      %dma_wait3A_1107 = tpu.memref_slice %arg2[%add3A_1066, %dma_wait3A_1106, %multiple_of3A_1093] : memref<128x64x8192xf32, #tpu.memory_space<hbm>> -> memref<1x64x128xf32, #tpu.memory_space<hbm>>
      %dma_wait3A_1108 = tpu.memref_squeeze %dma_wait3A_1107 : memref<1x64x128xf32, #tpu.memory_space<hbm>> -> memref<64x128xf32, #tpu.memory_space<hbm>>
      tpu.wait_dma2 semaphore(%arg8 : memref<!tpu.dma_semaphore, #tpu.memory_space<semaphore_mem>>) src(%dma_wait3A_1108 : memref<64x128xf32, #tpu.memory_space<hbm>>) dst(%dma_wait3A_1105 : memref<64x128xf32, #tpu.memory_space<vmem>>)
      %add3A_1109 = arith.constant 6 : i32
      %add3A_1110 = arith.addi %mul3A_14, %add3A_1109 : i32
      %add3A_1111 = arith.addi %mul3A_2, %add3A_1110 : i32
      %jit3A_1112 = arith.constant 32 : i32
      %div3A_1113 = arith.divsi %add3A_1111, %jit3A_1112 : i32
      %sign3A_1114 = arith.constant 0 : i32
      %sign3A_1115 = arith.cmpi sgt, %add3A_1111, %sign3A_1114 : i32
      %sign3A_1116 = arith.extui %sign3A_1115 : i1 to i32
      %sign3A_1117 = arith.constant 0 : i32
      %sign3A_1118 = arith.cmpi slt, %add3A_1111, %sign3A_1117 : i32
      %sign3A_1119 = arith.extui %sign3A_1118 : i1 to i32
      %sign3A_1120 = arith.subi %sign3A_1116, %sign3A_1119 : i32
      %sign3A_1121 = arith.constant 0 : i32
      %sign3A_1122 = arith.cmpi sgt, %jit3A_1112, %sign3A_1121 : i32
      %sign3A_1123 = arith.extui %sign3A_1122 : i1 to i32
      %sign3A_1124 = arith.constant 0 : i32
      %sign3A_1125 = arith.cmpi slt, %jit3A_1112, %sign3A_1124 : i32
      %sign3A_1126 = arith.extui %sign3A_1125 : i1 to i32
      %sign3A_1127 = arith.subi %sign3A_1123, %sign3A_1126 : i32
      %ne3A_1128 = arith.cmpi ne, %sign3A_1120, %sign3A_1127 : i32
      %rem3A_1129 = arith.remsi %add3A_1111, %jit3A_1112 : i32
      %ne3A_1130 = arith.constant 0 : i32
      %ne3A_1131 = arith.cmpi ne, %rem3A_1129, %ne3A_1130 : i32
      %and3A_1132 = arith.andi %ne3A_1128, %ne3A_1131 : i1
      %sub3A_1133 = arith.constant 1 : i32
      %sub3A_1134 = arith.subi %div3A_1113, %sub3A_1133 : i32
      %select_n3A_1135 = arith.select %and3A_1132, %sub3A_1134, %div3A_1113 : i32
      %add3A_1136 = arith.constant 64 : i32
      %add3A_1137 = arith.addi %add3A_1136, %select_n3A_1135 : i32
      %jit3A_1138 = arith.constant 128 : i32
      %div3A_1139 = arith.divsi %reduce_max3A_108, %jit3A_1138 : i32
      %sign3A_1140 = arith.constant 0 : i32
      %sign3A_1141 = arith.cmpi sgt, %reduce_max3A_108, %sign3A_1140 : i32
      %sign3A_1142 = arith.extui %sign3A_1141 : i1 to i32
      %sign3A_1143 = arith.constant 0 : i32
      %sign3A_1144 = arith.cmpi slt, %reduce_max3A_108, %sign3A_1143 : i32
      %sign3A_1145 = arith.extui %sign3A_1144 : i1 to i32
      %sign3A_1146 = arith.subi %sign3A_1142, %sign3A_1145 : i32
      %sign3A_1147 = arith.constant 0 : i32
      %sign3A_1148 = arith.cmpi sgt, %jit3A_1138, %sign3A_1147 : i32
      %sign3A_1149 = arith.extui %sign3A_1148 : i1 to i32
      %sign3A_1150 = arith.constant 0 : i32
      %sign3A_1151 = arith.cmpi slt, %jit3A_1138, %sign3A_1150 : i32
      %sign3A_1152 = arith.extui %sign3A_1151 : i1 to i32
      %sign3A_1153 = arith.subi %sign3A_1149, %sign3A_1152 : i32
      %ne3A_1154 = arith.cmpi ne, %sign3A_1146, %sign3A_1153 : i32
      %rem3A_1155 = arith.remsi %reduce_max3A_108, %jit3A_1138 : i32
      %ne3A_1156 = arith.constant 0 : i32
      %ne3A_1157 = arith.cmpi ne, %rem3A_1155, %ne3A_1156 : i32
      %and3A_1158 = arith.andi %ne3A_1154, %ne3A_1157 : i1
      %sub3A_1159 = arith.constant 1 : i32
      %sub3A_1160 = arith.subi %div3A_1139, %sub3A_1159 : i32
      %select_n3A_1161 = arith.select %and3A_1158, %sub3A_1160, %div3A_1139 : i32
      %mul3A_1162 = arith.constant 128 : i32
      %mul3A_1163 = arith.muli %select_n3A_1161, %mul3A_1162 : i32
      %multiple_of3A_1164 = tpu.assume_multiple %mul3A_1163, 128 : i32
      %dma_wait3A_1165 = arith.constant 6 : i32
      %dma_wait3A_1166 = arith.constant 0 : i32
      %dma_wait3A_1167 = arith.constant 0 : i32
      %dma_wait3A_1168 = tpu.memref_slice %arg6[%dma_wait3A_1165, %dma_wait3A_1166, %dma_wait3A_1167] : memref<8x64x128xf32, #tpu.memory_space<vmem>> -> memref<1x64x128xf32, #tpu.memory_space<vmem>>
      %dma_wait3A_1169 = tpu.memref_squeeze %dma_wait3A_1168 : memref<1x64x128xf32, #tpu.memory_space<vmem>> -> memref<64x128xf32, #tpu.memory_space<vmem>>
      %dma_wait3A_1170 = arith.constant 0 : i32
      %dma_wait3A_1171 = tpu.memref_slice %arg2[%add3A_1137, %dma_wait3A_1170, %multiple_of3A_1164] : memref<128x64x8192xf32, #tpu.memory_space<hbm>> -> memref<1x64x128xf32, #tpu.memory_space<hbm>>
      %dma_wait3A_1172 = tpu.memref_squeeze %dma_wait3A_1171 : memref<1x64x128xf32, #tpu.memory_space<hbm>> -> memref<64x128xf32, #tpu.memory_space<hbm>>
      %dma_wait3A_1173 = arith.constant 0 : i32
      %dma_wait3A_1174 = arith.constant 0 : i32
      %dma_wait3A_1175 = tpu.memref_slice %arg6[%dma_wait3A_1165, %dma_wait3A_1173, %dma_wait3A_1174] : memref<8x64x128xf32, #tpu.memory_space<vmem>> -> memref<1x64x128xf32, #tpu.memory_space<vmem>>
      %dma_wait3A_1176 = tpu.memref_squeeze %dma_wait3A_1175 : memref<1x64x128xf32, #tpu.memory_space<vmem>> -> memref<64x128xf32, #tpu.memory_space<vmem>>
      %dma_wait3A_1177 = arith.constant 0 : i32
      %dma_wait3A_1178 = tpu.memref_slice %arg2[%add3A_1137, %dma_wait3A_1177, %multiple_of3A_1164] : memref<128x64x8192xf32, #tpu.memory_space<hbm>> -> memref<1x64x128xf32, #tpu.memory_space<hbm>>
      %dma_wait3A_1179 = tpu.memref_squeeze %dma_wait3A_1178 : memref<1x64x128xf32, #tpu.memory_space<hbm>> -> memref<64x128xf32, #tpu.memory_space<hbm>>
      tpu.wait_dma2 semaphore(%arg8 : memref<!tpu.dma_semaphore, #tpu.memory_space<semaphore_mem>>) src(%dma_wait3A_1179 : memref<64x128xf32, #tpu.memory_space<hbm>>) dst(%dma_wait3A_1176 : memref<64x128xf32, #tpu.memory_space<vmem>>)
      %add3A_1180 = arith.constant 7 : i32
      %add3A_1181 = arith.addi %mul3A_14, %add3A_1180 : i32
      %add3A_1182 = arith.addi %mul3A_2, %add3A_1181 : i32
      %jit3A_1183 = arith.constant 32 : i32
      %div3A_1184 = arith.divsi %add3A_1182, %jit3A_1183 : i32
      %sign3A_1185 = arith.constant 0 : i32
      %sign3A_1186 = arith.cmpi sgt, %add3A_1182, %sign3A_1185 : i32
      %sign3A_1187 = arith.extui %sign3A_1186 : i1 to i32
      %sign3A_1188 = arith.constant 0 : i32
      %sign3A_1189 = arith.cmpi slt, %add3A_1182, %sign3A_1188 : i32
      %sign3A_1190 = arith.extui %sign3A_1189 : i1 to i32
      %sign3A_1191 = arith.subi %sign3A_1187, %sign3A_1190 : i32
      %sign3A_1192 = arith.constant 0 : i32
      %sign3A_1193 = arith.cmpi sgt, %jit3A_1183, %sign3A_1192 : i32
      %sign3A_1194 = arith.extui %sign3A_1193 : i1 to i32
      %sign3A_1195 = arith.constant 0 : i32
      %sign3A_1196 = arith.cmpi slt, %jit3A_1183, %sign3A_1195 : i32
      %sign3A_1197 = arith.extui %sign3A_1196 : i1 to i32
      %sign3A_1198 = arith.subi %sign3A_1194, %sign3A_1197 : i32
      %ne3A_1199 = arith.cmpi ne, %sign3A_1191, %sign3A_1198 : i32
      %rem3A_1200 = arith.remsi %add3A_1182, %jit3A_1183 : i32
      %ne3A_1201 = arith.constant 0 : i32
      %ne3A_1202 = arith.cmpi ne, %rem3A_1200, %ne3A_1201 : i32
      %and3A_1203 = arith.andi %ne3A_1199, %ne3A_1202 : i1
      %sub3A_1204 = arith.constant 1 : i32
      %sub3A_1205 = arith.subi %div3A_1184, %sub3A_1204 : i32
      %select_n3A_1206 = arith.select %and3A_1203, %sub3A_1205, %div3A_1184 : i32
      %add3A_1207 = arith.constant 64 : i32
      %add3A_1208 = arith.addi %add3A_1207, %select_n3A_1206 : i32
      %jit3A_1209 = arith.constant 128 : i32
      %div3A_1210 = arith.divsi %reduce_max3A_122, %jit3A_1209 : i32
      %sign3A_1211 = arith.constant 0 : i32
      %sign3A_1212 = arith.cmpi sgt, %reduce_max3A_122, %sign3A_1211 : i32
      %sign3A_1213 = arith.extui %sign3A_1212 : i1 to i32
      %sign3A_1214 = arith.constant 0 : i32
      %sign3A_1215 = arith.cmpi slt, %reduce_max3A_122, %sign3A_1214 : i32
      %sign3A_1216 = arith.extui %sign3A_1215 : i1 to i32
      %sign3A_1217 = arith.subi %sign3A_1213, %sign3A_1216 : i32
      %sign3A_1218 = arith.constant 0 : i32
      %sign3A_1219 = arith.cmpi sgt, %jit3A_1209, %sign3A_1218 : i32
      %sign3A_1220 = arith.extui %sign3A_1219 : i1 to i32
      %sign3A_1221 = arith.constant 0 : i32
      %sign3A_1222 = arith.cmpi slt, %jit3A_1209, %sign3A_1221 : i32
      %sign3A_1223 = arith.extui %sign3A_1222 : i1 to i32
      %sign3A_1224 = arith.subi %sign3A_1220, %sign3A_1223 : i32
      %ne3A_1225 = arith.cmpi ne, %sign3A_1217, %sign3A_1224 : i32
      %rem3A_1226 = arith.remsi %reduce_max3A_122, %jit3A_1209 : i32
      %ne3A_1227 = arith.constant 0 : i32
      %ne3A_1228 = arith.cmpi ne, %rem3A_1226, %ne3A_1227 : i32
      %and3A_1229 = arith.andi %ne3A_1225, %ne3A_1228 : i1
      %sub3A_1230 = arith.constant 1 : i32
      %sub3A_1231 = arith.subi %div3A_1210, %sub3A_1230 : i32
      %select_n3A_1232 = arith.select %and3A_1229, %sub3A_1231, %div3A_1210 : i32
      %mul3A_1233 = arith.constant 128 : i32
      %mul3A_1234 = arith.muli %select_n3A_1232, %mul3A_1233 : i32
      %multiple_of3A_1235 = tpu.assume_multiple %mul3A_1234, 128 : i32
      %dma_wait3A_1236 = arith.constant 7 : i32
      %dma_wait3A_1237 = arith.constant 0 : i32
      %dma_wait3A_1238 = arith.constant 0 : i32
      %dma_wait3A_1239 = tpu.memref_slice %arg6[%dma_wait3A_1236, %dma_wait3A_1237, %dma_wait3A_1238] : memref<8x64x128xf32, #tpu.memory_space<vmem>> -> memref<1x64x128xf32, #tpu.memory_space<vmem>>
      %dma_wait3A_1240 = tpu.memref_squeeze %dma_wait3A_1239 : memref<1x64x128xf32, #tpu.memory_space<vmem>> -> memref<64x128xf32, #tpu.memory_space<vmem>>
      %dma_wait3A_1241 = arith.constant 0 : i32
      %dma_wait3A_1242 = tpu.memref_slice %arg2[%add3A_1208, %dma_wait3A_1241, %multiple_of3A_1235] : memref<128x64x8192xf32, #tpu.memory_space<hbm>> -> memref<1x64x128xf32, #tpu.memory_space<hbm>>
      %dma_wait3A_1243 = tpu.memref_squeeze %dma_wait3A_1242 : memref<1x64x128xf32, #tpu.memory_space<hbm>> -> memref<64x128xf32, #tpu.memory_space<hbm>>
      %dma_wait3A_1244 = arith.constant 0 : i32
      %dma_wait3A_1245 = arith.constant 0 : i32
      %dma_wait3A_1246 = tpu.memref_slice %arg6[%dma_wait3A_1236, %dma_wait3A_1244, %dma_wait3A_1245] : memref<8x64x128xf32, #tpu.memory_space<vmem>> -> memref<1x64x128xf32, #tpu.memory_space<vmem>>
      %dma_wait3A_1247 = tpu.memref_squeeze %dma_wait3A_1246 : memref<1x64x128xf32, #tpu.memory_space<vmem>> -> memref<64x128xf32, #tpu.memory_space<vmem>>
      %dma_wait3A_1248 = arith.constant 0 : i32
      %dma_wait3A_1249 = tpu.memref_slice %arg2[%add3A_1208, %dma_wait3A_1248, %multiple_of3A_1235] : memref<128x64x8192xf32, #tpu.memory_space<hbm>> -> memref<1x64x128xf32, #tpu.memory_space<hbm>>
      %dma_wait3A_1250 = tpu.memref_squeeze %dma_wait3A_1249 : memref<1x64x128xf32, #tpu.memory_space<hbm>> -> memref<64x128xf32, #tpu.memory_space<hbm>>
      tpu.wait_dma2 semaphore(%arg8 : memref<!tpu.dma_semaphore, #tpu.memory_space<semaphore_mem>>) src(%dma_wait3A_1250 : memref<64x128xf32, #tpu.memory_space<hbm>>) dst(%dma_wait3A_1247 : memref<64x128xf32, #tpu.memory_space<vmem>>)
      %add3A_1251 = arith.constant 0 : i32
      %add3A_1252 = arith.addi %mul3A_14, %add3A_1251 : i32
      %jit3A_1253 = arith.constant 128 : i32
      %eq3A_1254 = arith.constant 0 : i32
      %eq3A_1255 = arith.cmpi eq, %jit3A_1253, %eq3A_1254 : i32
      %jit3A_1256 = arith.constant 1 : i32
      %select_n3A_1257 = arith.select %eq3A_1255, %jit3A_1256, %jit3A_1253 : i32
      %rem3A_1258 = arith.remsi %reduce_max3A_24, %select_n3A_1257 : i32
      %ne3A_1259 = arith.constant 0 : i32
      %ne3A_1260 = arith.cmpi ne, %rem3A_1258, %ne3A_1259 : i32
      %lt3A = arith.constant 0 : i32
      %lt3A_1261 = arith.cmpi slt, %rem3A_1258, %lt3A : i32
      %lt3A_1262 = arith.constant 0 : i32
      %lt3A_1263 = arith.cmpi slt, %select_n3A_1257, %lt3A_1262 : i32
      %ne3A_1264 = arith.xori %lt3A_1261, %lt3A_1263 : i1
      %and3A_1265 = arith.andi %ne3A_1264, %ne3A_1260 : i1
      %add3A_1266 = arith.addi %rem3A_1258, %select_n3A_1257 : i32
      %select_n3A_1267 = arith.select %and3A_1265, %add3A_1266, %rem3A_1258 : i32
      %broadcast_in_dim3A_1268 = vector.broadcast %select_n3A_1267 : i32 to vector<16xi32>
      %broadcast_in_dim3A_1269 = arith.constant 0 : i32
      %broadcast_in_dim3A_1270 = vector.broadcast %broadcast_in_dim3A_1269 : i32 to vector<16xi32>
      %add3A_1271 = arith.constant 0 : i32
      %add3A_1272 = vector.broadcast %add3A_1271 : i32 to vector<16xi32>
      %add3A_1273 = arith.addi %add3A_1272, %iota3A : vector<16xi32>
      %gather3A = tpu.vector_load_idx %arg6[%broadcast_in_dim3A_1270, %add3A_1273, %broadcast_in_dim3A_1268] : memref<8x64x128xf32, #tpu.memory_space<vmem>>[vector<16xi32>, vector<16xi32>, vector<16xi32>], vector<16xf32>,
      %mul3A_1274 = arith.constant 64 : i32
      %mul3A_1275 = arith.muli %add3A_1252, %mul3A_1274 : i32
      %add3A_1276 = arith.constant 0 : i32
      %add3A_1277 = arith.addi %mul3A_1275, %add3A_1276 : i32
      %add3A_1278 = vector.broadcast %add3A_1277 : i32 to vector<16xi32>
      %add3A_1279 = arith.addi %add3A_1278, %iota3A : vector<16xi32>
      tpu.vector_store_idx %arg7[%add3A_1279], %gather3A : memref<4096xf32, #tpu.memory_space<vmem>>[vector<16xi32>], vector<16xf32>,
      %add3A_1280 = arith.constant 16 : i32
      %add3A_1281 = vector.broadcast %add3A_1280 : i32 to vector<16xi32>
      %add3A_1282 = arith.addi %add3A_1281, %iota3A : vector<16xi32>
      %gather3A_1283 = tpu.vector_load_idx %arg6[%broadcast_in_dim3A_1270, %add3A_1282, %broadcast_in_dim3A_1268] : memref<8x64x128xf32, #tpu.memory_space<vmem>>[vector<16xi32>, vector<16xi32>, vector<16xi32>], vector<16xf32>,
      %mul3A_1284 = arith.constant 64 : i32
      %mul3A_1285 = arith.muli %add3A_1252, %mul3A_1284 : i32
      %add3A_1286 = arith.constant 16 : i32
      %add3A_1287 = arith.addi %mul3A_1285, %add3A_1286 : i32
      %add3A_1288 = vector.broadcast %add3A_1287 : i32 to vector<16xi32>
      %add3A_1289 = arith.addi %add3A_1288, %iota3A : vector<16xi32>
      tpu.vector_store_idx %arg7[%add3A_1289], %gather3A_1283 : memref<4096xf32, #tpu.memory_space<vmem>>[vector<16xi32>], vector<16xf32>,
      %add3A_1290 = arith.constant 32 : i32
      %add3A_1291 = vector.broadcast %add3A_1290 : i32 to vector<16xi32>
      %add3A_1292 = arith.addi %add3A_1291, %iota3A : vector<16xi32>
      %gather3A_1293 = tpu.vector_load_idx %arg6[%broadcast_in_dim3A_1270, %add3A_1292, %broadcast_in_dim3A_1268] : memref<8x64x128xf32, #tpu.memory_space<vmem>>[vector<16xi32>, vector<16xi32>, vector<16xi32>], vector<16xf32>,
      %mul3A_1294 = arith.constant 64 : i32
      %mul3A_1295 = arith.muli %add3A_1252, %mul3A_1294 : i32
      %add3A_1296 = arith.constant 32 : i32
      %add3A_1297 = arith.addi %mul3A_1295, %add3A_1296 : i32
      %add3A_1298 = vector.broadcast %add3A_1297 : i32 to vector<16xi32>
      %add3A_1299 = arith.addi %add3A_1298, %iota3A : vector<16xi32>
      tpu.vector_store_idx %arg7[%add3A_1299], %gather3A_1293 : memref<4096xf32, #tpu.memory_space<vmem>>[vector<16xi32>], vector<16xf32>,
      %add3A_1300 = arith.constant 48 : i32
      %add3A_1301 = vector.broadcast %add3A_1300 : i32 to vector<16xi32>
      %add3A_1302 = arith.addi %add3A_1301, %iota3A : vector<16xi32>
      %gather3A_1303 = tpu.vector_load_idx %arg6[%broadcast_in_dim3A_1270, %add3A_1302, %broadcast_in_dim3A_1268] : memref<8x64x128xf32, #tpu.memory_space<vmem>>[vector<16xi32>, vector<16xi32>, vector<16xi32>], vector<16xf32>,
      %mul3A_1304 = arith.constant 64 : i32
      %mul3A_1305 = arith.muli %add3A_1252, %mul3A_1304 : i32
      %add3A_1306 = arith.constant 48 : i32
      %add3A_1307 = arith.addi %mul3A_1305, %add3A_1306 : i32
      %add3A_1308 = vector.broadcast %add3A_1307 : i32 to vector<16xi32>
      %add3A_1309 = arith.addi %add3A_1308, %iota3A : vector<16xi32>
      tpu.vector_store_idx %arg7[%add3A_1309], %gather3A_1303 : memref<4096xf32, #tpu.memory_space<vmem>>[vector<16xi32>], vector<16xf32>,
      %add3A_1310 = arith.constant 1 : i32
      %add3A_1311 = arith.addi %mul3A_14, %add3A_1310 : i32
      %jit3A_1312 = arith.constant 128 : i32
      %eq3A_1313 = arith.constant 0 : i32
      %eq3A_1314 = arith.cmpi eq, %jit3A_1312, %eq3A_1313 : i32
      %jit3A_1315 = arith.constant 1 : i32
      %select_n3A_1316 = arith.select %eq3A_1314, %jit3A_1315, %jit3A_1312 : i32
      %rem3A_1317 = arith.remsi %reduce_max3A_38, %select_n3A_1316 : i32
      %ne3A_1318 = arith.constant 0 : i32
      %ne3A_1319 = arith.cmpi ne, %rem3A_1317, %ne3A_1318 : i32
      %lt3A_1320 = arith.constant 0 : i32
      %lt3A_1321 = arith.cmpi slt, %rem3A_1317, %lt3A_1320 : i32
      %lt3A_1322 = arith.constant 0 : i32
      %lt3A_1323 = arith.cmpi slt, %select_n3A_1316, %lt3A_1322 : i32
      %ne3A_1324 = arith.xori %lt3A_1321, %lt3A_1323 : i1
      %and3A_1325 = arith.andi %ne3A_1324, %ne3A_1319 : i1
      %add3A_1326 = arith.addi %rem3A_1317, %select_n3A_1316 : i32
      %select_n3A_1327 = arith.select %and3A_1325, %add3A_1326, %rem3A_1317 : i32
      %broadcast_in_dim3A_1328 = vector.broadcast %select_n3A_1327 : i32 to vector<16xi32>
      %broadcast_in_dim3A_1329 = arith.constant 1 : i32
      %broadcast_in_dim3A_1330 = vector.broadcast %broadcast_in_dim3A_1329 : i32 to vector<16xi32>
      %add3A_1331 = arith.constant 0 : i32
      %add3A_1332 = vector.broadcast %add3A_1331 : i32 to vector<16xi32>
      %add3A_1333 = arith.addi %add3A_1332, %iota3A : vector<16xi32>
      %gather3A_1334 = tpu.vector_load_idx %arg6[%broadcast_in_dim3A_1330, %add3A_1333, %broadcast_in_dim3A_1328] : memref<8x64x128xf32, #tpu.memory_space<vmem>>[vector<16xi32>, vector<16xi32>, vector<16xi32>], vector<16xf32>,
      %mul3A_1335 = arith.constant 64 : i32
      %mul3A_1336 = arith.muli %add3A_1311, %mul3A_1335 : i32
      %add3A_1337 = arith.constant 0 : i32
      %add3A_1338 = arith.addi %mul3A_1336, %add3A_1337 : i32
      %add3A_1339 = vector.broadcast %add3A_1338 : i32 to vector<16xi32>
      %add3A_1340 = arith.addi %add3A_1339, %iota3A : vector<16xi32>
      tpu.vector_store_idx %arg7[%add3A_1340], %gather3A_1334 : memref<4096xf32, #tpu.memory_space<vmem>>[vector<16xi32>], vector<16xf32>,
      %add3A_1341 = arith.constant 16 : i32
      %add3A_1342 = vector.broadcast %add3A_1341 : i32 to vector<16xi32>
      %add3A_1343 = arith.addi %add3A_1342, %iota3A : vector<16xi32>
      %gather3A_1344 = tpu.vector_load_idx %arg6[%broadcast_in_dim3A_1330, %add3A_1343, %broadcast_in_dim3A_1328] : memref<8x64x128xf32, #tpu.memory_space<vmem>>[vector<16xi32>, vector<16xi32>, vector<16xi32>], vector<16xf32>,
      %mul3A_1345 = arith.constant 64 : i32
      %mul3A_1346 = arith.muli %add3A_1311, %mul3A_1345 : i32
      %add3A_1347 = arith.constant 16 : i32
      %add3A_1348 = arith.addi %mul3A_1346, %add3A_1347 : i32
      %add3A_1349 = vector.broadcast %add3A_1348 : i32 to vector<16xi32>
      %add3A_1350 = arith.addi %add3A_1349, %iota3A : vector<16xi32>
      tpu.vector_store_idx %arg7[%add3A_1350], %gather3A_1344 : memref<4096xf32, #tpu.memory_space<vmem>>[vector<16xi32>], vector<16xf32>,
      %add3A_1351 = arith.constant 32 : i32
      %add3A_1352 = vector.broadcast %add3A_1351 : i32 to vector<16xi32>
      %add3A_1353 = arith.addi %add3A_1352, %iota3A : vector<16xi32>
      %gather3A_1354 = tpu.vector_load_idx %arg6[%broadcast_in_dim3A_1330, %add3A_1353, %broadcast_in_dim3A_1328] : memref<8x64x128xf32, #tpu.memory_space<vmem>>[vector<16xi32>, vector<16xi32>, vector<16xi32>], vector<16xf32>,
      %mul3A_1355 = arith.constant 64 : i32
      %mul3A_1356 = arith.muli %add3A_1311, %mul3A_1355 : i32
      %add3A_1357 = arith.constant 32 : i32
      %add3A_1358 = arith.addi %mul3A_1356, %add3A_1357 : i32
      %add3A_1359 = vector.broadcast %add3A_1358 : i32 to vector<16xi32>
      %add3A_1360 = arith.addi %add3A_1359, %iota3A : vector<16xi32>
      tpu.vector_store_idx %arg7[%add3A_1360], %gather3A_1354 : memref<4096xf32, #tpu.memory_space<vmem>>[vector<16xi32>], vector<16xf32>,
      %add3A_1361 = arith.constant 48 : i32
      %add3A_1362 = vector.broadcast %add3A_1361 : i32 to vector<16xi32>
      %add3A_1363 = arith.addi %add3A_1362, %iota3A : vector<16xi32>
      %gather3A_1364 = tpu.vector_load_idx %arg6[%broadcast_in_dim3A_1330, %add3A_1363, %broadcast_in_dim3A_1328] : memref<8x64x128xf32, #tpu.memory_space<vmem>>[vector<16xi32>, vector<16xi32>, vector<16xi32>], vector<16xf32>,
      %mul3A_1365 = arith.constant 64 : i32
      %mul3A_1366 = arith.muli %add3A_1311, %mul3A_1365 : i32
      %add3A_1367 = arith.constant 48 : i32
      %add3A_1368 = arith.addi %mul3A_1366, %add3A_1367 : i32
      %add3A_1369 = vector.broadcast %add3A_1368 : i32 to vector<16xi32>
      %add3A_1370 = arith.addi %add3A_1369, %iota3A : vector<16xi32>
      tpu.vector_store_idx %arg7[%add3A_1370], %gather3A_1364 : memref<4096xf32, #tpu.memory_space<vmem>>[vector<16xi32>], vector<16xf32>,
      %add3A_1371 = arith.constant 2 : i32
      %add3A_1372 = arith.addi %mul3A_14, %add3A_1371 : i32
      %jit3A_1373 = arith.constant 128 : i32
      %eq3A_1374 = arith.constant 0 : i32
      %eq3A_1375 = arith.cmpi eq, %jit3A_1373, %eq3A_1374 : i32
      %jit3A_1376 = arith.constant 1 : i32
      %select_n3A_1377 = arith.select %eq3A_1375, %jit3A_1376, %jit3A_1373 : i32
      %rem3A_1378 = arith.remsi %reduce_max3A_52, %select_n3A_1377 : i32
      %ne3A_1379 = arith.constant 0 : i32
      %ne3A_1380 = arith.cmpi ne, %rem3A_1378, %ne3A_1379 : i32
      %lt3A_1381 = arith.constant 0 : i32
      %lt3A_1382 = arith.cmpi slt, %rem3A_1378, %lt3A_1381 : i32
      %lt3A_1383 = arith.constant 0 : i32
      %lt3A_1384 = arith.cmpi slt, %select_n3A_1377, %lt3A_1383 : i32
      %ne3A_1385 = arith.xori %lt3A_1382, %lt3A_1384 : i1
      %and3A_1386 = arith.andi %ne3A_1385, %ne3A_1380 : i1
      %add3A_1387 = arith.addi %rem3A_1378, %select_n3A_1377 : i32
      %select_n3A_1388 = arith.select %and3A_1386, %add3A_1387, %rem3A_1378 : i32
      %broadcast_in_dim3A_1389 = vector.broadcast %select_n3A_1388 : i32 to vector<16xi32>
      %broadcast_in_dim3A_1390 = arith.constant 2 : i32
      %broadcast_in_dim3A_1391 = vector.broadcast %broadcast_in_dim3A_1390 : i32 to vector<16xi32>
      %add3A_1392 = arith.constant 0 : i32
      %add3A_1393 = vector.broadcast %add3A_1392 : i32 to vector<16xi32>
      %add3A_1394 = arith.addi %add3A_1393, %iota3A : vector<16xi32>
      %gather3A_1395 = tpu.vector_load_idx %arg6[%broadcast_in_dim3A_1391, %add3A_1394, %broadcast_in_dim3A_1389] : memref<8x64x128xf32, #tpu.memory_space<vmem>>[vector<16xi32>, vector<16xi32>, vector<16xi32>], vector<16xf32>,
      %mul3A_1396 = arith.constant 64 : i32
      %mul3A_1397 = arith.muli %add3A_1372, %mul3A_1396 : i32
      %add3A_1398 = arith.constant 0 : i32
      %add3A_1399 = arith.addi %mul3A_1397, %add3A_1398 : i32
      %add3A_1400 = vector.broadcast %add3A_1399 : i32 to vector<16xi32>
      %add3A_1401 = arith.addi %add3A_1400, %iota3A : vector<16xi32>
      tpu.vector_store_idx %arg7[%add3A_1401], %gather3A_1395 : memref<4096xf32, #tpu.memory_space<vmem>>[vector<16xi32>], vector<16xf32>,
      %add3A_1402 = arith.constant 16 : i32
      %add3A_1403 = vector.broadcast %add3A_1402 : i32 to vector<16xi32>
      %add3A_1404 = arith.addi %add3A_1403, %iota3A : vector<16xi32>
      %gather3A_1405 = tpu.vector_load_idx %arg6[%broadcast_in_dim3A_1391, %add3A_1404, %broadcast_in_dim3A_1389] : memref<8x64x128xf32, #tpu.memory_space<vmem>>[vector<16xi32>, vector<16xi32>, vector<16xi32>], vector<16xf32>,
      %mul3A_1406 = arith.constant 64 : i32
      %mul3A_1407 = arith.muli %add3A_1372, %mul3A_1406 : i32
      %add3A_1408 = arith.constant 16 : i32
      %add3A_1409 = arith.addi %mul3A_1407, %add3A_1408 : i32
      %add3A_1410 = vector.broadcast %add3A_1409 : i32 to vector<16xi32>
      %add3A_1411 = arith.addi %add3A_1410, %iota3A : vector<16xi32>
      tpu.vector_store_idx %arg7[%add3A_1411], %gather3A_1405 : memref<4096xf32, #tpu.memory_space<vmem>>[vector<16xi32>], vector<16xf32>,
      %add3A_1412 = arith.constant 32 : i32
      %add3A_1413 = vector.broadcast %add3A_1412 : i32 to vector<16xi32>
      %add3A_1414 = arith.addi %add3A_1413, %iota3A : vector<16xi32>
      %gather3A_1415 = tpu.vector_load_idx %arg6[%broadcast_in_dim3A_1391, %add3A_1414, %broadcast_in_dim3A_1389] : memref<8x64x128xf32, #tpu.memory_space<vmem>>[vector<16xi32>, vector<16xi32>, vector<16xi32>], vector<16xf32>,
      %mul3A_1416 = arith.constant 64 : i32
      %mul3A_1417 = arith.muli %add3A_1372, %mul3A_1416 : i32
      %add3A_1418 = arith.constant 32 : i32
      %add3A_1419 = arith.addi %mul3A_1417, %add3A_1418 : i32
      %add3A_1420 = vector.broadcast %add3A_1419 : i32 to vector<16xi32>
      %add3A_1421 = arith.addi %add3A_1420, %iota3A : vector<16xi32>
      tpu.vector_store_idx %arg7[%add3A_1421], %gather3A_1415 : memref<4096xf32, #tpu.memory_space<vmem>>[vector<16xi32>], vector<16xf32>,
      %add3A_1422 = arith.constant 48 : i32
      %add3A_1423 = vector.broadcast %add3A_1422 : i32 to vector<16xi32>
      %add3A_1424 = arith.addi %add3A_1423, %iota3A : vector<16xi32>
      %gather3A_1425 = tpu.vector_load_idx %arg6[%broadcast_in_dim3A_1391, %add3A_1424, %broadcast_in_dim3A_1389] : memref<8x64x128xf32, #tpu.memory_space<vmem>>[vector<16xi32>, vector<16xi32>, vector<16xi32>], vector<16xf32>,
      %mul3A_1426 = arith.constant 64 : i32
      %mul3A_1427 = arith.muli %add3A_1372, %mul3A_1426 : i32
      %add3A_1428 = arith.constant 48 : i32
      %add3A_1429 = arith.addi %mul3A_1427, %add3A_1428 : i32
      %add3A_1430 = vector.broadcast %add3A_1429 : i32 to vector<16xi32>
      %add3A_1431 = arith.addi %add3A_1430, %iota3A : vector<16xi32>
      tpu.vector_store_idx %arg7[%add3A_1431], %gather3A_1425 : memref<4096xf32, #tpu.memory_space<vmem>>[vector<16xi32>], vector<16xf32>,
      %add3A_1432 = arith.constant 3 : i32
      %add3A_1433 = arith.addi %mul3A_14, %add3A_1432 : i32
      %jit3A_1434 = arith.constant 128 : i32
      %eq3A_1435 = arith.constant 0 : i32
      %eq3A_1436 = arith.cmpi eq, %jit3A_1434, %eq3A_1435 : i32
      %jit3A_1437 = arith.constant 1 : i32
      %select_n3A_1438 = arith.select %eq3A_1436, %jit3A_1437, %jit3A_1434 : i32
      %rem3A_1439 = arith.remsi %reduce_max3A_66, %select_n3A_1438 : i32
      %ne3A_1440 = arith.constant 0 : i32
      %ne3A_1441 = arith.cmpi ne, %rem3A_1439, %ne3A_1440 : i32
      %lt3A_1442 = arith.constant 0 : i32
      %lt3A_1443 = arith.cmpi slt, %rem3A_1439, %lt3A_1442 : i32
      %lt3A_1444 = arith.constant 0 : i32
      %lt3A_1445 = arith.cmpi slt, %select_n3A_1438, %lt3A_1444 : i32
      %ne3A_1446 = arith.xori %lt3A_1443, %lt3A_1445 : i1
      %and3A_1447 = arith.andi %ne3A_1446, %ne3A_1441 : i1
      %add3A_1448 = arith.addi %rem3A_1439, %select_n3A_1438 : i32
      %select_n3A_1449 = arith.select %and3A_1447, %add3A_1448, %rem3A_1439 : i32
      %broadcast_in_dim3A_1450 = vector.broadcast %select_n3A_1449 : i32 to vector<16xi32>
      %broadcast_in_dim3A_1451 = arith.constant 3 : i32
      %broadcast_in_dim3A_1452 = vector.broadcast %broadcast_in_dim3A_1451 : i32 to vector<16xi32>
      %add3A_1453 = arith.constant 0 : i32
      %add3A_1454 = vector.broadcast %add3A_1453 : i32 to vector<16xi32>
      %add3A_1455 = arith.addi %add3A_1454, %iota3A : vector<16xi32>
      %gather3A_1456 = tpu.vector_load_idx %arg6[%broadcast_in_dim3A_1452, %add3A_1455, %broadcast_in_dim3A_1450] : memref<8x64x128xf32, #tpu.memory_space<vmem>>[vector<16xi32>, vector<16xi32>, vector<16xi32>], vector<16xf32>,
      %mul3A_1457 = arith.constant 64 : i32
      %mul3A_1458 = arith.muli %add3A_1433, %mul3A_1457 : i32
      %add3A_1459 = arith.constant 0 : i32
      %add3A_1460 = arith.addi %mul3A_1458, %add3A_1459 : i32
      %add3A_1461 = vector.broadcast %add3A_1460 : i32 to vector<16xi32>
      %add3A_1462 = arith.addi %add3A_1461, %iota3A : vector<16xi32>
      tpu.vector_store_idx %arg7[%add3A_1462], %gather3A_1456 : memref<4096xf32, #tpu.memory_space<vmem>>[vector<16xi32>], vector<16xf32>,
      %add3A_1463 = arith.constant 16 : i32
      %add3A_1464 = vector.broadcast %add3A_1463 : i32 to vector<16xi32>
      %add3A_1465 = arith.addi %add3A_1464, %iota3A : vector<16xi32>
      %gather3A_1466 = tpu.vector_load_idx %arg6[%broadcast_in_dim3A_1452, %add3A_1465, %broadcast_in_dim3A_1450] : memref<8x64x128xf32, #tpu.memory_space<vmem>>[vector<16xi32>, vector<16xi32>, vector<16xi32>], vector<16xf32>,
      %mul3A_1467 = arith.constant 64 : i32
      %mul3A_1468 = arith.muli %add3A_1433, %mul3A_1467 : i32
      %add3A_1469 = arith.constant 16 : i32
      %add3A_1470 = arith.addi %mul3A_1468, %add3A_1469 : i32
      %add3A_1471 = vector.broadcast %add3A_1470 : i32 to vector<16xi32>
      %add3A_1472 = arith.addi %add3A_1471, %iota3A : vector<16xi32>
      tpu.vector_store_idx %arg7[%add3A_1472], %gather3A_1466 : memref<4096xf32, #tpu.memory_space<vmem>>[vector<16xi32>], vector<16xf32>,
      %add3A_1473 = arith.constant 32 : i32
      %add3A_1474 = vector.broadcast %add3A_1473 : i32 to vector<16xi32>
      %add3A_1475 = arith.addi %add3A_1474, %iota3A : vector<16xi32>
      %gather3A_1476 = tpu.vector_load_idx %arg6[%broadcast_in_dim3A_1452, %add3A_1475, %broadcast_in_dim3A_1450] : memref<8x64x128xf32, #tpu.memory_space<vmem>>[vector<16xi32>, vector<16xi32>, vector<16xi32>], vector<16xf32>,
      %mul3A_1477 = arith.constant 64 : i32
      %mul3A_1478 = arith.muli %add3A_1433, %mul3A_1477 : i32
      %add3A_1479 = arith.constant 32 : i32
      %add3A_1480 = arith.addi %mul3A_1478, %add3A_1479 : i32
      %add3A_1481 = vector.broadcast %add3A_1480 : i32 to vector<16xi32>
      %add3A_1482 = arith.addi %add3A_1481, %iota3A : vector<16xi32>
      tpu.vector_store_idx %arg7[%add3A_1482], %gather3A_1476 : memref<4096xf32, #tpu.memory_space<vmem>>[vector<16xi32>], vector<16xf32>,
      %add3A_1483 = arith.constant 48 : i32
      %add3A_1484 = vector.broadcast %add3A_1483 : i32 to vector<16xi32>
      %add3A_1485 = arith.addi %add3A_1484, %iota3A : vector<16xi32>
      %gather3A_1486 = tpu.vector_load_idx %arg6[%broadcast_in_dim3A_1452, %add3A_1485, %broadcast_in_dim3A_1450] : memref<8x64x128xf32, #tpu.memory_space<vmem>>[vector<16xi32>, vector<16xi32>, vector<16xi32>], vector<16xf32>,
      %mul3A_1487 = arith.constant 64 : i32
      %mul3A_1488 = arith.muli %add3A_1433, %mul3A_1487 : i32
      %add3A_1489 = arith.constant 48 : i32
      %add3A_1490 = arith.addi %mul3A_1488, %add3A_1489 : i32
      %add3A_1491 = vector.broadcast %add3A_1490 : i32 to vector<16xi32>
      %add3A_1492 = arith.addi %add3A_1491, %iota3A : vector<16xi32>
      tpu.vector_store_idx %arg7[%add3A_1492], %gather3A_1486 : memref<4096xf32, #tpu.memory_space<vmem>>[vector<16xi32>], vector<16xf32>,
      %add3A_1493 = arith.constant 4 : i32
      %add3A_1494 = arith.addi %mul3A_14, %add3A_1493 : i32
      %jit3A_1495 = arith.constant 128 : i32
      %eq3A_1496 = arith.constant 0 : i32
      %eq3A_1497 = arith.cmpi eq, %jit3A_1495, %eq3A_1496 : i32
      %jit3A_1498 = arith.constant 1 : i32
      %select_n3A_1499 = arith.select %eq3A_1497, %jit3A_1498, %jit3A_1495 : i32
      %rem3A_1500 = arith.remsi %reduce_max3A_80, %select_n3A_1499 : i32
      %ne3A_1501 = arith.constant 0 : i32
      %ne3A_1502 = arith.cmpi ne, %rem3A_1500, %ne3A_1501 : i32
      %lt3A_1503 = arith.constant 0 : i32
      %lt3A_1504 = arith.cmpi slt, %rem3A_1500, %lt3A_1503 : i32
      %lt3A_1505 = arith.constant 0 : i32
      %lt3A_1506 = arith.cmpi slt, %select_n3A_1499, %lt3A_1505 : i32
      %ne3A_1507 = arith.xori %lt3A_1504, %lt3A_1506 : i1
      %and3A_1508 = arith.andi %ne3A_1507, %ne3A_1502 : i1
      %add3A_1509 = arith.addi %rem3A_1500, %select_n3A_1499 : i32
      %select_n3A_1510 = arith.select %and3A_1508, %add3A_1509, %rem3A_1500 : i32
      %broadcast_in_dim3A_1511 = vector.broadcast %select_n3A_1510 : i32 to vector<16xi32>
      %broadcast_in_dim3A_1512 = arith.constant 4 : i32
      %broadcast_in_dim3A_1513 = vector.broadcast %broadcast_in_dim3A_1512 : i32 to vector<16xi32>
      %add3A_1514 = arith.constant 0 : i32
      %add3A_1515 = vector.broadcast %add3A_1514 : i32 to vector<16xi32>
      %add3A_1516 = arith.addi %add3A_1515, %iota3A : vector<16xi32>
      %gather3A_1517 = tpu.vector_load_idx %arg6[%broadcast_in_dim3A_1513, %add3A_1516, %broadcast_in_dim3A_1511] : memref<8x64x128xf32, #tpu.memory_space<vmem>>[vector<16xi32>, vector<16xi32>, vector<16xi32>], vector<16xf32>,
      %mul3A_1518 = arith.constant 64 : i32
      %mul3A_1519 = arith.muli %add3A_1494, %mul3A_1518 : i32
      %add3A_1520 = arith.constant 0 : i32
      %add3A_1521 = arith.addi %mul3A_1519, %add3A_1520 : i32
      %add3A_1522 = vector.broadcast %add3A_1521 : i32 to vector<16xi32>
      %add3A_1523 = arith.addi %add3A_1522, %iota3A : vector<16xi32>
      tpu.vector_store_idx %arg7[%add3A_1523], %gather3A_1517 : memref<4096xf32, #tpu.memory_space<vmem>>[vector<16xi32>], vector<16xf32>,
      %add3A_1524 = arith.constant 16 : i32
      %add3A_1525 = vector.broadcast %add3A_1524 : i32 to vector<16xi32>
      %add3A_1526 = arith.addi %add3A_1525, %iota3A : vector<16xi32>
      %gather3A_1527 = tpu.vector_load_idx %arg6[%broadcast_in_dim3A_1513, %add3A_1526, %broadcast_in_dim3A_1511] : memref<8x64x128xf32, #tpu.memory_space<vmem>>[vector<16xi32>, vector<16xi32>, vector<16xi32>], vector<16xf32>,
      %mul3A_1528 = arith.constant 64 : i32
      %mul3A_1529 = arith.muli %add3A_1494, %mul3A_1528 : i32
      %add3A_1530 = arith.constant 16 : i32
      %add3A_1531 = arith.addi %mul3A_1529, %add3A_1530 : i32
      %add3A_1532 = vector.broadcast %add3A_1531 : i32 to vector<16xi32>
      %add3A_1533 = arith.addi %add3A_1532, %iota3A : vector<16xi32>
      tpu.vector_store_idx %arg7[%add3A_1533], %gather3A_1527 : memref<4096xf32, #tpu.memory_space<vmem>>[vector<16xi32>], vector<16xf32>,
      %add3A_1534 = arith.constant 32 : i32
      %add3A_1535 = vector.broadcast %add3A_1534 : i32 to vector<16xi32>
      %add3A_1536 = arith.addi %add3A_1535, %iota3A : vector<16xi32>
      %gather3A_1537 = tpu.vector_load_idx %arg6[%broadcast_in_dim3A_1513, %add3A_1536, %broadcast_in_dim3A_1511] : memref<8x64x128xf32, #tpu.memory_space<vmem>>[vector<16xi32>, vector<16xi32>, vector<16xi32>], vector<16xf32>,
      %mul3A_1538 = arith.constant 64 : i32
      %mul3A_1539 = arith.muli %add3A_1494, %mul3A_1538 : i32
      %add3A_1540 = arith.constant 32 : i32
      %add3A_1541 = arith.addi %mul3A_1539, %add3A_1540 : i32
      %add3A_1542 = vector.broadcast %add3A_1541 : i32 to vector<16xi32>
      %add3A_1543 = arith.addi %add3A_1542, %iota3A : vector<16xi32>
      tpu.vector_store_idx %arg7[%add3A_1543], %gather3A_1537 : memref<4096xf32, #tpu.memory_space<vmem>>[vector<16xi32>], vector<16xf32>,
      %add3A_1544 = arith.constant 48 : i32
      %add3A_1545 = vector.broadcast %add3A_1544 : i32 to vector<16xi32>
      %add3A_1546 = arith.addi %add3A_1545, %iota3A : vector<16xi32>
      %gather3A_1547 = tpu.vector_load_idx %arg6[%broadcast_in_dim3A_1513, %add3A_1546, %broadcast_in_dim3A_1511] : memref<8x64x128xf32, #tpu.memory_space<vmem>>[vector<16xi32>, vector<16xi32>, vector<16xi32>], vector<16xf32>,
      %mul3A_1548 = arith.constant 64 : i32
      %mul3A_1549 = arith.muli %add3A_1494, %mul3A_1548 : i32
      %add3A_1550 = arith.constant 48 : i32
      %add3A_1551 = arith.addi %mul3A_1549, %add3A_1550 : i32
      %add3A_1552 = vector.broadcast %add3A_1551 : i32 to vector<16xi32>
      %add3A_1553 = arith.addi %add3A_1552, %iota3A : vector<16xi32>
      tpu.vector_store_idx %arg7[%add3A_1553], %gather3A_1547 : memref<4096xf32, #tpu.memory_space<vmem>>[vector<16xi32>], vector<16xf32>,
      %add3A_1554 = arith.constant 5 : i32
      %add3A_1555 = arith.addi %mul3A_14, %add3A_1554 : i32
      %jit3A_1556 = arith.constant 128 : i32
      %eq3A_1557 = arith.constant 0 : i32
      %eq3A_1558 = arith.cmpi eq, %jit3A_1556, %eq3A_1557 : i32
      %jit3A_1559 = arith.constant 1 : i32
      %select_n3A_1560 = arith.select %eq3A_1558, %jit3A_1559, %jit3A_1556 : i32
      %rem3A_1561 = arith.remsi %reduce_max3A_94, %select_n3A_1560 : i32
      %ne3A_1562 = arith.constant 0 : i32
      %ne3A_1563 = arith.cmpi ne, %rem3A_1561, %ne3A_1562 : i32
      %lt3A_1564 = arith.constant 0 : i32
      %lt3A_1565 = arith.cmpi slt, %rem3A_1561, %lt3A_1564 : i32
      %lt3A_1566 = arith.constant 0 : i32
      %lt3A_1567 = arith.cmpi slt, %select_n3A_1560, %lt3A_1566 : i32
      %ne3A_1568 = arith.xori %lt3A_1565, %lt3A_1567 : i1
      %and3A_1569 = arith.andi %ne3A_1568, %ne3A_1563 : i1
      %add3A_1570 = arith.addi %rem3A_1561, %select_n3A_1560 : i32
      %select_n3A_1571 = arith.select %and3A_1569, %add3A_1570, %rem3A_1561 : i32
      %broadcast_in_dim3A_1572 = vector.broadcast %select_n3A_1571 : i32 to vector<16xi32>
      %broadcast_in_dim3A_1573 = arith.constant 5 : i32
      %broadcast_in_dim3A_1574 = vector.broadcast %broadcast_in_dim3A_1573 : i32 to vector<16xi32>
      %add3A_1575 = arith.constant 0 : i32
      %add3A_1576 = vector.broadcast %add3A_1575 : i32 to vector<16xi32>
      %add3A_1577 = arith.addi %add3A_1576, %iota3A : vector<16xi32>
      %gather3A_1578 = tpu.vector_load_idx %arg6[%broadcast_in_dim3A_1574, %add3A_1577, %broadcast_in_dim3A_1572] : memref<8x64x128xf32, #tpu.memory_space<vmem>>[vector<16xi32>, vector<16xi32>, vector<16xi32>], vector<16xf32>,
      %mul3A_1579 = arith.constant 64 : i32
      %mul3A_1580 = arith.muli %add3A_1555, %mul3A_1579 : i32
      %add3A_1581 = arith.constant 0 : i32
      %add3A_1582 = arith.addi %mul3A_1580, %add3A_1581 : i32
      %add3A_1583 = vector.broadcast %add3A_1582 : i32 to vector<16xi32>
      %add3A_1584 = arith.addi %add3A_1583, %iota3A : vector<16xi32>
      tpu.vector_store_idx %arg7[%add3A_1584], %gather3A_1578 : memref<4096xf32, #tpu.memory_space<vmem>>[vector<16xi32>], vector<16xf32>,
      %add3A_1585 = arith.constant 16 : i32
      %add3A_1586 = vector.broadcast %add3A_1585 : i32 to vector<16xi32>
      %add3A_1587 = arith.addi %add3A_1586, %iota3A : vector<16xi32>
      %gather3A_1588 = tpu.vector_load_idx %arg6[%broadcast_in_dim3A_1574, %add3A_1587, %broadcast_in_dim3A_1572] : memref<8x64x128xf32, #tpu.memory_space<vmem>>[vector<16xi32>, vector<16xi32>, vector<16xi32>], vector<16xf32>,
      %mul3A_1589 = arith.constant 64 : i32
      %mul3A_1590 = arith.muli %add3A_1555, %mul3A_1589 : i32
      %add3A_1591 = arith.constant 16 : i32
      %add3A_1592 = arith.addi %mul3A_1590, %add3A_1591 : i32
      %add3A_1593 = vector.broadcast %add3A_1592 : i32 to vector<16xi32>
      %add3A_1594 = arith.addi %add3A_1593, %iota3A : vector<16xi32>
      tpu.vector_store_idx %arg7[%add3A_1594], %gather3A_1588 : memref<4096xf32, #tpu.memory_space<vmem>>[vector<16xi32>], vector<16xf32>,
      %add3A_1595 = arith.constant 32 : i32
      %add3A_1596 = vector.broadcast %add3A_1595 : i32 to vector<16xi32>
      %add3A_1597 = arith.addi %add3A_1596, %iota3A : vector<16xi32>
      %gather3A_1598 = tpu.vector_load_idx %arg6[%broadcast_in_dim3A_1574, %add3A_1597, %broadcast_in_dim3A_1572] : memref<8x64x128xf32, #tpu.memory_space<vmem>>[vector<16xi32>, vector<16xi32>, vector<16xi32>], vector<16xf32>,
      %mul3A_1599 = arith.constant 64 : i32
      %mul3A_1600 = arith.muli %add3A_1555, %mul3A_1599 : i32
      %add3A_1601 = arith.constant 32 : i32
      %add3A_1602 = arith.addi %mul3A_1600, %add3A_1601 : i32
      %add3A_1603 = vector.broadcast %add3A_1602 : i32 to vector<16xi32>
      %add3A_1604 = arith.addi %add3A_1603, %iota3A : vector<16xi32>
      tpu.vector_store_idx %arg7[%add3A_1604], %gather3A_1598 : memref<4096xf32, #tpu.memory_space<vmem>>[vector<16xi32>], vector<16xf32>,
      %add3A_1605 = arith.constant 48 : i32
      %add3A_1606 = vector.broadcast %add3A_1605 : i32 to vector<16xi32>
      %add3A_1607 = arith.addi %add3A_1606, %iota3A : vector<16xi32>
      %gather3A_1608 = tpu.vector_load_idx %arg6[%broadcast_in_dim3A_1574, %add3A_1607, %broadcast_in_dim3A_1572] : memref<8x64x128xf32, #tpu.memory_space<vmem>>[vector<16xi32>, vector<16xi32>, vector<16xi32>], vector<16xf32>,
      %mul3A_1609 = arith.constant 64 : i32
      %mul3A_1610 = arith.muli %add3A_1555, %mul3A_1609 : i32
      %add3A_1611 = arith.constant 48 : i32
      %add3A_1612 = arith.addi %mul3A_1610, %add3A_1611 : i32
      %add3A_1613 = vector.broadcast %add3A_1612 : i32 to vector<16xi32>
      %add3A_1614 = arith.addi %add3A_1613, %iota3A : vector<16xi32>
      tpu.vector_store_idx %arg7[%add3A_1614], %gather3A_1608 : memref<4096xf32, #tpu.memory_space<vmem>>[vector<16xi32>], vector<16xf32>,
      %add3A_1615 = arith.constant 6 : i32
      %add3A_1616 = arith.addi %mul3A_14, %add3A_1615 : i32
      %jit3A_1617 = arith.constant 128 : i32
      %eq3A_1618 = arith.constant 0 : i32
      %eq3A_1619 = arith.cmpi eq, %jit3A_1617, %eq3A_1618 : i32
      %jit3A_1620 = arith.constant 1 : i32
      %select_n3A_1621 = arith.select %eq3A_1619, %jit3A_1620, %jit3A_1617 : i32
      %rem3A_1622 = arith.remsi %reduce_max3A_108, %select_n3A_1621 : i32
      %ne3A_1623 = arith.constant 0 : i32
      %ne3A_1624 = arith.cmpi ne, %rem3A_1622, %ne3A_1623 : i32
      %lt3A_1625 = arith.constant 0 : i32
      %lt3A_1626 = arith.cmpi slt, %rem3A_1622, %lt3A_1625 : i32
      %lt3A_1627 = arith.constant 0 : i32
      %lt3A_1628 = arith.cmpi slt, %select_n3A_1621, %lt3A_1627 : i32
      %ne3A_1629 = arith.xori %lt3A_1626, %lt3A_1628 : i1
      %and3A_1630 = arith.andi %ne3A_1629, %ne3A_1624 : i1
      %add3A_1631 = arith.addi %rem3A_1622, %select_n3A_1621 : i32
      %select_n3A_1632 = arith.select %and3A_1630, %add3A_1631, %rem3A_1622 : i32
      %broadcast_in_dim3A_1633 = vector.broadcast %select_n3A_1632 : i32 to vector<16xi32>
      %broadcast_in_dim3A_1634 = arith.constant 6 : i32
      %broadcast_in_dim3A_1635 = vector.broadcast %broadcast_in_dim3A_1634 : i32 to vector<16xi32>
      %add3A_1636 = arith.constant 0 : i32
      %add3A_1637 = vector.broadcast %add3A_1636 : i32 to vector<16xi32>
      %add3A_1638 = arith.addi %add3A_1637, %iota3A : vector<16xi32>
      %gather3A_1639 = tpu.vector_load_idx %arg6[%broadcast_in_dim3A_1635, %add3A_1638, %broadcast_in_dim3A_1633] : memref<8x64x128xf32, #tpu.memory_space<vmem>>[vector<16xi32>, vector<16xi32>, vector<16xi32>], vector<16xf32>,
      %mul3A_1640 = arith.constant 64 : i32
      %mul3A_1641 = arith.muli %add3A_1616, %mul3A_1640 : i32
      %add3A_1642 = arith.constant 0 : i32
      %add3A_1643 = arith.addi %mul3A_1641, %add3A_1642 : i32
      %add3A_1644 = vector.broadcast %add3A_1643 : i32 to vector<16xi32>
      %add3A_1645 = arith.addi %add3A_1644, %iota3A : vector<16xi32>
      tpu.vector_store_idx %arg7[%add3A_1645], %gather3A_1639 : memref<4096xf32, #tpu.memory_space<vmem>>[vector<16xi32>], vector<16xf32>,
      %add3A_1646 = arith.constant 16 : i32
      %add3A_1647 = vector.broadcast %add3A_1646 : i32 to vector<16xi32>
      %add3A_1648 = arith.addi %add3A_1647, %iota3A : vector<16xi32>
      %gather3A_1649 = tpu.vector_load_idx %arg6[%broadcast_in_dim3A_1635, %add3A_1648, %broadcast_in_dim3A_1633] : memref<8x64x128xf32, #tpu.memory_space<vmem>>[vector<16xi32>, vector<16xi32>, vector<16xi32>], vector<16xf32>,
      %mul3A_1650 = arith.constant 64 : i32
      %mul3A_1651 = arith.muli %add3A_1616, %mul3A_1650 : i32
      %add3A_1652 = arith.constant 16 : i32
      %add3A_1653 = arith.addi %mul3A_1651, %add3A_1652 : i32
      %add3A_1654 = vector.broadcast %add3A_1653 : i32 to vector<16xi32>
      %add3A_1655 = arith.addi %add3A_1654, %iota3A : vector<16xi32>
      tpu.vector_store_idx %arg7[%add3A_1655], %gather3A_1649 : memref<4096xf32, #tpu.memory_space<vmem>>[vector<16xi32>], vector<16xf32>,
      %add3A_1656 = arith.constant 32 : i32
      %add3A_1657 = vector.broadcast %add3A_1656 : i32 to vector<16xi32>
      %add3A_1658 = arith.addi %add3A_1657, %iota3A : vector<16xi32>
      %gather3A_1659 = tpu.vector_load_idx %arg6[%broadcast_in_dim3A_1635, %add3A_1658, %broadcast_in_dim3A_1633] : memref<8x64x128xf32, #tpu.memory_space<vmem>>[vector<16xi32>, vector<16xi32>, vector<16xi32>], vector<16xf32>,
      %mul3A_1660 = arith.constant 64 : i32
      %mul3A_1661 = arith.muli %add3A_1616, %mul3A_1660 : i32
      %add3A_1662 = arith.constant 32 : i32
      %add3A_1663 = arith.addi %mul3A_1661, %add3A_1662 : i32
      %add3A_1664 = vector.broadcast %add3A_1663 : i32 to vector<16xi32>
      %add3A_1665 = arith.addi %add3A_1664, %iota3A : vector<16xi32>
      tpu.vector_store_idx %arg7[%add3A_1665], %gather3A_1659 : memref<4096xf32, #tpu.memory_space<vmem>>[vector<16xi32>], vector<16xf32>,
      %add3A_1666 = arith.constant 48 : i32
      %add3A_1667 = vector.broadcast %add3A_1666 : i32 to vector<16xi32>
      %add3A_1668 = arith.addi %add3A_1667, %iota3A : vector<16xi32>
      %gather3A_1669 = tpu.vector_load_idx %arg6[%broadcast_in_dim3A_1635, %add3A_1668, %broadcast_in_dim3A_1633] : memref<8x64x128xf32, #tpu.memory_space<vmem>>[vector<16xi32>, vector<16xi32>, vector<16xi32>], vector<16xf32>,
      %mul3A_1670 = arith.constant 64 : i32
      %mul3A_1671 = arith.muli %add3A_1616, %mul3A_1670 : i32
      %add3A_1672 = arith.constant 48 : i32
      %add3A_1673 = arith.addi %mul3A_1671, %add3A_1672 : i32
      %add3A_1674 = vector.broadcast %add3A_1673 : i32 to vector<16xi32>
      %add3A_1675 = arith.addi %add3A_1674, %iota3A : vector<16xi32>
      tpu.vector_store_idx %arg7[%add3A_1675], %gather3A_1669 : memref<4096xf32, #tpu.memory_space<vmem>>[vector<16xi32>], vector<16xf32>,
      %add3A_1676 = arith.constant 7 : i32
      %add3A_1677 = arith.addi %mul3A_14, %add3A_1676 : i32
      %jit3A_1678 = arith.constant 128 : i32
      %eq3A_1679 = arith.constant 0 : i32
      %eq3A_1680 = arith.cmpi eq, %jit3A_1678, %eq3A_1679 : i32
      %jit3A_1681 = arith.constant 1 : i32
      %select_n3A_1682 = arith.select %eq3A_1680, %jit3A_1681, %jit3A_1678 : i32
      %rem3A_1683 = arith.remsi %reduce_max3A_122, %select_n3A_1682 : i32
      %ne3A_1684 = arith.constant 0 : i32
      %ne3A_1685 = arith.cmpi ne, %rem3A_1683, %ne3A_1684 : i32
      %lt3A_1686 = arith.constant 0 : i32
      %lt3A_1687 = arith.cmpi slt, %rem3A_1683, %lt3A_1686 : i32
      %lt3A_1688 = arith.constant 0 : i32
      %lt3A_1689 = arith.cmpi slt, %select_n3A_1682, %lt3A_1688 : i32
      %ne3A_1690 = arith.xori %lt3A_1687, %lt3A_1689 : i1
      %and3A_1691 = arith.andi %ne3A_1690, %ne3A_1685 : i1
      %add3A_1692 = arith.addi %rem3A_1683, %select_n3A_1682 : i32
      %select_n3A_1693 = arith.select %and3A_1691, %add3A_1692, %rem3A_1683 : i32
      %broadcast_in_dim3A_1694 = vector.broadcast %select_n3A_1693 : i32 to vector<16xi32>
      %broadcast_in_dim3A_1695 = arith.constant 7 : i32
      %broadcast_in_dim3A_1696 = vector.broadcast %broadcast_in_dim3A_1695 : i32 to vector<16xi32>
      %add3A_1697 = arith.constant 0 : i32
      %add3A_1698 = vector.broadcast %add3A_1697 : i32 to vector<16xi32>
      %add3A_1699 = arith.addi %add3A_1698, %iota3A : vector<16xi32>
      %gather3A_1700 = tpu.vector_load_idx %arg6[%broadcast_in_dim3A_1696, %add3A_1699, %broadcast_in_dim3A_1694] : memref<8x64x128xf32, #tpu.memory_space<vmem>>[vector<16xi32>, vector<16xi32>, vector<16xi32>], vector<16xf32>,
      %mul3A_1701 = arith.constant 64 : i32
      %mul3A_1702 = arith.muli %add3A_1677, %mul3A_1701 : i32
      %add3A_1703 = arith.constant 0 : i32
      %add3A_1704 = arith.addi %mul3A_1702, %add3A_1703 : i32
      %add3A_1705 = vector.broadcast %add3A_1704 : i32 to vector<16xi32>
      %add3A_1706 = arith.addi %add3A_1705, %iota3A : vector<16xi32>
      tpu.vector_store_idx %arg7[%add3A_1706], %gather3A_1700 : memref<4096xf32, #tpu.memory_space<vmem>>[vector<16xi32>], vector<16xf32>,
      %add3A_1707 = arith.constant 16 : i32
      %add3A_1708 = vector.broadcast %add3A_1707 : i32 to vector<16xi32>
      %add3A_1709 = arith.addi %add3A_1708, %iota3A : vector<16xi32>
      %gather3A_1710 = tpu.vector_load_idx %arg6[%broadcast_in_dim3A_1696, %add3A_1709, %broadcast_in_dim3A_1694] : memref<8x64x128xf32, #tpu.memory_space<vmem>>[vector<16xi32>, vector<16xi32>, vector<16xi32>], vector<16xf32>,
      %mul3A_1711 = arith.constant 64 : i32
      %mul3A_1712 = arith.muli %add3A_1677, %mul3A_1711 : i32
      %add3A_1713 = arith.constant 16 : i32
      %add3A_1714 = arith.addi %mul3A_1712, %add3A_1713 : i32
      %add3A_1715 = vector.broadcast %add3A_1714 : i32 to vector<16xi32>
      %add3A_1716 = arith.addi %add3A_1715, %iota3A : vector<16xi32>
      tpu.vector_store_idx %arg7[%add3A_1716], %gather3A_1710 : memref<4096xf32, #tpu.memory_space<vmem>>[vector<16xi32>], vector<16xf32>,
      %add3A_1717 = arith.constant 32 : i32
      %add3A_1718 = vector.broadcast %add3A_1717 : i32 to vector<16xi32>
      %add3A_1719 = arith.addi %add3A_1718, %iota3A : vector<16xi32>
      %gather3A_1720 = tpu.vector_load_idx %arg6[%broadcast_in_dim3A_1696, %add3A_1719, %broadcast_in_dim3A_1694] : memref<8x64x128xf32, #tpu.memory_space<vmem>>[vector<16xi32>, vector<16xi32>, vector<16xi32>], vector<16xf32>,
      %mul3A_1721 = arith.constant 64 : i32
      %mul3A_1722 = arith.muli %add3A_1677, %mul3A_1721 : i32
      %add3A_1723 = arith.constant 32 : i32
      %add3A_1724 = arith.addi %mul3A_1722, %add3A_1723 : i32
      %add3A_1725 = vector.broadcast %add3A_1724 : i32 to vector<16xi32>
      %add3A_1726 = arith.addi %add3A_1725, %iota3A : vector<16xi32>
      tpu.vector_store_idx %arg7[%add3A_1726], %gather3A_1720 : memref<4096xf32, #tpu.memory_space<vmem>>[vector<16xi32>], vector<16xf32>,
      %add3A_1727 = arith.constant 48 : i32
      %add3A_1728 = vector.broadcast %add3A_1727 : i32 to vector<16xi32>
      %add3A_1729 = arith.addi %add3A_1728, %iota3A : vector<16xi32>
      %gather3A_1730 = tpu.vector_load_idx %arg6[%broadcast_in_dim3A_1696, %add3A_1729, %broadcast_in_dim3A_1694] : memref<8x64x128xf32, #tpu.memory_space<vmem>>[vector<16xi32>, vector<16xi32>, vector<16xi32>], vector<16xf32>,
      %mul3A_1731 = arith.constant 64 : i32
      %mul3A_1732 = arith.muli %add3A_1677, %mul3A_1731 : i32
      %add3A_1733 = arith.constant 48 : i32
      %add3A_1734 = arith.addi %mul3A_1732, %add3A_1733 : i32
      %add3A_1735 = vector.broadcast %add3A_1734 : i32 to vector<16xi32>
      %add3A_1736 = arith.addi %add3A_1735, %iota3A : vector<16xi32>
      tpu.vector_store_idx %arg7[%add3A_1736], %gather3A_1730 : memref<4096xf32, #tpu.memory_space<vmem>>[vector<16xi32>], vector<16xf32>,
      %scan3A_1737 = arith.constant 0 : i32
      scf.yield %scan3A_1737 : i32
    }
    %scan3A_8 = arith.constant 8 : i32
    %mul3A_9 = arith.constant 64 : i32
    %mul3A_10 = arith.muli %mul3A_2, %mul3A_9 : i32
    "tpu.region"() ({
      %run_scoped3A = tpu.sem_alloc : memref<!tpu.dma_semaphore, #tpu.memory_space<semaphore_mem>>
      %dma_start3A = tpu.memref_slice %arg4[%mul3A_10] : memref<131072xf32, #tpu.memory_space<hbm>> -> memref<4096xf32, #tpu.memory_space<hbm>>
      %dma_start3A_11 = tpu.memref_slice %arg4[%mul3A_10] : memref<131072xf32, #tpu.memory_space<hbm>> -> memref<4096xf32, #tpu.memory_space<hbm>>
      tpu.enqueue_dma source(%arg7 : memref<4096xf32, #tpu.memory_space<vmem>>) target(%dma_start3A_11 : memref<4096xf32, #tpu.memory_space<hbm>>) target_semaphore(%run_scoped3A : memref<!tpu.dma_semaphore, #tpu.memory_space<semaphore_mem>>)
      %dma_wait3A = tpu.memref_slice %arg4[%mul3A_10] : memref<131072xf32, #tpu.memory_space<hbm>> -> memref<4096xf32, #tpu.memory_space<hbm>>
      %dma_wait3A_12 = tpu.memref_slice %arg4[%mul3A_10] : memref<131072xf32, #tpu.memory_space<hbm>> -> memref<4096xf32, #tpu.memory_space<hbm>>
      tpu.wait_dma2 semaphore(%run_scoped3A : memref<!tpu.dma_semaphore, #tpu.memory_space<semaphore_mem>>) src(%arg7 : memref<4096xf32, #tpu.memory_space<vmem>>) dst(%dma_wait3A_12 : memref<4096xf32, #tpu.memory_space<hbm>>)
      tpu.yield
    }) : () -> ()
    return
  }
}

#map = affine_map<(d0, d1) -> (0, 0, 0)>
#map1 = affine_map<(d0, d1) -> (0)>
module attributes {stable_mosaic.version = 14 : i64} {
  func.func @gather(%arg0: i32, %arg1: i32, %arg2: memref<128x64x8192xf32, #tpu.memory_space<hbm>>, %arg3: memref<2048xi32, #tpu.memory_space<hbm>>, %arg4: memref<131072xf32, #tpu.memory_space<hbm>>, %arg5: memref<80xi32, #tpu.memory_space<vmem>>, %arg6: memref<8x64x128xf32, #tpu.memory_space<vmem>>, %arg7: memref<4096xf32, #tpu.memory_space<vmem>>, %arg8: memref<!tpu.dma_semaphore, #tpu.memory_space<semaphore_mem>>) attributes {dimension_semantics = [#tpu.dimension_semantics<core_parallel>, #tpu.dimension_semantics<subcore_parallel>], iteration_bounds = array<i64: 2, 16>, scalar_prefetch = 0 : i64, scratch_operands = 4 : i64, tpu.core_type = #tpu.core_type<sc_vector_subcore>, window_params = [{transform_indices = #map}, {transform_indices = #map1}, {transform_indices = #map1}]} {
    %mul3A = arith.constant 2 : i32
    %mul3A_0 = arith.muli %arg1, %mul3A : i32
    %add3A = arith.addi %mul3A_0, %arg0 : i32
    %mul3A_1 = arith.constant 64 : i32
    %mul3A_2 = arith.muli %add3A, %mul3A_1 : i32
    %iota3A = tpu.iota {dimensions = array<i32: 0>} : vector<16xi32>
    "tpu.region"() ({
      %run_scoped3A = tpu.sem_alloc : memref<!tpu.dma_semaphore, #tpu.memory_space<semaphore_mem>>
      %dma_start3A = arith.constant 0 : i32
      %dma_start3A_11 = tpu.memref_slice %arg5[%dma_start3A] : memref<80xi32, #tpu.memory_space<vmem>> -> memref<64xi32, #tpu.memory_space<vmem>>
      %dma_start3A_12 = tpu.memref_slice %arg3[%mul3A_2] : memref<2048xi32, #tpu.memory_space<hbm>> -> memref<64xi32, #tpu.memory_space<hbm>>
      %dma_start3A_13 = arith.constant 0 : i32
      %dma_start3A_14 = tpu.memref_slice %arg5[%dma_start3A_13] : memref<80xi32, #tpu.memory_space<vmem>> -> memref<64xi32, #tpu.memory_space<vmem>>
      %dma_start3A_15 = tpu.memref_slice %arg3[%mul3A_2] : memref<2048xi32, #tpu.memory_space<hbm>> -> memref<64xi32, #tpu.memory_space<hbm>>
      tpu.enqueue_dma source(%dma_start3A_15 : memref<64xi32, #tpu.memory_space<hbm>>) target(%dma_start3A_14 : memref<64xi32, #tpu.memory_space<vmem>>) target_semaphore(%run_scoped3A : memref<!tpu.dma_semaphore, #tpu.memory_space<semaphore_mem>>)
      %dma_wait3A = arith.constant 0 : i32
      %dma_wait3A_16 = tpu.memref_slice %arg5[%dma_wait3A] : memref<80xi32, #tpu.memory_space<vmem>> -> memref<64xi32, #tpu.memory_space<vmem>>
      %dma_wait3A_17 = tpu.memref_slice %arg3[%mul3A_2] : memref<2048xi32, #tpu.memory_space<hbm>> -> memref<64xi32, #tpu.memory_space<hbm>>
      %dma_wait3A_18 = arith.constant 0 : i32
      %dma_wait3A_19 = tpu.memref_slice %arg5[%dma_wait3A_18] : memref<80xi32, #tpu.memory_space<vmem>> -> memref<64xi32, #tpu.memory_space<vmem>>
      %dma_wait3A_20 = tpu.memref_slice %arg3[%mul3A_2] : memref<2048xi32, #tpu.memory_space<hbm>> -> memref<64xi32, #tpu.memory_space<hbm>>
      tpu.wait_dma2 semaphore(%run_scoped3A : memref<!tpu.dma_semaphore, #tpu.memory_space<semaphore_mem>>) src(%dma_wait3A_20 : memref<64xi32, #tpu.memory_space<hbm>>) dst(%dma_wait3A_19 : memref<64xi32, #tpu.memory_space<vmem>>)
      tpu.yield
    }) : () -> ()
    %scan3A = arith.constant 0 : i32
    %scan3A_3 = arith.constant 0 : i32
    %scan3A_4 = arith.constant 8 : i32
    %scan3A_5 = arith.addi %scan3A_3, %scan3A_4 : i32
    %scan3A_6 = arith.constant 1 : i32
    %scan3A_7 = scf.for %scan3A_11 = %scan3A_3 to %scan3A_5 step %scan3A_6 iter_args(%scan3A_12 = %scan3A) -> (i32)  : i32 {
      %mul3A_13 = arith.constant 8 : i32
      %mul3A_14 = arith.muli %scan3A_11, %mul3A_13 : i32
      %multiple_of3A = tpu.assume_multiple %mul3A_14, 8 : i32
      %get3A = arith.index_cast %multiple_of3A : i32 to index
      %get3A_15 = tpu.vector_load %arg5[%get3A] {strides = array<i32>} : memref<80xi32, #tpu.memory_space<vmem>>, vector<16xi32>,
      %eq3A = arith.constant 0 : i32
      %eq3A_16 = vector.broadcast %eq3A : i32 to vector<16xi32>
      %eq3A_17 = arith.cmpi eq, %iota3A, %eq3A_16 : vector<16xi32>
      %jit3A = arith.constant 0 : i32
      %broadcast_in_dim3A = vector.broadcast %jit3A : i32 to vector<16xi32>
      %select_n3A = arith.select %eq3A_17, %get3A_15, %broadcast_in_dim3A : vector<16xi1>, vector<16xi32>
      %reduce_max3A = arith.constant true
      %reduce_max3A_18 = vector.broadcast %reduce_max3A : i1 to vector<16xi1>
      %reduce_max3A_19 = arith.constant -2147483648 : i32
      %reduce_max3A_20 = vector.broadcast %reduce_max3A_19 : i32 to vector<16xi32>
      %reduce_max3A_21 = arith.xori %select_n3A, %reduce_max3A_20 : vector<16xi32>
      %reduce_max3A_22 = tpu.scan <max>, %reduce_max3A_21 masked %reduce_max3A_18 : vector<16xi32>, vector<16xi1> -> vector<16xi32>
      %reduce_max3A_23 = arith.xori %reduce_max3A_22, %reduce_max3A_20 : vector<16xi32>
      %reduce_max3A_24 = vector.extract %reduce_max3A_23[15] : i32 from vector<16xi32>
      %eq3A_25 = arith.constant 1 : i32
      %eq3A_26 = vector.broadcast %eq3A_25 : i32 to vector<16xi32>
      %eq3A_27 = arith.cmpi eq, %iota3A, %eq3A_26 : vector<16xi32>
      %jit3A_28 = arith.constant 0 : i32
      %broadcast_in_dim3A_29 = vector.broadcast %jit3A_28 : i32 to vector<16xi32>
      %select_n3A_30 = arith.select %eq3A_27, %get3A_15, %broadcast_in_dim3A_29 : vector<16xi1>, vector<16xi32>
      %reduce_max3A_31 = arith.constant true
      %reduce_max3A_32 = vector.broadcast %reduce_max3A_31 : i1 to vector<16xi1>
      %reduce_max3A_33 = arith.constant -2147483648 : i32
      %reduce_max3A_34 = vector.broadcast %reduce_max3A_33 : i32 to vector<16xi32>
      %reduce_max3A_35 = arith.xori %select_n3A_30, %reduce_max3A_34 : vector<16xi32>
      %reduce_max3A_36 = tpu.scan <max>, %reduce_max3A_35 masked %reduce_max3A_32 : vector<16xi32>, vector<16xi1> -> vector<16xi32>
      %reduce_max3A_37 = arith.xori %reduce_max3A_36, %reduce_max3A_34 : vector<16xi32>
      %reduce_max3A_38 = vector.extract %reduce_max3A_37[15] : i32 from vector<16xi32>
      %eq3A_39 = arith.constant 2 : i32
      %eq3A_40 = vector.broadcast %eq3A_39 : i32 to vector<16xi32>
      %eq3A_41 = arith.cmpi eq, %iota3A, %eq3A_40 : vector<16xi32>
      %jit3A_42 = arith.constant 0 : i32
      %broadcast_in_dim3A_43 = vector.broadcast %jit3A_42 : i32 to vector<16xi32>
      %select_n3A_44 = arith.select %eq3A_41, %get3A_15, %broadcast_in_dim3A_43 : vector<16xi1>, vector<16xi32>
      %reduce_max3A_45 = arith.constant true
      %reduce_max3A_46 = vector.broadcast %reduce_max3A_45 : i1 to vector<16xi1>
      %reduce_max3A_47 = arith.constant -2147483648 : i32
      %reduce_max3A_48 = vector.broadcast %reduce_max3A_47 : i32 to vector<16xi32>
      %reduce_max3A_49 = arith.xori %select_n3A_44, %reduce_max3A_48 : vector<16xi32>
      %reduce_max3A_50 = tpu.scan <max>, %reduce_max3A_49 masked %reduce_max3A_46 : vector<16xi32>, vector<16xi1> -> vector<16xi32>
      %reduce_max3A_51 = arith.xori %reduce_max3A_50, %reduce_max3A_48 : vector<16xi32>
      %reduce_max3A_52 = vector.extract %reduce_max3A_51[15] : i32 from vector<16xi32>
      %eq3A_53 = arith.constant 3 : i32
      %eq3A_54 = vector.broadcast %eq3A_53 : i32 to vector<16xi32>
      %eq3A_55 = arith.cmpi eq, %iota3A, %eq3A_54 : vector<16xi32>
      %jit3A_56 = arith.constant 0 : i32
      %broadcast_in_dim3A_57 = vector.broadcast %jit3A_56 : i32 to vector<16xi32>
      %select_n3A_58 = arith.select %eq3A_55, %get3A_15, %broadcast_in_dim3A_57 : vector<16xi1>, vector<16xi32>
      %reduce_max3A_59 = arith.constant true
      %reduce_max3A_60 = vector.broadcast %reduce_max3A_59 : i1 to vector<16xi1>
      %reduce_max3A_61 = arith.constant -2147483648 : i32
      %reduce_max3A_62 = vector.broadcast %reduce_max3A_61 : i32 to vector<16xi32>
      %reduce_max3A_63 = arith.xori %select_n3A_58, %reduce_max3A_62 : vector<16xi32>
      %reduce_max3A_64 = tpu.scan <max>, %reduce_max3A_63 masked %reduce_max3A_60 : vector<16xi32>, vector<16xi1> -> vector<16xi32>
      %reduce_max3A_65 = arith.xori %reduce_max3A_64, %reduce_max3A_62 : vector<16xi32>
      %reduce_max3A_66 = vector.extract %reduce_max3A_65[15] : i32 from vector<16xi32>
      %eq3A_67 = arith.constant 4 : i32
      %eq3A_68 = vector.broadcast %eq3A_67 : i32 to vector<16xi32>
      %eq3A_69 = arith.cmpi eq, %iota3A, %eq3A_68 : vector<16xi32>
      %jit3A_70 = arith.constant 0 : i32
      %broadcast_in_dim3A_71 = vector.broadcast %jit3A_70 : i32 to vector<16xi32>
      %select_n3A_72 = arith.select %eq3A_69, %get3A_15, %broadcast_in_dim3A_71 : vector<16xi1>, vector<16xi32>
      %reduce_max3A_73 = arith.constant true
      %reduce_max3A_74 = vector.broadcast %reduce_max3A_73 : i1 to vector<16xi1>
      %reduce_max3A_75 = arith.constant -2147483648 : i32
      %reduce_max3A_76 = vector.broadcast %reduce_max3A_75 : i32 to vector<16xi32>
      %reduce_max3A_77 = arith.xori %select_n3A_72, %reduce_max3A_76 : vector<16xi32>
      %reduce_max3A_78 = tpu.scan <max>, %reduce_max3A_77 masked %reduce_max3A_74 : vector<16xi32>, vector<16xi1> -> vector<16xi32>
      %reduce_max3A_79 = arith.xori %reduce_max3A_78, %reduce_max3A_76 : vector<16xi32>
      %reduce_max3A_80 = vector.extract %reduce_max3A_79[15] : i32 from vector<16xi32>
      %eq3A_81 = arith.constant 5 : i32
      %eq3A_82 = vector.broadcast %eq3A_81 : i32 to vector<16xi32>
      %eq3A_83 = arith.cmpi eq, %iota3A, %eq3A_82 : vector<16xi32>
      %jit3A_84 = arith.constant 0 : i32
      %broadcast_in_dim3A_85 = vector.broadcast %jit3A_84 : i32 to vector<16xi32>
      %select_n3A_86 = arith.select %eq3A_83, %get3A_15, %broadcast_in_dim3A_85 : vector<16xi1>, vector<16xi32>
      %reduce_max3A_87 = arith.constant true
      %reduce_max3A_88 = vector.broadcast %reduce_max3A_87 : i1 to vector<16xi1>
      %reduce_max3A_89 = arith.constant -2147483648 : i32
      %reduce_max3A_90 = vector.broadcast %reduce_max3A_89 : i32 to vector<16xi32>
      %reduce_max3A_91 = arith.xori %select_n3A_86, %reduce_max3A_90 : vector<16xi32>
      %reduce_max3A_92 = tpu.scan <max>, %reduce_max3A_91 masked %reduce_max3A_88 : vector<16xi32>, vector<16xi1> -> vector<16xi32>
      %reduce_max3A_93 = arith.xori %reduce_max3A_92, %reduce_max3A_90 : vector<16xi32>
      %reduce_max3A_94 = vector.extract %reduce_max3A_93[15] : i32 from vector<16xi32>
      %eq3A_95 = arith.constant 6 : i32
      %eq3A_96 = vector.broadcast %eq3A_95 : i32 to vector<16xi32>
      %eq3A_97 = arith.cmpi eq, %iota3A, %eq3A_96 : vector<16xi32>
      %jit3A_98 = arith.constant 0 : i32
      %broadcast_in_dim3A_99 = vector.broadcast %jit3A_98 : i32 to vector<16xi32>
      %select_n3A_100 = arith.select %eq3A_97, %get3A_15, %broadcast_in_dim3A_99 : vector<16xi1>, vector<16xi32>
      %reduce_max3A_101 = arith.constant true
      %reduce_max3A_102 = vector.broadcast %reduce_max3A_101 : i1 to vector<16xi1>
      %reduce_max3A_103 = arith.constant -2147483648 : i32
      %reduce_max3A_104 = vector.broadcast %reduce_max3A_103 : i32 to vector<16xi32>
      %reduce_max3A_105 = arith.xori %select_n3A_100, %reduce_max3A_104 : vector<16xi32>
      %reduce_max3A_106 = tpu.scan <max>, %reduce_max3A_105 masked %reduce_max3A_102 : vector<16xi32>, vector<16xi1> -> vector<16xi32>
      %reduce_max3A_107 = arith.xori %reduce_max3A_106, %reduce_max3A_104 : vector<16xi32>
      %reduce_max3A_108 = vector.extract %reduce_max3A_107[15] : i32 from vector<16xi32>
      %eq3A_109 = arith.constant 7 : i32
      %eq3A_110 = vector.broadcast %eq3A_109 : i32 to vector<16xi32>
      %eq3A_111 = arith.cmpi eq, %iota3A, %eq3A_110 : vector<16xi32>
      %jit3A_112 = arith.constant 0 : i32
      %broadcast_in_dim3A_113 = vector.broadcast %jit3A_112 : i32 to vector<16xi32>
      %select_n3A_114 = arith.select %eq3A_111, %get3A_15, %broadcast_in_dim3A_113 : vector<16xi1>, vector<16xi32>
      %reduce_max3A_115 = arith.constant true
      %reduce_max3A_116 = vector.broadcast %reduce_max3A_115 : i1 to vector<16xi1>
      %reduce_max3A_117 = arith.constant -2147483648 : i32
      %reduce_max3A_118 = vector.broadcast %reduce_max3A_117 : i32 to vector<16xi32>
      %reduce_max3A_119 = arith.xori %select_n3A_114, %reduce_max3A_118 : vector<16xi32>
      %reduce_max3A_120 = tpu.scan <max>, %reduce_max3A_119 masked %reduce_max3A_116 : vector<16xi32>, vector<16xi1> -> vector<16xi32>
      %reduce_max3A_121 = arith.xori %reduce_max3A_120, %reduce_max3A_118 : vector<16xi32>
      %reduce_max3A_122 = vector.extract %reduce_max3A_121[15] : i32 from vector<16xi32>
      %add3A_123 = arith.constant 0 : i32
      %add3A_124 = arith.addi %mul3A_14, %add3A_123 : i32
      %add3A_125 = arith.addi %mul3A_2, %add3A_124 : i32
      %jit3A_126 = arith.constant 32 : i32
      %div3A = arith.divsi %add3A_125, %jit3A_126 : i32
      %sign3A = arith.constant 0 : i32
      %sign3A_127 = arith.cmpi sgt, %add3A_125, %sign3A : i32
      %sign3A_128 = arith.extui %sign3A_127 : i1 to i32
      %sign3A_129 = arith.constant 0 : i32
      %sign3A_130 = arith.cmpi slt, %add3A_125, %sign3A_129 : i32
      %sign3A_131 = arith.extui %sign3A_130 : i1 to i32
      %sign3A_132 = arith.subi %sign3A_128, %sign3A_131 : i32
      %sign3A_133 = arith.constant 0 : i32
      %sign3A_134 = arith.cmpi sgt, %jit3A_126, %sign3A_133 : i32
      %sign3A_135 = arith.extui %sign3A_134 : i1 to i32
      %sign3A_136 = arith.constant 0 : i32
      %sign3A_137 = arith.cmpi slt, %jit3A_126, %sign3A_136 : i32
      %sign3A_138 = arith.extui %sign3A_137 : i1 to i32
      %sign3A_139 = arith.subi %sign3A_135, %sign3A_138 : i32
      %ne3A = arith.cmpi ne, %sign3A_132, %sign3A_139 : i32
      %rem3A = arith.remsi %add3A_125, %jit3A_126 : i32
      %ne3A_140 = arith.constant 0 : i32
      %ne3A_141 = arith.cmpi ne, %rem3A, %ne3A_140 : i32
      %and3A = arith.andi %ne3A, %ne3A_141 : i1
      %sub3A = arith.constant 1 : i32
      %sub3A_142 = arith.subi %div3A, %sub3A : i32
      %select_n3A_143 = arith.select %and3A, %sub3A_142, %div3A : i32
      %add3A_144 = arith.constant 0 : i32
      %add3A_145 = arith.addi %add3A_144, %select_n3A_143 : i32
      %jit3A_146 = arith.constant 128 : i32
      %div3A_147 = arith.divsi %reduce_max3A_24, %jit3A_146 : i32
      %sign3A_148 = arith.constant 0 : i32
      %sign3A_149 = arith.cmpi sgt, %reduce_max3A_24, %sign3A_148 : i32
      %sign3A_150 = arith.extui %sign3A_149 : i1 to i32
      %sign3A_151 = arith.constant 0 : i32
      %sign3A_152 = arith.cmpi slt, %reduce_max3A_24, %sign3A_151 : i32
      %sign3A_153 = arith.extui %sign3A_152 : i1 to i32
      %sign3A_154 = arith.subi %sign3A_150, %sign3A_153 : i32
      %sign3A_155 = arith.constant 0 : i32
      %sign3A_156 = arith.cmpi sgt, %jit3A_146, %sign3A_155 : i32
      %sign3A_157 = arith.extui %sign3A_156 : i1 to i32
      %sign3A_158 = arith.constant 0 : i32
      %sign3A_159 = arith.cmpi slt, %jit3A_146, %sign3A_158 : i32
      %sign3A_160 = arith.extui %sign3A_159 : i1 to i32
      %sign3A_161 = arith.subi %sign3A_157, %sign3A_160 : i32
      %ne3A_162 = arith.cmpi ne, %sign3A_154, %sign3A_161 : i32
      %rem3A_163 = arith.remsi %reduce_max3A_24, %jit3A_146 : i32
      %ne3A_164 = arith.constant 0 : i32
      %ne3A_165 = arith.cmpi ne, %rem3A_163, %ne3A_164 : i32
      %and3A_166 = arith.andi %ne3A_162, %ne3A_165 : i1
      %sub3A_167 = arith.constant 1 : i32
      %sub3A_168 = arith.subi %div3A_147, %sub3A_167 : i32
      %select_n3A_169 = arith.select %and3A_166, %sub3A_168, %div3A_147 : i32
      %mul3A_170 = arith.constant 128 : i32
      %mul3A_171 = arith.muli %select_n3A_169, %mul3A_170 : i32
      %multiple_of3A_172 = tpu.assume_multiple %mul3A_171, 128 : i32
      %dma_start3A = arith.constant 0 : i32
      %dma_start3A_173 = arith.constant 0 : i32
      %dma_start3A_174 = arith.constant 0 : i32
      %dma_start3A_175 = tpu.memref_slice %arg6[%dma_start3A, %dma_start3A_173, %dma_start3A_174] : memref<8x64x128xf32, #tpu.memory_space<vmem>> -> memref<1x64x128xf32, #tpu.memory_space<vmem>>
      %dma_start3A_176 = tpu.memref_squeeze %dma_start3A_175 : memref<1x64x128xf32, #tpu.memory_space<vmem>> -> memref<64x128xf32, #tpu.memory_space<vmem>>
      %dma_start3A_177 = arith.constant 0 : i32
      %dma_start3A_178 = tpu.memref_slice %arg2[%add3A_145, %dma_start3A_177, %multiple_of3A_172] : memref<128x64x8192xf32, #tpu.memory_space<hbm>> -> memref<1x64x128xf32, #tpu.memory_space<hbm>>
      %dma_start3A_179 = tpu.memref_squeeze %dma_start3A_178 : memref<1x64x128xf32, #tpu.memory_space<hbm>> -> memref<64x128xf32, #tpu.memory_space<hbm>>
      %dma_start3A_180 = arith.constant 0 : i32
      %dma_start3A_181 = arith.constant 0 : i32
      %dma_start3A_182 = tpu.memref_slice %arg6[%dma_start3A, %dma_start3A_180, %dma_start3A_181] : memref<8x64x128xf32, #tpu.memory_space<vmem>> -> memref<1x64x128xf32, #tpu.memory_space<vmem>>
      %dma_start3A_183 = tpu.memref_squeeze %dma_start3A_182 : memref<1x64x128xf32, #tpu.memory_space<vmem>> -> memref<64x128xf32, #tpu.memory_space<vmem>>
      %dma_start3A_184 = arith.constant 0 : i32
      %dma_start3A_185 = tpu.memref_slice %arg2[%add3A_145, %dma_start3A_184, %multiple_of3A_172] : memref<128x64x8192xf32, #tpu.memory_space<hbm>> -> memref<1x64x128xf32, #tpu.memory_space<hbm>>
      %dma_start3A_186 = tpu.memref_squeeze %dma_start3A_185 : memref<1x64x128xf32, #tpu.memory_space<hbm>> -> memref<64x128xf32, #tpu.memory_space<hbm>>
      tpu.enqueue_dma source(%dma_start3A_186 : memref<64x128xf32, #tpu.memory_space<hbm>>) target(%dma_start3A_183 : memref<64x128xf32, #tpu.memory_space<vmem>>) target_semaphore(%arg8 : memref<!tpu.dma_semaphore, #tpu.memory_space<semaphore_mem>>)
      %add3A_187 = arith.constant 1 : i32
      %add3A_188 = arith.addi %mul3A_14, %add3A_187 : i32
      %add3A_189 = arith.addi %mul3A_2, %add3A_188 : i32
      %jit3A_190 = arith.constant 32 : i32
      %div3A_191 = arith.divsi %add3A_189, %jit3A_190 : i32
      %sign3A_192 = arith.constant 0 : i32
      %sign3A_193 = arith.cmpi sgt, %add3A_189, %sign3A_192 : i32
      %sign3A_194 = arith.extui %sign3A_193 : i1 to i32
      %sign3A_195 = arith.constant 0 : i32
      %sign3A_196 = arith.cmpi slt, %add3A_189, %sign3A_195 : i32
      %sign3A_197 = arith.extui %sign3A_196 : i1 to i32
      %sign3A_198 = arith.subi %sign3A_194, %sign3A_197 : i32
      %sign3A_199 = arith.constant 0 : i32
      %sign3A_200 = arith.cmpi sgt, %jit3A_190, %sign3A_199 : i32
      %sign3A_201 = arith.extui %sign3A_200 : i1 to i32
      %sign3A_202 = arith.constant 0 : i32
      %sign3A_203 = arith.cmpi slt, %jit3A_190, %sign3A_202 : i32
      %sign3A_204 = arith.extui %sign3A_203 : i1 to i32
      %sign3A_205 = arith.subi %sign3A_201, %sign3A_204 : i32
      %ne3A_206 = arith.cmpi ne, %sign3A_198, %sign3A_205 : i32
      %rem3A_207 = arith.remsi %add3A_189, %jit3A_190 : i32
      %ne3A_208 = arith.constant 0 : i32
      %ne3A_209 = arith.cmpi ne, %rem3A_207, %ne3A_208 : i32
      %and3A_210 = arith.andi %ne3A_206, %ne3A_209 : i1
      %sub3A_211 = arith.constant 1 : i32
      %sub3A_212 = arith.subi %div3A_191, %sub3A_211 : i32
      %select_n3A_213 = arith.select %and3A_210, %sub3A_212, %div3A_191 : i32
      %add3A_214 = arith.constant 0 : i32
      %add3A_215 = arith.addi %add3A_214, %select_n3A_213 : i32
      %jit3A_216 = arith.constant 128 : i32
      %div3A_217 = arith.divsi %reduce_max3A_38, %jit3A_216 : i32
      %sign3A_218 = arith.constant 0 : i32
      %sign3A_219 = arith.cmpi sgt, %reduce_max3A_38, %sign3A_218 : i32
      %sign3A_220 = arith.extui %sign3A_219 : i1 to i32
      %sign3A_221 = arith.constant 0 : i32
      %sign3A_222 = arith.cmpi slt, %reduce_max3A_38, %sign3A_221 : i32
      %sign3A_223 = arith.extui %sign3A_222 : i1 to i32
      %sign3A_224 = arith.subi %sign3A_220, %sign3A_223 : i32
      %sign3A_225 = arith.constant 0 : i32
      %sign3A_226 = arith.cmpi sgt, %jit3A_216, %sign3A_225 : i32
      %sign3A_227 = arith.extui %sign3A_226 : i1 to i32
      %sign3A_228 = arith.constant 0 : i32
      %sign3A_229 = arith.cmpi slt, %jit3A_216, %sign3A_228 : i32
      %sign3A_230 = arith.extui %sign3A_229 : i1 to i32
      %sign3A_231 = arith.subi %sign3A_227, %sign3A_230 : i32
      %ne3A_232 = arith.cmpi ne, %sign3A_224, %sign3A_231 : i32
      %rem3A_233 = arith.remsi %reduce_max3A_38, %jit3A_216 : i32
      %ne3A_234 = arith.constant 0 : i32
      %ne3A_235 = arith.cmpi ne, %rem3A_233, %ne3A_234 : i32
      %and3A_236 = arith.andi %ne3A_232, %ne3A_235 : i1
      %sub3A_237 = arith.constant 1 : i32
      %sub3A_238 = arith.subi %div3A_217, %sub3A_237 : i32
      %select_n3A_239 = arith.select %and3A_236, %sub3A_238, %div3A_217 : i32
      %mul3A_240 = arith.constant 128 : i32
      %mul3A_241 = arith.muli %select_n3A_239, %mul3A_240 : i32
      %multiple_of3A_242 = tpu.assume_multiple %mul3A_241, 128 : i32
      %dma_start3A_243 = arith.constant 1 : i32
      %dma_start3A_244 = arith.constant 0 : i32
      %dma_start3A_245 = arith.constant 0 : i32
      %dma_start3A_246 = tpu.memref_slice %arg6[%dma_start3A_243, %dma_start3A_244, %dma_start3A_245] : memref<8x64x128xf32, #tpu.memory_space<vmem>> -> memref<1x64x128xf32, #tpu.memory_space<vmem>>
      %dma_start3A_247 = tpu.memref_squeeze %dma_start3A_246 : memref<1x64x128xf32, #tpu.memory_space<vmem>> -> memref<64x128xf32, #tpu.memory_space<vmem>>
      %dma_start3A_248 = arith.constant 0 : i32
      %dma_start3A_249 = tpu.memref_slice %arg2[%add3A_215, %dma_start3A_248, %multiple_of3A_242] : memref<128x64x8192xf32, #tpu.memory_space<hbm>> -> memref<1x64x128xf32, #tpu.memory_space<hbm>>
      %dma_start3A_250 = tpu.memref_squeeze %dma_start3A_249 : memref<1x64x128xf32, #tpu.memory_space<hbm>> -> memref<64x128xf32, #tpu.memory_space<hbm>>
      %dma_start3A_251 = arith.constant 0 : i32
      %dma_start3A_252 = arith.constant 0 : i32
      %dma_start3A_253 = tpu.memref_slice %arg6[%dma_start3A_243, %dma_start3A_251, %dma_start3A_252] : memref<8x64x128xf32, #tpu.memory_space<vmem>> -> memref<1x64x128xf32, #tpu.memory_space<vmem>>
      %dma_start3A_254 = tpu.memref_squeeze %dma_start3A_253 : memref<1x64x128xf32, #tpu.memory_space<vmem>> -> memref<64x128xf32, #tpu.memory_space<vmem>>
      %dma_start3A_255 = arith.constant 0 : i32
      %dma_start3A_256 = tpu.memref_slice %arg2[%add3A_215, %dma_start3A_255, %multiple_of3A_242] : memref<128x64x8192xf32, #tpu.memory_space<hbm>> -> memref<1x64x128xf32, #tpu.memory_space<hbm>>
      %dma_start3A_257 = tpu.memref_squeeze %dma_start3A_256 : memref<1x64x128xf32, #tpu.memory_space<hbm>> -> memref<64x128xf32, #tpu.memory_space<hbm>>
      tpu.enqueue_dma source(%dma_start3A_257 : memref<64x128xf32, #tpu.memory_space<hbm>>) target(%dma_start3A_254 : memref<64x128xf32, #tpu.memory_space<vmem>>) target_semaphore(%arg8 : memref<!tpu.dma_semaphore, #tpu.memory_space<semaphore_mem>>)
      %add3A_258 = arith.constant 2 : i32
      %add3A_259 = arith.addi %mul3A_14, %add3A_258 : i32
      %add3A_260 = arith.addi %mul3A_2, %add3A_259 : i32
      %jit3A_261 = arith.constant 32 : i32
      %div3A_262 = arith.divsi %add3A_260, %jit3A_261 : i32
      %sign3A_263 = arith.constant 0 : i32
      %sign3A_264 = arith.cmpi sgt, %add3A_260, %sign3A_263 : i32
      %sign3A_265 = arith.extui %sign3A_264 : i1 to i32
      %sign3A_266 = arith.constant 0 : i32
      %sign3A_267 = arith.cmpi slt, %add3A_260, %sign3A_266 : i32
      %sign3A_268 = arith.extui %sign3A_267 : i1 to i32
      %sign3A_269 = arith.subi %sign3A_265, %sign3A_268 : i32
      %sign3A_270 = arith.constant 0 : i32
      %sign3A_271 = arith.cmpi sgt, %jit3A_261, %sign3A_270 : i32
      %sign3A_272 = arith.extui %sign3A_271 : i1 to i32
      %sign3A_273 = arith.constant 0 : i32
      %sign3A_274 = arith.cmpi slt, %jit3A_261, %sign3A_273 : i32
      %sign3A_275 = arith.extui %sign3A_274 : i1 to i32
      %sign3A_276 = arith.subi %sign3A_272, %sign3A_275 : i32
      %ne3A_277 = arith.cmpi ne, %sign3A_269, %sign3A_276 : i32
      %rem3A_278 = arith.remsi %add3A_260, %jit3A_261 : i32
      %ne3A_279 = arith.constant 0 : i32
      %ne3A_280 = arith.cmpi ne, %rem3A_278, %ne3A_279 : i32
      %and3A_281 = arith.andi %ne3A_277, %ne3A_280 : i1
      %sub3A_282 = arith.constant 1 : i32
      %sub3A_283 = arith.subi %div3A_262, %sub3A_282 : i32
      %select_n3A_284 = arith.select %and3A_281, %sub3A_283, %div3A_262 : i32
      %add3A_285 = arith.constant 0 : i32
      %add3A_286 = arith.addi %add3A_285, %select_n3A_284 : i32
      %jit3A_287 = arith.constant 128 : i32
      %div3A_288 = arith.divsi %reduce_max3A_52, %jit3A_287 : i32
      %sign3A_289 = arith.constant 0 : i32
      %sign3A_290 = arith.cmpi sgt, %reduce_max3A_52, %sign3A_289 : i32
      %sign3A_291 = arith.extui %sign3A_290 : i1 to i32
      %sign3A_292 = arith.constant 0 : i32
      %sign3A_293 = arith.cmpi slt, %reduce_max3A_52, %sign3A_292 : i32
      %sign3A_294 = arith.extui %sign3A_293 : i1 to i32
      %sign3A_295 = arith.subi %sign3A_291, %sign3A_294 : i32
      %sign3A_296 = arith.constant 0 : i32
      %sign3A_297 = arith.cmpi sgt, %jit3A_287, %sign3A_296 : i32
      %sign3A_298 = arith.extui %sign3A_297 : i1 to i32
      %sign3A_299 = arith.constant 0 : i32
      %sign3A_300 = arith.cmpi slt, %jit3A_287, %sign3A_299 : i32
      %sign3A_301 = arith.extui %sign3A_300 : i1 to i32
      %sign3A_302 = arith.subi %sign3A_298, %sign3A_301 : i32
      %ne3A_303 = arith.cmpi ne, %sign3A_295, %sign3A_302 : i32
      %rem3A_304 = arith.remsi %reduce_max3A_52, %jit3A_287 : i32
      %ne3A_305 = arith.constant 0 : i32
      %ne3A_306 = arith.cmpi ne, %rem3A_304, %ne3A_305 : i32
      %and3A_307 = arith.andi %ne3A_303, %ne3A_306 : i1
      %sub3A_308 = arith.constant 1 : i32
      %sub3A_309 = arith.subi %div3A_288, %sub3A_308 : i32
      %select_n3A_310 = arith.select %and3A_307, %sub3A_309, %div3A_288 : i32
      %mul3A_311 = arith.constant 128 : i32
      %mul3A_312 = arith.muli %select_n3A_310, %mul3A_311 : i32
      %multiple_of3A_313 = tpu.assume_multiple %mul3A_312, 128 : i32
      %dma_start3A_314 = arith.constant 2 : i32
      %dma_start3A_315 = arith.constant 0 : i32
      %dma_start3A_316 = arith.constant 0 : i32
      %dma_start3A_317 = tpu.memref_slice %arg6[%dma_start3A_314, %dma_start3A_315, %dma_start3A_316] : memref<8x64x128xf32, #tpu.memory_space<vmem>> -> memref<1x64x128xf32, #tpu.memory_space<vmem>>
      %dma_start3A_318 = tpu.memref_squeeze %dma_start3A_317 : memref<1x64x128xf32, #tpu.memory_space<vmem>> -> memref<64x128xf32, #tpu.memory_space<vmem>>
      %dma_start3A_319 = arith.constant 0 : i32
      %dma_start3A_320 = tpu.memref_slice %arg2[%add3A_286, %dma_start3A_319, %multiple_of3A_313] : memref<128x64x8192xf32, #tpu.memory_space<hbm>> -> memref<1x64x128xf32, #tpu.memory_space<hbm>>
      %dma_start3A_321 = tpu.memref_squeeze %dma_start3A_320 : memref<1x64x128xf32, #tpu.memory_space<hbm>> -> memref<64x128xf32, #tpu.memory_space<hbm>>
      %dma_start3A_322 = arith.constant 0 : i32
      %dma_start3A_323 = arith.constant 0 : i32
      %dma_start3A_324 = tpu.memref_slice %arg6[%dma_start3A_314, %dma_start3A_322, %dma_start3A_323] : memref<8x64x128xf32, #tpu.memory_space<vmem>> -> memref<1x64x128xf32, #tpu.memory_space<vmem>>
      %dma_start3A_325 = tpu.memref_squeeze %dma_start3A_324 : memref<1x64x128xf32, #tpu.memory_space<vmem>> -> memref<64x128xf32, #tpu.memory_space<vmem>>
      %dma_start3A_326 = arith.constant 0 : i32
      %dma_start3A_327 = tpu.memref_slice %arg2[%add3A_286, %dma_start3A_326, %multiple_of3A_313] : memref<128x64x8192xf32, #tpu.memory_space<hbm>> -> memref<1x64x128xf32, #tpu.memory_space<hbm>>
      %dma_start3A_328 = tpu.memref_squeeze %dma_start3A_327 : memref<1x64x128xf32, #tpu.memory_space<hbm>> -> memref<64x128xf32, #tpu.memory_space<hbm>>
      tpu.enqueue_dma source(%dma_start3A_328 : memref<64x128xf32, #tpu.memory_space<hbm>>) target(%dma_start3A_325 : memref<64x128xf32, #tpu.memory_space<vmem>>) target_semaphore(%arg8 : memref<!tpu.dma_semaphore, #tpu.memory_space<semaphore_mem>>)
      %add3A_329 = arith.constant 3 : i32
      %add3A_330 = arith.addi %mul3A_14, %add3A_329 : i32
      %add3A_331 = arith.addi %mul3A_2, %add3A_330 : i32
      %jit3A_332 = arith.constant 32 : i32
      %div3A_333 = arith.divsi %add3A_331, %jit3A_332 : i32
      %sign3A_334 = arith.constant 0 : i32
      %sign3A_335 = arith.cmpi sgt, %add3A_331, %sign3A_334 : i32
      %sign3A_336 = arith.extui %sign3A_335 : i1 to i32
      %sign3A_337 = arith.constant 0 : i32
      %sign3A_338 = arith.cmpi slt, %add3A_331, %sign3A_337 : i32
      %sign3A_339 = arith.extui %sign3A_338 : i1 to i32
      %sign3A_340 = arith.subi %sign3A_336, %sign3A_339 : i32
      %sign3A_341 = arith.constant 0 : i32
      %sign3A_342 = arith.cmpi sgt, %jit3A_332, %sign3A_341 : i32
      %sign3A_343 = arith.extui %sign3A_342 : i1 to i32
      %sign3A_344 = arith.constant 0 : i32
      %sign3A_345 = arith.cmpi slt, %jit3A_332, %sign3A_344 : i32
      %sign3A_346 = arith.extui %sign3A_345 : i1 to i32
      %sign3A_347 = arith.subi %sign3A_343, %sign3A_346 : i32
      %ne3A_348 = arith.cmpi ne, %sign3A_340, %sign3A_347 : i32
      %rem3A_349 = arith.remsi %add3A_331, %jit3A_332 : i32
      %ne3A_350 = arith.constant 0 : i32
      %ne3A_351 = arith.cmpi ne, %rem3A_349, %ne3A_350 : i32
      %and3A_352 = arith.andi %ne3A_348, %ne3A_351 : i1
      %sub3A_353 = arith.constant 1 : i32
      %sub3A_354 = arith.subi %div3A_333, %sub3A_353 : i32
      %select_n3A_355 = arith.select %and3A_352, %sub3A_354, %div3A_333 : i32
      %add3A_356 = arith.constant 0 : i32
      %add3A_357 = arith.addi %add3A_356, %select_n3A_355 : i32
      %jit3A_358 = arith.constant 128 : i32
      %div3A_359 = arith.divsi %reduce_max3A_66, %jit3A_358 : i32
      %sign3A_360 = arith.constant 0 : i32
      %sign3A_361 = arith.cmpi sgt, %reduce_max3A_66, %sign3A_360 : i32
      %sign3A_362 = arith.extui %sign3A_361 : i1 to i32
      %sign3A_363 = arith.constant 0 : i32
      %sign3A_364 = arith.cmpi slt, %reduce_max3A_66, %sign3A_363 : i32
      %sign3A_365 = arith.extui %sign3A_364 : i1 to i32
      %sign3A_366 = arith.subi %sign3A_362, %sign3A_365 : i32
      %sign3A_367 = arith.constant 0 : i32
      %sign3A_368 = arith.cmpi sgt, %jit3A_358, %sign3A_367 : i32
      %sign3A_369 = arith.extui %sign3A_368 : i1 to i32
      %sign3A_370 = arith.constant 0 : i32
      %sign3A_371 = arith.cmpi slt, %jit3A_358, %sign3A_370 : i32
      %sign3A_372 = arith.extui %sign3A_371 : i1 to i32
      %sign3A_373 = arith.subi %sign3A_369, %sign3A_372 : i32
      %ne3A_374 = arith.cmpi ne, %sign3A_366, %sign3A_373 : i32
      %rem3A_375 = arith.remsi %reduce_max3A_66, %jit3A_358 : i32
      %ne3A_376 = arith.constant 0 : i32
      %ne3A_377 = arith.cmpi ne, %rem3A_375, %ne3A_376 : i32
      %and3A_378 = arith.andi %ne3A_374, %ne3A_377 : i1
      %sub3A_379 = arith.constant 1 : i32
      %sub3A_380 = arith.subi %div3A_359, %sub3A_379 : i32
      %select_n3A_381 = arith.select %and3A_378, %sub3A_380, %div3A_359 : i32
      %mul3A_382 = arith.constant 128 : i32
      %mul3A_383 = arith.muli %select_n3A_381, %mul3A_382 : i32
      %multiple_of3A_384 = tpu.assume_multiple %mul3A_383, 128 : i32
      %dma_start3A_385 = arith.constant 3 : i32
      %dma_start3A_386 = arith.constant 0 : i32
      %dma_start3A_387 = arith.constant 0 : i32
      %dma_start3A_388 = tpu.memref_slice %arg6[%dma_start3A_385, %dma_start3A_386, %dma_start3A_387] : memref<8x64x128xf32, #tpu.memory_space<vmem>> -> memref<1x64x128xf32, #tpu.memory_space<vmem>>
      %dma_start3A_389 = tpu.memref_squeeze %dma_start3A_388 : memref<1x64x128xf32, #tpu.memory_space<vmem>> -> memref<64x128xf32, #tpu.memory_space<vmem>>
      %dma_start3A_390 = arith.constant 0 : i32
      %dma_start3A_391 = tpu.memref_slice %arg2[%add3A_357, %dma_start3A_390, %multiple_of3A_384] : memref<128x64x8192xf32, #tpu.memory_space<hbm>> -> memref<1x64x128xf32, #tpu.memory_space<hbm>>
      %dma_start3A_392 = tpu.memref_squeeze %dma_start3A_391 : memref<1x64x128xf32, #tpu.memory_space<hbm>> -> memref<64x128xf32, #tpu.memory_space<hbm>>
      %dma_start3A_393 = arith.constant 0 : i32
      %dma_start3A_394 = arith.constant 0 : i32
      %dma_start3A_395 = tpu.memref_slice %arg6[%dma_start3A_385, %dma_start3A_393, %dma_start3A_394] : memref<8x64x128xf32, #tpu.memory_space<vmem>> -> memref<1x64x128xf32, #tpu.memory_space<vmem>>
      %dma_start3A_396 = tpu.memref_squeeze %dma_start3A_395 : memref<1x64x128xf32, #tpu.memory_space<vmem>> -> memref<64x128xf32, #tpu.memory_space<vmem>>
      %dma_start3A_397 = arith.constant 0 : i32
      %dma_start3A_398 = tpu.memref_slice %arg2[%add3A_357, %dma_start3A_397, %multiple_of3A_384] : memref<128x64x8192xf32, #tpu.memory_space<hbm>> -> memref<1x64x128xf32, #tpu.memory_space<hbm>>
      %dma_start3A_399 = tpu.memref_squeeze %dma_start3A_398 : memref<1x64x128xf32, #tpu.memory_space<hbm>> -> memref<64x128xf32, #tpu.memory_space<hbm>>
      tpu.enqueue_dma source(%dma_start3A_399 : memref<64x128xf32, #tpu.memory_space<hbm>>) target(%dma_start3A_396 : memref<64x128xf32, #tpu.memory_space<vmem>>) target_semaphore(%arg8 : memref<!tpu.dma_semaphore, #tpu.memory_space<semaphore_mem>>)
      %add3A_400 = arith.constant 4 : i32
      %add3A_401 = arith.addi %mul3A_14, %add3A_400 : i32
      %add3A_402 = arith.addi %mul3A_2, %add3A_401 : i32
      %jit3A_403 = arith.constant 32 : i32
      %div3A_404 = arith.divsi %add3A_402, %jit3A_403 : i32
      %sign3A_405 = arith.constant 0 : i32
      %sign3A_406 = arith.cmpi sgt, %add3A_402, %sign3A_405 : i32
      %sign3A_407 = arith.extui %sign3A_406 : i1 to i32
      %sign3A_408 = arith.constant 0 : i32
      %sign3A_409 = arith.cmpi slt, %add3A_402, %sign3A_408 : i32
      %sign3A_410 = arith.extui %sign3A_409 : i1 to i32
      %sign3A_411 = arith.subi %sign3A_407, %sign3A_410 : i32
      %sign3A_412 = arith.constant 0 : i32
      %sign3A_413 = arith.cmpi sgt, %jit3A_403, %sign3A_412 : i32
      %sign3A_414 = arith.extui %sign3A_413 : i1 to i32
      %sign3A_415 = arith.constant 0 : i32
      %sign3A_416 = arith.cmpi slt, %jit3A_403, %sign3A_415 : i32
      %sign3A_417 = arith.extui %sign3A_416 : i1 to i32
      %sign3A_418 = arith.subi %sign3A_414, %sign3A_417 : i32
      %ne3A_419 = arith.cmpi ne, %sign3A_411, %sign3A_418 : i32
      %rem3A_420 = arith.remsi %add3A_402, %jit3A_403 : i32
      %ne3A_421 = arith.constant 0 : i32
      %ne3A_422 = arith.cmpi ne, %rem3A_420, %ne3A_421 : i32
      %and3A_423 = arith.andi %ne3A_419, %ne3A_422 : i1
      %sub3A_424 = arith.constant 1 : i32
      %sub3A_425 = arith.subi %div3A_404, %sub3A_424 : i32
      %select_n3A_426 = arith.select %and3A_423, %sub3A_425, %div3A_404 : i32
      %add3A_427 = arith.constant 0 : i32
      %add3A_428 = arith.addi %add3A_427, %select_n3A_426 : i32
      %jit3A_429 = arith.constant 128 : i32
      %div3A_430 = arith.divsi %reduce_max3A_80, %jit3A_429 : i32
      %sign3A_431 = arith.constant 0 : i32
      %sign3A_432 = arith.cmpi sgt, %reduce_max3A_80, %sign3A_431 : i32
      %sign3A_433 = arith.extui %sign3A_432 : i1 to i32
      %sign3A_434 = arith.constant 0 : i32
      %sign3A_435 = arith.cmpi slt, %reduce_max3A_80, %sign3A_434 : i32
      %sign3A_436 = arith.extui %sign3A_435 : i1 to i32
      %sign3A_437 = arith.subi %sign3A_433, %sign3A_436 : i32
      %sign3A_438 = arith.constant 0 : i32
      %sign3A_439 = arith.cmpi sgt, %jit3A_429, %sign3A_438 : i32
      %sign3A_440 = arith.extui %sign3A_439 : i1 to i32
      %sign3A_441 = arith.constant 0 : i32
      %sign3A_442 = arith.cmpi slt, %jit3A_429, %sign3A_441 : i32
      %sign3A_443 = arith.extui %sign3A_442 : i1 to i32
      %sign3A_444 = arith.subi %sign3A_440, %sign3A_443 : i32
      %ne3A_445 = arith.cmpi ne, %sign3A_437, %sign3A_444 : i32
      %rem3A_446 = arith.remsi %reduce_max3A_80, %jit3A_429 : i32
      %ne3A_447 = arith.constant 0 : i32
      %ne3A_448 = arith.cmpi ne, %rem3A_446, %ne3A_447 : i32
      %and3A_449 = arith.andi %ne3A_445, %ne3A_448 : i1
      %sub3A_450 = arith.constant 1 : i32
      %sub3A_451 = arith.subi %div3A_430, %sub3A_450 : i32
      %select_n3A_452 = arith.select %and3A_449, %sub3A_451, %div3A_430 : i32
      %mul3A_453 = arith.constant 128 : i32
      %mul3A_454 = arith.muli %select_n3A_452, %mul3A_453 : i32
      %multiple_of3A_455 = tpu.assume_multiple %mul3A_454, 128 : i32
      %dma_start3A_456 = arith.constant 4 : i32
      %dma_start3A_457 = arith.constant 0 : i32
      %dma_start3A_458 = arith.constant 0 : i32
      %dma_start3A_459 = tpu.memref_slice %arg6[%dma_start3A_456, %dma_start3A_457, %dma_start3A_458] : memref<8x64x128xf32, #tpu.memory_space<vmem>> -> memref<1x64x128xf32, #tpu.memory_space<vmem>>
      %dma_start3A_460 = tpu.memref_squeeze %dma_start3A_459 : memref<1x64x128xf32, #tpu.memory_space<vmem>> -> memref<64x128xf32, #tpu.memory_space<vmem>>
      %dma_start3A_461 = arith.constant 0 : i32
      %dma_start3A_462 = tpu.memref_slice %arg2[%add3A_428, %dma_start3A_461, %multiple_of3A_455] : memref<128x64x8192xf32, #tpu.memory_space<hbm>> -> memref<1x64x128xf32, #tpu.memory_space<hbm>>
      %dma_start3A_463 = tpu.memref_squeeze %dma_start3A_462 : memref<1x64x128xf32, #tpu.memory_space<hbm>> -> memref<64x128xf32, #tpu.memory_space<hbm>>
      %dma_start3A_464 = arith.constant 0 : i32
      %dma_start3A_465 = arith.constant 0 : i32
      %dma_start3A_466 = tpu.memref_slice %arg6[%dma_start3A_456, %dma_start3A_464, %dma_start3A_465] : memref<8x64x128xf32, #tpu.memory_space<vmem>> -> memref<1x64x128xf32, #tpu.memory_space<vmem>>
      %dma_start3A_467 = tpu.memref_squeeze %dma_start3A_466 : memref<1x64x128xf32, #tpu.memory_space<vmem>> -> memref<64x128xf32, #tpu.memory_space<vmem>>
      %dma_start3A_468 = arith.constant 0 : i32
      %dma_start3A_469 = tpu.memref_slice %arg2[%add3A_428, %dma_start3A_468, %multiple_of3A_455] : memref<128x64x8192xf32, #tpu.memory_space<hbm>> -> memref<1x64x128xf32, #tpu.memory_space<hbm>>
      %dma_start3A_470 = tpu.memref_squeeze %dma_start3A_469 : memref<1x64x128xf32, #tpu.memory_space<hbm>> -> memref<64x128xf32, #tpu.memory_space<hbm>>
      tpu.enqueue_dma source(%dma_start3A_470 : memref<64x128xf32, #tpu.memory_space<hbm>>) target(%dma_start3A_467 : memref<64x128xf32, #tpu.memory_space<vmem>>) target_semaphore(%arg8 : memref<!tpu.dma_semaphore, #tpu.memory_space<semaphore_mem>>)
      %add3A_471 = arith.constant 5 : i32
      %add3A_472 = arith.addi %mul3A_14, %add3A_471 : i32
      %add3A_473 = arith.addi %mul3A_2, %add3A_472 : i32
      %jit3A_474 = arith.constant 32 : i32
      %div3A_475 = arith.divsi %add3A_473, %jit3A_474 : i32
      %sign3A_476 = arith.constant 0 : i32
      %sign3A_477 = arith.cmpi sgt, %add3A_473, %sign3A_476 : i32
      %sign3A_478 = arith.extui %sign3A_477 : i1 to i32
      %sign3A_479 = arith.constant 0 : i32
      %sign3A_480 = arith.cmpi slt, %add3A_473, %sign3A_479 : i32
      %sign3A_481 = arith.extui %sign3A_480 : i1 to i32
      %sign3A_482 = arith.subi %sign3A_478, %sign3A_481 : i32
      %sign3A_483 = arith.constant 0 : i32
      %sign3A_484 = arith.cmpi sgt, %jit3A_474, %sign3A_483 : i32
      %sign3A_485 = arith.extui %sign3A_484 : i1 to i32
      %sign3A_486 = arith.constant 0 : i32
      %sign3A_487 = arith.cmpi slt, %jit3A_474, %sign3A_486 : i32
      %sign3A_488 = arith.extui %sign3A_487 : i1 to i32
      %sign3A_489 = arith.subi %sign3A_485, %sign3A_488 : i32
      %ne3A_490 = arith.cmpi ne, %sign3A_482, %sign3A_489 : i32
      %rem3A_491 = arith.remsi %add3A_473, %jit3A_474 : i32
      %ne3A_492 = arith.constant 0 : i32
      %ne3A_493 = arith.cmpi ne, %rem3A_491, %ne3A_492 : i32
      %and3A_494 = arith.andi %ne3A_490, %ne3A_493 : i1
      %sub3A_495 = arith.constant 1 : i32
      %sub3A_496 = arith.subi %div3A_475, %sub3A_495 : i32
      %select_n3A_497 = arith.select %and3A_494, %sub3A_496, %div3A_475 : i32
      %add3A_498 = arith.constant 0 : i32
      %add3A_499 = arith.addi %add3A_498, %select_n3A_497 : i32
      %jit3A_500 = arith.constant 128 : i32
      %div3A_501 = arith.divsi %reduce_max3A_94, %jit3A_500 : i32
      %sign3A_502 = arith.constant 0 : i32
      %sign3A_503 = arith.cmpi sgt, %reduce_max3A_94, %sign3A_502 : i32
      %sign3A_504 = arith.extui %sign3A_503 : i1 to i32
      %sign3A_505 = arith.constant 0 : i32
      %sign3A_506 = arith.cmpi slt, %reduce_max3A_94, %sign3A_505 : i32
      %sign3A_507 = arith.extui %sign3A_506 : i1 to i32
      %sign3A_508 = arith.subi %sign3A_504, %sign3A_507 : i32
      %sign3A_509 = arith.constant 0 : i32
      %sign3A_510 = arith.cmpi sgt, %jit3A_500, %sign3A_509 : i32
      %sign3A_511 = arith.extui %sign3A_510 : i1 to i32
      %sign3A_512 = arith.constant 0 : i32
      %sign3A_513 = arith.cmpi slt, %jit3A_500, %sign3A_512 : i32
      %sign3A_514 = arith.extui %sign3A_513 : i1 to i32
      %sign3A_515 = arith.subi %sign3A_511, %sign3A_514 : i32
      %ne3A_516 = arith.cmpi ne, %sign3A_508, %sign3A_515 : i32
      %rem3A_517 = arith.remsi %reduce_max3A_94, %jit3A_500 : i32
      %ne3A_518 = arith.constant 0 : i32
      %ne3A_519 = arith.cmpi ne, %rem3A_517, %ne3A_518 : i32
      %and3A_520 = arith.andi %ne3A_516, %ne3A_519 : i1
      %sub3A_521 = arith.constant 1 : i32
      %sub3A_522 = arith.subi %div3A_501, %sub3A_521 : i32
      %select_n3A_523 = arith.select %and3A_520, %sub3A_522, %div3A_501 : i32
      %mul3A_524 = arith.constant 128 : i32
      %mul3A_525 = arith.muli %select_n3A_523, %mul3A_524 : i32
      %multiple_of3A_526 = tpu.assume_multiple %mul3A_525, 128 : i32
      %dma_start3A_527 = arith.constant 5 : i32
      %dma_start3A_528 = arith.constant 0 : i32
      %dma_start3A_529 = arith.constant 0 : i32
      %dma_start3A_530 = tpu.memref_slice %arg6[%dma_start3A_527, %dma_start3A_528, %dma_start3A_529] : memref<8x64x128xf32, #tpu.memory_space<vmem>> -> memref<1x64x128xf32, #tpu.memory_space<vmem>>
      %dma_start3A_531 = tpu.memref_squeeze %dma_start3A_530 : memref<1x64x128xf32, #tpu.memory_space<vmem>> -> memref<64x128xf32, #tpu.memory_space<vmem>>
      %dma_start3A_532 = arith.constant 0 : i32
      %dma_start3A_533 = tpu.memref_slice %arg2[%add3A_499, %dma_start3A_532, %multiple_of3A_526] : memref<128x64x8192xf32, #tpu.memory_space<hbm>> -> memref<1x64x128xf32, #tpu.memory_space<hbm>>
      %dma_start3A_534 = tpu.memref_squeeze %dma_start3A_533 : memref<1x64x128xf32, #tpu.memory_space<hbm>> -> memref<64x128xf32, #tpu.memory_space<hbm>>
      %dma_start3A_535 = arith.constant 0 : i32
      %dma_start3A_536 = arith.constant 0 : i32
      %dma_start3A_537 = tpu.memref_slice %arg6[%dma_start3A_527, %dma_start3A_535, %dma_start3A_536] : memref<8x64x128xf32, #tpu.memory_space<vmem>> -> memref<1x64x128xf32, #tpu.memory_space<vmem>>
      %dma_start3A_538 = tpu.memref_squeeze %dma_start3A_537 : memref<1x64x128xf32, #tpu.memory_space<vmem>> -> memref<64x128xf32, #tpu.memory_space<vmem>>
      %dma_start3A_539 = arith.constant 0 : i32
      %dma_start3A_540 = tpu.memref_slice %arg2[%add3A_499, %dma_start3A_539, %multiple_of3A_526] : memref<128x64x8192xf32, #tpu.memory_space<hbm>> -> memref<1x64x128xf32, #tpu.memory_space<hbm>>
      %dma_start3A_541 = tpu.memref_squeeze %dma_start3A_540 : memref<1x64x128xf32, #tpu.memory_space<hbm>> -> memref<64x128xf32, #tpu.memory_space<hbm>>
      tpu.enqueue_dma source(%dma_start3A_541 : memref<64x128xf32, #tpu.memory_space<hbm>>) target(%dma_start3A_538 : memref<64x128xf32, #tpu.memory_space<vmem>>) target_semaphore(%arg8 : memref<!tpu.dma_semaphore, #tpu.memory_space<semaphore_mem>>)
      %add3A_542 = arith.constant 6 : i32
      %add3A_543 = arith.addi %mul3A_14, %add3A_542 : i32
      %add3A_544 = arith.addi %mul3A_2, %add3A_543 : i32
      %jit3A_545 = arith.constant 32 : i32
      %div3A_546 = arith.divsi %add3A_544, %jit3A_545 : i32
      %sign3A_547 = arith.constant 0 : i32
      %sign3A_548 = arith.cmpi sgt, %add3A_544, %sign3A_547 : i32
      %sign3A_549 = arith.extui %sign3A_548 : i1 to i32
      %sign3A_550 = arith.constant 0 : i32
      %sign3A_551 = arith.cmpi slt, %add3A_544, %sign3A_550 : i32
      %sign3A_552 = arith.extui %sign3A_551 : i1 to i32
      %sign3A_553 = arith.subi %sign3A_549, %sign3A_552 : i32
      %sign3A_554 = arith.constant 0 : i32
      %sign3A_555 = arith.cmpi sgt, %jit3A_545, %sign3A_554 : i32
      %sign3A_556 = arith.extui %sign3A_555 : i1 to i32
      %sign3A_557 = arith.constant 0 : i32
      %sign3A_558 = arith.cmpi slt, %jit3A_545, %sign3A_557 : i32
      %sign3A_559 = arith.extui %sign3A_558 : i1 to i32
      %sign3A_560 = arith.subi %sign3A_556, %sign3A_559 : i32
      %ne3A_561 = arith.cmpi ne, %sign3A_553, %sign3A_560 : i32
      %rem3A_562 = arith.remsi %add3A_544, %jit3A_545 : i32
      %ne3A_563 = arith.constant 0 : i32
      %ne3A_564 = arith.cmpi ne, %rem3A_562, %ne3A_563 : i32
      %and3A_565 = arith.andi %ne3A_561, %ne3A_564 : i1
      %sub3A_566 = arith.constant 1 : i32
      %sub3A_567 = arith.subi %div3A_546, %sub3A_566 : i32
      %select_n3A_568 = arith.select %and3A_565, %sub3A_567, %div3A_546 : i32
      %add3A_569 = arith.constant 0 : i32
      %add3A_570 = arith.addi %add3A_569, %select_n3A_568 : i32
      %jit3A_571 = arith.constant 128 : i32
      %div3A_572 = arith.divsi %reduce_max3A_108, %jit3A_571 : i32
      %sign3A_573 = arith.constant 0 : i32
      %sign3A_574 = arith.cmpi sgt, %reduce_max3A_108, %sign3A_573 : i32
      %sign3A_575 = arith.extui %sign3A_574 : i1 to i32
      %sign3A_576 = arith.constant 0 : i32
      %sign3A_577 = arith.cmpi slt, %reduce_max3A_108, %sign3A_576 : i32
      %sign3A_578 = arith.extui %sign3A_577 : i1 to i32
      %sign3A_579 = arith.subi %sign3A_575, %sign3A_578 : i32
      %sign3A_580 = arith.constant 0 : i32
      %sign3A_581 = arith.cmpi sgt, %jit3A_571, %sign3A_580 : i32
      %sign3A_582 = arith.extui %sign3A_581 : i1 to i32
      %sign3A_583 = arith.constant 0 : i32
      %sign3A_584 = arith.cmpi slt, %jit3A_571, %sign3A_583 : i32
      %sign3A_585 = arith.extui %sign3A_584 : i1 to i32
      %sign3A_586 = arith.subi %sign3A_582, %sign3A_585 : i32
      %ne3A_587 = arith.cmpi ne, %sign3A_579, %sign3A_586 : i32
      %rem3A_588 = arith.remsi %reduce_max3A_108, %jit3A_571 : i32
      %ne3A_589 = arith.constant 0 : i32
      %ne3A_590 = arith.cmpi ne, %rem3A_588, %ne3A_589 : i32
      %and3A_591 = arith.andi %ne3A_587, %ne3A_590 : i1
      %sub3A_592 = arith.constant 1 : i32
      %sub3A_593 = arith.subi %div3A_572, %sub3A_592 : i32
      %select_n3A_594 = arith.select %and3A_591, %sub3A_593, %div3A_572 : i32
      %mul3A_595 = arith.constant 128 : i32
      %mul3A_596 = arith.muli %select_n3A_594, %mul3A_595 : i32
      %multiple_of3A_597 = tpu.assume_multiple %mul3A_596, 128 : i32
      %dma_start3A_598 = arith.constant 6 : i32
      %dma_start3A_599 = arith.constant 0 : i32
      %dma_start3A_600 = arith.constant 0 : i32
      %dma_start3A_601 = tpu.memref_slice %arg6[%dma_start3A_598, %dma_start3A_599, %dma_start3A_600] : memref<8x64x128xf32, #tpu.memory_space<vmem>> -> memref<1x64x128xf32, #tpu.memory_space<vmem>>
      %dma_start3A_602 = tpu.memref_squeeze %dma_start3A_601 : memref<1x64x128xf32, #tpu.memory_space<vmem>> -> memref<64x128xf32, #tpu.memory_space<vmem>>
      %dma_start3A_603 = arith.constant 0 : i32
      %dma_start3A_604 = tpu.memref_slice %arg2[%add3A_570, %dma_start3A_603, %multiple_of3A_597] : memref<128x64x8192xf32, #tpu.memory_space<hbm>> -> memref<1x64x128xf32, #tpu.memory_space<hbm>>
      %dma_start3A_605 = tpu.memref_squeeze %dma_start3A_604 : memref<1x64x128xf32, #tpu.memory_space<hbm>> -> memref<64x128xf32, #tpu.memory_space<hbm>>
      %dma_start3A_606 = arith.constant 0 : i32
      %dma_start3A_607 = arith.constant 0 : i32
      %dma_start3A_608 = tpu.memref_slice %arg6[%dma_start3A_598, %dma_start3A_606, %dma_start3A_607] : memref<8x64x128xf32, #tpu.memory_space<vmem>> -> memref<1x64x128xf32, #tpu.memory_space<vmem>>
      %dma_start3A_609 = tpu.memref_squeeze %dma_start3A_608 : memref<1x64x128xf32, #tpu.memory_space<vmem>> -> memref<64x128xf32, #tpu.memory_space<vmem>>
      %dma_start3A_610 = arith.constant 0 : i32
      %dma_start3A_611 = tpu.memref_slice %arg2[%add3A_570, %dma_start3A_610, %multiple_of3A_597] : memref<128x64x8192xf32, #tpu.memory_space<hbm>> -> memref<1x64x128xf32, #tpu.memory_space<hbm>>
      %dma_start3A_612 = tpu.memref_squeeze %dma_start3A_611 : memref<1x64x128xf32, #tpu.memory_space<hbm>> -> memref<64x128xf32, #tpu.memory_space<hbm>>
      tpu.enqueue_dma source(%dma_start3A_612 : memref<64x128xf32, #tpu.memory_space<hbm>>) target(%dma_start3A_609 : memref<64x128xf32, #tpu.memory_space<vmem>>) target_semaphore(%arg8 : memref<!tpu.dma_semaphore, #tpu.memory_space<semaphore_mem>>)
      %add3A_613 = arith.constant 7 : i32
      %add3A_614 = arith.addi %mul3A_14, %add3A_613 : i32
      %add3A_615 = arith.addi %mul3A_2, %add3A_614 : i32
      %jit3A_616 = arith.constant 32 : i32
      %div3A_617 = arith.divsi %add3A_615, %jit3A_616 : i32
      %sign3A_618 = arith.constant 0 : i32
      %sign3A_619 = arith.cmpi sgt, %add3A_615, %sign3A_618 : i32
      %sign3A_620 = arith.extui %sign3A_619 : i1 to i32
      %sign3A_621 = arith.constant 0 : i32
      %sign3A_622 = arith.cmpi slt, %add3A_615, %sign3A_621 : i32
      %sign3A_623 = arith.extui %sign3A_622 : i1 to i32
      %sign3A_624 = arith.subi %sign3A_620, %sign3A_623 : i32
      %sign3A_625 = arith.constant 0 : i32
      %sign3A_626 = arith.cmpi sgt, %jit3A_616, %sign3A_625 : i32
      %sign3A_627 = arith.extui %sign3A_626 : i1 to i32
      %sign3A_628 = arith.constant 0 : i32
      %sign3A_629 = arith.cmpi slt, %jit3A_616, %sign3A_628 : i32
      %sign3A_630 = arith.extui %sign3A_629 : i1 to i32
      %sign3A_631 = arith.subi %sign3A_627, %sign3A_630 : i32
      %ne3A_632 = arith.cmpi ne, %sign3A_624, %sign3A_631 : i32
      %rem3A_633 = arith.remsi %add3A_615, %jit3A_616 : i32
      %ne3A_634 = arith.constant 0 : i32
      %ne3A_635 = arith.cmpi ne, %rem3A_633, %ne3A_634 : i32
      %and3A_636 = arith.andi %ne3A_632, %ne3A_635 : i1
      %sub3A_637 = arith.constant 1 : i32
      %sub3A_638 = arith.subi %div3A_617, %sub3A_637 : i32
      %select_n3A_639 = arith.select %and3A_636, %sub3A_638, %div3A_617 : i32
      %add3A_640 = arith.constant 0 : i32
      %add3A_641 = arith.addi %add3A_640, %select_n3A_639 : i32
      %jit3A_642 = arith.constant 128 : i32
      %div3A_643 = arith.divsi %reduce_max3A_122, %jit3A_642 : i32
      %sign3A_644 = arith.constant 0 : i32
      %sign3A_645 = arith.cmpi sgt, %reduce_max3A_122, %sign3A_644 : i32
      %sign3A_646 = arith.extui %sign3A_645 : i1 to i32
      %sign3A_647 = arith.constant 0 : i32
      %sign3A_648 = arith.cmpi slt, %reduce_max3A_122, %sign3A_647 : i32
      %sign3A_649 = arith.extui %sign3A_648 : i1 to i32
      %sign3A_650 = arith.subi %sign3A_646, %sign3A_649 : i32
      %sign3A_651 = arith.constant 0 : i32
      %sign3A_652 = arith.cmpi sgt, %jit3A_642, %sign3A_651 : i32
      %sign3A_653 = arith.extui %sign3A_652 : i1 to i32
      %sign3A_654 = arith.constant 0 : i32
      %sign3A_655 = arith.cmpi slt, %jit3A_642, %sign3A_654 : i32
      %sign3A_656 = arith.extui %sign3A_655 : i1 to i32
      %sign3A_657 = arith.subi %sign3A_653, %sign3A_656 : i32
      %ne3A_658 = arith.cmpi ne, %sign3A_650, %sign3A_657 : i32
      %rem3A_659 = arith.remsi %reduce_max3A_122, %jit3A_642 : i32
      %ne3A_660 = arith.constant 0 : i32
      %ne3A_661 = arith.cmpi ne, %rem3A_659, %ne3A_660 : i32
      %and3A_662 = arith.andi %ne3A_658, %ne3A_661 : i1
      %sub3A_663 = arith.constant 1 : i32
      %sub3A_664 = arith.subi %div3A_643, %sub3A_663 : i32
      %select_n3A_665 = arith.select %and3A_662, %sub3A_664, %div3A_643 : i32
      %mul3A_666 = arith.constant 128 : i32
      %mul3A_667 = arith.muli %select_n3A_665, %mul3A_666 : i32
      %multiple_of3A_668 = tpu.assume_multiple %mul3A_667, 128 : i32
      %dma_start3A_669 = arith.constant 7 : i32
      %dma_start3A_670 = arith.constant 0 : i32
      %dma_start3A_671 = arith.constant 0 : i32
      %dma_start3A_672 = tpu.memref_slice %arg6[%dma_start3A_669, %dma_start3A_670, %dma_start3A_671] : memref<8x64x128xf32, #tpu.memory_space<vmem>> -> memref<1x64x128xf32, #tpu.memory_space<vmem>>
      %dma_start3A_673 = tpu.memref_squeeze %dma_start3A_672 : memref<1x64x128xf32, #tpu.memory_space<vmem>> -> memref<64x128xf32, #tpu.memory_space<vmem>>
      %dma_start3A_674 = arith.constant 0 : i32
      %dma_start3A_675 = tpu.memref_slice %arg2[%add3A_641, %dma_start3A_674, %multiple_of3A_668] : memref<128x64x8192xf32, #tpu.memory_space<hbm>> -> memref<1x64x128xf32, #tpu.memory_space<hbm>>
      %dma_start3A_676 = tpu.memref_squeeze %dma_start3A_675 : memref<1x64x128xf32, #tpu.memory_space<hbm>> -> memref<64x128xf32, #tpu.memory_space<hbm>>
      %dma_start3A_677 = arith.constant 0 : i32
      %dma_start3A_678 = arith.constant 0 : i32
      %dma_start3A_679 = tpu.memref_slice %arg6[%dma_start3A_669, %dma_start3A_677, %dma_start3A_678] : memref<8x64x128xf32, #tpu.memory_space<vmem>> -> memref<1x64x128xf32, #tpu.memory_space<vmem>>
      %dma_start3A_680 = tpu.memref_squeeze %dma_start3A_679 : memref<1x64x128xf32, #tpu.memory_space<vmem>> -> memref<64x128xf32, #tpu.memory_space<vmem>>
      %dma_start3A_681 = arith.constant 0 : i32
      %dma_start3A_682 = tpu.memref_slice %arg2[%add3A_641, %dma_start3A_681, %multiple_of3A_668] : memref<128x64x8192xf32, #tpu.memory_space<hbm>> -> memref<1x64x128xf32, #tpu.memory_space<hbm>>
      %dma_start3A_683 = tpu.memref_squeeze %dma_start3A_682 : memref<1x64x128xf32, #tpu.memory_space<hbm>> -> memref<64x128xf32, #tpu.memory_space<hbm>>
      tpu.enqueue_dma source(%dma_start3A_683 : memref<64x128xf32, #tpu.memory_space<hbm>>) target(%dma_start3A_680 : memref<64x128xf32, #tpu.memory_space<vmem>>) target_semaphore(%arg8 : memref<!tpu.dma_semaphore, #tpu.memory_space<semaphore_mem>>)
      %add3A_684 = arith.constant 0 : i32
      %add3A_685 = arith.addi %mul3A_14, %add3A_684 : i32
      %add3A_686 = arith.addi %mul3A_2, %add3A_685 : i32
      %jit3A_687 = arith.constant 32 : i32
      %div3A_688 = arith.divsi %add3A_686, %jit3A_687 : i32
      %sign3A_689 = arith.constant 0 : i32
      %sign3A_690 = arith.cmpi sgt, %add3A_686, %sign3A_689 : i32
      %sign3A_691 = arith.extui %sign3A_690 : i1 to i32
      %sign3A_692 = arith.constant 0 : i32
      %sign3A_693 = arith.cmpi slt, %add3A_686, %sign3A_692 : i32
      %sign3A_694 = arith.extui %sign3A_693 : i1 to i32
      %sign3A_695 = arith.subi %sign3A_691, %sign3A_694 : i32
      %sign3A_696 = arith.constant 0 : i32
      %sign3A_697 = arith.cmpi sgt, %jit3A_687, %sign3A_696 : i32
      %sign3A_698 = arith.extui %sign3A_697 : i1 to i32
      %sign3A_699 = arith.constant 0 : i32
      %sign3A_700 = arith.cmpi slt, %jit3A_687, %sign3A_699 : i32
      %sign3A_701 = arith.extui %sign3A_700 : i1 to i32
      %sign3A_702 = arith.subi %sign3A_698, %sign3A_701 : i32
      %ne3A_703 = arith.cmpi ne, %sign3A_695, %sign3A_702 : i32
      %rem3A_704 = arith.remsi %add3A_686, %jit3A_687 : i32
      %ne3A_705 = arith.constant 0 : i32
      %ne3A_706 = arith.cmpi ne, %rem3A_704, %ne3A_705 : i32
      %and3A_707 = arith.andi %ne3A_703, %ne3A_706 : i1
      %sub3A_708 = arith.constant 1 : i32
      %sub3A_709 = arith.subi %div3A_688, %sub3A_708 : i32
      %select_n3A_710 = arith.select %and3A_707, %sub3A_709, %div3A_688 : i32
      %add3A_711 = arith.constant 0 : i32
      %add3A_712 = arith.addi %add3A_711, %select_n3A_710 : i32
      %jit3A_713 = arith.constant 128 : i32
      %div3A_714 = arith.divsi %reduce_max3A_24, %jit3A_713 : i32
      %sign3A_715 = arith.constant 0 : i32
      %sign3A_716 = arith.cmpi sgt, %reduce_max3A_24, %sign3A_715 : i32
      %sign3A_717 = arith.extui %sign3A_716 : i1 to i32
      %sign3A_718 = arith.constant 0 : i32
      %sign3A_719 = arith.cmpi slt, %reduce_max3A_24, %sign3A_718 : i32
      %sign3A_720 = arith.extui %sign3A_719 : i1 to i32
      %sign3A_721 = arith.subi %sign3A_717, %sign3A_720 : i32
      %sign3A_722 = arith.constant 0 : i32
      %sign3A_723 = arith.cmpi sgt, %jit3A_713, %sign3A_722 : i32
      %sign3A_724 = arith.extui %sign3A_723 : i1 to i32
      %sign3A_725 = arith.constant 0 : i32
      %sign3A_726 = arith.cmpi slt, %jit3A_713, %sign3A_725 : i32
      %sign3A_727 = arith.extui %sign3A_726 : i1 to i32
      %sign3A_728 = arith.subi %sign3A_724, %sign3A_727 : i32
      %ne3A_729 = arith.cmpi ne, %sign3A_721, %sign3A_728 : i32
      %rem3A_730 = arith.remsi %reduce_max3A_24, %jit3A_713 : i32
      %ne3A_731 = arith.constant 0 : i32
      %ne3A_732 = arith.cmpi ne, %rem3A_730, %ne3A_731 : i32
      %and3A_733 = arith.andi %ne3A_729, %ne3A_732 : i1
      %sub3A_734 = arith.constant 1 : i32
      %sub3A_735 = arith.subi %div3A_714, %sub3A_734 : i32
      %select_n3A_736 = arith.select %and3A_733, %sub3A_735, %div3A_714 : i32
      %mul3A_737 = arith.constant 128 : i32
      %mul3A_738 = arith.muli %select_n3A_736, %mul3A_737 : i32
      %multiple_of3A_739 = tpu.assume_multiple %mul3A_738, 128 : i32
      %dma_wait3A = arith.constant 0 : i32
      %dma_wait3A_740 = arith.constant 0 : i32
      %dma_wait3A_741 = arith.constant 0 : i32
      %dma_wait3A_742 = tpu.memref_slice %arg6[%dma_wait3A, %dma_wait3A_740, %dma_wait3A_741] : memref<8x64x128xf32, #tpu.memory_space<vmem>> -> memref<1x64x128xf32, #tpu.memory_space<vmem>>
      %dma_wait3A_743 = tpu.memref_squeeze %dma_wait3A_742 : memref<1x64x128xf32, #tpu.memory_space<vmem>> -> memref<64x128xf32, #tpu.memory_space<vmem>>
      %dma_wait3A_744 = arith.constant 0 : i32
      %dma_wait3A_745 = tpu.memref_slice %arg2[%add3A_712, %dma_wait3A_744, %multiple_of3A_739] : memref<128x64x8192xf32, #tpu.memory_space<hbm>> -> memref<1x64x128xf32, #tpu.memory_space<hbm>>
      %dma_wait3A_746 = tpu.memref_squeeze %dma_wait3A_745 : memref<1x64x128xf32, #tpu.memory_space<hbm>> -> memref<64x128xf32, #tpu.memory_space<hbm>>
      %dma_wait3A_747 = arith.constant 0 : i32
      %dma_wait3A_748 = arith.constant 0 : i32
      %dma_wait3A_749 = tpu.memref_slice %arg6[%dma_wait3A, %dma_wait3A_747, %dma_wait3A_748] : memref<8x64x128xf32, #tpu.memory_space<vmem>> -> memref<1x64x128xf32, #tpu.memory_space<vmem>>
      %dma_wait3A_750 = tpu.memref_squeeze %dma_wait3A_749 : memref<1x64x128xf32, #tpu.memory_space<vmem>> -> memref<64x128xf32, #tpu.memory_space<vmem>>
      %dma_wait3A_751 = arith.constant 0 : i32
      %dma_wait3A_752 = tpu.memref_slice %arg2[%add3A_712, %dma_wait3A_751, %multiple_of3A_739] : memref<128x64x8192xf32, #tpu.memory_space<hbm>> -> memref<1x64x128xf32, #tpu.memory_space<hbm>>
      %dma_wait3A_753 = tpu.memref_squeeze %dma_wait3A_752 : memref<1x64x128xf32, #tpu.memory_space<hbm>> -> memref<64x128xf32, #tpu.memory_space<hbm>>
      tpu.wait_dma2 semaphore(%arg8 : memref<!tpu.dma_semaphore, #tpu.memory_space<semaphore_mem>>) src(%dma_wait3A_753 : memref<64x128xf32, #tpu.memory_space<hbm>>) dst(%dma_wait3A_750 : memref<64x128xf32, #tpu.memory_space<vmem>>)
      %add3A_754 = arith.constant 1 : i32
      %add3A_755 = arith.addi %mul3A_14, %add3A_754 : i32
      %add3A_756 = arith.addi %mul3A_2, %add3A_755 : i32
      %jit3A_757 = arith.constant 32 : i32
      %div3A_758 = arith.divsi %add3A_756, %jit3A_757 : i32
      %sign3A_759 = arith.constant 0 : i32
      %sign3A_760 = arith.cmpi sgt, %add3A_756, %sign3A_759 : i32
      %sign3A_761 = arith.extui %sign3A_760 : i1 to i32
      %sign3A_762 = arith.constant 0 : i32
      %sign3A_763 = arith.cmpi slt, %add3A_756, %sign3A_762 : i32
      %sign3A_764 = arith.extui %sign3A_763 : i1 to i32
      %sign3A_765 = arith.subi %sign3A_761, %sign3A_764 : i32
      %sign3A_766 = arith.constant 0 : i32
      %sign3A_767 = arith.cmpi sgt, %jit3A_757, %sign3A_766 : i32
      %sign3A_768 = arith.extui %sign3A_767 : i1 to i32
      %sign3A_769 = arith.constant 0 : i32
      %sign3A_770 = arith.cmpi slt, %jit3A_757, %sign3A_769 : i32
      %sign3A_771 = arith.extui %sign3A_770 : i1 to i32
      %sign3A_772 = arith.subi %sign3A_768, %sign3A_771 : i32
      %ne3A_773 = arith.cmpi ne, %sign3A_765, %sign3A_772 : i32
      %rem3A_774 = arith.remsi %add3A_756, %jit3A_757 : i32
      %ne3A_775 = arith.constant 0 : i32
      %ne3A_776 = arith.cmpi ne, %rem3A_774, %ne3A_775 : i32
      %and3A_777 = arith.andi %ne3A_773, %ne3A_776 : i1
      %sub3A_778 = arith.constant 1 : i32
      %sub3A_779 = arith.subi %div3A_758, %sub3A_778 : i32
      %select_n3A_780 = arith.select %and3A_777, %sub3A_779, %div3A_758 : i32
      %add3A_781 = arith.constant 0 : i32
      %add3A_782 = arith.addi %add3A_781, %select_n3A_780 : i32
      %jit3A_783 = arith.constant 128 : i32
      %div3A_784 = arith.divsi %reduce_max3A_38, %jit3A_783 : i32
      %sign3A_785 = arith.constant 0 : i32
      %sign3A_786 = arith.cmpi sgt, %reduce_max3A_38, %sign3A_785 : i32
      %sign3A_787 = arith.extui %sign3A_786 : i1 to i32
      %sign3A_788 = arith.constant 0 : i32
      %sign3A_789 = arith.cmpi slt, %reduce_max3A_38, %sign3A_788 : i32
      %sign3A_790 = arith.extui %sign3A_789 : i1 to i32
      %sign3A_791 = arith.subi %sign3A_787, %sign3A_790 : i32
      %sign3A_792 = arith.constant 0 : i32
      %sign3A_793 = arith.cmpi sgt, %jit3A_783, %sign3A_792 : i32
      %sign3A_794 = arith.extui %sign3A_793 : i1 to i32
      %sign3A_795 = arith.constant 0 : i32
      %sign3A_796 = arith.cmpi slt, %jit3A_783, %sign3A_795 : i32
      %sign3A_797 = arith.extui %sign3A_796 : i1 to i32
      %sign3A_798 = arith.subi %sign3A_794, %sign3A_797 : i32
      %ne3A_799 = arith.cmpi ne, %sign3A_791, %sign3A_798 : i32
      %rem3A_800 = arith.remsi %reduce_max3A_38, %jit3A_783 : i32
      %ne3A_801 = arith.constant 0 : i32
      %ne3A_802 = arith.cmpi ne, %rem3A_800, %ne3A_801 : i32
      %and3A_803 = arith.andi %ne3A_799, %ne3A_802 : i1
      %sub3A_804 = arith.constant 1 : i32
      %sub3A_805 = arith.subi %div3A_784, %sub3A_804 : i32
      %select_n3A_806 = arith.select %and3A_803, %sub3A_805, %div3A_784 : i32
      %mul3A_807 = arith.constant 128 : i32
      %mul3A_808 = arith.muli %select_n3A_806, %mul3A_807 : i32
      %multiple_of3A_809 = tpu.assume_multiple %mul3A_808, 128 : i32
      %dma_wait3A_810 = arith.constant 1 : i32
      %dma_wait3A_811 = arith.constant 0 : i32
      %dma_wait3A_812 = arith.constant 0 : i32
      %dma_wait3A_813 = tpu.memref_slice %arg6[%dma_wait3A_810, %dma_wait3A_811, %dma_wait3A_812] : memref<8x64x128xf32, #tpu.memory_space<vmem>> -> memref<1x64x128xf32, #tpu.memory_space<vmem>>
      %dma_wait3A_814 = tpu.memref_squeeze %dma_wait3A_813 : memref<1x64x128xf32, #tpu.memory_space<vmem>> -> memref<64x128xf32, #tpu.memory_space<vmem>>
      %dma_wait3A_815 = arith.constant 0 : i32
      %dma_wait3A_816 = tpu.memref_slice %arg2[%add3A_782, %dma_wait3A_815, %multiple_of3A_809] : memref<128x64x8192xf32, #tpu.memory_space<hbm>> -> memref<1x64x128xf32, #tpu.memory_space<hbm>>
      %dma_wait3A_817 = tpu.memref_squeeze %dma_wait3A_816 : memref<1x64x128xf32, #tpu.memory_space<hbm>> -> memref<64x128xf32, #tpu.memory_space<hbm>>
      %dma_wait3A_818 = arith.constant 0 : i32
      %dma_wait3A_819 = arith.constant 0 : i32
      %dma_wait3A_820 = tpu.memref_slice %arg6[%dma_wait3A_810, %dma_wait3A_818, %dma_wait3A_819] : memref<8x64x128xf32, #tpu.memory_space<vmem>> -> memref<1x64x128xf32, #tpu.memory_space<vmem>>
      %dma_wait3A_821 = tpu.memref_squeeze %dma_wait3A_820 : memref<1x64x128xf32, #tpu.memory_space<vmem>> -> memref<64x128xf32, #tpu.memory_space<vmem>>
      %dma_wait3A_822 = arith.constant 0 : i32
      %dma_wait3A_823 = tpu.memref_slice %arg2[%add3A_782, %dma_wait3A_822, %multiple_of3A_809] : memref<128x64x8192xf32, #tpu.memory_space<hbm>> -> memref<1x64x128xf32, #tpu.memory_space<hbm>>
      %dma_wait3A_824 = tpu.memref_squeeze %dma_wait3A_823 : memref<1x64x128xf32, #tpu.memory_space<hbm>> -> memref<64x128xf32, #tpu.memory_space<hbm>>
      tpu.wait_dma2 semaphore(%arg8 : memref<!tpu.dma_semaphore, #tpu.memory_space<semaphore_mem>>) src(%dma_wait3A_824 : memref<64x128xf32, #tpu.memory_space<hbm>>) dst(%dma_wait3A_821 : memref<64x128xf32, #tpu.memory_space<vmem>>)
      %add3A_825 = arith.constant 2 : i32
      %add3A_826 = arith.addi %mul3A_14, %add3A_825 : i32
      %add3A_827 = arith.addi %mul3A_2, %add3A_826 : i32
      %jit3A_828 = arith.constant 32 : i32
      %div3A_829 = arith.divsi %add3A_827, %jit3A_828 : i32
      %sign3A_830 = arith.constant 0 : i32
      %sign3A_831 = arith.cmpi sgt, %add3A_827, %sign3A_830 : i32
      %sign3A_832 = arith.extui %sign3A_831 : i1 to i32
      %sign3A_833 = arith.constant 0 : i32
      %sign3A_834 = arith.cmpi slt, %add3A_827, %sign3A_833 : i32
      %sign3A_835 = arith.extui %sign3A_834 : i1 to i32
      %sign3A_836 = arith.subi %sign3A_832, %sign3A_835 : i32
      %sign3A_837 = arith.constant 0 : i32
      %sign3A_838 = arith.cmpi sgt, %jit3A_828, %sign3A_837 : i32
      %sign3A_839 = arith.extui %sign3A_838 : i1 to i32
      %sign3A_840 = arith.constant 0 : i32
      %sign3A_841 = arith.cmpi slt, %jit3A_828, %sign3A_840 : i32
      %sign3A_842 = arith.extui %sign3A_841 : i1 to i32
      %sign3A_843 = arith.subi %sign3A_839, %sign3A_842 : i32
      %ne3A_844 = arith.cmpi ne, %sign3A_836, %sign3A_843 : i32
      %rem3A_845 = arith.remsi %add3A_827, %jit3A_828 : i32
      %ne3A_846 = arith.constant 0 : i32
      %ne3A_847 = arith.cmpi ne, %rem3A_845, %ne3A_846 : i32
      %and3A_848 = arith.andi %ne3A_844, %ne3A_847 : i1
      %sub3A_849 = arith.constant 1 : i32
      %sub3A_850 = arith.subi %div3A_829, %sub3A_849 : i32
      %select_n3A_851 = arith.select %and3A_848, %sub3A_850, %div3A_829 : i32
      %add3A_852 = arith.constant 0 : i32
      %add3A_853 = arith.addi %add3A_852, %select_n3A_851 : i32
      %jit3A_854 = arith.constant 128 : i32
      %div3A_855 = arith.divsi %reduce_max3A_52, %jit3A_854 : i32
      %sign3A_856 = arith.constant 0 : i32
      %sign3A_857 = arith.cmpi sgt, %reduce_max3A_52, %sign3A_856 : i32
      %sign3A_858 = arith.extui %sign3A_857 : i1 to i32
      %sign3A_859 = arith.constant 0 : i32
      %sign3A_860 = arith.cmpi slt, %reduce_max3A_52, %sign3A_859 : i32
      %sign3A_861 = arith.extui %sign3A_860 : i1 to i32
      %sign3A_862 = arith.subi %sign3A_858, %sign3A_861 : i32
      %sign3A_863 = arith.constant 0 : i32
      %sign3A_864 = arith.cmpi sgt, %jit3A_854, %sign3A_863 : i32
      %sign3A_865 = arith.extui %sign3A_864 : i1 to i32
      %sign3A_866 = arith.constant 0 : i32
      %sign3A_867 = arith.cmpi slt, %jit3A_854, %sign3A_866 : i32
      %sign3A_868 = arith.extui %sign3A_867 : i1 to i32
      %sign3A_869 = arith.subi %sign3A_865, %sign3A_868 : i32
      %ne3A_870 = arith.cmpi ne, %sign3A_862, %sign3A_869 : i32
      %rem3A_871 = arith.remsi %reduce_max3A_52, %jit3A_854 : i32
      %ne3A_872 = arith.constant 0 : i32
      %ne3A_873 = arith.cmpi ne, %rem3A_871, %ne3A_872 : i32
      %and3A_874 = arith.andi %ne3A_870, %ne3A_873 : i1
      %sub3A_875 = arith.constant 1 : i32
      %sub3A_876 = arith.subi %div3A_855, %sub3A_875 : i32
      %select_n3A_877 = arith.select %and3A_874, %sub3A_876, %div3A_855 : i32
      %mul3A_878 = arith.constant 128 : i32
      %mul3A_879 = arith.muli %select_n3A_877, %mul3A_878 : i32
      %multiple_of3A_880 = tpu.assume_multiple %mul3A_879, 128 : i32
      %dma_wait3A_881 = arith.constant 2 : i32
      %dma_wait3A_882 = arith.constant 0 : i32
      %dma_wait3A_883 = arith.constant 0 : i32
      %dma_wait3A_884 = tpu.memref_slice %arg6[%dma_wait3A_881, %dma_wait3A_882, %dma_wait3A_883] : memref<8x64x128xf32, #tpu.memory_space<vmem>> -> memref<1x64x128xf32, #tpu.memory_space<vmem>>
      %dma_wait3A_885 = tpu.memref_squeeze %dma_wait3A_884 : memref<1x64x128xf32, #tpu.memory_space<vmem>> -> memref<64x128xf32, #tpu.memory_space<vmem>>
      %dma_wait3A_886 = arith.constant 0 : i32
      %dma_wait3A_887 = tpu.memref_slice %arg2[%add3A_853, %dma_wait3A_886, %multiple_of3A_880] : memref<128x64x8192xf32, #tpu.memory_space<hbm>> -> memref<1x64x128xf32, #tpu.memory_space<hbm>>
      %dma_wait3A_888 = tpu.memref_squeeze %dma_wait3A_887 : memref<1x64x128xf32, #tpu.memory_space<hbm>> -> memref<64x128xf32, #tpu.memory_space<hbm>>
      %dma_wait3A_889 = arith.constant 0 : i32
      %dma_wait3A_890 = arith.constant 0 : i32
      %dma_wait3A_891 = tpu.memref_slice %arg6[%dma_wait3A_881, %dma_wait3A_889, %dma_wait3A_890] : memref<8x64x128xf32, #tpu.memory_space<vmem>> -> memref<1x64x128xf32, #tpu.memory_space<vmem>>
      %dma_wait3A_892 = tpu.memref_squeeze %dma_wait3A_891 : memref<1x64x128xf32, #tpu.memory_space<vmem>> -> memref<64x128xf32, #tpu.memory_space<vmem>>
      %dma_wait3A_893 = arith.constant 0 : i32
      %dma_wait3A_894 = tpu.memref_slice %arg2[%add3A_853, %dma_wait3A_893, %multiple_of3A_880] : memref<128x64x8192xf32, #tpu.memory_space<hbm>> -> memref<1x64x128xf32, #tpu.memory_space<hbm>>
      %dma_wait3A_895 = tpu.memref_squeeze %dma_wait3A_894 : memref<1x64x128xf32, #tpu.memory_space<hbm>> -> memref<64x128xf32, #tpu.memory_space<hbm>>
      tpu.wait_dma2 semaphore(%arg8 : memref<!tpu.dma_semaphore, #tpu.memory_space<semaphore_mem>>) src(%dma_wait3A_895 : memref<64x128xf32, #tpu.memory_space<hbm>>) dst(%dma_wait3A_892 : memref<64x128xf32, #tpu.memory_space<vmem>>)
      %add3A_896 = arith.constant 3 : i32
      %add3A_897 = arith.addi %mul3A_14, %add3A_896 : i32
      %add3A_898 = arith.addi %mul3A_2, %add3A_897 : i32
      %jit3A_899 = arith.constant 32 : i32
      %div3A_900 = arith.divsi %add3A_898, %jit3A_899 : i32
      %sign3A_901 = arith.constant 0 : i32
      %sign3A_902 = arith.cmpi sgt, %add3A_898, %sign3A_901 : i32
      %sign3A_903 = arith.extui %sign3A_902 : i1 to i32
      %sign3A_904 = arith.constant 0 : i32
      %sign3A_905 = arith.cmpi slt, %add3A_898, %sign3A_904 : i32
      %sign3A_906 = arith.extui %sign3A_905 : i1 to i32
      %sign3A_907 = arith.subi %sign3A_903, %sign3A_906 : i32
      %sign3A_908 = arith.constant 0 : i32
      %sign3A_909 = arith.cmpi sgt, %jit3A_899, %sign3A_908 : i32
      %sign3A_910 = arith.extui %sign3A_909 : i1 to i32
      %sign3A_911 = arith.constant 0 : i32
      %sign3A_912 = arith.cmpi slt, %jit3A_899, %sign3A_911 : i32
      %sign3A_913 = arith.extui %sign3A_912 : i1 to i32
      %sign3A_914 = arith.subi %sign3A_910, %sign3A_913 : i32
      %ne3A_915 = arith.cmpi ne, %sign3A_907, %sign3A_914 : i32
      %rem3A_916 = arith.remsi %add3A_898, %jit3A_899 : i32
      %ne3A_917 = arith.constant 0 : i32
      %ne3A_918 = arith.cmpi ne, %rem3A_916, %ne3A_917 : i32
      %and3A_919 = arith.andi %ne3A_915, %ne3A_918 : i1
      %sub3A_920 = arith.constant 1 : i32
      %sub3A_921 = arith.subi %div3A_900, %sub3A_920 : i32
      %select_n3A_922 = arith.select %and3A_919, %sub3A_921, %div3A_900 : i32
      %add3A_923 = arith.constant 0 : i32
      %add3A_924 = arith.addi %add3A_923, %select_n3A_922 : i32
      %jit3A_925 = arith.constant 128 : i32
      %div3A_926 = arith.divsi %reduce_max3A_66, %jit3A_925 : i32
      %sign3A_927 = arith.constant 0 : i32
      %sign3A_928 = arith.cmpi sgt, %reduce_max3A_66, %sign3A_927 : i32
      %sign3A_929 = arith.extui %sign3A_928 : i1 to i32
      %sign3A_930 = arith.constant 0 : i32
      %sign3A_931 = arith.cmpi slt, %reduce_max3A_66, %sign3A_930 : i32
      %sign3A_932 = arith.extui %sign3A_931 : i1 to i32
      %sign3A_933 = arith.subi %sign3A_929, %sign3A_932 : i32
      %sign3A_934 = arith.constant 0 : i32
      %sign3A_935 = arith.cmpi sgt, %jit3A_925, %sign3A_934 : i32
      %sign3A_936 = arith.extui %sign3A_935 : i1 to i32
      %sign3A_937 = arith.constant 0 : i32
      %sign3A_938 = arith.cmpi slt, %jit3A_925, %sign3A_937 : i32
      %sign3A_939 = arith.extui %sign3A_938 : i1 to i32
      %sign3A_940 = arith.subi %sign3A_936, %sign3A_939 : i32
      %ne3A_941 = arith.cmpi ne, %sign3A_933, %sign3A_940 : i32
      %rem3A_942 = arith.remsi %reduce_max3A_66, %jit3A_925 : i32
      %ne3A_943 = arith.constant 0 : i32
      %ne3A_944 = arith.cmpi ne, %rem3A_942, %ne3A_943 : i32
      %and3A_945 = arith.andi %ne3A_941, %ne3A_944 : i1
      %sub3A_946 = arith.constant 1 : i32
      %sub3A_947 = arith.subi %div3A_926, %sub3A_946 : i32
      %select_n3A_948 = arith.select %and3A_945, %sub3A_947, %div3A_926 : i32
      %mul3A_949 = arith.constant 128 : i32
      %mul3A_950 = arith.muli %select_n3A_948, %mul3A_949 : i32
      %multiple_of3A_951 = tpu.assume_multiple %mul3A_950, 128 : i32
      %dma_wait3A_952 = arith.constant 3 : i32
      %dma_wait3A_953 = arith.constant 0 : i32
      %dma_wait3A_954 = arith.constant 0 : i32
      %dma_wait3A_955 = tpu.memref_slice %arg6[%dma_wait3A_952, %dma_wait3A_953, %dma_wait3A_954] : memref<8x64x128xf32, #tpu.memory_space<vmem>> -> memref<1x64x128xf32, #tpu.memory_space<vmem>>
      %dma_wait3A_956 = tpu.memref_squeeze %dma_wait3A_955 : memref<1x64x128xf32, #tpu.memory_space<vmem>> -> memref<64x128xf32, #tpu.memory_space<vmem>>
      %dma_wait3A_957 = arith.constant 0 : i32
      %dma_wait3A_958 = tpu.memref_slice %arg2[%add3A_924, %dma_wait3A_957, %multiple_of3A_951] : memref<128x64x8192xf32, #tpu.memory_space<hbm>> -> memref<1x64x128xf32, #tpu.memory_space<hbm>>
      %dma_wait3A_959 = tpu.memref_squeeze %dma_wait3A_958 : memref<1x64x128xf32, #tpu.memory_space<hbm>> -> memref<64x128xf32, #tpu.memory_space<hbm>>
      %dma_wait3A_960 = arith.constant 0 : i32
      %dma_wait3A_961 = arith.constant 0 : i32
      %dma_wait3A_962 = tpu.memref_slice %arg6[%dma_wait3A_952, %dma_wait3A_960, %dma_wait3A_961] : memref<8x64x128xf32, #tpu.memory_space<vmem>> -> memref<1x64x128xf32, #tpu.memory_space<vmem>>
      %dma_wait3A_963 = tpu.memref_squeeze %dma_wait3A_962 : memref<1x64x128xf32, #tpu.memory_space<vmem>> -> memref<64x128xf32, #tpu.memory_space<vmem>>
      %dma_wait3A_964 = arith.constant 0 : i32
      %dma_wait3A_965 = tpu.memref_slice %arg2[%add3A_924, %dma_wait3A_964, %multiple_of3A_951] : memref<128x64x8192xf32, #tpu.memory_space<hbm>> -> memref<1x64x128xf32, #tpu.memory_space<hbm>>
      %dma_wait3A_966 = tpu.memref_squeeze %dma_wait3A_965 : memref<1x64x128xf32, #tpu.memory_space<hbm>> -> memref<64x128xf32, #tpu.memory_space<hbm>>
      tpu.wait_dma2 semaphore(%arg8 : memref<!tpu.dma_semaphore, #tpu.memory_space<semaphore_mem>>) src(%dma_wait3A_966 : memref<64x128xf32, #tpu.memory_space<hbm>>) dst(%dma_wait3A_963 : memref<64x128xf32, #tpu.memory_space<vmem>>)
      %add3A_967 = arith.constant 4 : i32
      %add3A_968 = arith.addi %mul3A_14, %add3A_967 : i32
      %add3A_969 = arith.addi %mul3A_2, %add3A_968 : i32
      %jit3A_970 = arith.constant 32 : i32
      %div3A_971 = arith.divsi %add3A_969, %jit3A_970 : i32
      %sign3A_972 = arith.constant 0 : i32
      %sign3A_973 = arith.cmpi sgt, %add3A_969, %sign3A_972 : i32
      %sign3A_974 = arith.extui %sign3A_973 : i1 to i32
      %sign3A_975 = arith.constant 0 : i32
      %sign3A_976 = arith.cmpi slt, %add3A_969, %sign3A_975 : i32
      %sign3A_977 = arith.extui %sign3A_976 : i1 to i32
      %sign3A_978 = arith.subi %sign3A_974, %sign3A_977 : i32
      %sign3A_979 = arith.constant 0 : i32
      %sign3A_980 = arith.cmpi sgt, %jit3A_970, %sign3A_979 : i32
      %sign3A_981 = arith.extui %sign3A_980 : i1 to i32
      %sign3A_982 = arith.constant 0 : i32
      %sign3A_983 = arith.cmpi slt, %jit3A_970, %sign3A_982 : i32
      %sign3A_984 = arith.extui %sign3A_983 : i1 to i32
      %sign3A_985 = arith.subi %sign3A_981, %sign3A_984 : i32
      %ne3A_986 = arith.cmpi ne, %sign3A_978, %sign3A_985 : i32
      %rem3A_987 = arith.remsi %add3A_969, %jit3A_970 : i32
      %ne3A_988 = arith.constant 0 : i32
      %ne3A_989 = arith.cmpi ne, %rem3A_987, %ne3A_988 : i32
      %and3A_990 = arith.andi %ne3A_986, %ne3A_989 : i1
      %sub3A_991 = arith.constant 1 : i32
      %sub3A_992 = arith.subi %div3A_971, %sub3A_991 : i32
      %select_n3A_993 = arith.select %and3A_990, %sub3A_992, %div3A_971 : i32
      %add3A_994 = arith.constant 0 : i32
      %add3A_995 = arith.addi %add3A_994, %select_n3A_993 : i32
      %jit3A_996 = arith.constant 128 : i32
      %div3A_997 = arith.divsi %reduce_max3A_80, %jit3A_996 : i32
      %sign3A_998 = arith.constant 0 : i32
      %sign3A_999 = arith.cmpi sgt, %reduce_max3A_80, %sign3A_998 : i32
      %sign3A_1000 = arith.extui %sign3A_999 : i1 to i32
      %sign3A_1001 = arith.constant 0 : i32
      %sign3A_1002 = arith.cmpi slt, %reduce_max3A_80, %sign3A_1001 : i32
      %sign3A_1003 = arith.extui %sign3A_1002 : i1 to i32
      %sign3A_1004 = arith.subi %sign3A_1000, %sign3A_1003 : i32
      %sign3A_1005 = arith.constant 0 : i32
      %sign3A_1006 = arith.cmpi sgt, %jit3A_996, %sign3A_1005 : i32
      %sign3A_1007 = arith.extui %sign3A_1006 : i1 to i32
      %sign3A_1008 = arith.constant 0 : i32
      %sign3A_1009 = arith.cmpi slt, %jit3A_996, %sign3A_1008 : i32
      %sign3A_1010 = arith.extui %sign3A_1009 : i1 to i32
      %sign3A_1011 = arith.subi %sign3A_1007, %sign3A_1010 : i32
      %ne3A_1012 = arith.cmpi ne, %sign3A_1004, %sign3A_1011 : i32
      %rem3A_1013 = arith.remsi %reduce_max3A_80, %jit3A_996 : i32
      %ne3A_1014 = arith.constant 0 : i32
      %ne3A_1015 = arith.cmpi ne, %rem3A_1013, %ne3A_1014 : i32
      %and3A_1016 = arith.andi %ne3A_1012, %ne3A_1015 : i1
      %sub3A_1017 = arith.constant 1 : i32
      %sub3A_1018 = arith.subi %div3A_997, %sub3A_1017 : i32
      %select_n3A_1019 = arith.select %and3A_1016, %sub3A_1018, %div3A_997 : i32
      %mul3A_1020 = arith.constant 128 : i32
      %mul3A_1021 = arith.muli %select_n3A_1019, %mul3A_1020 : i32
      %multiple_of3A_1022 = tpu.assume_multiple %mul3A_1021, 128 : i32
      %dma_wait3A_1023 = arith.constant 4 : i32
      %dma_wait3A_1024 = arith.constant 0 : i32
      %dma_wait3A_1025 = arith.constant 0 : i32
      %dma_wait3A_1026 = tpu.memref_slice %arg6[%dma_wait3A_1023, %dma_wait3A_1024, %dma_wait3A_1025] : memref<8x64x128xf32, #tpu.memory_space<vmem>> -> memref<1x64x128xf32, #tpu.memory_space<vmem>>
      %dma_wait3A_1027 = tpu.memref_squeeze %dma_wait3A_1026 : memref<1x64x128xf32, #tpu.memory_space<vmem>> -> memref<64x128xf32, #tpu.memory_space<vmem>>
      %dma_wait3A_1028 = arith.constant 0 : i32
      %dma_wait3A_1029 = tpu.memref_slice %arg2[%add3A_995, %dma_wait3A_1028, %multiple_of3A_1022] : memref<128x64x8192xf32, #tpu.memory_space<hbm>> -> memref<1x64x128xf32, #tpu.memory_space<hbm>>
      %dma_wait3A_1030 = tpu.memref_squeeze %dma_wait3A_1029 : memref<1x64x128xf32, #tpu.memory_space<hbm>> -> memref<64x128xf32, #tpu.memory_space<hbm>>
      %dma_wait3A_1031 = arith.constant 0 : i32
      %dma_wait3A_1032 = arith.constant 0 : i32
      %dma_wait3A_1033 = tpu.memref_slice %arg6[%dma_wait3A_1023, %dma_wait3A_1031, %dma_wait3A_1032] : memref<8x64x128xf32, #tpu.memory_space<vmem>> -> memref<1x64x128xf32, #tpu.memory_space<vmem>>
      %dma_wait3A_1034 = tpu.memref_squeeze %dma_wait3A_1033 : memref<1x64x128xf32, #tpu.memory_space<vmem>> -> memref<64x128xf32, #tpu.memory_space<vmem>>
      %dma_wait3A_1035 = arith.constant 0 : i32
      %dma_wait3A_1036 = tpu.memref_slice %arg2[%add3A_995, %dma_wait3A_1035, %multiple_of3A_1022] : memref<128x64x8192xf32, #tpu.memory_space<hbm>> -> memref<1x64x128xf32, #tpu.memory_space<hbm>>
      %dma_wait3A_1037 = tpu.memref_squeeze %dma_wait3A_1036 : memref<1x64x128xf32, #tpu.memory_space<hbm>> -> memref<64x128xf32, #tpu.memory_space<hbm>>
      tpu.wait_dma2 semaphore(%arg8 : memref<!tpu.dma_semaphore, #tpu.memory_space<semaphore_mem>>) src(%dma_wait3A_1037 : memref<64x128xf32, #tpu.memory_space<hbm>>) dst(%dma_wait3A_1034 : memref<64x128xf32, #tpu.memory_space<vmem>>)
      %add3A_1038 = arith.constant 5 : i32
      %add3A_1039 = arith.addi %mul3A_14, %add3A_1038 : i32
      %add3A_1040 = arith.addi %mul3A_2, %add3A_1039 : i32
      %jit3A_1041 = arith.constant 32 : i32
      %div3A_1042 = arith.divsi %add3A_1040, %jit3A_1041 : i32
      %sign3A_1043 = arith.constant 0 : i32
      %sign3A_1044 = arith.cmpi sgt, %add3A_1040, %sign3A_1043 : i32
      %sign3A_1045 = arith.extui %sign3A_1044 : i1 to i32
      %sign3A_1046 = arith.constant 0 : i32
      %sign3A_1047 = arith.cmpi slt, %add3A_1040, %sign3A_1046 : i32
      %sign3A_1048 = arith.extui %sign3A_1047 : i1 to i32
      %sign3A_1049 = arith.subi %sign3A_1045, %sign3A_1048 : i32
      %sign3A_1050 = arith.constant 0 : i32
      %sign3A_1051 = arith.cmpi sgt, %jit3A_1041, %sign3A_1050 : i32
      %sign3A_1052 = arith.extui %sign3A_1051 : i1 to i32
      %sign3A_1053 = arith.constant 0 : i32
      %sign3A_1054 = arith.cmpi slt, %jit3A_1041, %sign3A_1053 : i32
      %sign3A_1055 = arith.extui %sign3A_1054 : i1 to i32
      %sign3A_1056 = arith.subi %sign3A_1052, %sign3A_1055 : i32
      %ne3A_1057 = arith.cmpi ne, %sign3A_1049, %sign3A_1056 : i32
      %rem3A_1058 = arith.remsi %add3A_1040, %jit3A_1041 : i32
      %ne3A_1059 = arith.constant 0 : i32
      %ne3A_1060 = arith.cmpi ne, %rem3A_1058, %ne3A_1059 : i32
      %and3A_1061 = arith.andi %ne3A_1057, %ne3A_1060 : i1
      %sub3A_1062 = arith.constant 1 : i32
      %sub3A_1063 = arith.subi %div3A_1042, %sub3A_1062 : i32
      %select_n3A_1064 = arith.select %and3A_1061, %sub3A_1063, %div3A_1042 : i32
      %add3A_1065 = arith.constant 0 : i32
      %add3A_1066 = arith.addi %add3A_1065, %select_n3A_1064 : i32
      %jit3A_1067 = arith.constant 128 : i32
      %div3A_1068 = arith.divsi %reduce_max3A_94, %jit3A_1067 : i32
      %sign3A_1069 = arith.constant 0 : i32
      %sign3A_1070 = arith.cmpi sgt, %reduce_max3A_94, %sign3A_1069 : i32
      %sign3A_1071 = arith.extui %sign3A_1070 : i1 to i32
      %sign3A_1072 = arith.constant 0 : i32
      %sign3A_1073 = arith.cmpi slt, %reduce_max3A_94, %sign3A_1072 : i32
      %sign3A_1074 = arith.extui %sign3A_1073 : i1 to i32
      %sign3A_1075 = arith.subi %sign3A_1071, %sign3A_1074 : i32
      %sign3A_1076 = arith.constant 0 : i32
      %sign3A_1077 = arith.cmpi sgt, %jit3A_1067, %sign3A_1076 : i32
      %sign3A_1078 = arith.extui %sign3A_1077 : i1 to i32
      %sign3A_1079 = arith.constant 0 : i32
      %sign3A_1080 = arith.cmpi slt, %jit3A_1067, %sign3A_1079 : i32
      %sign3A_1081 = arith.extui %sign3A_1080 : i1 to i32
      %sign3A_1082 = arith.subi %sign3A_1078, %sign3A_1081 : i32
      %ne3A_1083 = arith.cmpi ne, %sign3A_1075, %sign3A_1082 : i32
      %rem3A_1084 = arith.remsi %reduce_max3A_94, %jit3A_1067 : i32
      %ne3A_1085 = arith.constant 0 : i32
      %ne3A_1086 = arith.cmpi ne, %rem3A_1084, %ne3A_1085 : i32
      %and3A_1087 = arith.andi %ne3A_1083, %ne3A_1086 : i1
      %sub3A_1088 = arith.constant 1 : i32
      %sub3A_1089 = arith.subi %div3A_1068, %sub3A_1088 : i32
      %select_n3A_1090 = arith.select %and3A_1087, %sub3A_1089, %div3A_1068 : i32
      %mul3A_1091 = arith.constant 128 : i32
      %mul3A_1092 = arith.muli %select_n3A_1090, %mul3A_1091 : i32
      %multiple_of3A_1093 = tpu.assume_multiple %mul3A_1092, 128 : i32
      %dma_wait3A_1094 = arith.constant 5 : i32
      %dma_wait3A_1095 = arith.constant 0 : i32
      %dma_wait3A_1096 = arith.constant 0 : i32
      %dma_wait3A_1097 = tpu.memref_slice %arg6[%dma_wait3A_1094, %dma_wait3A_1095, %dma_wait3A_1096] : memref<8x64x128xf32, #tpu.memory_space<vmem>> -> memref<1x64x128xf32, #tpu.memory_space<vmem>>
      %dma_wait3A_1098 = tpu.memref_squeeze %dma_wait3A_1097 : memref<1x64x128xf32, #tpu.memory_space<vmem>> -> memref<64x128xf32, #tpu.memory_space<vmem>>
      %dma_wait3A_1099 = arith.constant 0 : i32
      %dma_wait3A_1100 = tpu.memref_slice %arg2[%add3A_1066, %dma_wait3A_1099, %multiple_of3A_1093] : memref<128x64x8192xf32, #tpu.memory_space<hbm>> -> memref<1x64x128xf32, #tpu.memory_space<hbm>>
      %dma_wait3A_1101 = tpu.memref_squeeze %dma_wait3A_1100 : memref<1x64x128xf32, #tpu.memory_space<hbm>> -> memref<64x128xf32, #tpu.memory_space<hbm>>
      %dma_wait3A_1102 = arith.constant 0 : i32
      %dma_wait3A_1103 = arith.constant 0 : i32
      %dma_wait3A_1104 = tpu.memref_slice %arg6[%dma_wait3A_1094, %dma_wait3A_1102, %dma_wait3A_1103] : memref<8x64x128xf32, #tpu.memory_space<vmem>> -> memref<1x64x128xf32, #tpu.memory_space<vmem>>
      %dma_wait3A_1105 = tpu.memref_squeeze %dma_wait3A_1104 : memref<1x64x128xf32, #tpu.memory_space<vmem>> -> memref<64x128xf32, #tpu.memory_space<vmem>>
      %dma_wait3A_1106 = arith.constant 0 : i32
      %dma_wait3A_1107 = tpu.memref_slice %arg2[%add3A_1066, %dma_wait3A_1106, %multiple_of3A_1093] : memref<128x64x8192xf32, #tpu.memory_space<hbm>> -> memref<1x64x128xf32, #tpu.memory_space<hbm>>
      %dma_wait3A_1108 = tpu.memref_squeeze %dma_wait3A_1107 : memref<1x64x128xf32, #tpu.memory_space<hbm>> -> memref<64x128xf32, #tpu.memory_space<hbm>>
      tpu.wait_dma2 semaphore(%arg8 : memref<!tpu.dma_semaphore, #tpu.memory_space<semaphore_mem>>) src(%dma_wait3A_1108 : memref<64x128xf32, #tpu.memory_space<hbm>>) dst(%dma_wait3A_1105 : memref<64x128xf32, #tpu.memory_space<vmem>>)
      %add3A_1109 = arith.constant 6 : i32
      %add3A_1110 = arith.addi %mul3A_14, %add3A_1109 : i32
      %add3A_1111 = arith.addi %mul3A_2, %add3A_1110 : i32
      %jit3A_1112 = arith.constant 32 : i32
      %div3A_1113 = arith.divsi %add3A_1111, %jit3A_1112 : i32
      %sign3A_1114 = arith.constant 0 : i32
      %sign3A_1115 = arith.cmpi sgt, %add3A_1111, %sign3A_1114 : i32
      %sign3A_1116 = arith.extui %sign3A_1115 : i1 to i32
      %sign3A_1117 = arith.constant 0 : i32
      %sign3A_1118 = arith.cmpi slt, %add3A_1111, %sign3A_1117 : i32
      %sign3A_1119 = arith.extui %sign3A_1118 : i1 to i32
      %sign3A_1120 = arith.subi %sign3A_1116, %sign3A_1119 : i32
      %sign3A_1121 = arith.constant 0 : i32
      %sign3A_1122 = arith.cmpi sgt, %jit3A_1112, %sign3A_1121 : i32
      %sign3A_1123 = arith.extui %sign3A_1122 : i1 to i32
      %sign3A_1124 = arith.constant 0 : i32
      %sign3A_1125 = arith.cmpi slt, %jit3A_1112, %sign3A_1124 : i32
      %sign3A_1126 = arith.extui %sign3A_1125 : i1 to i32
      %sign3A_1127 = arith.subi %sign3A_1123, %sign3A_1126 : i32
      %ne3A_1128 = arith.cmpi ne, %sign3A_1120, %sign3A_1127 : i32
      %rem3A_1129 = arith.remsi %add3A_1111, %jit3A_1112 : i32
      %ne3A_1130 = arith.constant 0 : i32
      %ne3A_1131 = arith.cmpi ne, %rem3A_1129, %ne3A_1130 : i32
      %and3A_1132 = arith.andi %ne3A_1128, %ne3A_1131 : i1
      %sub3A_1133 = arith.constant 1 : i32
      %sub3A_1134 = arith.subi %div3A_1113, %sub3A_1133 : i32
      %select_n3A_1135 = arith.select %and3A_1132, %sub3A_1134, %div3A_1113 : i32
      %add3A_1136 = arith.constant 0 : i32
      %add3A_1137 = arith.addi %add3A_1136, %select_n3A_1135 : i32
      %jit3A_1138 = arith.constant 128 : i32
      %div3A_1139 = arith.divsi %reduce_max3A_108, %jit3A_1138 : i32
      %sign3A_1140 = arith.constant 0 : i32
      %sign3A_1141 = arith.cmpi sgt, %reduce_max3A_108, %sign3A_1140 : i32
      %sign3A_1142 = arith.extui %sign3A_1141 : i1 to i32
      %sign3A_1143 = arith.constant 0 : i32
      %sign3A_1144 = arith.cmpi slt, %reduce_max3A_108, %sign3A_1143 : i32
      %sign3A_1145 = arith.extui %sign3A_1144 : i1 to i32
      %sign3A_1146 = arith.subi %sign3A_1142, %sign3A_1145 : i32
      %sign3A_1147 = arith.constant 0 : i32
      %sign3A_1148 = arith.cmpi sgt, %jit3A_1138, %sign3A_1147 : i32
      %sign3A_1149 = arith.extui %sign3A_1148 : i1 to i32
      %sign3A_1150 = arith.constant 0 : i32
      %sign3A_1151 = arith.cmpi slt, %jit3A_1138, %sign3A_1150 : i32
      %sign3A_1152 = arith.extui %sign3A_1151 : i1 to i32
      %sign3A_1153 = arith.subi %sign3A_1149, %sign3A_1152 : i32
      %ne3A_1154 = arith.cmpi ne, %sign3A_1146, %sign3A_1153 : i32
      %rem3A_1155 = arith.remsi %reduce_max3A_108, %jit3A_1138 : i32
      %ne3A_1156 = arith.constant 0 : i32
      %ne3A_1157 = arith.cmpi ne, %rem3A_1155, %ne3A_1156 : i32
      %and3A_1158 = arith.andi %ne3A_1154, %ne3A_1157 : i1
      %sub3A_1159 = arith.constant 1 : i32
      %sub3A_1160 = arith.subi %div3A_1139, %sub3A_1159 : i32
      %select_n3A_1161 = arith.select %and3A_1158, %sub3A_1160, %div3A_1139 : i32
      %mul3A_1162 = arith.constant 128 : i32
      %mul3A_1163 = arith.muli %select_n3A_1161, %mul3A_1162 : i32
      %multiple_of3A_1164 = tpu.assume_multiple %mul3A_1163, 128 : i32
      %dma_wait3A_1165 = arith.constant 6 : i32
      %dma_wait3A_1166 = arith.constant 0 : i32
      %dma_wait3A_1167 = arith.constant 0 : i32
      %dma_wait3A_1168 = tpu.memref_slice %arg6[%dma_wait3A_1165, %dma_wait3A_1166, %dma_wait3A_1167] : memref<8x64x128xf32, #tpu.memory_space<vmem>> -> memref<1x64x128xf32, #tpu.memory_space<vmem>>
      %dma_wait3A_1169 = tpu.memref_squeeze %dma_wait3A_1168 : memref<1x64x128xf32, #tpu.memory_space<vmem>> -> memref<64x128xf32, #tpu.memory_space<vmem>>
      %dma_wait3A_1170 = arith.constant 0 : i32
      %dma_wait3A_1171 = tpu.memref_slice %arg2[%add3A_1137, %dma_wait3A_1170, %multiple_of3A_1164] : memref<128x64x8192xf32, #tpu.memory_space<hbm>> -> memref<1x64x128xf32, #tpu.memory_space<hbm>>
      %dma_wait3A_1172 = tpu.memref_squeeze %dma_wait3A_1171 : memref<1x64x128xf32, #tpu.memory_space<hbm>> -> memref<64x128xf32, #tpu.memory_space<hbm>>
      %dma_wait3A_1173 = arith.constant 0 : i32
      %dma_wait3A_1174 = arith.constant 0 : i32
      %dma_wait3A_1175 = tpu.memref_slice %arg6[%dma_wait3A_1165, %dma_wait3A_1173, %dma_wait3A_1174] : memref<8x64x128xf32, #tpu.memory_space<vmem>> -> memref<1x64x128xf32, #tpu.memory_space<vmem>>
      %dma_wait3A_1176 = tpu.memref_squeeze %dma_wait3A_1175 : memref<1x64x128xf32, #tpu.memory_space<vmem>> -> memref<64x128xf32, #tpu.memory_space<vmem>>
      %dma_wait3A_1177 = arith.constant 0 : i32
      %dma_wait3A_1178 = tpu.memref_slice %arg2[%add3A_1137, %dma_wait3A_1177, %multiple_of3A_1164] : memref<128x64x8192xf32, #tpu.memory_space<hbm>> -> memref<1x64x128xf32, #tpu.memory_space<hbm>>
      %dma_wait3A_1179 = tpu.memref_squeeze %dma_wait3A_1178 : memref<1x64x128xf32, #tpu.memory_space<hbm>> -> memref<64x128xf32, #tpu.memory_space<hbm>>
      tpu.wait_dma2 semaphore(%arg8 : memref<!tpu.dma_semaphore, #tpu.memory_space<semaphore_mem>>) src(%dma_wait3A_1179 : memref<64x128xf32, #tpu.memory_space<hbm>>) dst(%dma_wait3A_1176 : memref<64x128xf32, #tpu.memory_space<vmem>>)
      %add3A_1180 = arith.constant 7 : i32
      %add3A_1181 = arith.addi %mul3A_14, %add3A_1180 : i32
      %add3A_1182 = arith.addi %mul3A_2, %add3A_1181 : i32
      %jit3A_1183 = arith.constant 32 : i32
      %div3A_1184 = arith.divsi %add3A_1182, %jit3A_1183 : i32
      %sign3A_1185 = arith.constant 0 : i32
      %sign3A_1186 = arith.cmpi sgt, %add3A_1182, %sign3A_1185 : i32
      %sign3A_1187 = arith.extui %sign3A_1186 : i1 to i32
      %sign3A_1188 = arith.constant 0 : i32
      %sign3A_1189 = arith.cmpi slt, %add3A_1182, %sign3A_1188 : i32
      %sign3A_1190 = arith.extui %sign3A_1189 : i1 to i32
      %sign3A_1191 = arith.subi %sign3A_1187, %sign3A_1190 : i32
      %sign3A_1192 = arith.constant 0 : i32
      %sign3A_1193 = arith.cmpi sgt, %jit3A_1183, %sign3A_1192 : i32
      %sign3A_1194 = arith.extui %sign3A_1193 : i1 to i32
      %sign3A_1195 = arith.constant 0 : i32
      %sign3A_1196 = arith.cmpi slt, %jit3A_1183, %sign3A_1195 : i32
      %sign3A_1197 = arith.extui %sign3A_1196 : i1 to i32
      %sign3A_1198 = arith.subi %sign3A_1194, %sign3A_1197 : i32
      %ne3A_1199 = arith.cmpi ne, %sign3A_1191, %sign3A_1198 : i32
      %rem3A_1200 = arith.remsi %add3A_1182, %jit3A_1183 : i32
      %ne3A_1201 = arith.constant 0 : i32
      %ne3A_1202 = arith.cmpi ne, %rem3A_1200, %ne3A_1201 : i32
      %and3A_1203 = arith.andi %ne3A_1199, %ne3A_1202 : i1
      %sub3A_1204 = arith.constant 1 : i32
      %sub3A_1205 = arith.subi %div3A_1184, %sub3A_1204 : i32
      %select_n3A_1206 = arith.select %and3A_1203, %sub3A_1205, %div3A_1184 : i32
      %add3A_1207 = arith.constant 0 : i32
      %add3A_1208 = arith.addi %add3A_1207, %select_n3A_1206 : i32
      %jit3A_1209 = arith.constant 128 : i32
      %div3A_1210 = arith.divsi %reduce_max3A_122, %jit3A_1209 : i32
      %sign3A_1211 = arith.constant 0 : i32
      %sign3A_1212 = arith.cmpi sgt, %reduce_max3A_122, %sign3A_1211 : i32
      %sign3A_1213 = arith.extui %sign3A_1212 : i1 to i32
      %sign3A_1214 = arith.constant 0 : i32
      %sign3A_1215 = arith.cmpi slt, %reduce_max3A_122, %sign3A_1214 : i32
      %sign3A_1216 = arith.extui %sign3A_1215 : i1 to i32
      %sign3A_1217 = arith.subi %sign3A_1213, %sign3A_1216 : i32
      %sign3A_1218 = arith.constant 0 : i32
      %sign3A_1219 = arith.cmpi sgt, %jit3A_1209, %sign3A_1218 : i32
      %sign3A_1220 = arith.extui %sign3A_1219 : i1 to i32
      %sign3A_1221 = arith.constant 0 : i32
      %sign3A_1222 = arith.cmpi slt, %jit3A_1209, %sign3A_1221 : i32
      %sign3A_1223 = arith.extui %sign3A_1222 : i1 to i32
      %sign3A_1224 = arith.subi %sign3A_1220, %sign3A_1223 : i32
      %ne3A_1225 = arith.cmpi ne, %sign3A_1217, %sign3A_1224 : i32
      %rem3A_1226 = arith.remsi %reduce_max3A_122, %jit3A_1209 : i32
      %ne3A_1227 = arith.constant 0 : i32
      %ne3A_1228 = arith.cmpi ne, %rem3A_1226, %ne3A_1227 : i32
      %and3A_1229 = arith.andi %ne3A_1225, %ne3A_1228 : i1
      %sub3A_1230 = arith.constant 1 : i32
      %sub3A_1231 = arith.subi %div3A_1210, %sub3A_1230 : i32
      %select_n3A_1232 = arith.select %and3A_1229, %sub3A_1231, %div3A_1210 : i32
      %mul3A_1233 = arith.constant 128 : i32
      %mul3A_1234 = arith.muli %select_n3A_1232, %mul3A_1233 : i32
      %multiple_of3A_1235 = tpu.assume_multiple %mul3A_1234, 128 : i32
      %dma_wait3A_1236 = arith.constant 7 : i32
      %dma_wait3A_1237 = arith.constant 0 : i32
      %dma_wait3A_1238 = arith.constant 0 : i32
      %dma_wait3A_1239 = tpu.memref_slice %arg6[%dma_wait3A_1236, %dma_wait3A_1237, %dma_wait3A_1238] : memref<8x64x128xf32, #tpu.memory_space<vmem>> -> memref<1x64x128xf32, #tpu.memory_space<vmem>>
      %dma_wait3A_1240 = tpu.memref_squeeze %dma_wait3A_1239 : memref<1x64x128xf32, #tpu.memory_space<vmem>> -> memref<64x128xf32, #tpu.memory_space<vmem>>
      %dma_wait3A_1241 = arith.constant 0 : i32
      %dma_wait3A_1242 = tpu.memref_slice %arg2[%add3A_1208, %dma_wait3A_1241, %multiple_of3A_1235] : memref<128x64x8192xf32, #tpu.memory_space<hbm>> -> memref<1x64x128xf32, #tpu.memory_space<hbm>>
      %dma_wait3A_1243 = tpu.memref_squeeze %dma_wait3A_1242 : memref<1x64x128xf32, #tpu.memory_space<hbm>> -> memref<64x128xf32, #tpu.memory_space<hbm>>
      %dma_wait3A_1244 = arith.constant 0 : i32
      %dma_wait3A_1245 = arith.constant 0 : i32
      %dma_wait3A_1246 = tpu.memref_slice %arg6[%dma_wait3A_1236, %dma_wait3A_1244, %dma_wait3A_1245] : memref<8x64x128xf32, #tpu.memory_space<vmem>> -> memref<1x64x128xf32, #tpu.memory_space<vmem>>
      %dma_wait3A_1247 = tpu.memref_squeeze %dma_wait3A_1246 : memref<1x64x128xf32, #tpu.memory_space<vmem>> -> memref<64x128xf32, #tpu.memory_space<vmem>>
      %dma_wait3A_1248 = arith.constant 0 : i32
      %dma_wait3A_1249 = tpu.memref_slice %arg2[%add3A_1208, %dma_wait3A_1248, %multiple_of3A_1235] : memref<128x64x8192xf32, #tpu.memory_space<hbm>> -> memref<1x64x128xf32, #tpu.memory_space<hbm>>
      %dma_wait3A_1250 = tpu.memref_squeeze %dma_wait3A_1249 : memref<1x64x128xf32, #tpu.memory_space<hbm>> -> memref<64x128xf32, #tpu.memory_space<hbm>>
      tpu.wait_dma2 semaphore(%arg8 : memref<!tpu.dma_semaphore, #tpu.memory_space<semaphore_mem>>) src(%dma_wait3A_1250 : memref<64x128xf32, #tpu.memory_space<hbm>>) dst(%dma_wait3A_1247 : memref<64x128xf32, #tpu.memory_space<vmem>>)
      %add3A_1251 = arith.constant 0 : i32
      %add3A_1252 = arith.addi %mul3A_14, %add3A_1251 : i32
      %jit3A_1253 = arith.constant 128 : i32
      %eq3A_1254 = arith.constant 0 : i32
      %eq3A_1255 = arith.cmpi eq, %jit3A_1253, %eq3A_1254 : i32
      %jit3A_1256 = arith.constant 1 : i32
      %select_n3A_1257 = arith.select %eq3A_1255, %jit3A_1256, %jit3A_1253 : i32
      %rem3A_1258 = arith.remsi %reduce_max3A_24, %select_n3A_1257 : i32
      %ne3A_1259 = arith.constant 0 : i32
      %ne3A_1260 = arith.cmpi ne, %rem3A_1258, %ne3A_1259 : i32
      %lt3A = arith.constant 0 : i32
      %lt3A_1261 = arith.cmpi slt, %rem3A_1258, %lt3A : i32
      %lt3A_1262 = arith.constant 0 : i32
      %lt3A_1263 = arith.cmpi slt, %select_n3A_1257, %lt3A_1262 : i32
      %ne3A_1264 = arith.xori %lt3A_1261, %lt3A_1263 : i1
      %and3A_1265 = arith.andi %ne3A_1264, %ne3A_1260 : i1
      %add3A_1266 = arith.addi %rem3A_1258, %select_n3A_1257 : i32
      %select_n3A_1267 = arith.select %and3A_1265, %add3A_1266, %rem3A_1258 : i32
      %broadcast_in_dim3A_1268 = vector.broadcast %select_n3A_1267 : i32 to vector<16xi32>
      %broadcast_in_dim3A_1269 = arith.constant 0 : i32
      %broadcast_in_dim3A_1270 = vector.broadcast %broadcast_in_dim3A_1269 : i32 to vector<16xi32>
      %add3A_1271 = arith.constant 0 : i32
      %add3A_1272 = vector.broadcast %add3A_1271 : i32 to vector<16xi32>
      %add3A_1273 = arith.addi %add3A_1272, %iota3A : vector<16xi32>
      %gather3A = tpu.vector_load_idx %arg6[%broadcast_in_dim3A_1270, %add3A_1273, %broadcast_in_dim3A_1268] : memref<8x64x128xf32, #tpu.memory_space<vmem>>[vector<16xi32>, vector<16xi32>, vector<16xi32>], vector<16xf32>,
      %mul3A_1274 = arith.constant 64 : i32
      %mul3A_1275 = arith.muli %add3A_1252, %mul3A_1274 : i32
      %add3A_1276 = arith.constant 0 : i32
      %add3A_1277 = arith.addi %mul3A_1275, %add3A_1276 : i32
      %add3A_1278 = vector.broadcast %add3A_1277 : i32 to vector<16xi32>
      %add3A_1279 = arith.addi %add3A_1278, %iota3A : vector<16xi32>
      tpu.vector_store_idx %arg7[%add3A_1279], %gather3A : memref<4096xf32, #tpu.memory_space<vmem>>[vector<16xi32>], vector<16xf32>,
      %add3A_1280 = arith.constant 16 : i32
      %add3A_1281 = vector.broadcast %add3A_1280 : i32 to vector<16xi32>
      %add3A_1282 = arith.addi %add3A_1281, %iota3A : vector<16xi32>
      %gather3A_1283 = tpu.vector_load_idx %arg6[%broadcast_in_dim3A_1270, %add3A_1282, %broadcast_in_dim3A_1268] : memref<8x64x128xf32, #tpu.memory_space<vmem>>[vector<16xi32>, vector<16xi32>, vector<16xi32>], vector<16xf32>,
      %mul3A_1284 = arith.constant 64 : i32
      %mul3A_1285 = arith.muli %add3A_1252, %mul3A_1284 : i32
      %add3A_1286 = arith.constant 16 : i32
      %add3A_1287 = arith.addi %mul3A_1285, %add3A_1286 : i32
      %add3A_1288 = vector.broadcast %add3A_1287 : i32 to vector<16xi32>
      %add3A_1289 = arith.addi %add3A_1288, %iota3A : vector<16xi32>
      tpu.vector_store_idx %arg7[%add3A_1289], %gather3A_1283 : memref<4096xf32, #tpu.memory_space<vmem>>[vector<16xi32>], vector<16xf32>,
      %add3A_1290 = arith.constant 32 : i32
      %add3A_1291 = vector.broadcast %add3A_1290 : i32 to vector<16xi32>
      %add3A_1292 = arith.addi %add3A_1291, %iota3A : vector<16xi32>
      %gather3A_1293 = tpu.vector_load_idx %arg6[%broadcast_in_dim3A_1270, %add3A_1292, %broadcast_in_dim3A_1268] : memref<8x64x128xf32, #tpu.memory_space<vmem>>[vector<16xi32>, vector<16xi32>, vector<16xi32>], vector<16xf32>,
      %mul3A_1294 = arith.constant 64 : i32
      %mul3A_1295 = arith.muli %add3A_1252, %mul3A_1294 : i32
      %add3A_1296 = arith.constant 32 : i32
      %add3A_1297 = arith.addi %mul3A_1295, %add3A_1296 : i32
      %add3A_1298 = vector.broadcast %add3A_1297 : i32 to vector<16xi32>
      %add3A_1299 = arith.addi %add3A_1298, %iota3A : vector<16xi32>
      tpu.vector_store_idx %arg7[%add3A_1299], %gather3A_1293 : memref<4096xf32, #tpu.memory_space<vmem>>[vector<16xi32>], vector<16xf32>,
      %add3A_1300 = arith.constant 48 : i32
      %add3A_1301 = vector.broadcast %add3A_1300 : i32 to vector<16xi32>
      %add3A_1302 = arith.addi %add3A_1301, %iota3A : vector<16xi32>
      %gather3A_1303 = tpu.vector_load_idx %arg6[%broadcast_in_dim3A_1270, %add3A_1302, %broadcast_in_dim3A_1268] : memref<8x64x128xf32, #tpu.memory_space<vmem>>[vector<16xi32>, vector<16xi32>, vector<16xi32>], vector<16xf32>,
      %mul3A_1304 = arith.constant 64 : i32
      %mul3A_1305 = arith.muli %add3A_1252, %mul3A_1304 : i32
      %add3A_1306 = arith.constant 48 : i32
      %add3A_1307 = arith.addi %mul3A_1305, %add3A_1306 : i32
      %add3A_1308 = vector.broadcast %add3A_1307 : i32 to vector<16xi32>
      %add3A_1309 = arith.addi %add3A_1308, %iota3A : vector<16xi32>
      tpu.vector_store_idx %arg7[%add3A_1309], %gather3A_1303 : memref<4096xf32, #tpu.memory_space<vmem>>[vector<16xi32>], vector<16xf32>,
      %add3A_1310 = arith.constant 1 : i32
      %add3A_1311 = arith.addi %mul3A_14, %add3A_1310 : i32
      %jit3A_1312 = arith.constant 128 : i32
      %eq3A_1313 = arith.constant 0 : i32
      %eq3A_1314 = arith.cmpi eq, %jit3A_1312, %eq3A_1313 : i32
      %jit3A_1315 = arith.constant 1 : i32
      %select_n3A_1316 = arith.select %eq3A_1314, %jit3A_1315, %jit3A_1312 : i32
      %rem3A_1317 = arith.remsi %reduce_max3A_38, %select_n3A_1316 : i32
      %ne3A_1318 = arith.constant 0 : i32
      %ne3A_1319 = arith.cmpi ne, %rem3A_1317, %ne3A_1318 : i32
      %lt3A_1320 = arith.constant 0 : i32
      %lt3A_1321 = arith.cmpi slt, %rem3A_1317, %lt3A_1320 : i32
      %lt3A_1322 = arith.constant 0 : i32
      %lt3A_1323 = arith.cmpi slt, %select_n3A_1316, %lt3A_1322 : i32
      %ne3A_1324 = arith.xori %lt3A_1321, %lt3A_1323 : i1
      %and3A_1325 = arith.andi %ne3A_1324, %ne3A_1319 : i1
      %add3A_1326 = arith.addi %rem3A_1317, %select_n3A_1316 : i32
      %select_n3A_1327 = arith.select %and3A_1325, %add3A_1326, %rem3A_1317 : i32
      %broadcast_in_dim3A_1328 = vector.broadcast %select_n3A_1327 : i32 to vector<16xi32>
      %broadcast_in_dim3A_1329 = arith.constant 1 : i32
      %broadcast_in_dim3A_1330 = vector.broadcast %broadcast_in_dim3A_1329 : i32 to vector<16xi32>
      %add3A_1331 = arith.constant 0 : i32
      %add3A_1332 = vector.broadcast %add3A_1331 : i32 to vector<16xi32>
      %add3A_1333 = arith.addi %add3A_1332, %iota3A : vector<16xi32>
      %gather3A_1334 = tpu.vector_load_idx %arg6[%broadcast_in_dim3A_1330, %add3A_1333, %broadcast_in_dim3A_1328] : memref<8x64x128xf32, #tpu.memory_space<vmem>>[vector<16xi32>, vector<16xi32>, vector<16xi32>], vector<16xf32>,
      %mul3A_1335 = arith.constant 64 : i32
      %mul3A_1336 = arith.muli %add3A_1311, %mul3A_1335 : i32
      %add3A_1337 = arith.constant 0 : i32
      %add3A_1338 = arith.addi %mul3A_1336, %add3A_1337 : i32
      %add3A_1339 = vector.broadcast %add3A_1338 : i32 to vector<16xi32>
      %add3A_1340 = arith.addi %add3A_1339, %iota3A : vector<16xi32>
      tpu.vector_store_idx %arg7[%add3A_1340], %gather3A_1334 : memref<4096xf32, #tpu.memory_space<vmem>>[vector<16xi32>], vector<16xf32>,
      %add3A_1341 = arith.constant 16 : i32
      %add3A_1342 = vector.broadcast %add3A_1341 : i32 to vector<16xi32>
      %add3A_1343 = arith.addi %add3A_1342, %iota3A : vector<16xi32>
      %gather3A_1344 = tpu.vector_load_idx %arg6[%broadcast_in_dim3A_1330, %add3A_1343, %broadcast_in_dim3A_1328] : memref<8x64x128xf32, #tpu.memory_space<vmem>>[vector<16xi32>, vector<16xi32>, vector<16xi32>], vector<16xf32>,
      %mul3A_1345 = arith.constant 64 : i32
      %mul3A_1346 = arith.muli %add3A_1311, %mul3A_1345 : i32
      %add3A_1347 = arith.constant 16 : i32
      %add3A_1348 = arith.addi %mul3A_1346, %add3A_1347 : i32
      %add3A_1349 = vector.broadcast %add3A_1348 : i32 to vector<16xi32>
      %add3A_1350 = arith.addi %add3A_1349, %iota3A : vector<16xi32>
      tpu.vector_store_idx %arg7[%add3A_1350], %gather3A_1344 : memref<4096xf32, #tpu.memory_space<vmem>>[vector<16xi32>], vector<16xf32>,
      %add3A_1351 = arith.constant 32 : i32
      %add3A_1352 = vector.broadcast %add3A_1351 : i32 to vector<16xi32>
      %add3A_1353 = arith.addi %add3A_1352, %iota3A : vector<16xi32>
      %gather3A_1354 = tpu.vector_load_idx %arg6[%broadcast_in_dim3A_1330, %add3A_1353, %broadcast_in_dim3A_1328] : memref<8x64x128xf32, #tpu.memory_space<vmem>>[vector<16xi32>, vector<16xi32>, vector<16xi32>], vector<16xf32>,
      %mul3A_1355 = arith.constant 64 : i32
      %mul3A_1356 = arith.muli %add3A_1311, %mul3A_1355 : i32
      %add3A_1357 = arith.constant 32 : i32
      %add3A_1358 = arith.addi %mul3A_1356, %add3A_1357 : i32
      %add3A_1359 = vector.broadcast %add3A_1358 : i32 to vector<16xi32>
      %add3A_1360 = arith.addi %add3A_1359, %iota3A : vector<16xi32>
      tpu.vector_store_idx %arg7[%add3A_1360], %gather3A_1354 : memref<4096xf32, #tpu.memory_space<vmem>>[vector<16xi32>], vector<16xf32>,
      %add3A_1361 = arith.constant 48 : i32
      %add3A_1362 = vector.broadcast %add3A_1361 : i32 to vector<16xi32>
      %add3A_1363 = arith.addi %add3A_1362, %iota3A : vector<16xi32>
      %gather3A_1364 = tpu.vector_load_idx %arg6[%broadcast_in_dim3A_1330, %add3A_1363, %broadcast_in_dim3A_1328] : memref<8x64x128xf32, #tpu.memory_space<vmem>>[vector<16xi32>, vector<16xi32>, vector<16xi32>], vector<16xf32>,
      %mul3A_1365 = arith.constant 64 : i32
      %mul3A_1366 = arith.muli %add3A_1311, %mul3A_1365 : i32
      %add3A_1367 = arith.constant 48 : i32
      %add3A_1368 = arith.addi %mul3A_1366, %add3A_1367 : i32
      %add3A_1369 = vector.broadcast %add3A_1368 : i32 to vector<16xi32>
      %add3A_1370 = arith.addi %add3A_1369, %iota3A : vector<16xi32>
      tpu.vector_store_idx %arg7[%add3A_1370], %gather3A_1364 : memref<4096xf32, #tpu.memory_space<vmem>>[vector<16xi32>], vector<16xf32>,
      %add3A_1371 = arith.constant 2 : i32
      %add3A_1372 = arith.addi %mul3A_14, %add3A_1371 : i32
      %jit3A_1373 = arith.constant 128 : i32
      %eq3A_1374 = arith.constant 0 : i32
      %eq3A_1375 = arith.cmpi eq, %jit3A_1373, %eq3A_1374 : i32
      %jit3A_1376 = arith.constant 1 : i32
      %select_n3A_1377 = arith.select %eq3A_1375, %jit3A_1376, %jit3A_1373 : i32
      %rem3A_1378 = arith.remsi %reduce_max3A_52, %select_n3A_1377 : i32
      %ne3A_1379 = arith.constant 0 : i32
      %ne3A_1380 = arith.cmpi ne, %rem3A_1378, %ne3A_1379 : i32
      %lt3A_1381 = arith.constant 0 : i32
      %lt3A_1382 = arith.cmpi slt, %rem3A_1378, %lt3A_1381 : i32
      %lt3A_1383 = arith.constant 0 : i32
      %lt3A_1384 = arith.cmpi slt, %select_n3A_1377, %lt3A_1383 : i32
      %ne3A_1385 = arith.xori %lt3A_1382, %lt3A_1384 : i1
      %and3A_1386 = arith.andi %ne3A_1385, %ne3A_1380 : i1
      %add3A_1387 = arith.addi %rem3A_1378, %select_n3A_1377 : i32
      %select_n3A_1388 = arith.select %and3A_1386, %add3A_1387, %rem3A_1378 : i32
      %broadcast_in_dim3A_1389 = vector.broadcast %select_n3A_1388 : i32 to vector<16xi32>
      %broadcast_in_dim3A_1390 = arith.constant 2 : i32
      %broadcast_in_dim3A_1391 = vector.broadcast %broadcast_in_dim3A_1390 : i32 to vector<16xi32>
      %add3A_1392 = arith.constant 0 : i32
      %add3A_1393 = vector.broadcast %add3A_1392 : i32 to vector<16xi32>
      %add3A_1394 = arith.addi %add3A_1393, %iota3A : vector<16xi32>
      %gather3A_1395 = tpu.vector_load_idx %arg6[%broadcast_in_dim3A_1391, %add3A_1394, %broadcast_in_dim3A_1389] : memref<8x64x128xf32, #tpu.memory_space<vmem>>[vector<16xi32>, vector<16xi32>, vector<16xi32>], vector<16xf32>,
      %mul3A_1396 = arith.constant 64 : i32
      %mul3A_1397 = arith.muli %add3A_1372, %mul3A_1396 : i32
      %add3A_1398 = arith.constant 0 : i32
      %add3A_1399 = arith.addi %mul3A_1397, %add3A_1398 : i32
      %add3A_1400 = vector.broadcast %add3A_1399 : i32 to vector<16xi32>
      %add3A_1401 = arith.addi %add3A_1400, %iota3A : vector<16xi32>
      tpu.vector_store_idx %arg7[%add3A_1401], %gather3A_1395 : memref<4096xf32, #tpu.memory_space<vmem>>[vector<16xi32>], vector<16xf32>,
      %add3A_1402 = arith.constant 16 : i32
      %add3A_1403 = vector.broadcast %add3A_1402 : i32 to vector<16xi32>
      %add3A_1404 = arith.addi %add3A_1403, %iota3A : vector<16xi32>
      %gather3A_1405 = tpu.vector_load_idx %arg6[%broadcast_in_dim3A_1391, %add3A_1404, %broadcast_in_dim3A_1389] : memref<8x64x128xf32, #tpu.memory_space<vmem>>[vector<16xi32>, vector<16xi32>, vector<16xi32>], vector<16xf32>,
      %mul3A_1406 = arith.constant 64 : i32
      %mul3A_1407 = arith.muli %add3A_1372, %mul3A_1406 : i32
      %add3A_1408 = arith.constant 16 : i32
      %add3A_1409 = arith.addi %mul3A_1407, %add3A_1408 : i32
      %add3A_1410 = vector.broadcast %add3A_1409 : i32 to vector<16xi32>
      %add3A_1411 = arith.addi %add3A_1410, %iota3A : vector<16xi32>
      tpu.vector_store_idx %arg7[%add3A_1411], %gather3A_1405 : memref<4096xf32, #tpu.memory_space<vmem>>[vector<16xi32>], vector<16xf32>,
      %add3A_1412 = arith.constant 32 : i32
      %add3A_1413 = vector.broadcast %add3A_1412 : i32 to vector<16xi32>
      %add3A_1414 = arith.addi %add3A_1413, %iota3A : vector<16xi32>
      %gather3A_1415 = tpu.vector_load_idx %arg6[%broadcast_in_dim3A_1391, %add3A_1414, %broadcast_in_dim3A_1389] : memref<8x64x128xf32, #tpu.memory_space<vmem>>[vector<16xi32>, vector<16xi32>, vector<16xi32>], vector<16xf32>,
      %mul3A_1416 = arith.constant 64 : i32
      %mul3A_1417 = arith.muli %add3A_1372, %mul3A_1416 : i32
      %add3A_1418 = arith.constant 32 : i32
      %add3A_1419 = arith.addi %mul3A_1417, %add3A_1418 : i32
      %add3A_1420 = vector.broadcast %add3A_1419 : i32 to vector<16xi32>
      %add3A_1421 = arith.addi %add3A_1420, %iota3A : vector<16xi32>
      tpu.vector_store_idx %arg7[%add3A_1421], %gather3A_1415 : memref<4096xf32, #tpu.memory_space<vmem>>[vector<16xi32>], vector<16xf32>,
      %add3A_1422 = arith.constant 48 : i32
      %add3A_1423 = vector.broadcast %add3A_1422 : i32 to vector<16xi32>
      %add3A_1424 = arith.addi %add3A_1423, %iota3A : vector<16xi32>
      %gather3A_1425 = tpu.vector_load_idx %arg6[%broadcast_in_dim3A_1391, %add3A_1424, %broadcast_in_dim3A_1389] : memref<8x64x128xf32, #tpu.memory_space<vmem>>[vector<16xi32>, vector<16xi32>, vector<16xi32>], vector<16xf32>,
      %mul3A_1426 = arith.constant 64 : i32
      %mul3A_1427 = arith.muli %add3A_1372, %mul3A_1426 : i32
      %add3A_1428 = arith.constant 48 : i32
      %add3A_1429 = arith.addi %mul3A_1427, %add3A_1428 : i32
      %add3A_1430 = vector.broadcast %add3A_1429 : i32 to vector<16xi32>
      %add3A_1431 = arith.addi %add3A_1430, %iota3A : vector<16xi32>
      tpu.vector_store_idx %arg7[%add3A_1431], %gather3A_1425 : memref<4096xf32, #tpu.memory_space<vmem>>[vector<16xi32>], vector<16xf32>,
      %add3A_1432 = arith.constant 3 : i32
      %add3A_1433 = arith.addi %mul3A_14, %add3A_1432 : i32
      %jit3A_1434 = arith.constant 128 : i32
      %eq3A_1435 = arith.constant 0 : i32
      %eq3A_1436 = arith.cmpi eq, %jit3A_1434, %eq3A_1435 : i32
      %jit3A_1437 = arith.constant 1 : i32
      %select_n3A_1438 = arith.select %eq3A_1436, %jit3A_1437, %jit3A_1434 : i32
      %rem3A_1439 = arith.remsi %reduce_max3A_66, %select_n3A_1438 : i32
      %ne3A_1440 = arith.constant 0 : i32
      %ne3A_1441 = arith.cmpi ne, %rem3A_1439, %ne3A_1440 : i32
      %lt3A_1442 = arith.constant 0 : i32
      %lt3A_1443 = arith.cmpi slt, %rem3A_1439, %lt3A_1442 : i32
      %lt3A_1444 = arith.constant 0 : i32
      %lt3A_1445 = arith.cmpi slt, %select_n3A_1438, %lt3A_1444 : i32
      %ne3A_1446 = arith.xori %lt3A_1443, %lt3A_1445 : i1
      %and3A_1447 = arith.andi %ne3A_1446, %ne3A_1441 : i1
      %add3A_1448 = arith.addi %rem3A_1439, %select_n3A_1438 : i32
      %select_n3A_1449 = arith.select %and3A_1447, %add3A_1448, %rem3A_1439 : i32
      %broadcast_in_dim3A_1450 = vector.broadcast %select_n3A_1449 : i32 to vector<16xi32>
      %broadcast_in_dim3A_1451 = arith.constant 3 : i32
      %broadcast_in_dim3A_1452 = vector.broadcast %broadcast_in_dim3A_1451 : i32 to vector<16xi32>
      %add3A_1453 = arith.constant 0 : i32
      %add3A_1454 = vector.broadcast %add3A_1453 : i32 to vector<16xi32>
      %add3A_1455 = arith.addi %add3A_1454, %iota3A : vector<16xi32>
      %gather3A_1456 = tpu.vector_load_idx %arg6[%broadcast_in_dim3A_1452, %add3A_1455, %broadcast_in_dim3A_1450] : memref<8x64x128xf32, #tpu.memory_space<vmem>>[vector<16xi32>, vector<16xi32>, vector<16xi32>], vector<16xf32>,
      %mul3A_1457 = arith.constant 64 : i32
      %mul3A_1458 = arith.muli %add3A_1433, %mul3A_1457 : i32
      %add3A_1459 = arith.constant 0 : i32
      %add3A_1460 = arith.addi %mul3A_1458, %add3A_1459 : i32
      %add3A_1461 = vector.broadcast %add3A_1460 : i32 to vector<16xi32>
      %add3A_1462 = arith.addi %add3A_1461, %iota3A : vector<16xi32>
      tpu.vector_store_idx %arg7[%add3A_1462], %gather3A_1456 : memref<4096xf32, #tpu.memory_space<vmem>>[vector<16xi32>], vector<16xf32>,
      %add3A_1463 = arith.constant 16 : i32
      %add3A_1464 = vector.broadcast %add3A_1463 : i32 to vector<16xi32>
      %add3A_1465 = arith.addi %add3A_1464, %iota3A : vector<16xi32>
      %gather3A_1466 = tpu.vector_load_idx %arg6[%broadcast_in_dim3A_1452, %add3A_1465, %broadcast_in_dim3A_1450] : memref<8x64x128xf32, #tpu.memory_space<vmem>>[vector<16xi32>, vector<16xi32>, vector<16xi32>], vector<16xf32>,
      %mul3A_1467 = arith.constant 64 : i32
      %mul3A_1468 = arith.muli %add3A_1433, %mul3A_1467 : i32
      %add3A_1469 = arith.constant 16 : i32
      %add3A_1470 = arith.addi %mul3A_1468, %add3A_1469 : i32
      %add3A_1471 = vector.broadcast %add3A_1470 : i32 to vector<16xi32>
      %add3A_1472 = arith.addi %add3A_1471, %iota3A : vector<16xi32>
      tpu.vector_store_idx %arg7[%add3A_1472], %gather3A_1466 : memref<4096xf32, #tpu.memory_space<vmem>>[vector<16xi32>], vector<16xf32>,
      %add3A_1473 = arith.constant 32 : i32
      %add3A_1474 = vector.broadcast %add3A_1473 : i32 to vector<16xi32>
      %add3A_1475 = arith.addi %add3A_1474, %iota3A : vector<16xi32>
      %gather3A_1476 = tpu.vector_load_idx %arg6[%broadcast_in_dim3A_1452, %add3A_1475, %broadcast_in_dim3A_1450] : memref<8x64x128xf32, #tpu.memory_space<vmem>>[vector<16xi32>, vector<16xi32>, vector<16xi32>], vector<16xf32>,
      %mul3A_1477 = arith.constant 64 : i32
      %mul3A_1478 = arith.muli %add3A_1433, %mul3A_1477 : i32
      %add3A_1479 = arith.constant 32 : i32
      %add3A_1480 = arith.addi %mul3A_1478, %add3A_1479 : i32
      %add3A_1481 = vector.broadcast %add3A_1480 : i32 to vector<16xi32>
      %add3A_1482 = arith.addi %add3A_1481, %iota3A : vector<16xi32>
      tpu.vector_store_idx %arg7[%add3A_1482], %gather3A_1476 : memref<4096xf32, #tpu.memory_space<vmem>>[vector<16xi32>], vector<16xf32>,
      %add3A_1483 = arith.constant 48 : i32
      %add3A_1484 = vector.broadcast %add3A_1483 : i32 to vector<16xi32>
      %add3A_1485 = arith.addi %add3A_1484, %iota3A : vector<16xi32>
      %gather3A_1486 = tpu.vector_load_idx %arg6[%broadcast_in_dim3A_1452, %add3A_1485, %broadcast_in_dim3A_1450] : memref<8x64x128xf32, #tpu.memory_space<vmem>>[vector<16xi32>, vector<16xi32>, vector<16xi32>], vector<16xf32>,
      %mul3A_1487 = arith.constant 64 : i32
      %mul3A_1488 = arith.muli %add3A_1433, %mul3A_1487 : i32
      %add3A_1489 = arith.constant 48 : i32
      %add3A_1490 = arith.addi %mul3A_1488, %add3A_1489 : i32
      %add3A_1491 = vector.broadcast %add3A_1490 : i32 to vector<16xi32>
      %add3A_1492 = arith.addi %add3A_1491, %iota3A : vector<16xi32>
      tpu.vector_store_idx %arg7[%add3A_1492], %gather3A_1486 : memref<4096xf32, #tpu.memory_space<vmem>>[vector<16xi32>], vector<16xf32>,
      %add3A_1493 = arith.constant 4 : i32
      %add3A_1494 = arith.addi %mul3A_14, %add3A_1493 : i32
      %jit3A_1495 = arith.constant 128 : i32
      %eq3A_1496 = arith.constant 0 : i32
      %eq3A_1497 = arith.cmpi eq, %jit3A_1495, %eq3A_1496 : i32
      %jit3A_1498 = arith.constant 1 : i32
      %select_n3A_1499 = arith.select %eq3A_1497, %jit3A_1498, %jit3A_1495 : i32
      %rem3A_1500 = arith.remsi %reduce_max3A_80, %select_n3A_1499 : i32
      %ne3A_1501 = arith.constant 0 : i32
      %ne3A_1502 = arith.cmpi ne, %rem3A_1500, %ne3A_1501 : i32
      %lt3A_1503 = arith.constant 0 : i32
      %lt3A_1504 = arith.cmpi slt, %rem3A_1500, %lt3A_1503 : i32
      %lt3A_1505 = arith.constant 0 : i32
      %lt3A_1506 = arith.cmpi slt, %select_n3A_1499, %lt3A_1505 : i32
      %ne3A_1507 = arith.xori %lt3A_1504, %lt3A_1506 : i1
      %and3A_1508 = arith.andi %ne3A_1507, %ne3A_1502 : i1
      %add3A_1509 = arith.addi %rem3A_1500, %select_n3A_1499 : i32
      %select_n3A_1510 = arith.select %and3A_1508, %add3A_1509, %rem3A_1500 : i32
      %broadcast_in_dim3A_1511 = vector.broadcast %select_n3A_1510 : i32 to vector<16xi32>
      %broadcast_in_dim3A_1512 = arith.constant 4 : i32
      %broadcast_in_dim3A_1513 = vector.broadcast %broadcast_in_dim3A_1512 : i32 to vector<16xi32>
      %add3A_1514 = arith.constant 0 : i32
      %add3A_1515 = vector.broadcast %add3A_1514 : i32 to vector<16xi32>
      %add3A_1516 = arith.addi %add3A_1515, %iota3A : vector<16xi32>
      %gather3A_1517 = tpu.vector_load_idx %arg6[%broadcast_in_dim3A_1513, %add3A_1516, %broadcast_in_dim3A_1511] : memref<8x64x128xf32, #tpu.memory_space<vmem>>[vector<16xi32>, vector<16xi32>, vector<16xi32>], vector<16xf32>,
      %mul3A_1518 = arith.constant 64 : i32
      %mul3A_1519 = arith.muli %add3A_1494, %mul3A_1518 : i32
      %add3A_1520 = arith.constant 0 : i32
      %add3A_1521 = arith.addi %mul3A_1519, %add3A_1520 : i32
      %add3A_1522 = vector.broadcast %add3A_1521 : i32 to vector<16xi32>
      %add3A_1523 = arith.addi %add3A_1522, %iota3A : vector<16xi32>
      tpu.vector_store_idx %arg7[%add3A_1523], %gather3A_1517 : memref<4096xf32, #tpu.memory_space<vmem>>[vector<16xi32>], vector<16xf32>,
      %add3A_1524 = arith.constant 16 : i32
      %add3A_1525 = vector.broadcast %add3A_1524 : i32 to vector<16xi32>
      %add3A_1526 = arith.addi %add3A_1525, %iota3A : vector<16xi32>
      %gather3A_1527 = tpu.vector_load_idx %arg6[%broadcast_in_dim3A_1513, %add3A_1526, %broadcast_in_dim3A_1511] : memref<8x64x128xf32, #tpu.memory_space<vmem>>[vector<16xi32>, vector<16xi32>, vector<16xi32>], vector<16xf32>,
      %mul3A_1528 = arith.constant 64 : i32
      %mul3A_1529 = arith.muli %add3A_1494, %mul3A_1528 : i32
      %add3A_1530 = arith.constant 16 : i32
      %add3A_1531 = arith.addi %mul3A_1529, %add3A_1530 : i32
      %add3A_1532 = vector.broadcast %add3A_1531 : i32 to vector<16xi32>
      %add3A_1533 = arith.addi %add3A_1532, %iota3A : vector<16xi32>
      tpu.vector_store_idx %arg7[%add3A_1533], %gather3A_1527 : memref<4096xf32, #tpu.memory_space<vmem>>[vector<16xi32>], vector<16xf32>,
      %add3A_1534 = arith.constant 32 : i32
      %add3A_1535 = vector.broadcast %add3A_1534 : i32 to vector<16xi32>
      %add3A_1536 = arith.addi %add3A_1535, %iota3A : vector<16xi32>
      %gather3A_1537 = tpu.vector_load_idx %arg6[%broadcast_in_dim3A_1513, %add3A_1536, %broadcast_in_dim3A_1511] : memref<8x64x128xf32, #tpu.memory_space<vmem>>[vector<16xi32>, vector<16xi32>, vector<16xi32>], vector<16xf32>,
      %mul3A_1538 = arith.constant 64 : i32
      %mul3A_1539 = arith.muli %add3A_1494, %mul3A_1538 : i32
      %add3A_1540 = arith.constant 32 : i32
      %add3A_1541 = arith.addi %mul3A_1539, %add3A_1540 : i32
      %add3A_1542 = vector.broadcast %add3A_1541 : i32 to vector<16xi32>
      %add3A_1543 = arith.addi %add3A_1542, %iota3A : vector<16xi32>
      tpu.vector_store_idx %arg7[%add3A_1543], %gather3A_1537 : memref<4096xf32, #tpu.memory_space<vmem>>[vector<16xi32>], vector<16xf32>,
      %add3A_1544 = arith.constant 48 : i32
      %add3A_1545 = vector.broadcast %add3A_1544 : i32 to vector<16xi32>
      %add3A_1546 = arith.addi %add3A_1545, %iota3A : vector<16xi32>
      %gather3A_1547 = tpu.vector_load_idx %arg6[%broadcast_in_dim3A_1513, %add3A_1546, %broadcast_in_dim3A_1511] : memref<8x64x128xf32, #tpu.memory_space<vmem>>[vector<16xi32>, vector<16xi32>, vector<16xi32>], vector<16xf32>,
      %mul3A_1548 = arith.constant 64 : i32
      %mul3A_1549 = arith.muli %add3A_1494, %mul3A_1548 : i32
      %add3A_1550 = arith.constant 48 : i32
      %add3A_1551 = arith.addi %mul3A_1549, %add3A_1550 : i32
      %add3A_1552 = vector.broadcast %add3A_1551 : i32 to vector<16xi32>
      %add3A_1553 = arith.addi %add3A_1552, %iota3A : vector<16xi32>
      tpu.vector_store_idx %arg7[%add3A_1553], %gather3A_1547 : memref<4096xf32, #tpu.memory_space<vmem>>[vector<16xi32>], vector<16xf32>,
      %add3A_1554 = arith.constant 5 : i32
      %add3A_1555 = arith.addi %mul3A_14, %add3A_1554 : i32
      %jit3A_1556 = arith.constant 128 : i32
      %eq3A_1557 = arith.constant 0 : i32
      %eq3A_1558 = arith.cmpi eq, %jit3A_1556, %eq3A_1557 : i32
      %jit3A_1559 = arith.constant 1 : i32
      %select_n3A_1560 = arith.select %eq3A_1558, %jit3A_1559, %jit3A_1556 : i32
      %rem3A_1561 = arith.remsi %reduce_max3A_94, %select_n3A_1560 : i32
      %ne3A_1562 = arith.constant 0 : i32
      %ne3A_1563 = arith.cmpi ne, %rem3A_1561, %ne3A_1562 : i32
      %lt3A_1564 = arith.constant 0 : i32
      %lt3A_1565 = arith.cmpi slt, %rem3A_1561, %lt3A_1564 : i32
      %lt3A_1566 = arith.constant 0 : i32
      %lt3A_1567 = arith.cmpi slt, %select_n3A_1560, %lt3A_1566 : i32
      %ne3A_1568 = arith.xori %lt3A_1565, %lt3A_1567 : i1
      %and3A_1569 = arith.andi %ne3A_1568, %ne3A_1563 : i1
      %add3A_1570 = arith.addi %rem3A_1561, %select_n3A_1560 : i32
      %select_n3A_1571 = arith.select %and3A_1569, %add3A_1570, %rem3A_1561 : i32
      %broadcast_in_dim3A_1572 = vector.broadcast %select_n3A_1571 : i32 to vector<16xi32>
      %broadcast_in_dim3A_1573 = arith.constant 5 : i32
      %broadcast_in_dim3A_1574 = vector.broadcast %broadcast_in_dim3A_1573 : i32 to vector<16xi32>
      %add3A_1575 = arith.constant 0 : i32
      %add3A_1576 = vector.broadcast %add3A_1575 : i32 to vector<16xi32>
      %add3A_1577 = arith.addi %add3A_1576, %iota3A : vector<16xi32>
      %gather3A_1578 = tpu.vector_load_idx %arg6[%broadcast_in_dim3A_1574, %add3A_1577, %broadcast_in_dim3A_1572] : memref<8x64x128xf32, #tpu.memory_space<vmem>>[vector<16xi32>, vector<16xi32>, vector<16xi32>], vector<16xf32>,
      %mul3A_1579 = arith.constant 64 : i32
      %mul3A_1580 = arith.muli %add3A_1555, %mul3A_1579 : i32
      %add3A_1581 = arith.constant 0 : i32
      %add3A_1582 = arith.addi %mul3A_1580, %add3A_1581 : i32
      %add3A_1583 = vector.broadcast %add3A_1582 : i32 to vector<16xi32>
      %add3A_1584 = arith.addi %add3A_1583, %iota3A : vector<16xi32>
      tpu.vector_store_idx %arg7[%add3A_1584], %gather3A_1578 : memref<4096xf32, #tpu.memory_space<vmem>>[vector<16xi32>], vector<16xf32>,
      %add3A_1585 = arith.constant 16 : i32
      %add3A_1586 = vector.broadcast %add3A_1585 : i32 to vector<16xi32>
      %add3A_1587 = arith.addi %add3A_1586, %iota3A : vector<16xi32>
      %gather3A_1588 = tpu.vector_load_idx %arg6[%broadcast_in_dim3A_1574, %add3A_1587, %broadcast_in_dim3A_1572] : memref<8x64x128xf32, #tpu.memory_space<vmem>>[vector<16xi32>, vector<16xi32>, vector<16xi32>], vector<16xf32>,
      %mul3A_1589 = arith.constant 64 : i32
      %mul3A_1590 = arith.muli %add3A_1555, %mul3A_1589 : i32
      %add3A_1591 = arith.constant 16 : i32
      %add3A_1592 = arith.addi %mul3A_1590, %add3A_1591 : i32
      %add3A_1593 = vector.broadcast %add3A_1592 : i32 to vector<16xi32>
      %add3A_1594 = arith.addi %add3A_1593, %iota3A : vector<16xi32>
      tpu.vector_store_idx %arg7[%add3A_1594], %gather3A_1588 : memref<4096xf32, #tpu.memory_space<vmem>>[vector<16xi32>], vector<16xf32>,
      %add3A_1595 = arith.constant 32 : i32
      %add3A_1596 = vector.broadcast %add3A_1595 : i32 to vector<16xi32>
      %add3A_1597 = arith.addi %add3A_1596, %iota3A : vector<16xi32>
      %gather3A_1598 = tpu.vector_load_idx %arg6[%broadcast_in_dim3A_1574, %add3A_1597, %broadcast_in_dim3A_1572] : memref<8x64x128xf32, #tpu.memory_space<vmem>>[vector<16xi32>, vector<16xi32>, vector<16xi32>], vector<16xf32>,
      %mul3A_1599 = arith.constant 64 : i32
      %mul3A_1600 = arith.muli %add3A_1555, %mul3A_1599 : i32
      %add3A_1601 = arith.constant 32 : i32
      %add3A_1602 = arith.addi %mul3A_1600, %add3A_1601 : i32
      %add3A_1603 = vector.broadcast %add3A_1602 : i32 to vector<16xi32>
      %add3A_1604 = arith.addi %add3A_1603, %iota3A : vector<16xi32>
      tpu.vector_store_idx %arg7[%add3A_1604], %gather3A_1598 : memref<4096xf32, #tpu.memory_space<vmem>>[vector<16xi32>], vector<16xf32>,
      %add3A_1605 = arith.constant 48 : i32
      %add3A_1606 = vector.broadcast %add3A_1605 : i32 to vector<16xi32>
      %add3A_1607 = arith.addi %add3A_1606, %iota3A : vector<16xi32>
      %gather3A_1608 = tpu.vector_load_idx %arg6[%broadcast_in_dim3A_1574, %add3A_1607, %broadcast_in_dim3A_1572] : memref<8x64x128xf32, #tpu.memory_space<vmem>>[vector<16xi32>, vector<16xi32>, vector<16xi32>], vector<16xf32>,
      %mul3A_1609 = arith.constant 64 : i32
      %mul3A_1610 = arith.muli %add3A_1555, %mul3A_1609 : i32
      %add3A_1611 = arith.constant 48 : i32
      %add3A_1612 = arith.addi %mul3A_1610, %add3A_1611 : i32
      %add3A_1613 = vector.broadcast %add3A_1612 : i32 to vector<16xi32>
      %add3A_1614 = arith.addi %add3A_1613, %iota3A : vector<16xi32>
      tpu.vector_store_idx %arg7[%add3A_1614], %gather3A_1608 : memref<4096xf32, #tpu.memory_space<vmem>>[vector<16xi32>], vector<16xf32>,
      %add3A_1615 = arith.constant 6 : i32
      %add3A_1616 = arith.addi %mul3A_14, %add3A_1615 : i32
      %jit3A_1617 = arith.constant 128 : i32
      %eq3A_1618 = arith.constant 0 : i32
      %eq3A_1619 = arith.cmpi eq, %jit3A_1617, %eq3A_1618 : i32
      %jit3A_1620 = arith.constant 1 : i32
      %select_n3A_1621 = arith.select %eq3A_1619, %jit3A_1620, %jit3A_1617 : i32
      %rem3A_1622 = arith.remsi %reduce_max3A_108, %select_n3A_1621 : i32
      %ne3A_1623 = arith.constant 0 : i32
      %ne3A_1624 = arith.cmpi ne, %rem3A_1622, %ne3A_1623 : i32
      %lt3A_1625 = arith.constant 0 : i32
      %lt3A_1626 = arith.cmpi slt, %rem3A_1622, %lt3A_1625 : i32
      %lt3A_1627 = arith.constant 0 : i32
      %lt3A_1628 = arith.cmpi slt, %select_n3A_1621, %lt3A_1627 : i32
      %ne3A_1629 = arith.xori %lt3A_1626, %lt3A_1628 : i1
      %and3A_1630 = arith.andi %ne3A_1629, %ne3A_1624 : i1
      %add3A_1631 = arith.addi %rem3A_1622, %select_n3A_1621 : i32
      %select_n3A_1632 = arith.select %and3A_1630, %add3A_1631, %rem3A_1622 : i32
      %broadcast_in_dim3A_1633 = vector.broadcast %select_n3A_1632 : i32 to vector<16xi32>
      %broadcast_in_dim3A_1634 = arith.constant 6 : i32
      %broadcast_in_dim3A_1635 = vector.broadcast %broadcast_in_dim3A_1634 : i32 to vector<16xi32>
      %add3A_1636 = arith.constant 0 : i32
      %add3A_1637 = vector.broadcast %add3A_1636 : i32 to vector<16xi32>
      %add3A_1638 = arith.addi %add3A_1637, %iota3A : vector<16xi32>
      %gather3A_1639 = tpu.vector_load_idx %arg6[%broadcast_in_dim3A_1635, %add3A_1638, %broadcast_in_dim3A_1633] : memref<8x64x128xf32, #tpu.memory_space<vmem>>[vector<16xi32>, vector<16xi32>, vector<16xi32>], vector<16xf32>,
      %mul3A_1640 = arith.constant 64 : i32
      %mul3A_1641 = arith.muli %add3A_1616, %mul3A_1640 : i32
      %add3A_1642 = arith.constant 0 : i32
      %add3A_1643 = arith.addi %mul3A_1641, %add3A_1642 : i32
      %add3A_1644 = vector.broadcast %add3A_1643 : i32 to vector<16xi32>
      %add3A_1645 = arith.addi %add3A_1644, %iota3A : vector<16xi32>
      tpu.vector_store_idx %arg7[%add3A_1645], %gather3A_1639 : memref<4096xf32, #tpu.memory_space<vmem>>[vector<16xi32>], vector<16xf32>,
      %add3A_1646 = arith.constant 16 : i32
      %add3A_1647 = vector.broadcast %add3A_1646 : i32 to vector<16xi32>
      %add3A_1648 = arith.addi %add3A_1647, %iota3A : vector<16xi32>
      %gather3A_1649 = tpu.vector_load_idx %arg6[%broadcast_in_dim3A_1635, %add3A_1648, %broadcast_in_dim3A_1633] : memref<8x64x128xf32, #tpu.memory_space<vmem>>[vector<16xi32>, vector<16xi32>, vector<16xi32>], vector<16xf32>,
      %mul3A_1650 = arith.constant 64 : i32
      %mul3A_1651 = arith.muli %add3A_1616, %mul3A_1650 : i32
      %add3A_1652 = arith.constant 16 : i32
      %add3A_1653 = arith.addi %mul3A_1651, %add3A_1652 : i32
      %add3A_1654 = vector.broadcast %add3A_1653 : i32 to vector<16xi32>
      %add3A_1655 = arith.addi %add3A_1654, %iota3A : vector<16xi32>
      tpu.vector_store_idx %arg7[%add3A_1655], %gather3A_1649 : memref<4096xf32, #tpu.memory_space<vmem>>[vector<16xi32>], vector<16xf32>,
      %add3A_1656 = arith.constant 32 : i32
      %add3A_1657 = vector.broadcast %add3A_1656 : i32 to vector<16xi32>
      %add3A_1658 = arith.addi %add3A_1657, %iota3A : vector<16xi32>
      %gather3A_1659 = tpu.vector_load_idx %arg6[%broadcast_in_dim3A_1635, %add3A_1658, %broadcast_in_dim3A_1633] : memref<8x64x128xf32, #tpu.memory_space<vmem>>[vector<16xi32>, vector<16xi32>, vector<16xi32>], vector<16xf32>,
      %mul3A_1660 = arith.constant 64 : i32
      %mul3A_1661 = arith.muli %add3A_1616, %mul3A_1660 : i32
      %add3A_1662 = arith.constant 32 : i32
      %add3A_1663 = arith.addi %mul3A_1661, %add3A_1662 : i32
      %add3A_1664 = vector.broadcast %add3A_1663 : i32 to vector<16xi32>
      %add3A_1665 = arith.addi %add3A_1664, %iota3A : vector<16xi32>
      tpu.vector_store_idx %arg7[%add3A_1665], %gather3A_1659 : memref<4096xf32, #tpu.memory_space<vmem>>[vector<16xi32>], vector<16xf32>,
      %add3A_1666 = arith.constant 48 : i32
      %add3A_1667 = vector.broadcast %add3A_1666 : i32 to vector<16xi32>
      %add3A_1668 = arith.addi %add3A_1667, %iota3A : vector<16xi32>
      %gather3A_1669 = tpu.vector_load_idx %arg6[%broadcast_in_dim3A_1635, %add3A_1668, %broadcast_in_dim3A_1633] : memref<8x64x128xf32, #tpu.memory_space<vmem>>[vector<16xi32>, vector<16xi32>, vector<16xi32>], vector<16xf32>,
      %mul3A_1670 = arith.constant 64 : i32
      %mul3A_1671 = arith.muli %add3A_1616, %mul3A_1670 : i32
      %add3A_1672 = arith.constant 48 : i32
      %add3A_1673 = arith.addi %mul3A_1671, %add3A_1672 : i32
      %add3A_1674 = vector.broadcast %add3A_1673 : i32 to vector<16xi32>
      %add3A_1675 = arith.addi %add3A_1674, %iota3A : vector<16xi32>
      tpu.vector_store_idx %arg7[%add3A_1675], %gather3A_1669 : memref<4096xf32, #tpu.memory_space<vmem>>[vector<16xi32>], vector<16xf32>,
      %add3A_1676 = arith.constant 7 : i32
      %add3A_1677 = arith.addi %mul3A_14, %add3A_1676 : i32
      %jit3A_1678 = arith.constant 128 : i32
      %eq3A_1679 = arith.constant 0 : i32
      %eq3A_1680 = arith.cmpi eq, %jit3A_1678, %eq3A_1679 : i32
      %jit3A_1681 = arith.constant 1 : i32
      %select_n3A_1682 = arith.select %eq3A_1680, %jit3A_1681, %jit3A_1678 : i32
      %rem3A_1683 = arith.remsi %reduce_max3A_122, %select_n3A_1682 : i32
      %ne3A_1684 = arith.constant 0 : i32
      %ne3A_1685 = arith.cmpi ne, %rem3A_1683, %ne3A_1684 : i32
      %lt3A_1686 = arith.constant 0 : i32
      %lt3A_1687 = arith.cmpi slt, %rem3A_1683, %lt3A_1686 : i32
      %lt3A_1688 = arith.constant 0 : i32
      %lt3A_1689 = arith.cmpi slt, %select_n3A_1682, %lt3A_1688 : i32
      %ne3A_1690 = arith.xori %lt3A_1687, %lt3A_1689 : i1
      %and3A_1691 = arith.andi %ne3A_1690, %ne3A_1685 : i1
      %add3A_1692 = arith.addi %rem3A_1683, %select_n3A_1682 : i32
      %select_n3A_1693 = arith.select %and3A_1691, %add3A_1692, %rem3A_1683 : i32
      %broadcast_in_dim3A_1694 = vector.broadcast %select_n3A_1693 : i32 to vector<16xi32>
      %broadcast_in_dim3A_1695 = arith.constant 7 : i32
      %broadcast_in_dim3A_1696 = vector.broadcast %broadcast_in_dim3A_1695 : i32 to vector<16xi32>
      %add3A_1697 = arith.constant 0 : i32
      %add3A_1698 = vector.broadcast %add3A_1697 : i32 to vector<16xi32>
      %add3A_1699 = arith.addi %add3A_1698, %iota3A : vector<16xi32>
      %gather3A_1700 = tpu.vector_load_idx %arg6[%broadcast_in_dim3A_1696, %add3A_1699, %broadcast_in_dim3A_1694] : memref<8x64x128xf32, #tpu.memory_space<vmem>>[vector<16xi32>, vector<16xi32>, vector<16xi32>], vector<16xf32>,
      %mul3A_1701 = arith.constant 64 : i32
      %mul3A_1702 = arith.muli %add3A_1677, %mul3A_1701 : i32
      %add3A_1703 = arith.constant 0 : i32
      %add3A_1704 = arith.addi %mul3A_1702, %add3A_1703 : i32
      %add3A_1705 = vector.broadcast %add3A_1704 : i32 to vector<16xi32>
      %add3A_1706 = arith.addi %add3A_1705, %iota3A : vector<16xi32>
      tpu.vector_store_idx %arg7[%add3A_1706], %gather3A_1700 : memref<4096xf32, #tpu.memory_space<vmem>>[vector<16xi32>], vector<16xf32>,
      %add3A_1707 = arith.constant 16 : i32
      %add3A_1708 = vector.broadcast %add3A_1707 : i32 to vector<16xi32>
      %add3A_1709 = arith.addi %add3A_1708, %iota3A : vector<16xi32>
      %gather3A_1710 = tpu.vector_load_idx %arg6[%broadcast_in_dim3A_1696, %add3A_1709, %broadcast_in_dim3A_1694] : memref<8x64x128xf32, #tpu.memory_space<vmem>>[vector<16xi32>, vector<16xi32>, vector<16xi32>], vector<16xf32>,
      %mul3A_1711 = arith.constant 64 : i32
      %mul3A_1712 = arith.muli %add3A_1677, %mul3A_1711 : i32
      %add3A_1713 = arith.constant 16 : i32
      %add3A_1714 = arith.addi %mul3A_1712, %add3A_1713 : i32
      %add3A_1715 = vector.broadcast %add3A_1714 : i32 to vector<16xi32>
      %add3A_1716 = arith.addi %add3A_1715, %iota3A : vector<16xi32>
      tpu.vector_store_idx %arg7[%add3A_1716], %gather3A_1710 : memref<4096xf32, #tpu.memory_space<vmem>>[vector<16xi32>], vector<16xf32>,
      %add3A_1717 = arith.constant 32 : i32
      %add3A_1718 = vector.broadcast %add3A_1717 : i32 to vector<16xi32>
      %add3A_1719 = arith.addi %add3A_1718, %iota3A : vector<16xi32>
      %gather3A_1720 = tpu.vector_load_idx %arg6[%broadcast_in_dim3A_1696, %add3A_1719, %broadcast_in_dim3A_1694] : memref<8x64x128xf32, #tpu.memory_space<vmem>>[vector<16xi32>, vector<16xi32>, vector<16xi32>], vector<16xf32>,
      %mul3A_1721 = arith.constant 64 : i32
      %mul3A_1722 = arith.muli %add3A_1677, %mul3A_1721 : i32
      %add3A_1723 = arith.constant 32 : i32
      %add3A_1724 = arith.addi %mul3A_1722, %add3A_1723 : i32
      %add3A_1725 = vector.broadcast %add3A_1724 : i32 to vector<16xi32>
      %add3A_1726 = arith.addi %add3A_1725, %iota3A : vector<16xi32>
      tpu.vector_store_idx %arg7[%add3A_1726], %gather3A_1720 : memref<4096xf32, #tpu.memory_space<vmem>>[vector<16xi32>], vector<16xf32>,
      %add3A_1727 = arith.constant 48 : i32
      %add3A_1728 = vector.broadcast %add3A_1727 : i32 to vector<16xi32>
      %add3A_1729 = arith.addi %add3A_1728, %iota3A : vector<16xi32>
      %gather3A_1730 = tpu.vector_load_idx %arg6[%broadcast_in_dim3A_1696, %add3A_1729, %broadcast_in_dim3A_1694] : memref<8x64x128xf32, #tpu.memory_space<vmem>>[vector<16xi32>, vector<16xi32>, vector<16xi32>], vector<16xf32>,
      %mul3A_1731 = arith.constant 64 : i32
      %mul3A_1732 = arith.muli %add3A_1677, %mul3A_1731 : i32
      %add3A_1733 = arith.constant 48 : i32
      %add3A_1734 = arith.addi %mul3A_1732, %add3A_1733 : i32
      %add3A_1735 = vector.broadcast %add3A_1734 : i32 to vector<16xi32>
      %add3A_1736 = arith.addi %add3A_1735, %iota3A : vector<16xi32>
      tpu.vector_store_idx %arg7[%add3A_1736], %gather3A_1730 : memref<4096xf32, #tpu.memory_space<vmem>>[vector<16xi32>], vector<16xf32>,
      %scan3A_1737 = arith.constant 0 : i32
      scf.yield %scan3A_1737 : i32
    }
    %scan3A_8 = arith.constant 8 : i32
    %mul3A_9 = arith.constant 64 : i32
    %mul3A_10 = arith.muli %mul3A_2, %mul3A_9 : i32
    "tpu.region"() ({
      %run_scoped3A = tpu.sem_alloc : memref<!tpu.dma_semaphore, #tpu.memory_space<semaphore_mem>>
      %dma_start3A = tpu.memref_slice %arg4[%mul3A_10] : memref<131072xf32, #tpu.memory_space<hbm>> -> memref<4096xf32, #tpu.memory_space<hbm>>
      %dma_start3A_11 = tpu.memref_slice %arg4[%mul3A_10] : memref<131072xf32, #tpu.memory_space<hbm>> -> memref<4096xf32, #tpu.memory_space<hbm>>
      tpu.enqueue_dma source(%arg7 : memref<4096xf32, #tpu.memory_space<vmem>>) target(%dma_start3A_11 : memref<4096xf32, #tpu.memory_space<hbm>>) target_semaphore(%run_scoped3A : memref<!tpu.dma_semaphore, #tpu.memory_space<semaphore_mem>>)
      %dma_wait3A = tpu.memref_slice %arg4[%mul3A_10] : memref<131072xf32, #tpu.memory_space<hbm>> -> memref<4096xf32, #tpu.memory_space<hbm>>
      %dma_wait3A_12 = tpu.memref_slice %arg4[%mul3A_10] : memref<131072xf32, #tpu.memory_space<hbm>> -> memref<4096xf32, #tpu.memory_space<hbm>>
      tpu.wait_dma2 semaphore(%run_scoped3A : memref<!tpu.dma_semaphore, #tpu.memory_space<semaphore_mem>>) src(%arg7 : memref<4096xf32, #tpu.memory_space<vmem>>) dst(%dma_wait3A_12 : memref<4096xf32, #tpu.memory_space<hbm>>)
      tpu.yield
    }) : () -> ()
    return
  }
}

module attributes {stable_mosaic.version = 14 : i64} {
  func.func @_topk_body(%arg0: i32, %arg1: memref<64x8192xf32, #tpu.memory_space<vmem>>, %arg2: memref<64x32xf32, #tpu.memory_space<vmem>>, %arg3: memref<64x32xi32, #tpu.memory_space<vmem>>) attributes {dimension_semantics = [#tpu.dimension_semantics<arbitrary>], iteration_bounds = array<i64: 1>, scalar_prefetch = 0 : i64, scratch_operands = 0 : i64, tpu.core_type = #tpu.core_type<tc>, window_params = [{transform_indices = @transform_0, window_bounds = array<i64: 64, 8192>}, {transform_indices = @transform_1, window_bounds = array<i64: 64, 32>}, {transform_indices = @transform_2, window_bounds = array<i64: 64, 32>}]} {
    %get3A = arith.constant 0 : index
    %get3A_0 = arith.constant 0 : index
    %get3A_1 = vector.load %arg1[%get3A, %get3A_0] : memref<64x8192xf32, #tpu.memory_space<vmem>>, vector<64x8192xf32>
    %iota3A = tpu.iota {dimensions = array<i32: 1>} : vector<64x8192xi32>
    %iota3A_2 = tpu.iota {dimensions = array<i32: 1>} : vector<64x32xi32>
    %broadcast_in_dim3A = arith.constant 0.000000e+00 : f32
    %broadcast_in_dim3A_3 = vector.broadcast %broadcast_in_dim3A : f32 to vector<64x32xf32>
    %broadcast_in_dim3A_4 = arith.constant 0 : i32
    %broadcast_in_dim3A_5 = vector.broadcast %broadcast_in_dim3A_4 : i32 to vector<64x32xi32>
    %reduce_max3A = arith.constant dense<0xFF800000> : vector<64xf32>
    %reduce_max3A_6 = vector.multi_reduction <maximumf>, %get3A_1, %reduce_max3A [1] : vector<64x8192xf32> to vector<64xf32>
    %broadcast_in_dim3A_7 = vector.shape_cast %reduce_max3A_6 : vector<64xf32> to vector<64x1xf32>
    %eq3A = vector.broadcast %broadcast_in_dim3A_7 : vector<64x1xf32> to vector<64x8192xf32>
    %eq3A_8 = arith.cmpf oeq, %get3A_1, %eq3A : vector<64x8192xf32>
    %jit3A = arith.constant 8192 : i32
    %broadcast_in_dim3A_9 = vector.broadcast %jit3A : i32 to vector<64x8192xi32>
    %select_n3A = arith.select %eq3A_8, %iota3A, %broadcast_in_dim3A_9 : vector<64x8192xi1>, vector<64x8192xi32>
    %reduce_min3A = arith.constant dense<2147483647> : vector<64xi32>
    %reduce_min3A_10 = vector.multi_reduction <minsi>, %select_n3A, %reduce_min3A [1] : vector<64x8192xi32> to vector<64xi32>
    %broadcast_in_dim3A_11 = vector.shape_cast %reduce_min3A_10 : vector<64xi32> to vector<64x1xi32>
    %eq3A_12 = arith.constant 0 : i32
    %eq3A_13 = vector.broadcast %eq3A_12 : i32 to vector<64x32xi32>
    %eq3A_14 = arith.cmpi eq, %iota3A_2, %eq3A_13 : vector<64x32xi32>
    %broadcast_in_dim3A_15 = vector.shape_cast %broadcast_in_dim3A_7 : vector<64x1xf32> to vector<64x1xf32>
    %broadcast_in_dim3A_16 = vector.broadcast %broadcast_in_dim3A_15 : vector<64x1xf32> to vector<64x32xf32>
    %select_n3A_17 = arith.select %eq3A_14, %broadcast_in_dim3A_16, %broadcast_in_dim3A_3 : vector<64x32xi1>, vector<64x32xf32>
    %eq3A_18 = arith.constant 0 : i32
    %eq3A_19 = vector.broadcast %eq3A_18 : i32 to vector<64x32xi32>
    %eq3A_20 = arith.cmpi eq, %iota3A_2, %eq3A_19 : vector<64x32xi32>
    %broadcast_in_dim3A_21 = vector.shape_cast %broadcast_in_dim3A_11 : vector<64x1xi32> to vector<64x1xi32>
    %broadcast_in_dim3A_22 = vector.broadcast %broadcast_in_dim3A_21 : vector<64x1xi32> to vector<64x32xi32>
    %select_n3A_23 = arith.select %eq3A_20, %broadcast_in_dim3A_22, %broadcast_in_dim3A_5 : vector<64x32xi1>, vector<64x32xi32>
    %eq3A_24 = vector.broadcast %broadcast_in_dim3A_11 : vector<64x1xi32> to vector<64x8192xi32>
    %eq3A_25 = arith.cmpi eq, %iota3A, %eq3A_24 : vector<64x8192xi32>
    %jit3A_26 = arith.constant 0xFF800000 : f32
    %broadcast_in_dim3A_27 = vector.broadcast %jit3A_26 : f32 to vector<64x8192xf32>
    %select_n3A_28 = arith.select %eq3A_25, %broadcast_in_dim3A_27, %get3A_1 : vector<64x8192xi1>, vector<64x8192xf32>
    %reduce_max3A_29 = arith.constant dense<0xFF800000> : vector<64xf32>
    %reduce_max3A_30 = vector.multi_reduction <maximumf>, %select_n3A_28, %reduce_max3A_29 [1] : vector<64x8192xf32> to vector<64xf32>
    %broadcast_in_dim3A_31 = vector.shape_cast %reduce_max3A_30 : vector<64xf32> to vector<64x1xf32>
    %eq3A_32 = vector.broadcast %broadcast_in_dim3A_31 : vector<64x1xf32> to vector<64x8192xf32>
    %eq3A_33 = arith.cmpf oeq, %select_n3A_28, %eq3A_32 : vector<64x8192xf32>
    %jit3A_34 = arith.constant 8192 : i32
    %broadcast_in_dim3A_35 = vector.broadcast %jit3A_34 : i32 to vector<64x8192xi32>
    %select_n3A_36 = arith.select %eq3A_33, %iota3A, %broadcast_in_dim3A_35 : vector<64x8192xi1>, vector<64x8192xi32>
    %reduce_min3A_37 = arith.constant dense<2147483647> : vector<64xi32>
    %reduce_min3A_38 = vector.multi_reduction <minsi>, %select_n3A_36, %reduce_min3A_37 [1] : vector<64x8192xi32> to vector<64xi32>
    %broadcast_in_dim3A_39 = vector.shape_cast %reduce_min3A_38 : vector<64xi32> to vector<64x1xi32>
    %eq3A_40 = arith.constant 1 : i32
    %eq3A_41 = vector.broadcast %eq3A_40 : i32 to vector<64x32xi32>
    %eq3A_42 = arith.cmpi eq, %iota3A_2, %eq3A_41 : vector<64x32xi32>
    %broadcast_in_dim3A_43 = vector.shape_cast %broadcast_in_dim3A_31 : vector<64x1xf32> to vector<64x1xf32>
    %broadcast_in_dim3A_44 = vector.broadcast %broadcast_in_dim3A_43 : vector<64x1xf32> to vector<64x32xf32>
    %select_n3A_45 = arith.select %eq3A_42, %broadcast_in_dim3A_44, %select_n3A_17 : vector<64x32xi1>, vector<64x32xf32>
    %eq3A_46 = arith.constant 1 : i32
    %eq3A_47 = vector.broadcast %eq3A_46 : i32 to vector<64x32xi32>
    %eq3A_48 = arith.cmpi eq, %iota3A_2, %eq3A_47 : vector<64x32xi32>
    %broadcast_in_dim3A_49 = vector.shape_cast %broadcast_in_dim3A_39 : vector<64x1xi32> to vector<64x1xi32>
    %broadcast_in_dim3A_50 = vector.broadcast %broadcast_in_dim3A_49 : vector<64x1xi32> to vector<64x32xi32>
    %select_n3A_51 = arith.select %eq3A_48, %broadcast_in_dim3A_50, %select_n3A_23 : vector<64x32xi1>, vector<64x32xi32>
    %eq3A_52 = vector.broadcast %broadcast_in_dim3A_39 : vector<64x1xi32> to vector<64x8192xi32>
    %eq3A_53 = arith.cmpi eq, %iota3A, %eq3A_52 : vector<64x8192xi32>
    %jit3A_54 = arith.constant 0xFF800000 : f32
    %broadcast_in_dim3A_55 = vector.broadcast %jit3A_54 : f32 to vector<64x8192xf32>
    %select_n3A_56 = arith.select %eq3A_53, %broadcast_in_dim3A_55, %select_n3A_28 : vector<64x8192xi1>, vector<64x8192xf32>
    %reduce_max3A_57 = arith.constant dense<0xFF800000> : vector<64xf32>
    %reduce_max3A_58 = vector.multi_reduction <maximumf>, %select_n3A_56, %reduce_max3A_57 [1] : vector<64x8192xf32> to vector<64xf32>
    %broadcast_in_dim3A_59 = vector.shape_cast %reduce_max3A_58 : vector<64xf32> to vector<64x1xf32>
    %eq3A_60 = vector.broadcast %broadcast_in_dim3A_59 : vector<64x1xf32> to vector<64x8192xf32>
    %eq3A_61 = arith.cmpf oeq, %select_n3A_56, %eq3A_60 : vector<64x8192xf32>
    %jit3A_62 = arith.constant 8192 : i32
    %broadcast_in_dim3A_63 = vector.broadcast %jit3A_62 : i32 to vector<64x8192xi32>
    %select_n3A_64 = arith.select %eq3A_61, %iota3A, %broadcast_in_dim3A_63 : vector<64x8192xi1>, vector<64x8192xi32>
    %reduce_min3A_65 = arith.constant dense<2147483647> : vector<64xi32>
    %reduce_min3A_66 = vector.multi_reduction <minsi>, %select_n3A_64, %reduce_min3A_65 [1] : vector<64x8192xi32> to vector<64xi32>
    %broadcast_in_dim3A_67 = vector.shape_cast %reduce_min3A_66 : vector<64xi32> to vector<64x1xi32>
    %eq3A_68 = arith.constant 2 : i32
    %eq3A_69 = vector.broadcast %eq3A_68 : i32 to vector<64x32xi32>
    %eq3A_70 = arith.cmpi eq, %iota3A_2, %eq3A_69 : vector<64x32xi32>
    %broadcast_in_dim3A_71 = vector.shape_cast %broadcast_in_dim3A_59 : vector<64x1xf32> to vector<64x1xf32>
    %broadcast_in_dim3A_72 = vector.broadcast %broadcast_in_dim3A_71 : vector<64x1xf32> to vector<64x32xf32>
    %select_n3A_73 = arith.select %eq3A_70, %broadcast_in_dim3A_72, %select_n3A_45 : vector<64x32xi1>, vector<64x32xf32>
    %eq3A_74 = arith.constant 2 : i32
    %eq3A_75 = vector.broadcast %eq3A_74 : i32 to vector<64x32xi32>
    %eq3A_76 = arith.cmpi eq, %iota3A_2, %eq3A_75 : vector<64x32xi32>
    %broadcast_in_dim3A_77 = vector.shape_cast %broadcast_in_dim3A_67 : vector<64x1xi32> to vector<64x1xi32>
    %broadcast_in_dim3A_78 = vector.broadcast %broadcast_in_dim3A_77 : vector<64x1xi32> to vector<64x32xi32>
    %select_n3A_79 = arith.select %eq3A_76, %broadcast_in_dim3A_78, %select_n3A_51 : vector<64x32xi1>, vector<64x32xi32>
    %eq3A_80 = vector.broadcast %broadcast_in_dim3A_67 : vector<64x1xi32> to vector<64x8192xi32>
    %eq3A_81 = arith.cmpi eq, %iota3A, %eq3A_80 : vector<64x8192xi32>
    %jit3A_82 = arith.constant 0xFF800000 : f32
    %broadcast_in_dim3A_83 = vector.broadcast %jit3A_82 : f32 to vector<64x8192xf32>
    %select_n3A_84 = arith.select %eq3A_81, %broadcast_in_dim3A_83, %select_n3A_56 : vector<64x8192xi1>, vector<64x8192xf32>
    %reduce_max3A_85 = arith.constant dense<0xFF800000> : vector<64xf32>
    %reduce_max3A_86 = vector.multi_reduction <maximumf>, %select_n3A_84, %reduce_max3A_85 [1] : vector<64x8192xf32> to vector<64xf32>
    %broadcast_in_dim3A_87 = vector.shape_cast %reduce_max3A_86 : vector<64xf32> to vector<64x1xf32>
    %eq3A_88 = vector.broadcast %broadcast_in_dim3A_87 : vector<64x1xf32> to vector<64x8192xf32>
    %eq3A_89 = arith.cmpf oeq, %select_n3A_84, %eq3A_88 : vector<64x8192xf32>
    %jit3A_90 = arith.constant 8192 : i32
    %broadcast_in_dim3A_91 = vector.broadcast %jit3A_90 : i32 to vector<64x8192xi32>
    %select_n3A_92 = arith.select %eq3A_89, %iota3A, %broadcast_in_dim3A_91 : vector<64x8192xi1>, vector<64x8192xi32>
    %reduce_min3A_93 = arith.constant dense<2147483647> : vector<64xi32>
    %reduce_min3A_94 = vector.multi_reduction <minsi>, %select_n3A_92, %reduce_min3A_93 [1] : vector<64x8192xi32> to vector<64xi32>
    %broadcast_in_dim3A_95 = vector.shape_cast %reduce_min3A_94 : vector<64xi32> to vector<64x1xi32>
    %eq3A_96 = arith.constant 3 : i32
    %eq3A_97 = vector.broadcast %eq3A_96 : i32 to vector<64x32xi32>
    %eq3A_98 = arith.cmpi eq, %iota3A_2, %eq3A_97 : vector<64x32xi32>
    %broadcast_in_dim3A_99 = vector.shape_cast %broadcast_in_dim3A_87 : vector<64x1xf32> to vector<64x1xf32>
    %broadcast_in_dim3A_100 = vector.broadcast %broadcast_in_dim3A_99 : vector<64x1xf32> to vector<64x32xf32>
    %select_n3A_101 = arith.select %eq3A_98, %broadcast_in_dim3A_100, %select_n3A_73 : vector<64x32xi1>, vector<64x32xf32>
    %eq3A_102 = arith.constant 3 : i32
    %eq3A_103 = vector.broadcast %eq3A_102 : i32 to vector<64x32xi32>
    %eq3A_104 = arith.cmpi eq, %iota3A_2, %eq3A_103 : vector<64x32xi32>
    %broadcast_in_dim3A_105 = vector.shape_cast %broadcast_in_dim3A_95 : vector<64x1xi32> to vector<64x1xi32>
    %broadcast_in_dim3A_106 = vector.broadcast %broadcast_in_dim3A_105 : vector<64x1xi32> to vector<64x32xi32>
    %select_n3A_107 = arith.select %eq3A_104, %broadcast_in_dim3A_106, %select_n3A_79 : vector<64x32xi1>, vector<64x32xi32>
    %eq3A_108 = vector.broadcast %broadcast_in_dim3A_95 : vector<64x1xi32> to vector<64x8192xi32>
    %eq3A_109 = arith.cmpi eq, %iota3A, %eq3A_108 : vector<64x8192xi32>
    %jit3A_110 = arith.constant 0xFF800000 : f32
    %broadcast_in_dim3A_111 = vector.broadcast %jit3A_110 : f32 to vector<64x8192xf32>
    %select_n3A_112 = arith.select %eq3A_109, %broadcast_in_dim3A_111, %select_n3A_84 : vector<64x8192xi1>, vector<64x8192xf32>
    %reduce_max3A_113 = arith.constant dense<0xFF800000> : vector<64xf32>
    %reduce_max3A_114 = vector.multi_reduction <maximumf>, %select_n3A_112, %reduce_max3A_113 [1] : vector<64x8192xf32> to vector<64xf32>
    %broadcast_in_dim3A_115 = vector.shape_cast %reduce_max3A_114 : vector<64xf32> to vector<64x1xf32>
    %eq3A_116 = vector.broadcast %broadcast_in_dim3A_115 : vector<64x1xf32> to vector<64x8192xf32>
    %eq3A_117 = arith.cmpf oeq, %select_n3A_112, %eq3A_116 : vector<64x8192xf32>
    %jit3A_118 = arith.constant 8192 : i32
    %broadcast_in_dim3A_119 = vector.broadcast %jit3A_118 : i32 to vector<64x8192xi32>
    %select_n3A_120 = arith.select %eq3A_117, %iota3A, %broadcast_in_dim3A_119 : vector<64x8192xi1>, vector<64x8192xi32>
    %reduce_min3A_121 = arith.constant dense<2147483647> : vector<64xi32>
    %reduce_min3A_122 = vector.multi_reduction <minsi>, %select_n3A_120, %reduce_min3A_121 [1] : vector<64x8192xi32> to vector<64xi32>
    %broadcast_in_dim3A_123 = vector.shape_cast %reduce_min3A_122 : vector<64xi32> to vector<64x1xi32>
    %eq3A_124 = arith.constant 4 : i32
    %eq3A_125 = vector.broadcast %eq3A_124 : i32 to vector<64x32xi32>
    %eq3A_126 = arith.cmpi eq, %iota3A_2, %eq3A_125 : vector<64x32xi32>
    %broadcast_in_dim3A_127 = vector.shape_cast %broadcast_in_dim3A_115 : vector<64x1xf32> to vector<64x1xf32>
    %broadcast_in_dim3A_128 = vector.broadcast %broadcast_in_dim3A_127 : vector<64x1xf32> to vector<64x32xf32>
    %select_n3A_129 = arith.select %eq3A_126, %broadcast_in_dim3A_128, %select_n3A_101 : vector<64x32xi1>, vector<64x32xf32>
    %eq3A_130 = arith.constant 4 : i32
    %eq3A_131 = vector.broadcast %eq3A_130 : i32 to vector<64x32xi32>
    %eq3A_132 = arith.cmpi eq, %iota3A_2, %eq3A_131 : vector<64x32xi32>
    %broadcast_in_dim3A_133 = vector.shape_cast %broadcast_in_dim3A_123 : vector<64x1xi32> to vector<64x1xi32>
    %broadcast_in_dim3A_134 = vector.broadcast %broadcast_in_dim3A_133 : vector<64x1xi32> to vector<64x32xi32>
    %select_n3A_135 = arith.select %eq3A_132, %broadcast_in_dim3A_134, %select_n3A_107 : vector<64x32xi1>, vector<64x32xi32>
    %eq3A_136 = vector.broadcast %broadcast_in_dim3A_123 : vector<64x1xi32> to vector<64x8192xi32>
    %eq3A_137 = arith.cmpi eq, %iota3A, %eq3A_136 : vector<64x8192xi32>
    %jit3A_138 = arith.constant 0xFF800000 : f32
    %broadcast_in_dim3A_139 = vector.broadcast %jit3A_138 : f32 to vector<64x8192xf32>
    %select_n3A_140 = arith.select %eq3A_137, %broadcast_in_dim3A_139, %select_n3A_112 : vector<64x8192xi1>, vector<64x8192xf32>
    %reduce_max3A_141 = arith.constant dense<0xFF800000> : vector<64xf32>
    %reduce_max3A_142 = vector.multi_reduction <maximumf>, %select_n3A_140, %reduce_max3A_141 [1] : vector<64x8192xf32> to vector<64xf32>
    %broadcast_in_dim3A_143 = vector.shape_cast %reduce_max3A_142 : vector<64xf32> to vector<64x1xf32>
    %eq3A_144 = vector.broadcast %broadcast_in_dim3A_143 : vector<64x1xf32> to vector<64x8192xf32>
    %eq3A_145 = arith.cmpf oeq, %select_n3A_140, %eq3A_144 : vector<64x8192xf32>
    %jit3A_146 = arith.constant 8192 : i32
    %broadcast_in_dim3A_147 = vector.broadcast %jit3A_146 : i32 to vector<64x8192xi32>
    %select_n3A_148 = arith.select %eq3A_145, %iota3A, %broadcast_in_dim3A_147 : vector<64x8192xi1>, vector<64x8192xi32>
    %reduce_min3A_149 = arith.constant dense<2147483647> : vector<64xi32>
    %reduce_min3A_150 = vector.multi_reduction <minsi>, %select_n3A_148, %reduce_min3A_149 [1] : vector<64x8192xi32> to vector<64xi32>
    %broadcast_in_dim3A_151 = vector.shape_cast %reduce_min3A_150 : vector<64xi32> to vector<64x1xi32>
    %eq3A_152 = arith.constant 5 : i32
    %eq3A_153 = vector.broadcast %eq3A_152 : i32 to vector<64x32xi32>
    %eq3A_154 = arith.cmpi eq, %iota3A_2, %eq3A_153 : vector<64x32xi32>
    %broadcast_in_dim3A_155 = vector.shape_cast %broadcast_in_dim3A_143 : vector<64x1xf32> to vector<64x1xf32>
    %broadcast_in_dim3A_156 = vector.broadcast %broadcast_in_dim3A_155 : vector<64x1xf32> to vector<64x32xf32>
    %select_n3A_157 = arith.select %eq3A_154, %broadcast_in_dim3A_156, %select_n3A_129 : vector<64x32xi1>, vector<64x32xf32>
    %eq3A_158 = arith.constant 5 : i32
    %eq3A_159 = vector.broadcast %eq3A_158 : i32 to vector<64x32xi32>
    %eq3A_160 = arith.cmpi eq, %iota3A_2, %eq3A_159 : vector<64x32xi32>
    %broadcast_in_dim3A_161 = vector.shape_cast %broadcast_in_dim3A_151 : vector<64x1xi32> to vector<64x1xi32>
    %broadcast_in_dim3A_162 = vector.broadcast %broadcast_in_dim3A_161 : vector<64x1xi32> to vector<64x32xi32>
    %select_n3A_163 = arith.select %eq3A_160, %broadcast_in_dim3A_162, %select_n3A_135 : vector<64x32xi1>, vector<64x32xi32>
    %eq3A_164 = vector.broadcast %broadcast_in_dim3A_151 : vector<64x1xi32> to vector<64x8192xi32>
    %eq3A_165 = arith.cmpi eq, %iota3A, %eq3A_164 : vector<64x8192xi32>
    %jit3A_166 = arith.constant 0xFF800000 : f32
    %broadcast_in_dim3A_167 = vector.broadcast %jit3A_166 : f32 to vector<64x8192xf32>
    %select_n3A_168 = arith.select %eq3A_165, %broadcast_in_dim3A_167, %select_n3A_140 : vector<64x8192xi1>, vector<64x8192xf32>
    %reduce_max3A_169 = arith.constant dense<0xFF800000> : vector<64xf32>
    %reduce_max3A_170 = vector.multi_reduction <maximumf>, %select_n3A_168, %reduce_max3A_169 [1] : vector<64x8192xf32> to vector<64xf32>
    %broadcast_in_dim3A_171 = vector.shape_cast %reduce_max3A_170 : vector<64xf32> to vector<64x1xf32>
    %eq3A_172 = vector.broadcast %broadcast_in_dim3A_171 : vector<64x1xf32> to vector<64x8192xf32>
    %eq3A_173 = arith.cmpf oeq, %select_n3A_168, %eq3A_172 : vector<64x8192xf32>
    %jit3A_174 = arith.constant 8192 : i32
    %broadcast_in_dim3A_175 = vector.broadcast %jit3A_174 : i32 to vector<64x8192xi32>
    %select_n3A_176 = arith.select %eq3A_173, %iota3A, %broadcast_in_dim3A_175 : vector<64x8192xi1>, vector<64x8192xi32>
    %reduce_min3A_177 = arith.constant dense<2147483647> : vector<64xi32>
    %reduce_min3A_178 = vector.multi_reduction <minsi>, %select_n3A_176, %reduce_min3A_177 [1] : vector<64x8192xi32> to vector<64xi32>
    %broadcast_in_dim3A_179 = vector.shape_cast %reduce_min3A_178 : vector<64xi32> to vector<64x1xi32>
    %eq3A_180 = arith.constant 6 : i32
    %eq3A_181 = vector.broadcast %eq3A_180 : i32 to vector<64x32xi32>
    %eq3A_182 = arith.cmpi eq, %iota3A_2, %eq3A_181 : vector<64x32xi32>
    %broadcast_in_dim3A_183 = vector.shape_cast %broadcast_in_dim3A_171 : vector<64x1xf32> to vector<64x1xf32>
    %broadcast_in_dim3A_184 = vector.broadcast %broadcast_in_dim3A_183 : vector<64x1xf32> to vector<64x32xf32>
    %select_n3A_185 = arith.select %eq3A_182, %broadcast_in_dim3A_184, %select_n3A_157 : vector<64x32xi1>, vector<64x32xf32>
    %eq3A_186 = arith.constant 6 : i32
    %eq3A_187 = vector.broadcast %eq3A_186 : i32 to vector<64x32xi32>
    %eq3A_188 = arith.cmpi eq, %iota3A_2, %eq3A_187 : vector<64x32xi32>
    %broadcast_in_dim3A_189 = vector.shape_cast %broadcast_in_dim3A_179 : vector<64x1xi32> to vector<64x1xi32>
    %broadcast_in_dim3A_190 = vector.broadcast %broadcast_in_dim3A_189 : vector<64x1xi32> to vector<64x32xi32>
    %select_n3A_191 = arith.select %eq3A_188, %broadcast_in_dim3A_190, %select_n3A_163 : vector<64x32xi1>, vector<64x32xi32>
    %eq3A_192 = vector.broadcast %broadcast_in_dim3A_179 : vector<64x1xi32> to vector<64x8192xi32>
    %eq3A_193 = arith.cmpi eq, %iota3A, %eq3A_192 : vector<64x8192xi32>
    %jit3A_194 = arith.constant 0xFF800000 : f32
    %broadcast_in_dim3A_195 = vector.broadcast %jit3A_194 : f32 to vector<64x8192xf32>
    %select_n3A_196 = arith.select %eq3A_193, %broadcast_in_dim3A_195, %select_n3A_168 : vector<64x8192xi1>, vector<64x8192xf32>
    %reduce_max3A_197 = arith.constant dense<0xFF800000> : vector<64xf32>
    %reduce_max3A_198 = vector.multi_reduction <maximumf>, %select_n3A_196, %reduce_max3A_197 [1] : vector<64x8192xf32> to vector<64xf32>
    %broadcast_in_dim3A_199 = vector.shape_cast %reduce_max3A_198 : vector<64xf32> to vector<64x1xf32>
    %eq3A_200 = vector.broadcast %broadcast_in_dim3A_199 : vector<64x1xf32> to vector<64x8192xf32>
    %eq3A_201 = arith.cmpf oeq, %select_n3A_196, %eq3A_200 : vector<64x8192xf32>
    %jit3A_202 = arith.constant 8192 : i32
    %broadcast_in_dim3A_203 = vector.broadcast %jit3A_202 : i32 to vector<64x8192xi32>
    %select_n3A_204 = arith.select %eq3A_201, %iota3A, %broadcast_in_dim3A_203 : vector<64x8192xi1>, vector<64x8192xi32>
    %reduce_min3A_205 = arith.constant dense<2147483647> : vector<64xi32>
    %reduce_min3A_206 = vector.multi_reduction <minsi>, %select_n3A_204, %reduce_min3A_205 [1] : vector<64x8192xi32> to vector<64xi32>
    %broadcast_in_dim3A_207 = vector.shape_cast %reduce_min3A_206 : vector<64xi32> to vector<64x1xi32>
    %eq3A_208 = arith.constant 7 : i32
    %eq3A_209 = vector.broadcast %eq3A_208 : i32 to vector<64x32xi32>
    %eq3A_210 = arith.cmpi eq, %iota3A_2, %eq3A_209 : vector<64x32xi32>
    %broadcast_in_dim3A_211 = vector.shape_cast %broadcast_in_dim3A_199 : vector<64x1xf32> to vector<64x1xf32>
    %broadcast_in_dim3A_212 = vector.broadcast %broadcast_in_dim3A_211 : vector<64x1xf32> to vector<64x32xf32>
    %select_n3A_213 = arith.select %eq3A_210, %broadcast_in_dim3A_212, %select_n3A_185 : vector<64x32xi1>, vector<64x32xf32>
    %eq3A_214 = arith.constant 7 : i32
    %eq3A_215 = vector.broadcast %eq3A_214 : i32 to vector<64x32xi32>
    %eq3A_216 = arith.cmpi eq, %iota3A_2, %eq3A_215 : vector<64x32xi32>
    %broadcast_in_dim3A_217 = vector.shape_cast %broadcast_in_dim3A_207 : vector<64x1xi32> to vector<64x1xi32>
    %broadcast_in_dim3A_218 = vector.broadcast %broadcast_in_dim3A_217 : vector<64x1xi32> to vector<64x32xi32>
    %select_n3A_219 = arith.select %eq3A_216, %broadcast_in_dim3A_218, %select_n3A_191 : vector<64x32xi1>, vector<64x32xi32>
    %eq3A_220 = vector.broadcast %broadcast_in_dim3A_207 : vector<64x1xi32> to vector<64x8192xi32>
    %eq3A_221 = arith.cmpi eq, %iota3A, %eq3A_220 : vector<64x8192xi32>
    %jit3A_222 = arith.constant 0xFF800000 : f32
    %broadcast_in_dim3A_223 = vector.broadcast %jit3A_222 : f32 to vector<64x8192xf32>
    %select_n3A_224 = arith.select %eq3A_221, %broadcast_in_dim3A_223, %select_n3A_196 : vector<64x8192xi1>, vector<64x8192xf32>
    %reduce_max3A_225 = arith.constant dense<0xFF800000> : vector<64xf32>
    %reduce_max3A_226 = vector.multi_reduction <maximumf>, %select_n3A_224, %reduce_max3A_225 [1] : vector<64x8192xf32> to vector<64xf32>
    %broadcast_in_dim3A_227 = vector.shape_cast %reduce_max3A_226 : vector<64xf32> to vector<64x1xf32>
    %eq3A_228 = vector.broadcast %broadcast_in_dim3A_227 : vector<64x1xf32> to vector<64x8192xf32>
    %eq3A_229 = arith.cmpf oeq, %select_n3A_224, %eq3A_228 : vector<64x8192xf32>
    %jit3A_230 = arith.constant 8192 : i32
    %broadcast_in_dim3A_231 = vector.broadcast %jit3A_230 : i32 to vector<64x8192xi32>
    %select_n3A_232 = arith.select %eq3A_229, %iota3A, %broadcast_in_dim3A_231 : vector<64x8192xi1>, vector<64x8192xi32>
    %reduce_min3A_233 = arith.constant dense<2147483647> : vector<64xi32>
    %reduce_min3A_234 = vector.multi_reduction <minsi>, %select_n3A_232, %reduce_min3A_233 [1] : vector<64x8192xi32> to vector<64xi32>
    %broadcast_in_dim3A_235 = vector.shape_cast %reduce_min3A_234 : vector<64xi32> to vector<64x1xi32>
    %eq3A_236 = arith.constant 8 : i32
    %eq3A_237 = vector.broadcast %eq3A_236 : i32 to vector<64x32xi32>
    %eq3A_238 = arith.cmpi eq, %iota3A_2, %eq3A_237 : vector<64x32xi32>
    %broadcast_in_dim3A_239 = vector.shape_cast %broadcast_in_dim3A_227 : vector<64x1xf32> to vector<64x1xf32>
    %broadcast_in_dim3A_240 = vector.broadcast %broadcast_in_dim3A_239 : vector<64x1xf32> to vector<64x32xf32>
    %select_n3A_241 = arith.select %eq3A_238, %broadcast_in_dim3A_240, %select_n3A_213 : vector<64x32xi1>, vector<64x32xf32>
    %eq3A_242 = arith.constant 8 : i32
    %eq3A_243 = vector.broadcast %eq3A_242 : i32 to vector<64x32xi32>
    %eq3A_244 = arith.cmpi eq, %iota3A_2, %eq3A_243 : vector<64x32xi32>
    %broadcast_in_dim3A_245 = vector.shape_cast %broadcast_in_dim3A_235 : vector<64x1xi32> to vector<64x1xi32>
    %broadcast_in_dim3A_246 = vector.broadcast %broadcast_in_dim3A_245 : vector<64x1xi32> to vector<64x32xi32>
    %select_n3A_247 = arith.select %eq3A_244, %broadcast_in_dim3A_246, %select_n3A_219 : vector<64x32xi1>, vector<64x32xi32>
    %eq3A_248 = vector.broadcast %broadcast_in_dim3A_235 : vector<64x1xi32> to vector<64x8192xi32>
    %eq3A_249 = arith.cmpi eq, %iota3A, %eq3A_248 : vector<64x8192xi32>
    %jit3A_250 = arith.constant 0xFF800000 : f32
    %broadcast_in_dim3A_251 = vector.broadcast %jit3A_250 : f32 to vector<64x8192xf32>
    %select_n3A_252 = arith.select %eq3A_249, %broadcast_in_dim3A_251, %select_n3A_224 : vector<64x8192xi1>, vector<64x8192xf32>
    %reduce_max3A_253 = arith.constant dense<0xFF800000> : vector<64xf32>
    %reduce_max3A_254 = vector.multi_reduction <maximumf>, %select_n3A_252, %reduce_max3A_253 [1] : vector<64x8192xf32> to vector<64xf32>
    %broadcast_in_dim3A_255 = vector.shape_cast %reduce_max3A_254 : vector<64xf32> to vector<64x1xf32>
    %eq3A_256 = vector.broadcast %broadcast_in_dim3A_255 : vector<64x1xf32> to vector<64x8192xf32>
    %eq3A_257 = arith.cmpf oeq, %select_n3A_252, %eq3A_256 : vector<64x8192xf32>
    %jit3A_258 = arith.constant 8192 : i32
    %broadcast_in_dim3A_259 = vector.broadcast %jit3A_258 : i32 to vector<64x8192xi32>
    %select_n3A_260 = arith.select %eq3A_257, %iota3A, %broadcast_in_dim3A_259 : vector<64x8192xi1>, vector<64x8192xi32>
    %reduce_min3A_261 = arith.constant dense<2147483647> : vector<64xi32>
    %reduce_min3A_262 = vector.multi_reduction <minsi>, %select_n3A_260, %reduce_min3A_261 [1] : vector<64x8192xi32> to vector<64xi32>
    %broadcast_in_dim3A_263 = vector.shape_cast %reduce_min3A_262 : vector<64xi32> to vector<64x1xi32>
    %eq3A_264 = arith.constant 9 : i32
    %eq3A_265 = vector.broadcast %eq3A_264 : i32 to vector<64x32xi32>
    %eq3A_266 = arith.cmpi eq, %iota3A_2, %eq3A_265 : vector<64x32xi32>
    %broadcast_in_dim3A_267 = vector.shape_cast %broadcast_in_dim3A_255 : vector<64x1xf32> to vector<64x1xf32>
    %broadcast_in_dim3A_268 = vector.broadcast %broadcast_in_dim3A_267 : vector<64x1xf32> to vector<64x32xf32>
    %select_n3A_269 = arith.select %eq3A_266, %broadcast_in_dim3A_268, %select_n3A_241 : vector<64x32xi1>, vector<64x32xf32>
    %eq3A_270 = arith.constant 9 : i32
    %eq3A_271 = vector.broadcast %eq3A_270 : i32 to vector<64x32xi32>
    %eq3A_272 = arith.cmpi eq, %iota3A_2, %eq3A_271 : vector<64x32xi32>
    %broadcast_in_dim3A_273 = vector.shape_cast %broadcast_in_dim3A_263 : vector<64x1xi32> to vector<64x1xi32>
    %broadcast_in_dim3A_274 = vector.broadcast %broadcast_in_dim3A_273 : vector<64x1xi32> to vector<64x32xi32>
    %select_n3A_275 = arith.select %eq3A_272, %broadcast_in_dim3A_274, %select_n3A_247 : vector<64x32xi1>, vector<64x32xi32>
    %eq3A_276 = vector.broadcast %broadcast_in_dim3A_263 : vector<64x1xi32> to vector<64x8192xi32>
    %eq3A_277 = arith.cmpi eq, %iota3A, %eq3A_276 : vector<64x8192xi32>
    %jit3A_278 = arith.constant 0xFF800000 : f32
    %broadcast_in_dim3A_279 = vector.broadcast %jit3A_278 : f32 to vector<64x8192xf32>
    %select_n3A_280 = arith.select %eq3A_277, %broadcast_in_dim3A_279, %select_n3A_252 : vector<64x8192xi1>, vector<64x8192xf32>
    %reduce_max3A_281 = arith.constant dense<0xFF800000> : vector<64xf32>
    %reduce_max3A_282 = vector.multi_reduction <maximumf>, %select_n3A_280, %reduce_max3A_281 [1] : vector<64x8192xf32> to vector<64xf32>
    %broadcast_in_dim3A_283 = vector.shape_cast %reduce_max3A_282 : vector<64xf32> to vector<64x1xf32>
    %eq3A_284 = vector.broadcast %broadcast_in_dim3A_283 : vector<64x1xf32> to vector<64x8192xf32>
    %eq3A_285 = arith.cmpf oeq, %select_n3A_280, %eq3A_284 : vector<64x8192xf32>
    %jit3A_286 = arith.constant 8192 : i32
    %broadcast_in_dim3A_287 = vector.broadcast %jit3A_286 : i32 to vector<64x8192xi32>
    %select_n3A_288 = arith.select %eq3A_285, %iota3A, %broadcast_in_dim3A_287 : vector<64x8192xi1>, vector<64x8192xi32>
    %reduce_min3A_289 = arith.constant dense<2147483647> : vector<64xi32>
    %reduce_min3A_290 = vector.multi_reduction <minsi>, %select_n3A_288, %reduce_min3A_289 [1] : vector<64x8192xi32> to vector<64xi32>
    %broadcast_in_dim3A_291 = vector.shape_cast %reduce_min3A_290 : vector<64xi32> to vector<64x1xi32>
    %eq3A_292 = arith.constant 10 : i32
    %eq3A_293 = vector.broadcast %eq3A_292 : i32 to vector<64x32xi32>
    %eq3A_294 = arith.cmpi eq, %iota3A_2, %eq3A_293 : vector<64x32xi32>
    %broadcast_in_dim3A_295 = vector.shape_cast %broadcast_in_dim3A_283 : vector<64x1xf32> to vector<64x1xf32>
    %broadcast_in_dim3A_296 = vector.broadcast %broadcast_in_dim3A_295 : vector<64x1xf32> to vector<64x32xf32>
    %select_n3A_297 = arith.select %eq3A_294, %broadcast_in_dim3A_296, %select_n3A_269 : vector<64x32xi1>, vector<64x32xf32>
    %eq3A_298 = arith.constant 10 : i32
    %eq3A_299 = vector.broadcast %eq3A_298 : i32 to vector<64x32xi32>
    %eq3A_300 = arith.cmpi eq, %iota3A_2, %eq3A_299 : vector<64x32xi32>
    %broadcast_in_dim3A_301 = vector.shape_cast %broadcast_in_dim3A_291 : vector<64x1xi32> to vector<64x1xi32>
    %broadcast_in_dim3A_302 = vector.broadcast %broadcast_in_dim3A_301 : vector<64x1xi32> to vector<64x32xi32>
    %select_n3A_303 = arith.select %eq3A_300, %broadcast_in_dim3A_302, %select_n3A_275 : vector<64x32xi1>, vector<64x32xi32>
    %eq3A_304 = vector.broadcast %broadcast_in_dim3A_291 : vector<64x1xi32> to vector<64x8192xi32>
    %eq3A_305 = arith.cmpi eq, %iota3A, %eq3A_304 : vector<64x8192xi32>
    %jit3A_306 = arith.constant 0xFF800000 : f32
    %broadcast_in_dim3A_307 = vector.broadcast %jit3A_306 : f32 to vector<64x8192xf32>
    %select_n3A_308 = arith.select %eq3A_305, %broadcast_in_dim3A_307, %select_n3A_280 : vector<64x8192xi1>, vector<64x8192xf32>
    %reduce_max3A_309 = arith.constant dense<0xFF800000> : vector<64xf32>
    %reduce_max3A_310 = vector.multi_reduction <maximumf>, %select_n3A_308, %reduce_max3A_309 [1] : vector<64x8192xf32> to vector<64xf32>
    %broadcast_in_dim3A_311 = vector.shape_cast %reduce_max3A_310 : vector<64xf32> to vector<64x1xf32>
    %eq3A_312 = vector.broadcast %broadcast_in_dim3A_311 : vector<64x1xf32> to vector<64x8192xf32>
    %eq3A_313 = arith.cmpf oeq, %select_n3A_308, %eq3A_312 : vector<64x8192xf32>
    %jit3A_314 = arith.constant 8192 : i32
    %broadcast_in_dim3A_315 = vector.broadcast %jit3A_314 : i32 to vector<64x8192xi32>
    %select_n3A_316 = arith.select %eq3A_313, %iota3A, %broadcast_in_dim3A_315 : vector<64x8192xi1>, vector<64x8192xi32>
    %reduce_min3A_317 = arith.constant dense<2147483647> : vector<64xi32>
    %reduce_min3A_318 = vector.multi_reduction <minsi>, %select_n3A_316, %reduce_min3A_317 [1] : vector<64x8192xi32> to vector<64xi32>
    %broadcast_in_dim3A_319 = vector.shape_cast %reduce_min3A_318 : vector<64xi32> to vector<64x1xi32>
    %eq3A_320 = arith.constant 11 : i32
    %eq3A_321 = vector.broadcast %eq3A_320 : i32 to vector<64x32xi32>
    %eq3A_322 = arith.cmpi eq, %iota3A_2, %eq3A_321 : vector<64x32xi32>
    %broadcast_in_dim3A_323 = vector.shape_cast %broadcast_in_dim3A_311 : vector<64x1xf32> to vector<64x1xf32>
    %broadcast_in_dim3A_324 = vector.broadcast %broadcast_in_dim3A_323 : vector<64x1xf32> to vector<64x32xf32>
    %select_n3A_325 = arith.select %eq3A_322, %broadcast_in_dim3A_324, %select_n3A_297 : vector<64x32xi1>, vector<64x32xf32>
    %eq3A_326 = arith.constant 11 : i32
    %eq3A_327 = vector.broadcast %eq3A_326 : i32 to vector<64x32xi32>
    %eq3A_328 = arith.cmpi eq, %iota3A_2, %eq3A_327 : vector<64x32xi32>
    %broadcast_in_dim3A_329 = vector.shape_cast %broadcast_in_dim3A_319 : vector<64x1xi32> to vector<64x1xi32>
    %broadcast_in_dim3A_330 = vector.broadcast %broadcast_in_dim3A_329 : vector<64x1xi32> to vector<64x32xi32>
    %select_n3A_331 = arith.select %eq3A_328, %broadcast_in_dim3A_330, %select_n3A_303 : vector<64x32xi1>, vector<64x32xi32>
    %eq3A_332 = vector.broadcast %broadcast_in_dim3A_319 : vector<64x1xi32> to vector<64x8192xi32>
    %eq3A_333 = arith.cmpi eq, %iota3A, %eq3A_332 : vector<64x8192xi32>
    %jit3A_334 = arith.constant 0xFF800000 : f32
    %broadcast_in_dim3A_335 = vector.broadcast %jit3A_334 : f32 to vector<64x8192xf32>
    %select_n3A_336 = arith.select %eq3A_333, %broadcast_in_dim3A_335, %select_n3A_308 : vector<64x8192xi1>, vector<64x8192xf32>
    %reduce_max3A_337 = arith.constant dense<0xFF800000> : vector<64xf32>
    %reduce_max3A_338 = vector.multi_reduction <maximumf>, %select_n3A_336, %reduce_max3A_337 [1] : vector<64x8192xf32> to vector<64xf32>
    %broadcast_in_dim3A_339 = vector.shape_cast %reduce_max3A_338 : vector<64xf32> to vector<64x1xf32>
    %eq3A_340 = vector.broadcast %broadcast_in_dim3A_339 : vector<64x1xf32> to vector<64x8192xf32>
    %eq3A_341 = arith.cmpf oeq, %select_n3A_336, %eq3A_340 : vector<64x8192xf32>
    %jit3A_342 = arith.constant 8192 : i32
    %broadcast_in_dim3A_343 = vector.broadcast %jit3A_342 : i32 to vector<64x8192xi32>
    %select_n3A_344 = arith.select %eq3A_341, %iota3A, %broadcast_in_dim3A_343 : vector<64x8192xi1>, vector<64x8192xi32>
    %reduce_min3A_345 = arith.constant dense<2147483647> : vector<64xi32>
    %reduce_min3A_346 = vector.multi_reduction <minsi>, %select_n3A_344, %reduce_min3A_345 [1] : vector<64x8192xi32> to vector<64xi32>
    %broadcast_in_dim3A_347 = vector.shape_cast %reduce_min3A_346 : vector<64xi32> to vector<64x1xi32>
    %eq3A_348 = arith.constant 12 : i32
    %eq3A_349 = vector.broadcast %eq3A_348 : i32 to vector<64x32xi32>
    %eq3A_350 = arith.cmpi eq, %iota3A_2, %eq3A_349 : vector<64x32xi32>
    %broadcast_in_dim3A_351 = vector.shape_cast %broadcast_in_dim3A_339 : vector<64x1xf32> to vector<64x1xf32>
    %broadcast_in_dim3A_352 = vector.broadcast %broadcast_in_dim3A_351 : vector<64x1xf32> to vector<64x32xf32>
    %select_n3A_353 = arith.select %eq3A_350, %broadcast_in_dim3A_352, %select_n3A_325 : vector<64x32xi1>, vector<64x32xf32>
    %eq3A_354 = arith.constant 12 : i32
    %eq3A_355 = vector.broadcast %eq3A_354 : i32 to vector<64x32xi32>
    %eq3A_356 = arith.cmpi eq, %iota3A_2, %eq3A_355 : vector<64x32xi32>
    %broadcast_in_dim3A_357 = vector.shape_cast %broadcast_in_dim3A_347 : vector<64x1xi32> to vector<64x1xi32>
    %broadcast_in_dim3A_358 = vector.broadcast %broadcast_in_dim3A_357 : vector<64x1xi32> to vector<64x32xi32>
    %select_n3A_359 = arith.select %eq3A_356, %broadcast_in_dim3A_358, %select_n3A_331 : vector<64x32xi1>, vector<64x32xi32>
    %eq3A_360 = vector.broadcast %broadcast_in_dim3A_347 : vector<64x1xi32> to vector<64x8192xi32>
    %eq3A_361 = arith.cmpi eq, %iota3A, %eq3A_360 : vector<64x8192xi32>
    %jit3A_362 = arith.constant 0xFF800000 : f32
    %broadcast_in_dim3A_363 = vector.broadcast %jit3A_362 : f32 to vector<64x8192xf32>
    %select_n3A_364 = arith.select %eq3A_361, %broadcast_in_dim3A_363, %select_n3A_336 : vector<64x8192xi1>, vector<64x8192xf32>
    %reduce_max3A_365 = arith.constant dense<0xFF800000> : vector<64xf32>
    %reduce_max3A_366 = vector.multi_reduction <maximumf>, %select_n3A_364, %reduce_max3A_365 [1] : vector<64x8192xf32> to vector<64xf32>
    %broadcast_in_dim3A_367 = vector.shape_cast %reduce_max3A_366 : vector<64xf32> to vector<64x1xf32>
    %eq3A_368 = vector.broadcast %broadcast_in_dim3A_367 : vector<64x1xf32> to vector<64x8192xf32>
    %eq3A_369 = arith.cmpf oeq, %select_n3A_364, %eq3A_368 : vector<64x8192xf32>
    %jit3A_370 = arith.constant 8192 : i32
    %broadcast_in_dim3A_371 = vector.broadcast %jit3A_370 : i32 to vector<64x8192xi32>
    %select_n3A_372 = arith.select %eq3A_369, %iota3A, %broadcast_in_dim3A_371 : vector<64x8192xi1>, vector<64x8192xi32>
    %reduce_min3A_373 = arith.constant dense<2147483647> : vector<64xi32>
    %reduce_min3A_374 = vector.multi_reduction <minsi>, %select_n3A_372, %reduce_min3A_373 [1] : vector<64x8192xi32> to vector<64xi32>
    %broadcast_in_dim3A_375 = vector.shape_cast %reduce_min3A_374 : vector<64xi32> to vector<64x1xi32>
    %eq3A_376 = arith.constant 13 : i32
    %eq3A_377 = vector.broadcast %eq3A_376 : i32 to vector<64x32xi32>
    %eq3A_378 = arith.cmpi eq, %iota3A_2, %eq3A_377 : vector<64x32xi32>
    %broadcast_in_dim3A_379 = vector.shape_cast %broadcast_in_dim3A_367 : vector<64x1xf32> to vector<64x1xf32>
    %broadcast_in_dim3A_380 = vector.broadcast %broadcast_in_dim3A_379 : vector<64x1xf32> to vector<64x32xf32>
    %select_n3A_381 = arith.select %eq3A_378, %broadcast_in_dim3A_380, %select_n3A_353 : vector<64x32xi1>, vector<64x32xf32>
    %eq3A_382 = arith.constant 13 : i32
    %eq3A_383 = vector.broadcast %eq3A_382 : i32 to vector<64x32xi32>
    %eq3A_384 = arith.cmpi eq, %iota3A_2, %eq3A_383 : vector<64x32xi32>
    %broadcast_in_dim3A_385 = vector.shape_cast %broadcast_in_dim3A_375 : vector<64x1xi32> to vector<64x1xi32>
    %broadcast_in_dim3A_386 = vector.broadcast %broadcast_in_dim3A_385 : vector<64x1xi32> to vector<64x32xi32>
    %select_n3A_387 = arith.select %eq3A_384, %broadcast_in_dim3A_386, %select_n3A_359 : vector<64x32xi1>, vector<64x32xi32>
    %eq3A_388 = vector.broadcast %broadcast_in_dim3A_375 : vector<64x1xi32> to vector<64x8192xi32>
    %eq3A_389 = arith.cmpi eq, %iota3A, %eq3A_388 : vector<64x8192xi32>
    %jit3A_390 = arith.constant 0xFF800000 : f32
    %broadcast_in_dim3A_391 = vector.broadcast %jit3A_390 : f32 to vector<64x8192xf32>
    %select_n3A_392 = arith.select %eq3A_389, %broadcast_in_dim3A_391, %select_n3A_364 : vector<64x8192xi1>, vector<64x8192xf32>
    %reduce_max3A_393 = arith.constant dense<0xFF800000> : vector<64xf32>
    %reduce_max3A_394 = vector.multi_reduction <maximumf>, %select_n3A_392, %reduce_max3A_393 [1] : vector<64x8192xf32> to vector<64xf32>
    %broadcast_in_dim3A_395 = vector.shape_cast %reduce_max3A_394 : vector<64xf32> to vector<64x1xf32>
    %eq3A_396 = vector.broadcast %broadcast_in_dim3A_395 : vector<64x1xf32> to vector<64x8192xf32>
    %eq3A_397 = arith.cmpf oeq, %select_n3A_392, %eq3A_396 : vector<64x8192xf32>
    %jit3A_398 = arith.constant 8192 : i32
    %broadcast_in_dim3A_399 = vector.broadcast %jit3A_398 : i32 to vector<64x8192xi32>
    %select_n3A_400 = arith.select %eq3A_397, %iota3A, %broadcast_in_dim3A_399 : vector<64x8192xi1>, vector<64x8192xi32>
    %reduce_min3A_401 = arith.constant dense<2147483647> : vector<64xi32>
    %reduce_min3A_402 = vector.multi_reduction <minsi>, %select_n3A_400, %reduce_min3A_401 [1] : vector<64x8192xi32> to vector<64xi32>
    %broadcast_in_dim3A_403 = vector.shape_cast %reduce_min3A_402 : vector<64xi32> to vector<64x1xi32>
    %eq3A_404 = arith.constant 14 : i32
    %eq3A_405 = vector.broadcast %eq3A_404 : i32 to vector<64x32xi32>
    %eq3A_406 = arith.cmpi eq, %iota3A_2, %eq3A_405 : vector<64x32xi32>
    %broadcast_in_dim3A_407 = vector.shape_cast %broadcast_in_dim3A_395 : vector<64x1xf32> to vector<64x1xf32>
    %broadcast_in_dim3A_408 = vector.broadcast %broadcast_in_dim3A_407 : vector<64x1xf32> to vector<64x32xf32>
    %select_n3A_409 = arith.select %eq3A_406, %broadcast_in_dim3A_408, %select_n3A_381 : vector<64x32xi1>, vector<64x32xf32>
    %eq3A_410 = arith.constant 14 : i32
    %eq3A_411 = vector.broadcast %eq3A_410 : i32 to vector<64x32xi32>
    %eq3A_412 = arith.cmpi eq, %iota3A_2, %eq3A_411 : vector<64x32xi32>
    %broadcast_in_dim3A_413 = vector.shape_cast %broadcast_in_dim3A_403 : vector<64x1xi32> to vector<64x1xi32>
    %broadcast_in_dim3A_414 = vector.broadcast %broadcast_in_dim3A_413 : vector<64x1xi32> to vector<64x32xi32>
    %select_n3A_415 = arith.select %eq3A_412, %broadcast_in_dim3A_414, %select_n3A_387 : vector<64x32xi1>, vector<64x32xi32>
    %eq3A_416 = vector.broadcast %broadcast_in_dim3A_403 : vector<64x1xi32> to vector<64x8192xi32>
    %eq3A_417 = arith.cmpi eq, %iota3A, %eq3A_416 : vector<64x8192xi32>
    %jit3A_418 = arith.constant 0xFF800000 : f32
    %broadcast_in_dim3A_419 = vector.broadcast %jit3A_418 : f32 to vector<64x8192xf32>
    %select_n3A_420 = arith.select %eq3A_417, %broadcast_in_dim3A_419, %select_n3A_392 : vector<64x8192xi1>, vector<64x8192xf32>
    %reduce_max3A_421 = arith.constant dense<0xFF800000> : vector<64xf32>
    %reduce_max3A_422 = vector.multi_reduction <maximumf>, %select_n3A_420, %reduce_max3A_421 [1] : vector<64x8192xf32> to vector<64xf32>
    %broadcast_in_dim3A_423 = vector.shape_cast %reduce_max3A_422 : vector<64xf32> to vector<64x1xf32>
    %eq3A_424 = vector.broadcast %broadcast_in_dim3A_423 : vector<64x1xf32> to vector<64x8192xf32>
    %eq3A_425 = arith.cmpf oeq, %select_n3A_420, %eq3A_424 : vector<64x8192xf32>
    %jit3A_426 = arith.constant 8192 : i32
    %broadcast_in_dim3A_427 = vector.broadcast %jit3A_426 : i32 to vector<64x8192xi32>
    %select_n3A_428 = arith.select %eq3A_425, %iota3A, %broadcast_in_dim3A_427 : vector<64x8192xi1>, vector<64x8192xi32>
    %reduce_min3A_429 = arith.constant dense<2147483647> : vector<64xi32>
    %reduce_min3A_430 = vector.multi_reduction <minsi>, %select_n3A_428, %reduce_min3A_429 [1] : vector<64x8192xi32> to vector<64xi32>
    %broadcast_in_dim3A_431 = vector.shape_cast %reduce_min3A_430 : vector<64xi32> to vector<64x1xi32>
    %eq3A_432 = arith.constant 15 : i32
    %eq3A_433 = vector.broadcast %eq3A_432 : i32 to vector<64x32xi32>
    %eq3A_434 = arith.cmpi eq, %iota3A_2, %eq3A_433 : vector<64x32xi32>
    %broadcast_in_dim3A_435 = vector.shape_cast %broadcast_in_dim3A_423 : vector<64x1xf32> to vector<64x1xf32>
    %broadcast_in_dim3A_436 = vector.broadcast %broadcast_in_dim3A_435 : vector<64x1xf32> to vector<64x32xf32>
    %select_n3A_437 = arith.select %eq3A_434, %broadcast_in_dim3A_436, %select_n3A_409 : vector<64x32xi1>, vector<64x32xf32>
    %eq3A_438 = arith.constant 15 : i32
    %eq3A_439 = vector.broadcast %eq3A_438 : i32 to vector<64x32xi32>
    %eq3A_440 = arith.cmpi eq, %iota3A_2, %eq3A_439 : vector<64x32xi32>
    %broadcast_in_dim3A_441 = vector.shape_cast %broadcast_in_dim3A_431 : vector<64x1xi32> to vector<64x1xi32>
    %broadcast_in_dim3A_442 = vector.broadcast %broadcast_in_dim3A_441 : vector<64x1xi32> to vector<64x32xi32>
    %select_n3A_443 = arith.select %eq3A_440, %broadcast_in_dim3A_442, %select_n3A_415 : vector<64x32xi1>, vector<64x32xi32>
    %eq3A_444 = vector.broadcast %broadcast_in_dim3A_431 : vector<64x1xi32> to vector<64x8192xi32>
    %eq3A_445 = arith.cmpi eq, %iota3A, %eq3A_444 : vector<64x8192xi32>
    %jit3A_446 = arith.constant 0xFF800000 : f32
    %broadcast_in_dim3A_447 = vector.broadcast %jit3A_446 : f32 to vector<64x8192xf32>
    %select_n3A_448 = arith.select %eq3A_445, %broadcast_in_dim3A_447, %select_n3A_420 : vector<64x8192xi1>, vector<64x8192xf32>
    %reduce_max3A_449 = arith.constant dense<0xFF800000> : vector<64xf32>
    %reduce_max3A_450 = vector.multi_reduction <maximumf>, %select_n3A_448, %reduce_max3A_449 [1] : vector<64x8192xf32> to vector<64xf32>
    %broadcast_in_dim3A_451 = vector.shape_cast %reduce_max3A_450 : vector<64xf32> to vector<64x1xf32>
    %eq3A_452 = vector.broadcast %broadcast_in_dim3A_451 : vector<64x1xf32> to vector<64x8192xf32>
    %eq3A_453 = arith.cmpf oeq, %select_n3A_448, %eq3A_452 : vector<64x8192xf32>
    %jit3A_454 = arith.constant 8192 : i32
    %broadcast_in_dim3A_455 = vector.broadcast %jit3A_454 : i32 to vector<64x8192xi32>
    %select_n3A_456 = arith.select %eq3A_453, %iota3A, %broadcast_in_dim3A_455 : vector<64x8192xi1>, vector<64x8192xi32>
    %reduce_min3A_457 = arith.constant dense<2147483647> : vector<64xi32>
    %reduce_min3A_458 = vector.multi_reduction <minsi>, %select_n3A_456, %reduce_min3A_457 [1] : vector<64x8192xi32> to vector<64xi32>
    %broadcast_in_dim3A_459 = vector.shape_cast %reduce_min3A_458 : vector<64xi32> to vector<64x1xi32>
    %eq3A_460 = arith.constant 16 : i32
    %eq3A_461 = vector.broadcast %eq3A_460 : i32 to vector<64x32xi32>
    %eq3A_462 = arith.cmpi eq, %iota3A_2, %eq3A_461 : vector<64x32xi32>
    %broadcast_in_dim3A_463 = vector.shape_cast %broadcast_in_dim3A_451 : vector<64x1xf32> to vector<64x1xf32>
    %broadcast_in_dim3A_464 = vector.broadcast %broadcast_in_dim3A_463 : vector<64x1xf32> to vector<64x32xf32>
    %select_n3A_465 = arith.select %eq3A_462, %broadcast_in_dim3A_464, %select_n3A_437 : vector<64x32xi1>, vector<64x32xf32>
    %eq3A_466 = arith.constant 16 : i32
    %eq3A_467 = vector.broadcast %eq3A_466 : i32 to vector<64x32xi32>
    %eq3A_468 = arith.cmpi eq, %iota3A_2, %eq3A_467 : vector<64x32xi32>
    %broadcast_in_dim3A_469 = vector.shape_cast %broadcast_in_dim3A_459 : vector<64x1xi32> to vector<64x1xi32>
    %broadcast_in_dim3A_470 = vector.broadcast %broadcast_in_dim3A_469 : vector<64x1xi32> to vector<64x32xi32>
    %select_n3A_471 = arith.select %eq3A_468, %broadcast_in_dim3A_470, %select_n3A_443 : vector<64x32xi1>, vector<64x32xi32>
    %eq3A_472 = vector.broadcast %broadcast_in_dim3A_459 : vector<64x1xi32> to vector<64x8192xi32>
    %eq3A_473 = arith.cmpi eq, %iota3A, %eq3A_472 : vector<64x8192xi32>
    %jit3A_474 = arith.constant 0xFF800000 : f32
    %broadcast_in_dim3A_475 = vector.broadcast %jit3A_474 : f32 to vector<64x8192xf32>
    %select_n3A_476 = arith.select %eq3A_473, %broadcast_in_dim3A_475, %select_n3A_448 : vector<64x8192xi1>, vector<64x8192xf32>
    %reduce_max3A_477 = arith.constant dense<0xFF800000> : vector<64xf32>
    %reduce_max3A_478 = vector.multi_reduction <maximumf>, %select_n3A_476, %reduce_max3A_477 [1] : vector<64x8192xf32> to vector<64xf32>
    %broadcast_in_dim3A_479 = vector.shape_cast %reduce_max3A_478 : vector<64xf32> to vector<64x1xf32>
    %eq3A_480 = vector.broadcast %broadcast_in_dim3A_479 : vector<64x1xf32> to vector<64x8192xf32>
    %eq3A_481 = arith.cmpf oeq, %select_n3A_476, %eq3A_480 : vector<64x8192xf32>
    %jit3A_482 = arith.constant 8192 : i32
    %broadcast_in_dim3A_483 = vector.broadcast %jit3A_482 : i32 to vector<64x8192xi32>
    %select_n3A_484 = arith.select %eq3A_481, %iota3A, %broadcast_in_dim3A_483 : vector<64x8192xi1>, vector<64x8192xi32>
    %reduce_min3A_485 = arith.constant dense<2147483647> : vector<64xi32>
    %reduce_min3A_486 = vector.multi_reduction <minsi>, %select_n3A_484, %reduce_min3A_485 [1] : vector<64x8192xi32> to vector<64xi32>
    %broadcast_in_dim3A_487 = vector.shape_cast %reduce_min3A_486 : vector<64xi32> to vector<64x1xi32>
    %eq3A_488 = arith.constant 17 : i32
    %eq3A_489 = vector.broadcast %eq3A_488 : i32 to vector<64x32xi32>
    %eq3A_490 = arith.cmpi eq, %iota3A_2, %eq3A_489 : vector<64x32xi32>
    %broadcast_in_dim3A_491 = vector.shape_cast %broadcast_in_dim3A_479 : vector<64x1xf32> to vector<64x1xf32>
    %broadcast_in_dim3A_492 = vector.broadcast %broadcast_in_dim3A_491 : vector<64x1xf32> to vector<64x32xf32>
    %select_n3A_493 = arith.select %eq3A_490, %broadcast_in_dim3A_492, %select_n3A_465 : vector<64x32xi1>, vector<64x32xf32>
    %eq3A_494 = arith.constant 17 : i32
    %eq3A_495 = vector.broadcast %eq3A_494 : i32 to vector<64x32xi32>
    %eq3A_496 = arith.cmpi eq, %iota3A_2, %eq3A_495 : vector<64x32xi32>
    %broadcast_in_dim3A_497 = vector.shape_cast %broadcast_in_dim3A_487 : vector<64x1xi32> to vector<64x1xi32>
    %broadcast_in_dim3A_498 = vector.broadcast %broadcast_in_dim3A_497 : vector<64x1xi32> to vector<64x32xi32>
    %select_n3A_499 = arith.select %eq3A_496, %broadcast_in_dim3A_498, %select_n3A_471 : vector<64x32xi1>, vector<64x32xi32>
    %eq3A_500 = vector.broadcast %broadcast_in_dim3A_487 : vector<64x1xi32> to vector<64x8192xi32>
    %eq3A_501 = arith.cmpi eq, %iota3A, %eq3A_500 : vector<64x8192xi32>
    %jit3A_502 = arith.constant 0xFF800000 : f32
    %broadcast_in_dim3A_503 = vector.broadcast %jit3A_502 : f32 to vector<64x8192xf32>
    %select_n3A_504 = arith.select %eq3A_501, %broadcast_in_dim3A_503, %select_n3A_476 : vector<64x8192xi1>, vector<64x8192xf32>
    %reduce_max3A_505 = arith.constant dense<0xFF800000> : vector<64xf32>
    %reduce_max3A_506 = vector.multi_reduction <maximumf>, %select_n3A_504, %reduce_max3A_505 [1] : vector<64x8192xf32> to vector<64xf32>
    %broadcast_in_dim3A_507 = vector.shape_cast %reduce_max3A_506 : vector<64xf32> to vector<64x1xf32>
    %eq3A_508 = vector.broadcast %broadcast_in_dim3A_507 : vector<64x1xf32> to vector<64x8192xf32>
    %eq3A_509 = arith.cmpf oeq, %select_n3A_504, %eq3A_508 : vector<64x8192xf32>
    %jit3A_510 = arith.constant 8192 : i32
    %broadcast_in_dim3A_511 = vector.broadcast %jit3A_510 : i32 to vector<64x8192xi32>
    %select_n3A_512 = arith.select %eq3A_509, %iota3A, %broadcast_in_dim3A_511 : vector<64x8192xi1>, vector<64x8192xi32>
    %reduce_min3A_513 = arith.constant dense<2147483647> : vector<64xi32>
    %reduce_min3A_514 = vector.multi_reduction <minsi>, %select_n3A_512, %reduce_min3A_513 [1] : vector<64x8192xi32> to vector<64xi32>
    %broadcast_in_dim3A_515 = vector.shape_cast %reduce_min3A_514 : vector<64xi32> to vector<64x1xi32>
    %eq3A_516 = arith.constant 18 : i32
    %eq3A_517 = vector.broadcast %eq3A_516 : i32 to vector<64x32xi32>
    %eq3A_518 = arith.cmpi eq, %iota3A_2, %eq3A_517 : vector<64x32xi32>
    %broadcast_in_dim3A_519 = vector.shape_cast %broadcast_in_dim3A_507 : vector<64x1xf32> to vector<64x1xf32>
    %broadcast_in_dim3A_520 = vector.broadcast %broadcast_in_dim3A_519 : vector<64x1xf32> to vector<64x32xf32>
    %select_n3A_521 = arith.select %eq3A_518, %broadcast_in_dim3A_520, %select_n3A_493 : vector<64x32xi1>, vector<64x32xf32>
    %eq3A_522 = arith.constant 18 : i32
    %eq3A_523 = vector.broadcast %eq3A_522 : i32 to vector<64x32xi32>
    %eq3A_524 = arith.cmpi eq, %iota3A_2, %eq3A_523 : vector<64x32xi32>
    %broadcast_in_dim3A_525 = vector.shape_cast %broadcast_in_dim3A_515 : vector<64x1xi32> to vector<64x1xi32>
    %broadcast_in_dim3A_526 = vector.broadcast %broadcast_in_dim3A_525 : vector<64x1xi32> to vector<64x32xi32>
    %select_n3A_527 = arith.select %eq3A_524, %broadcast_in_dim3A_526, %select_n3A_499 : vector<64x32xi1>, vector<64x32xi32>
    %eq3A_528 = vector.broadcast %broadcast_in_dim3A_515 : vector<64x1xi32> to vector<64x8192xi32>
    %eq3A_529 = arith.cmpi eq, %iota3A, %eq3A_528 : vector<64x8192xi32>
    %jit3A_530 = arith.constant 0xFF800000 : f32
    %broadcast_in_dim3A_531 = vector.broadcast %jit3A_530 : f32 to vector<64x8192xf32>
    %select_n3A_532 = arith.select %eq3A_529, %broadcast_in_dim3A_531, %select_n3A_504 : vector<64x8192xi1>, vector<64x8192xf32>
    %reduce_max3A_533 = arith.constant dense<0xFF800000> : vector<64xf32>
    %reduce_max3A_534 = vector.multi_reduction <maximumf>, %select_n3A_532, %reduce_max3A_533 [1] : vector<64x8192xf32> to vector<64xf32>
    %broadcast_in_dim3A_535 = vector.shape_cast %reduce_max3A_534 : vector<64xf32> to vector<64x1xf32>
    %eq3A_536 = vector.broadcast %broadcast_in_dim3A_535 : vector<64x1xf32> to vector<64x8192xf32>
    %eq3A_537 = arith.cmpf oeq, %select_n3A_532, %eq3A_536 : vector<64x8192xf32>
    %jit3A_538 = arith.constant 8192 : i32
    %broadcast_in_dim3A_539 = vector.broadcast %jit3A_538 : i32 to vector<64x8192xi32>
    %select_n3A_540 = arith.select %eq3A_537, %iota3A, %broadcast_in_dim3A_539 : vector<64x8192xi1>, vector<64x8192xi32>
    %reduce_min3A_541 = arith.constant dense<2147483647> : vector<64xi32>
    %reduce_min3A_542 = vector.multi_reduction <minsi>, %select_n3A_540, %reduce_min3A_541 [1] : vector<64x8192xi32> to vector<64xi32>
    %broadcast_in_dim3A_543 = vector.shape_cast %reduce_min3A_542 : vector<64xi32> to vector<64x1xi32>
    %eq3A_544 = arith.constant 19 : i32
    %eq3A_545 = vector.broadcast %eq3A_544 : i32 to vector<64x32xi32>
    %eq3A_546 = arith.cmpi eq, %iota3A_2, %eq3A_545 : vector<64x32xi32>
    %broadcast_in_dim3A_547 = vector.shape_cast %broadcast_in_dim3A_535 : vector<64x1xf32> to vector<64x1xf32>
    %broadcast_in_dim3A_548 = vector.broadcast %broadcast_in_dim3A_547 : vector<64x1xf32> to vector<64x32xf32>
    %select_n3A_549 = arith.select %eq3A_546, %broadcast_in_dim3A_548, %select_n3A_521 : vector<64x32xi1>, vector<64x32xf32>
    %eq3A_550 = arith.constant 19 : i32
    %eq3A_551 = vector.broadcast %eq3A_550 : i32 to vector<64x32xi32>
    %eq3A_552 = arith.cmpi eq, %iota3A_2, %eq3A_551 : vector<64x32xi32>
    %broadcast_in_dim3A_553 = vector.shape_cast %broadcast_in_dim3A_543 : vector<64x1xi32> to vector<64x1xi32>
    %broadcast_in_dim3A_554 = vector.broadcast %broadcast_in_dim3A_553 : vector<64x1xi32> to vector<64x32xi32>
    %select_n3A_555 = arith.select %eq3A_552, %broadcast_in_dim3A_554, %select_n3A_527 : vector<64x32xi1>, vector<64x32xi32>
    %eq3A_556 = vector.broadcast %broadcast_in_dim3A_543 : vector<64x1xi32> to vector<64x8192xi32>
    %eq3A_557 = arith.cmpi eq, %iota3A, %eq3A_556 : vector<64x8192xi32>
    %jit3A_558 = arith.constant 0xFF800000 : f32
    %broadcast_in_dim3A_559 = vector.broadcast %jit3A_558 : f32 to vector<64x8192xf32>
    %select_n3A_560 = arith.select %eq3A_557, %broadcast_in_dim3A_559, %select_n3A_532 : vector<64x8192xi1>, vector<64x8192xf32>
    %reduce_max3A_561 = arith.constant dense<0xFF800000> : vector<64xf32>
    %reduce_max3A_562 = vector.multi_reduction <maximumf>, %select_n3A_560, %reduce_max3A_561 [1] : vector<64x8192xf32> to vector<64xf32>
    %broadcast_in_dim3A_563 = vector.shape_cast %reduce_max3A_562 : vector<64xf32> to vector<64x1xf32>
    %eq3A_564 = vector.broadcast %broadcast_in_dim3A_563 : vector<64x1xf32> to vector<64x8192xf32>
    %eq3A_565 = arith.cmpf oeq, %select_n3A_560, %eq3A_564 : vector<64x8192xf32>
    %jit3A_566 = arith.constant 8192 : i32
    %broadcast_in_dim3A_567 = vector.broadcast %jit3A_566 : i32 to vector<64x8192xi32>
    %select_n3A_568 = arith.select %eq3A_565, %iota3A, %broadcast_in_dim3A_567 : vector<64x8192xi1>, vector<64x8192xi32>
    %reduce_min3A_569 = arith.constant dense<2147483647> : vector<64xi32>
    %reduce_min3A_570 = vector.multi_reduction <minsi>, %select_n3A_568, %reduce_min3A_569 [1] : vector<64x8192xi32> to vector<64xi32>
    %broadcast_in_dim3A_571 = vector.shape_cast %reduce_min3A_570 : vector<64xi32> to vector<64x1xi32>
    %eq3A_572 = arith.constant 20 : i32
    %eq3A_573 = vector.broadcast %eq3A_572 : i32 to vector<64x32xi32>
    %eq3A_574 = arith.cmpi eq, %iota3A_2, %eq3A_573 : vector<64x32xi32>
    %broadcast_in_dim3A_575 = vector.shape_cast %broadcast_in_dim3A_563 : vector<64x1xf32> to vector<64x1xf32>
    %broadcast_in_dim3A_576 = vector.broadcast %broadcast_in_dim3A_575 : vector<64x1xf32> to vector<64x32xf32>
    %select_n3A_577 = arith.select %eq3A_574, %broadcast_in_dim3A_576, %select_n3A_549 : vector<64x32xi1>, vector<64x32xf32>
    %eq3A_578 = arith.constant 20 : i32
    %eq3A_579 = vector.broadcast %eq3A_578 : i32 to vector<64x32xi32>
    %eq3A_580 = arith.cmpi eq, %iota3A_2, %eq3A_579 : vector<64x32xi32>
    %broadcast_in_dim3A_581 = vector.shape_cast %broadcast_in_dim3A_571 : vector<64x1xi32> to vector<64x1xi32>
    %broadcast_in_dim3A_582 = vector.broadcast %broadcast_in_dim3A_581 : vector<64x1xi32> to vector<64x32xi32>
    %select_n3A_583 = arith.select %eq3A_580, %broadcast_in_dim3A_582, %select_n3A_555 : vector<64x32xi1>, vector<64x32xi32>
    %eq3A_584 = vector.broadcast %broadcast_in_dim3A_571 : vector<64x1xi32> to vector<64x8192xi32>
    %eq3A_585 = arith.cmpi eq, %iota3A, %eq3A_584 : vector<64x8192xi32>
    %jit3A_586 = arith.constant 0xFF800000 : f32
    %broadcast_in_dim3A_587 = vector.broadcast %jit3A_586 : f32 to vector<64x8192xf32>
    %select_n3A_588 = arith.select %eq3A_585, %broadcast_in_dim3A_587, %select_n3A_560 : vector<64x8192xi1>, vector<64x8192xf32>
    %reduce_max3A_589 = arith.constant dense<0xFF800000> : vector<64xf32>
    %reduce_max3A_590 = vector.multi_reduction <maximumf>, %select_n3A_588, %reduce_max3A_589 [1] : vector<64x8192xf32> to vector<64xf32>
    %broadcast_in_dim3A_591 = vector.shape_cast %reduce_max3A_590 : vector<64xf32> to vector<64x1xf32>
    %eq3A_592 = vector.broadcast %broadcast_in_dim3A_591 : vector<64x1xf32> to vector<64x8192xf32>
    %eq3A_593 = arith.cmpf oeq, %select_n3A_588, %eq3A_592 : vector<64x8192xf32>
    %jit3A_594 = arith.constant 8192 : i32
    %broadcast_in_dim3A_595 = vector.broadcast %jit3A_594 : i32 to vector<64x8192xi32>
    %select_n3A_596 = arith.select %eq3A_593, %iota3A, %broadcast_in_dim3A_595 : vector<64x8192xi1>, vector<64x8192xi32>
    %reduce_min3A_597 = arith.constant dense<2147483647> : vector<64xi32>
    %reduce_min3A_598 = vector.multi_reduction <minsi>, %select_n3A_596, %reduce_min3A_597 [1] : vector<64x8192xi32> to vector<64xi32>
    %broadcast_in_dim3A_599 = vector.shape_cast %reduce_min3A_598 : vector<64xi32> to vector<64x1xi32>
    %eq3A_600 = arith.constant 21 : i32
    %eq3A_601 = vector.broadcast %eq3A_600 : i32 to vector<64x32xi32>
    %eq3A_602 = arith.cmpi eq, %iota3A_2, %eq3A_601 : vector<64x32xi32>
    %broadcast_in_dim3A_603 = vector.shape_cast %broadcast_in_dim3A_591 : vector<64x1xf32> to vector<64x1xf32>
    %broadcast_in_dim3A_604 = vector.broadcast %broadcast_in_dim3A_603 : vector<64x1xf32> to vector<64x32xf32>
    %select_n3A_605 = arith.select %eq3A_602, %broadcast_in_dim3A_604, %select_n3A_577 : vector<64x32xi1>, vector<64x32xf32>
    %eq3A_606 = arith.constant 21 : i32
    %eq3A_607 = vector.broadcast %eq3A_606 : i32 to vector<64x32xi32>
    %eq3A_608 = arith.cmpi eq, %iota3A_2, %eq3A_607 : vector<64x32xi32>
    %broadcast_in_dim3A_609 = vector.shape_cast %broadcast_in_dim3A_599 : vector<64x1xi32> to vector<64x1xi32>
    %broadcast_in_dim3A_610 = vector.broadcast %broadcast_in_dim3A_609 : vector<64x1xi32> to vector<64x32xi32>
    %select_n3A_611 = arith.select %eq3A_608, %broadcast_in_dim3A_610, %select_n3A_583 : vector<64x32xi1>, vector<64x32xi32>
    %eq3A_612 = vector.broadcast %broadcast_in_dim3A_599 : vector<64x1xi32> to vector<64x8192xi32>
    %eq3A_613 = arith.cmpi eq, %iota3A, %eq3A_612 : vector<64x8192xi32>
    %jit3A_614 = arith.constant 0xFF800000 : f32
    %broadcast_in_dim3A_615 = vector.broadcast %jit3A_614 : f32 to vector<64x8192xf32>
    %select_n3A_616 = arith.select %eq3A_613, %broadcast_in_dim3A_615, %select_n3A_588 : vector<64x8192xi1>, vector<64x8192xf32>
    %reduce_max3A_617 = arith.constant dense<0xFF800000> : vector<64xf32>
    %reduce_max3A_618 = vector.multi_reduction <maximumf>, %select_n3A_616, %reduce_max3A_617 [1] : vector<64x8192xf32> to vector<64xf32>
    %broadcast_in_dim3A_619 = vector.shape_cast %reduce_max3A_618 : vector<64xf32> to vector<64x1xf32>
    %eq3A_620 = vector.broadcast %broadcast_in_dim3A_619 : vector<64x1xf32> to vector<64x8192xf32>
    %eq3A_621 = arith.cmpf oeq, %select_n3A_616, %eq3A_620 : vector<64x8192xf32>
    %jit3A_622 = arith.constant 8192 : i32
    %broadcast_in_dim3A_623 = vector.broadcast %jit3A_622 : i32 to vector<64x8192xi32>
    %select_n3A_624 = arith.select %eq3A_621, %iota3A, %broadcast_in_dim3A_623 : vector<64x8192xi1>, vector<64x8192xi32>
    %reduce_min3A_625 = arith.constant dense<2147483647> : vector<64xi32>
    %reduce_min3A_626 = vector.multi_reduction <minsi>, %select_n3A_624, %reduce_min3A_625 [1] : vector<64x8192xi32> to vector<64xi32>
    %broadcast_in_dim3A_627 = vector.shape_cast %reduce_min3A_626 : vector<64xi32> to vector<64x1xi32>
    %eq3A_628 = arith.constant 22 : i32
    %eq3A_629 = vector.broadcast %eq3A_628 : i32 to vector<64x32xi32>
    %eq3A_630 = arith.cmpi eq, %iota3A_2, %eq3A_629 : vector<64x32xi32>
    %broadcast_in_dim3A_631 = vector.shape_cast %broadcast_in_dim3A_619 : vector<64x1xf32> to vector<64x1xf32>
    %broadcast_in_dim3A_632 = vector.broadcast %broadcast_in_dim3A_631 : vector<64x1xf32> to vector<64x32xf32>
    %select_n3A_633 = arith.select %eq3A_630, %broadcast_in_dim3A_632, %select_n3A_605 : vector<64x32xi1>, vector<64x32xf32>
    %eq3A_634 = arith.constant 22 : i32
    %eq3A_635 = vector.broadcast %eq3A_634 : i32 to vector<64x32xi32>
    %eq3A_636 = arith.cmpi eq, %iota3A_2, %eq3A_635 : vector<64x32xi32>
    %broadcast_in_dim3A_637 = vector.shape_cast %broadcast_in_dim3A_627 : vector<64x1xi32> to vector<64x1xi32>
    %broadcast_in_dim3A_638 = vector.broadcast %broadcast_in_dim3A_637 : vector<64x1xi32> to vector<64x32xi32>
    %select_n3A_639 = arith.select %eq3A_636, %broadcast_in_dim3A_638, %select_n3A_611 : vector<64x32xi1>, vector<64x32xi32>
    %eq3A_640 = vector.broadcast %broadcast_in_dim3A_627 : vector<64x1xi32> to vector<64x8192xi32>
    %eq3A_641 = arith.cmpi eq, %iota3A, %eq3A_640 : vector<64x8192xi32>
    %jit3A_642 = arith.constant 0xFF800000 : f32
    %broadcast_in_dim3A_643 = vector.broadcast %jit3A_642 : f32 to vector<64x8192xf32>
    %select_n3A_644 = arith.select %eq3A_641, %broadcast_in_dim3A_643, %select_n3A_616 : vector<64x8192xi1>, vector<64x8192xf32>
    %reduce_max3A_645 = arith.constant dense<0xFF800000> : vector<64xf32>
    %reduce_max3A_646 = vector.multi_reduction <maximumf>, %select_n3A_644, %reduce_max3A_645 [1] : vector<64x8192xf32> to vector<64xf32>
    %broadcast_in_dim3A_647 = vector.shape_cast %reduce_max3A_646 : vector<64xf32> to vector<64x1xf32>
    %eq3A_648 = vector.broadcast %broadcast_in_dim3A_647 : vector<64x1xf32> to vector<64x8192xf32>
    %eq3A_649 = arith.cmpf oeq, %select_n3A_644, %eq3A_648 : vector<64x8192xf32>
    %jit3A_650 = arith.constant 8192 : i32
    %broadcast_in_dim3A_651 = vector.broadcast %jit3A_650 : i32 to vector<64x8192xi32>
    %select_n3A_652 = arith.select %eq3A_649, %iota3A, %broadcast_in_dim3A_651 : vector<64x8192xi1>, vector<64x8192xi32>
    %reduce_min3A_653 = arith.constant dense<2147483647> : vector<64xi32>
    %reduce_min3A_654 = vector.multi_reduction <minsi>, %select_n3A_652, %reduce_min3A_653 [1] : vector<64x8192xi32> to vector<64xi32>
    %broadcast_in_dim3A_655 = vector.shape_cast %reduce_min3A_654 : vector<64xi32> to vector<64x1xi32>
    %eq3A_656 = arith.constant 23 : i32
    %eq3A_657 = vector.broadcast %eq3A_656 : i32 to vector<64x32xi32>
    %eq3A_658 = arith.cmpi eq, %iota3A_2, %eq3A_657 : vector<64x32xi32>
    %broadcast_in_dim3A_659 = vector.shape_cast %broadcast_in_dim3A_647 : vector<64x1xf32> to vector<64x1xf32>
    %broadcast_in_dim3A_660 = vector.broadcast %broadcast_in_dim3A_659 : vector<64x1xf32> to vector<64x32xf32>
    %select_n3A_661 = arith.select %eq3A_658, %broadcast_in_dim3A_660, %select_n3A_633 : vector<64x32xi1>, vector<64x32xf32>
    %eq3A_662 = arith.constant 23 : i32
    %eq3A_663 = vector.broadcast %eq3A_662 : i32 to vector<64x32xi32>
    %eq3A_664 = arith.cmpi eq, %iota3A_2, %eq3A_663 : vector<64x32xi32>
    %broadcast_in_dim3A_665 = vector.shape_cast %broadcast_in_dim3A_655 : vector<64x1xi32> to vector<64x1xi32>
    %broadcast_in_dim3A_666 = vector.broadcast %broadcast_in_dim3A_665 : vector<64x1xi32> to vector<64x32xi32>
    %select_n3A_667 = arith.select %eq3A_664, %broadcast_in_dim3A_666, %select_n3A_639 : vector<64x32xi1>, vector<64x32xi32>
    %eq3A_668 = vector.broadcast %broadcast_in_dim3A_655 : vector<64x1xi32> to vector<64x8192xi32>
    %eq3A_669 = arith.cmpi eq, %iota3A, %eq3A_668 : vector<64x8192xi32>
    %jit3A_670 = arith.constant 0xFF800000 : f32
    %broadcast_in_dim3A_671 = vector.broadcast %jit3A_670 : f32 to vector<64x8192xf32>
    %select_n3A_672 = arith.select %eq3A_669, %broadcast_in_dim3A_671, %select_n3A_644 : vector<64x8192xi1>, vector<64x8192xf32>
    %reduce_max3A_673 = arith.constant dense<0xFF800000> : vector<64xf32>
    %reduce_max3A_674 = vector.multi_reduction <maximumf>, %select_n3A_672, %reduce_max3A_673 [1] : vector<64x8192xf32> to vector<64xf32>
    %broadcast_in_dim3A_675 = vector.shape_cast %reduce_max3A_674 : vector<64xf32> to vector<64x1xf32>
    %eq3A_676 = vector.broadcast %broadcast_in_dim3A_675 : vector<64x1xf32> to vector<64x8192xf32>
    %eq3A_677 = arith.cmpf oeq, %select_n3A_672, %eq3A_676 : vector<64x8192xf32>
    %jit3A_678 = arith.constant 8192 : i32
    %broadcast_in_dim3A_679 = vector.broadcast %jit3A_678 : i32 to vector<64x8192xi32>
    %select_n3A_680 = arith.select %eq3A_677, %iota3A, %broadcast_in_dim3A_679 : vector<64x8192xi1>, vector<64x8192xi32>
    %reduce_min3A_681 = arith.constant dense<2147483647> : vector<64xi32>
    %reduce_min3A_682 = vector.multi_reduction <minsi>, %select_n3A_680, %reduce_min3A_681 [1] : vector<64x8192xi32> to vector<64xi32>
    %broadcast_in_dim3A_683 = vector.shape_cast %reduce_min3A_682 : vector<64xi32> to vector<64x1xi32>
    %eq3A_684 = arith.constant 24 : i32
    %eq3A_685 = vector.broadcast %eq3A_684 : i32 to vector<64x32xi32>
    %eq3A_686 = arith.cmpi eq, %iota3A_2, %eq3A_685 : vector<64x32xi32>
    %broadcast_in_dim3A_687 = vector.shape_cast %broadcast_in_dim3A_675 : vector<64x1xf32> to vector<64x1xf32>
    %broadcast_in_dim3A_688 = vector.broadcast %broadcast_in_dim3A_687 : vector<64x1xf32> to vector<64x32xf32>
    %select_n3A_689 = arith.select %eq3A_686, %broadcast_in_dim3A_688, %select_n3A_661 : vector<64x32xi1>, vector<64x32xf32>
    %eq3A_690 = arith.constant 24 : i32
    %eq3A_691 = vector.broadcast %eq3A_690 : i32 to vector<64x32xi32>
    %eq3A_692 = arith.cmpi eq, %iota3A_2, %eq3A_691 : vector<64x32xi32>
    %broadcast_in_dim3A_693 = vector.shape_cast %broadcast_in_dim3A_683 : vector<64x1xi32> to vector<64x1xi32>
    %broadcast_in_dim3A_694 = vector.broadcast %broadcast_in_dim3A_693 : vector<64x1xi32> to vector<64x32xi32>
    %select_n3A_695 = arith.select %eq3A_692, %broadcast_in_dim3A_694, %select_n3A_667 : vector<64x32xi1>, vector<64x32xi32>
    %eq3A_696 = vector.broadcast %broadcast_in_dim3A_683 : vector<64x1xi32> to vector<64x8192xi32>
    %eq3A_697 = arith.cmpi eq, %iota3A, %eq3A_696 : vector<64x8192xi32>
    %jit3A_698 = arith.constant 0xFF800000 : f32
    %broadcast_in_dim3A_699 = vector.broadcast %jit3A_698 : f32 to vector<64x8192xf32>
    %select_n3A_700 = arith.select %eq3A_697, %broadcast_in_dim3A_699, %select_n3A_672 : vector<64x8192xi1>, vector<64x8192xf32>
    %reduce_max3A_701 = arith.constant dense<0xFF800000> : vector<64xf32>
    %reduce_max3A_702 = vector.multi_reduction <maximumf>, %select_n3A_700, %reduce_max3A_701 [1] : vector<64x8192xf32> to vector<64xf32>
    %broadcast_in_dim3A_703 = vector.shape_cast %reduce_max3A_702 : vector<64xf32> to vector<64x1xf32>
    %eq3A_704 = vector.broadcast %broadcast_in_dim3A_703 : vector<64x1xf32> to vector<64x8192xf32>
    %eq3A_705 = arith.cmpf oeq, %select_n3A_700, %eq3A_704 : vector<64x8192xf32>
    %jit3A_706 = arith.constant 8192 : i32
    %broadcast_in_dim3A_707 = vector.broadcast %jit3A_706 : i32 to vector<64x8192xi32>
    %select_n3A_708 = arith.select %eq3A_705, %iota3A, %broadcast_in_dim3A_707 : vector<64x8192xi1>, vector<64x8192xi32>
    %reduce_min3A_709 = arith.constant dense<2147483647> : vector<64xi32>
    %reduce_min3A_710 = vector.multi_reduction <minsi>, %select_n3A_708, %reduce_min3A_709 [1] : vector<64x8192xi32> to vector<64xi32>
    %broadcast_in_dim3A_711 = vector.shape_cast %reduce_min3A_710 : vector<64xi32> to vector<64x1xi32>
    %eq3A_712 = arith.constant 25 : i32
    %eq3A_713 = vector.broadcast %eq3A_712 : i32 to vector<64x32xi32>
    %eq3A_714 = arith.cmpi eq, %iota3A_2, %eq3A_713 : vector<64x32xi32>
    %broadcast_in_dim3A_715 = vector.shape_cast %broadcast_in_dim3A_703 : vector<64x1xf32> to vector<64x1xf32>
    %broadcast_in_dim3A_716 = vector.broadcast %broadcast_in_dim3A_715 : vector<64x1xf32> to vector<64x32xf32>
    %select_n3A_717 = arith.select %eq3A_714, %broadcast_in_dim3A_716, %select_n3A_689 : vector<64x32xi1>, vector<64x32xf32>
    %eq3A_718 = arith.constant 25 : i32
    %eq3A_719 = vector.broadcast %eq3A_718 : i32 to vector<64x32xi32>
    %eq3A_720 = arith.cmpi eq, %iota3A_2, %eq3A_719 : vector<64x32xi32>
    %broadcast_in_dim3A_721 = vector.shape_cast %broadcast_in_dim3A_711 : vector<64x1xi32> to vector<64x1xi32>
    %broadcast_in_dim3A_722 = vector.broadcast %broadcast_in_dim3A_721 : vector<64x1xi32> to vector<64x32xi32>
    %select_n3A_723 = arith.select %eq3A_720, %broadcast_in_dim3A_722, %select_n3A_695 : vector<64x32xi1>, vector<64x32xi32>
    %eq3A_724 = vector.broadcast %broadcast_in_dim3A_711 : vector<64x1xi32> to vector<64x8192xi32>
    %eq3A_725 = arith.cmpi eq, %iota3A, %eq3A_724 : vector<64x8192xi32>
    %jit3A_726 = arith.constant 0xFF800000 : f32
    %broadcast_in_dim3A_727 = vector.broadcast %jit3A_726 : f32 to vector<64x8192xf32>
    %select_n3A_728 = arith.select %eq3A_725, %broadcast_in_dim3A_727, %select_n3A_700 : vector<64x8192xi1>, vector<64x8192xf32>
    %reduce_max3A_729 = arith.constant dense<0xFF800000> : vector<64xf32>
    %reduce_max3A_730 = vector.multi_reduction <maximumf>, %select_n3A_728, %reduce_max3A_729 [1] : vector<64x8192xf32> to vector<64xf32>
    %broadcast_in_dim3A_731 = vector.shape_cast %reduce_max3A_730 : vector<64xf32> to vector<64x1xf32>
    %eq3A_732 = vector.broadcast %broadcast_in_dim3A_731 : vector<64x1xf32> to vector<64x8192xf32>
    %eq3A_733 = arith.cmpf oeq, %select_n3A_728, %eq3A_732 : vector<64x8192xf32>
    %jit3A_734 = arith.constant 8192 : i32
    %broadcast_in_dim3A_735 = vector.broadcast %jit3A_734 : i32 to vector<64x8192xi32>
    %select_n3A_736 = arith.select %eq3A_733, %iota3A, %broadcast_in_dim3A_735 : vector<64x8192xi1>, vector<64x8192xi32>
    %reduce_min3A_737 = arith.constant dense<2147483647> : vector<64xi32>
    %reduce_min3A_738 = vector.multi_reduction <minsi>, %select_n3A_736, %reduce_min3A_737 [1] : vector<64x8192xi32> to vector<64xi32>
    %broadcast_in_dim3A_739 = vector.shape_cast %reduce_min3A_738 : vector<64xi32> to vector<64x1xi32>
    %eq3A_740 = arith.constant 26 : i32
    %eq3A_741 = vector.broadcast %eq3A_740 : i32 to vector<64x32xi32>
    %eq3A_742 = arith.cmpi eq, %iota3A_2, %eq3A_741 : vector<64x32xi32>
    %broadcast_in_dim3A_743 = vector.shape_cast %broadcast_in_dim3A_731 : vector<64x1xf32> to vector<64x1xf32>
    %broadcast_in_dim3A_744 = vector.broadcast %broadcast_in_dim3A_743 : vector<64x1xf32> to vector<64x32xf32>
    %select_n3A_745 = arith.select %eq3A_742, %broadcast_in_dim3A_744, %select_n3A_717 : vector<64x32xi1>, vector<64x32xf32>
    %eq3A_746 = arith.constant 26 : i32
    %eq3A_747 = vector.broadcast %eq3A_746 : i32 to vector<64x32xi32>
    %eq3A_748 = arith.cmpi eq, %iota3A_2, %eq3A_747 : vector<64x32xi32>
    %broadcast_in_dim3A_749 = vector.shape_cast %broadcast_in_dim3A_739 : vector<64x1xi32> to vector<64x1xi32>
    %broadcast_in_dim3A_750 = vector.broadcast %broadcast_in_dim3A_749 : vector<64x1xi32> to vector<64x32xi32>
    %select_n3A_751 = arith.select %eq3A_748, %broadcast_in_dim3A_750, %select_n3A_723 : vector<64x32xi1>, vector<64x32xi32>
    %eq3A_752 = vector.broadcast %broadcast_in_dim3A_739 : vector<64x1xi32> to vector<64x8192xi32>
    %eq3A_753 = arith.cmpi eq, %iota3A, %eq3A_752 : vector<64x8192xi32>
    %jit3A_754 = arith.constant 0xFF800000 : f32
    %broadcast_in_dim3A_755 = vector.broadcast %jit3A_754 : f32 to vector<64x8192xf32>
    %select_n3A_756 = arith.select %eq3A_753, %broadcast_in_dim3A_755, %select_n3A_728 : vector<64x8192xi1>, vector<64x8192xf32>
    %reduce_max3A_757 = arith.constant dense<0xFF800000> : vector<64xf32>
    %reduce_max3A_758 = vector.multi_reduction <maximumf>, %select_n3A_756, %reduce_max3A_757 [1] : vector<64x8192xf32> to vector<64xf32>
    %broadcast_in_dim3A_759 = vector.shape_cast %reduce_max3A_758 : vector<64xf32> to vector<64x1xf32>
    %eq3A_760 = vector.broadcast %broadcast_in_dim3A_759 : vector<64x1xf32> to vector<64x8192xf32>
    %eq3A_761 = arith.cmpf oeq, %select_n3A_756, %eq3A_760 : vector<64x8192xf32>
    %jit3A_762 = arith.constant 8192 : i32
    %broadcast_in_dim3A_763 = vector.broadcast %jit3A_762 : i32 to vector<64x8192xi32>
    %select_n3A_764 = arith.select %eq3A_761, %iota3A, %broadcast_in_dim3A_763 : vector<64x8192xi1>, vector<64x8192xi32>
    %reduce_min3A_765 = arith.constant dense<2147483647> : vector<64xi32>
    %reduce_min3A_766 = vector.multi_reduction <minsi>, %select_n3A_764, %reduce_min3A_765 [1] : vector<64x8192xi32> to vector<64xi32>
    %broadcast_in_dim3A_767 = vector.shape_cast %reduce_min3A_766 : vector<64xi32> to vector<64x1xi32>
    %eq3A_768 = arith.constant 27 : i32
    %eq3A_769 = vector.broadcast %eq3A_768 : i32 to vector<64x32xi32>
    %eq3A_770 = arith.cmpi eq, %iota3A_2, %eq3A_769 : vector<64x32xi32>
    %broadcast_in_dim3A_771 = vector.shape_cast %broadcast_in_dim3A_759 : vector<64x1xf32> to vector<64x1xf32>
    %broadcast_in_dim3A_772 = vector.broadcast %broadcast_in_dim3A_771 : vector<64x1xf32> to vector<64x32xf32>
    %select_n3A_773 = arith.select %eq3A_770, %broadcast_in_dim3A_772, %select_n3A_745 : vector<64x32xi1>, vector<64x32xf32>
    %eq3A_774 = arith.constant 27 : i32
    %eq3A_775 = vector.broadcast %eq3A_774 : i32 to vector<64x32xi32>
    %eq3A_776 = arith.cmpi eq, %iota3A_2, %eq3A_775 : vector<64x32xi32>
    %broadcast_in_dim3A_777 = vector.shape_cast %broadcast_in_dim3A_767 : vector<64x1xi32> to vector<64x1xi32>
    %broadcast_in_dim3A_778 = vector.broadcast %broadcast_in_dim3A_777 : vector<64x1xi32> to vector<64x32xi32>
    %select_n3A_779 = arith.select %eq3A_776, %broadcast_in_dim3A_778, %select_n3A_751 : vector<64x32xi1>, vector<64x32xi32>
    %eq3A_780 = vector.broadcast %broadcast_in_dim3A_767 : vector<64x1xi32> to vector<64x8192xi32>
    %eq3A_781 = arith.cmpi eq, %iota3A, %eq3A_780 : vector<64x8192xi32>
    %jit3A_782 = arith.constant 0xFF800000 : f32
    %broadcast_in_dim3A_783 = vector.broadcast %jit3A_782 : f32 to vector<64x8192xf32>
    %select_n3A_784 = arith.select %eq3A_781, %broadcast_in_dim3A_783, %select_n3A_756 : vector<64x8192xi1>, vector<64x8192xf32>
    %reduce_max3A_785 = arith.constant dense<0xFF800000> : vector<64xf32>
    %reduce_max3A_786 = vector.multi_reduction <maximumf>, %select_n3A_784, %reduce_max3A_785 [1] : vector<64x8192xf32> to vector<64xf32>
    %broadcast_in_dim3A_787 = vector.shape_cast %reduce_max3A_786 : vector<64xf32> to vector<64x1xf32>
    %eq3A_788 = vector.broadcast %broadcast_in_dim3A_787 : vector<64x1xf32> to vector<64x8192xf32>
    %eq3A_789 = arith.cmpf oeq, %select_n3A_784, %eq3A_788 : vector<64x8192xf32>
    %jit3A_790 = arith.constant 8192 : i32
    %broadcast_in_dim3A_791 = vector.broadcast %jit3A_790 : i32 to vector<64x8192xi32>
    %select_n3A_792 = arith.select %eq3A_789, %iota3A, %broadcast_in_dim3A_791 : vector<64x8192xi1>, vector<64x8192xi32>
    %reduce_min3A_793 = arith.constant dense<2147483647> : vector<64xi32>
    %reduce_min3A_794 = vector.multi_reduction <minsi>, %select_n3A_792, %reduce_min3A_793 [1] : vector<64x8192xi32> to vector<64xi32>
    %broadcast_in_dim3A_795 = vector.shape_cast %reduce_min3A_794 : vector<64xi32> to vector<64x1xi32>
    %eq3A_796 = arith.constant 28 : i32
    %eq3A_797 = vector.broadcast %eq3A_796 : i32 to vector<64x32xi32>
    %eq3A_798 = arith.cmpi eq, %iota3A_2, %eq3A_797 : vector<64x32xi32>
    %broadcast_in_dim3A_799 = vector.shape_cast %broadcast_in_dim3A_787 : vector<64x1xf32> to vector<64x1xf32>
    %broadcast_in_dim3A_800 = vector.broadcast %broadcast_in_dim3A_799 : vector<64x1xf32> to vector<64x32xf32>
    %select_n3A_801 = arith.select %eq3A_798, %broadcast_in_dim3A_800, %select_n3A_773 : vector<64x32xi1>, vector<64x32xf32>
    %eq3A_802 = arith.constant 28 : i32
    %eq3A_803 = vector.broadcast %eq3A_802 : i32 to vector<64x32xi32>
    %eq3A_804 = arith.cmpi eq, %iota3A_2, %eq3A_803 : vector<64x32xi32>
    %broadcast_in_dim3A_805 = vector.shape_cast %broadcast_in_dim3A_795 : vector<64x1xi32> to vector<64x1xi32>
    %broadcast_in_dim3A_806 = vector.broadcast %broadcast_in_dim3A_805 : vector<64x1xi32> to vector<64x32xi32>
    %select_n3A_807 = arith.select %eq3A_804, %broadcast_in_dim3A_806, %select_n3A_779 : vector<64x32xi1>, vector<64x32xi32>
    %eq3A_808 = vector.broadcast %broadcast_in_dim3A_795 : vector<64x1xi32> to vector<64x8192xi32>
    %eq3A_809 = arith.cmpi eq, %iota3A, %eq3A_808 : vector<64x8192xi32>
    %jit3A_810 = arith.constant 0xFF800000 : f32
    %broadcast_in_dim3A_811 = vector.broadcast %jit3A_810 : f32 to vector<64x8192xf32>
    %select_n3A_812 = arith.select %eq3A_809, %broadcast_in_dim3A_811, %select_n3A_784 : vector<64x8192xi1>, vector<64x8192xf32>
    %reduce_max3A_813 = arith.constant dense<0xFF800000> : vector<64xf32>
    %reduce_max3A_814 = vector.multi_reduction <maximumf>, %select_n3A_812, %reduce_max3A_813 [1] : vector<64x8192xf32> to vector<64xf32>
    %broadcast_in_dim3A_815 = vector.shape_cast %reduce_max3A_814 : vector<64xf32> to vector<64x1xf32>
    %eq3A_816 = vector.broadcast %broadcast_in_dim3A_815 : vector<64x1xf32> to vector<64x8192xf32>
    %eq3A_817 = arith.cmpf oeq, %select_n3A_812, %eq3A_816 : vector<64x8192xf32>
    %jit3A_818 = arith.constant 8192 : i32
    %broadcast_in_dim3A_819 = vector.broadcast %jit3A_818 : i32 to vector<64x8192xi32>
    %select_n3A_820 = arith.select %eq3A_817, %iota3A, %broadcast_in_dim3A_819 : vector<64x8192xi1>, vector<64x8192xi32>
    %reduce_min3A_821 = arith.constant dense<2147483647> : vector<64xi32>
    %reduce_min3A_822 = vector.multi_reduction <minsi>, %select_n3A_820, %reduce_min3A_821 [1] : vector<64x8192xi32> to vector<64xi32>
    %broadcast_in_dim3A_823 = vector.shape_cast %reduce_min3A_822 : vector<64xi32> to vector<64x1xi32>
    %eq3A_824 = arith.constant 29 : i32
    %eq3A_825 = vector.broadcast %eq3A_824 : i32 to vector<64x32xi32>
    %eq3A_826 = arith.cmpi eq, %iota3A_2, %eq3A_825 : vector<64x32xi32>
    %broadcast_in_dim3A_827 = vector.shape_cast %broadcast_in_dim3A_815 : vector<64x1xf32> to vector<64x1xf32>
    %broadcast_in_dim3A_828 = vector.broadcast %broadcast_in_dim3A_827 : vector<64x1xf32> to vector<64x32xf32>
    %select_n3A_829 = arith.select %eq3A_826, %broadcast_in_dim3A_828, %select_n3A_801 : vector<64x32xi1>, vector<64x32xf32>
    %eq3A_830 = arith.constant 29 : i32
    %eq3A_831 = vector.broadcast %eq3A_830 : i32 to vector<64x32xi32>
    %eq3A_832 = arith.cmpi eq, %iota3A_2, %eq3A_831 : vector<64x32xi32>
    %broadcast_in_dim3A_833 = vector.shape_cast %broadcast_in_dim3A_823 : vector<64x1xi32> to vector<64x1xi32>
    %broadcast_in_dim3A_834 = vector.broadcast %broadcast_in_dim3A_833 : vector<64x1xi32> to vector<64x32xi32>
    %select_n3A_835 = arith.select %eq3A_832, %broadcast_in_dim3A_834, %select_n3A_807 : vector<64x32xi1>, vector<64x32xi32>
    %eq3A_836 = vector.broadcast %broadcast_in_dim3A_823 : vector<64x1xi32> to vector<64x8192xi32>
    %eq3A_837 = arith.cmpi eq, %iota3A, %eq3A_836 : vector<64x8192xi32>
    %jit3A_838 = arith.constant 0xFF800000 : f32
    %broadcast_in_dim3A_839 = vector.broadcast %jit3A_838 : f32 to vector<64x8192xf32>
    %select_n3A_840 = arith.select %eq3A_837, %broadcast_in_dim3A_839, %select_n3A_812 : vector<64x8192xi1>, vector<64x8192xf32>
    %reduce_max3A_841 = arith.constant dense<0xFF800000> : vector<64xf32>
    %reduce_max3A_842 = vector.multi_reduction <maximumf>, %select_n3A_840, %reduce_max3A_841 [1] : vector<64x8192xf32> to vector<64xf32>
    %broadcast_in_dim3A_843 = vector.shape_cast %reduce_max3A_842 : vector<64xf32> to vector<64x1xf32>
    %eq3A_844 = vector.broadcast %broadcast_in_dim3A_843 : vector<64x1xf32> to vector<64x8192xf32>
    %eq3A_845 = arith.cmpf oeq, %select_n3A_840, %eq3A_844 : vector<64x8192xf32>
    %jit3A_846 = arith.constant 8192 : i32
    %broadcast_in_dim3A_847 = vector.broadcast %jit3A_846 : i32 to vector<64x8192xi32>
    %select_n3A_848 = arith.select %eq3A_845, %iota3A, %broadcast_in_dim3A_847 : vector<64x8192xi1>, vector<64x8192xi32>
    %reduce_min3A_849 = arith.constant dense<2147483647> : vector<64xi32>
    %reduce_min3A_850 = vector.multi_reduction <minsi>, %select_n3A_848, %reduce_min3A_849 [1] : vector<64x8192xi32> to vector<64xi32>
    %broadcast_in_dim3A_851 = vector.shape_cast %reduce_min3A_850 : vector<64xi32> to vector<64x1xi32>
    %eq3A_852 = arith.constant 30 : i32
    %eq3A_853 = vector.broadcast %eq3A_852 : i32 to vector<64x32xi32>
    %eq3A_854 = arith.cmpi eq, %iota3A_2, %eq3A_853 : vector<64x32xi32>
    %broadcast_in_dim3A_855 = vector.shape_cast %broadcast_in_dim3A_843 : vector<64x1xf32> to vector<64x1xf32>
    %broadcast_in_dim3A_856 = vector.broadcast %broadcast_in_dim3A_855 : vector<64x1xf32> to vector<64x32xf32>
    %select_n3A_857 = arith.select %eq3A_854, %broadcast_in_dim3A_856, %select_n3A_829 : vector<64x32xi1>, vector<64x32xf32>
    %eq3A_858 = arith.constant 30 : i32
    %eq3A_859 = vector.broadcast %eq3A_858 : i32 to vector<64x32xi32>
    %eq3A_860 = arith.cmpi eq, %iota3A_2, %eq3A_859 : vector<64x32xi32>
    %broadcast_in_dim3A_861 = vector.shape_cast %broadcast_in_dim3A_851 : vector<64x1xi32> to vector<64x1xi32>
    %broadcast_in_dim3A_862 = vector.broadcast %broadcast_in_dim3A_861 : vector<64x1xi32> to vector<64x32xi32>
    %select_n3A_863 = arith.select %eq3A_860, %broadcast_in_dim3A_862, %select_n3A_835 : vector<64x32xi1>, vector<64x32xi32>
    %eq3A_864 = vector.broadcast %broadcast_in_dim3A_851 : vector<64x1xi32> to vector<64x8192xi32>
    %eq3A_865 = arith.cmpi eq, %iota3A, %eq3A_864 : vector<64x8192xi32>
    %jit3A_866 = arith.constant 0xFF800000 : f32
    %broadcast_in_dim3A_867 = vector.broadcast %jit3A_866 : f32 to vector<64x8192xf32>
    %select_n3A_868 = arith.select %eq3A_865, %broadcast_in_dim3A_867, %select_n3A_840 : vector<64x8192xi1>, vector<64x8192xf32>
    %reduce_max3A_869 = arith.constant dense<0xFF800000> : vector<64xf32>
    %reduce_max3A_870 = vector.multi_reduction <maximumf>, %select_n3A_868, %reduce_max3A_869 [1] : vector<64x8192xf32> to vector<64xf32>
    %broadcast_in_dim3A_871 = vector.shape_cast %reduce_max3A_870 : vector<64xf32> to vector<64x1xf32>
    %eq3A_872 = vector.broadcast %broadcast_in_dim3A_871 : vector<64x1xf32> to vector<64x8192xf32>
    %eq3A_873 = arith.cmpf oeq, %select_n3A_868, %eq3A_872 : vector<64x8192xf32>
    %jit3A_874 = arith.constant 8192 : i32
    %broadcast_in_dim3A_875 = vector.broadcast %jit3A_874 : i32 to vector<64x8192xi32>
    %select_n3A_876 = arith.select %eq3A_873, %iota3A, %broadcast_in_dim3A_875 : vector<64x8192xi1>, vector<64x8192xi32>
    %reduce_min3A_877 = arith.constant dense<2147483647> : vector<64xi32>
    %reduce_min3A_878 = vector.multi_reduction <minsi>, %select_n3A_876, %reduce_min3A_877 [1] : vector<64x8192xi32> to vector<64xi32>
    %broadcast_in_dim3A_879 = vector.shape_cast %reduce_min3A_878 : vector<64xi32> to vector<64x1xi32>
    %eq3A_880 = arith.constant 31 : i32
    %eq3A_881 = vector.broadcast %eq3A_880 : i32 to vector<64x32xi32>
    %eq3A_882 = arith.cmpi eq, %iota3A_2, %eq3A_881 : vector<64x32xi32>
    %broadcast_in_dim3A_883 = vector.shape_cast %broadcast_in_dim3A_871 : vector<64x1xf32> to vector<64x1xf32>
    %broadcast_in_dim3A_884 = vector.broadcast %broadcast_in_dim3A_883 : vector<64x1xf32> to vector<64x32xf32>
    %select_n3A_885 = arith.select %eq3A_882, %broadcast_in_dim3A_884, %select_n3A_857 : vector<64x32xi1>, vector<64x32xf32>
    %eq3A_886 = arith.constant 31 : i32
    %eq3A_887 = vector.broadcast %eq3A_886 : i32 to vector<64x32xi32>
    %eq3A_888 = arith.cmpi eq, %iota3A_2, %eq3A_887 : vector<64x32xi32>
    %broadcast_in_dim3A_889 = vector.shape_cast %broadcast_in_dim3A_879 : vector<64x1xi32> to vector<64x1xi32>
    %broadcast_in_dim3A_890 = vector.broadcast %broadcast_in_dim3A_889 : vector<64x1xi32> to vector<64x32xi32>
    %select_n3A_891 = arith.select %eq3A_888, %broadcast_in_dim3A_890, %select_n3A_863 : vector<64x32xi1>, vector<64x32xi32>
    %swap3A = arith.constant 0 : index
    %swap3A_892 = arith.constant 0 : index
    %swap3A_893 = vector.load %arg2[%swap3A, %swap3A_892] : memref<64x32xf32, #tpu.memory_space<vmem>>, vector<64x32xf32>
    tpu.vector_store %arg2[%swap3A, %swap3A_892], %select_n3A_885 {strides = array<i32>} : memref<64x32xf32, #tpu.memory_space<vmem>>, vector<64x32xf32>,
    %swap3A_894 = arith.constant 0 : index
    %swap3A_895 = arith.constant 0 : index
    %swap3A_896 = vector.load %arg3[%swap3A_894, %swap3A_895] : memref<64x32xi32, #tpu.memory_space<vmem>>, vector<64x32xi32>
    tpu.vector_store %arg3[%swap3A_894, %swap3A_895], %select_n3A_891 {strides = array<i32>} : memref<64x32xi32, #tpu.memory_space<vmem>>, vector<64x32xi32>,
    return
  }
  func.func @transform_0(%arg0: i32) -> (i32, i32) {
    %c0_i32 = arith.constant 0 : i32
    %c0_i32_0 = arith.constant 0 : i32
    return %arg0, %c0_i32 : i32, i32
  }
  func.func @transform_1(%arg0: i32) -> (i32, i32) {
    %c0_i32 = arith.constant 0 : i32
    %c0_i32_0 = arith.constant 0 : i32
    return %arg0, %c0_i32 : i32, i32
  }
  func.func @transform_2(%arg0: i32) -> (i32, i32) {
    %c0_i32 = arith.constant 0 : i32
    %c0_i32_0 = arith.constant 0 : i32
    return %arg0, %c0_i32 : i32, i32
  }
}

</mosaic_0001>

<sc_bundles>
// kernel: kernel.6.cloned.1.call-start
scs
__scs_entry_jumppad:
0x0: {  	(pc) =	sbr.rel $0x88, $3  }
0x1: {  	(tag) =	ssettag $0x0;
	lr =	simm.s32 $0x1  }
0x2: {  	[smem:$0x3F9F] =	sst lr;
	_ =	strace $0xD0000000  }
0x3: {  	_ = 	snop  }
0x4: {  	_ = 	snop  }
0x5: {  	_ = 	snop  }
0x6: {  	_ = 	snop  }
0x7: {  	_ = 	snop  }
__scs_overlays_trampoline_lowered:
0x8: {  	[smem:$0x3FAE] =	sst s0  }
0x9: {  	[smem:$0x3FAF] =	sst s1  }
0xa: {  	[smem:$0x3FB0] =	sst s2  }
0xb: {  	[smem:$0x3FB1] =	sst s3  }
0xc: {  	[smem:$0x3FB2] =	sst s4  }
0xd: {  	[smem:$0x3FB3] =	sst s5  }
0xe: {  	[smem:$0x3FB4] =	sst s6  }
0xf: {  	[smem:$0x3FB5] =	sst s7  }
0x10: {  	[smem:$0x3FB6] =	sst s8  }
0x11: {  	[smem:$0x3FB7] =	sst s9;
	s0 =	simm.s32 @!p0 $0x0  }
0x12: {  	s1 =	sld [smem:$0x3F9D];
	s0 =	simm.s32 @p0 $0x1  }
0x13: {  	[smem:$0x3FB8] =	sst s0;
	s0 =	simm.s32 @!p1 $0x0  }
0x14: {  	s2 =	sld [smem:$0x3F9C];
	s0 =	simm.s32 @p1 $0x1  }
0x15: {  	[smem:$0x3FB9] =	sst s0;
	s0 =	simm.s32 @!p2 $0x0  }
0x16: {  	s3 =	sld [smem:$0x3FDB];
	s0 =	simm.s32 @p2 $0x1  }
0x17: {  	s4 =	simm.s32 $0x1BF5;
	[smem:$0x3FBB] =	sst s0  }
0x18: {  	s0 =	sld [smem:$0x3F9E];
	_ =	swait.ge [sflag:s4], $0x0  }
0x19: {  	s7 =	sld [smem:$0x3F9F]  }
0x1a: {  	s8 =	sadd.s32 $0xFFFFE003, lr  }
0x1b: {  	s9 =	sadd.s32 $0xFFFFFEF7, lr;
	s5 =	simm.s32 $0xFFFFFFFF;
	p2 =	slt.u32 s8, $0xFFFFF086  }
0x1c: {  	p1 =	slt.u32 s9, $0xF7A;
	s5 =	simm.s32 @!p2 $0x0  }
0x1d: {  	s5 =	simm.s32 @p1 $0x1;
	p0 =	seq.s32 s7, s2  }
0x1e: {  	s7 =	smul.u32 @!p0 $0xF7A, s2;
	p2 =	seq.s32 @!p0 s5, $0x0  }
0x1f: {  	s9 =	smul.u32 $0xF7A, s1;
	s8 =	simm.s32 @!p0 $0x1BF5;
	p2 =	por !p2, p0  }
0x20: {  	[sflag:s8] =	ssyncset.s32 @!p0 $0xFFFFF086;
	s6 =	sadd.s32 @!p0 s3, s7;
	s7 =	simm.s32 @!p0 $0x108  }
0x21: {  	s3 =	sadd.s32 s3, s9;
	s6 =	sadd.s32 @!p0 $0x88, s6;
	s7 =	simm.s32 @p2 $0x1082  }
0x22: {  	[simem:s7], [sflag:s8] =	dma.local @!p0 [hbm:s6], $0xF7A  }
0x23: {  	s9 =	sor.u32 $0xD0000000, s2;
	s6 =	simm.s32 $0x108;
	_ =	swait.ge @!p0 [sflag:s8], $0x0  }
0x24: {  	s3 =	sadd.s32 $0x88, s3;
	s6 =	simm.s32 @!p1 $0x1082;
	[sflag:s4] =	ssyncset.s32 $0xFFFFF086  }
0x25: {  	[simem:s6], [sflag:s4] =	dma.local [hbm:s3], $0xF7A  }
0x26: {  	[smem:$0x3F9F] =	sst s1;
	(tag) =	ssettag s2;
	_ =	strace s9  }
0x27: {  	s1 =	sld [smem:$0x3FAF]  }
0x28: {  	s2 =	sld [smem:$0x3FB0]  }
0x29: {  	s4 =	sld [smem:$0x3FB2]  }
0x2a: {  	p0 =	seq.s32 s5, $0x0;
	s5 =	sld [smem:$0x3FB3]  }
0x2b: {  	s6 =	sld [smem:$0x3FB4]  }
0x2c: {  	s7 =	sld [smem:$0x3FB5]  }
0x2d: {  	s3 =	simm.s32 $0x108;
	s8 =	sld [smem:$0x3FB6]  }
0x2e: {  	s3 =	simm.s32 @!p0 $0x1082;
	s9 =	sld [smem:$0x3FB7]  }
0x2f: {  	lr =	sadd.s32 s0, s3;
	s0 =	sld [smem:$0x3FAE]  }
0x30: {  	s3 =	sld [smem:$0x3FB1]  }
0x31: {  	[smem:$0x3FBA] =	sst s10  }
0x32: {  	s10 =	sld [smem:$0x3FB8];
	_ =	sdelay $0x3  }
0x33: {  	p0 =	seq.s32 s10, $0x1;
	s10 =	sld [smem:$0x3FBA];
	_ =	sdelay $0x3  }
0x34: {  	[smem:$0x3FBA] =	sst s10  }
0x35: {  	s10 =	sld [smem:$0x3FB9];
	_ =	sdelay $0x3  }
0x36: {  	p1 =	seq.s32 s10, $0x1;
	s10 =	sld [smem:$0x3FBA];
	_ =	sdelay $0x3  }
0x37: {  	[smem:$0x3FBA] =	sst s10  }
0x38: {  	s10 =	sld [smem:$0x3FBB]  }
0x39: {  	_ = 	snop;
	(pc) =	sbr.ind lr, $3  }
0x3a: {  	_ = 	snop  }
0x3b: {  	_ = 	snop  }
0x3c: {  	p2 =	seq.s32 s10, $0x1;
	s10 =	sld [smem:$0x3FBA]  }
0x3d: {  	_ =	shalt  }
0x3e: {  	_ =	shalt  }
0x3f: {  	_ =	shalt  }
0x40: {  	_ =	shalt  }
0x41: {  	_ =	shalt  }
0x42: {  	_ =	shalt  }
0x43: {  	_ =	shalt  }
0x44: {  	_ =	shalt  }
0x45: {  	_ =	shalt  }
0x46: {  	_ =	shalt  }
0x47: {  	_ =	shalt  }
0x48: {  	_ =	shalt  }
0x49: {  	_ =	shalt  }
0x4a: {  	_ =	shalt  }
0x4b: {  	_ =	shalt  }
0x4c: {  	_ =	shalt  }
0x4d: {  	_ =	shalt  }
0x4e: {  	_ =	shalt  }
0x4f: {  	_ =	shalt  }
0x50: {  	_ =	shalt  }
0x51: {  	_ =	shalt  }
0x52: {  	_ =	shalt  }
0x53: {  	_ =	shalt  }
0x54: {  	_ =	shalt  }
0x55: {  	_ =	shalt  }
0x56: {  	_ =	shalt  }
0x57: {  	_ =	shalt  }
0x58: {  	_ =	shalt  }
0x59: {  	_ =	shalt  }
0x5a: {  	_ =	shalt  }
0x5b: {  	_ =	shalt  }
0x5c: {  	_ =	shalt  }
0x5d: {  	_ =	shalt  }
0x5e: {  	_ =	shalt  }
0x5f: {  	_ =	shalt  }
0x60: {  	_ =	shalt  }
0x61: {  	_ =	shalt  }
0x62: {  	_ =	shalt  }
0x63: {  	_ =	shalt  }
0x64: {  	_ =	shalt  }
0x65: {  	_ =	shalt  }
0x66: {  	_ =	shalt  }
0x67: {  	_ =	shalt  }
0x68: {  	_ =	shalt  }
0x69: {  	_ =	shalt  }
0x6a: {  	_ =	shalt  }
0x6b: {  	_ =	shalt  }
0x6c: {  	_ =	shalt  }
0x6d: {  	_ =	shalt  }
0x6e: {  	_ =	shalt  }
0x6f: {  	_ =	shalt  }
0x70: {  	_ =	shalt  }
0x71: {  	_ =	shalt  }
0x72: {  	_ =	shalt  }
0x73: {  	_ =	shalt  }
0x74: {  	_ =	shalt  }
0x75: {  	_ =	shalt  }
0x76: {  	_ =	shalt  }
0x77: {  	_ =	shalt  }
0x78: {  	_ =	shalt  }
0x79: {  	_ =	shalt  }
0x7a: {  	_ =	shalt  }
0x7b: {  	_ =	shalt  }
0x7c: {  	_ =	shalt  }
0x7d: {  	_ =	shalt  }
0x7e: {  	_ =	shalt  }
0x7f: {  	_ =	shalt  }
0x80: {  	_ =	shalt  }
0x81: {  	_ =	shalt  }
0x82: {  	_ =	shalt  }
0x83: {  	_ =	shalt  }
0x84: {  	_ =	shalt  }
0x85: {  	_ =	shalt  }
0x86: {  	_ =	shalt  }
0x87: {  	_ =	shalt  }
.Lfunc_end0:
.L_simem_size_0:
called_computation_lowered:
.L_overlay_start_0:
0x88: {  	s2 =	sld [smem:$0x3FD9]  }
0x89: {  	s3 =	sld [smem:$0x3FFE];
	_ =	sdelay $0x1  }
0x8a: {  	s1 =	srdreg.scid  }
0x8b: {  	s0 =	sand.u32 $0x1, s1  }
0x8c: {  	s17 =	sshll.u32 s0, $0xA;
	s2 =	sadd.s32 s3, s2  }
0x8d: {  	s2 =	sadd.s32 s2, s17  }
0x8e: {  	[smem:$0x3FC6] =	sst s2  }
0x8f: {  	_ = 	snop  }
0x90: {  	s4 =	sld [smem:$0x3FC8]  }
0x91: {  	s18 =	sld [smem:$0x3FD0];
	(tm) =	ssettm $0x1  }
0x92: {  	s19 =	sld [smem:$0x3FFB];
	_ =	sdelay $0x3  }
0x93: {  	_ =	strace s19  }
0x94: {  	s2 =	sld [smem:$0x3FFC];
	_ =	sdelay $0x3  }
0x95: {  	_ =	strace s2  }
0x96: {  	s2 =	sld [smem:$0x3FFD];
	_ =	sdelay $0x3  }
0x97: {  	_ =	strace s2  }
0x98: {  	_ =	strace $0x8FFFFFFF  }
0x99: {  	s20 =	sld [smem:$0x3FDB];
	_ =	sdelay $0x1  }
0x9a: {  	s5 =	simm.s32 $_scs_section_size  }
0x9b: {  	s6 =	simm.s32 $_size__tile_overlayer_lowered;
	s7 =	simm.s32 $_tile_overlayer_lowered  }
0x9c: {  	s8 =	simm.s32 $0x1BFF;
	s21 =	sshll.u32 s7, $0x1;
	s5 =	sadd.s32 s5, s20  }
0x9d: {  	s22 =	simm.s32 $0x0;
	s6 =	sshll.u32 s6, $0x1;
	s7 =	sadd.s32 s21, s5  }
0x9e: {  	[timem:s22], [sflag:s8] =	dma.local [hbm:s7], s6  }
0x9f: {  	_ =	swait.ge [sflag:s8], s6  }
0xa0: {  	s6 =	ssub.s32 $0x0, s6;
	[sflag:s8] =	ssyncset.done $0x0  }
0xa1: {  	[sflag:s8] =	ssyncadd.s32 s6;
	_ =	sdelay $0x1  }
0xa2: {  	s23 =	simm.s32 $0x1B8B  }
0xa3: {  	_ =	swait.ge [sflag:s23], $0x1  }
0xa4: {  	[sflag:s23] =	ssyncset.done $0x0  }
0xa5: {  	[sflag:s23] =	ssyncadd.s32 $0xFFFFFFFF  }
0xa6: {  	s6 =	sld [smem:$0x0]  }
0xa7: {  	s7 =	sand.u32 $0xFFFFFFFE, s1  }
0xa8: {  	p0 =	sne.s32 s1, s7  }
0xa9: {  	s7 =	sshll.u32 @p0 s7, $0xE  }
0xaa: {  	s7 =	sadd.s32 @p0 $0x11B8D, s7;
	s8 =	sshll.u32 @p0 s6, $0x11  }
0xab: {  	s7 =	sor.u32 @p0 s8, s7  }
0xac: {  	[sflag:s7] =	ssyncadd.remote.s32 @p0 $0x1;
	_ =	sdelay $0x1  }
0xad: {  	s7 =	simm.s32 @p0 $0x1B8D  }
0xae: {  	_ =	swait.eq @p0 [sflag:s7], $0x1  }
0xaf: {  	[sflag:s7] =	ssyncadd.s32 @p0 $0xFFFFFFFF  }
0xb0: {  	s8 =	sshll.u32 @!p0 s1, $0xE  }
0xb1: {  	s8 =	sor.u32 @!p0 $0x4000, s8;
	s7 =	simm.s32 @!p0 $0x1B8D  }
0xb2: {  	s6 =	sshll.u32 @!p0 s6, $0x11;
	s8 =	sadd.s32 @!p0 $0x11B8D, s8;
	_ =	swait.eq @!p0 [sflag:s7], $0x1  }
0xb3: {  	s6 =	sor.u32 @!p0 s6, s8;
	[sflag:s7] =	ssyncadd.s32 @!p0 $0xFFFFFFFF  }
0xb4: {  	s25 =	simm.s32 $0x1B8E;
	s24 =	sld [smem:$0x3FFE];
	[sflag:s6] =	ssyncadd.remote.s32 @!p0 $0x1  }
0xb5: {  	s26 =	simm.s32 $execute0_lowered;
	[smem:$0x3FD2] =	sst s25  }
0xb6: {  	s7 =	sshll.u32 s26, $0x1;
	_ =	strace $0x80000049;
	[dreg:$0x1] =	wrdreg $0xFFFFFFFF  }
0xb7: {  	s28 =	simm.s32 $_size_execute0_lowered;
	s5 =	sadd.s32 s5, s7;
	[dreg:$0x0] =	wrdreg $0x0  }
0xb8: {  	s7 =	sshll.u32 s28, $0x1;
	[dreg:$0x2] =	wrdreg s5  }
0xb9: {  	[dreg:$0x3] =	wrdreg s7  }
0xba: {  	[dreg:$0x4] =	wrdreg $0xC0  }
0xbb: {  	_ =	task [dreg:s22], $0x5FFFF  }
0xbc: {  	[dreg:$0x1] =	wrdreg $0xFFFFFFFF  }
0xbd: {  	[dreg:$0x0] =	wrdreg $0x60  }
0xbe: {  	[dreg:$0x2] =	wrdreg s4  }
0xbf: {  	[dreg:$0x3] =	wrdreg s24  }
0xc0: {  	[dreg:$0x4] =	wrdreg s18  }
0xc1: {  	[dreg:$0x5] =	wrdreg $0x9  }
0xc2: {  	_ =	task.clear_ibuf [dreg:s22], $0x6FFFF;
	_ =	strace $0x90000049  }
0xc3: {  	s29 =	simm.s32 $0x9;
	_ =	strace $0x8000004B  }
0xc4: {  	_ =	swait.ge [sflag:s29], $0x1  }
0xc5: {  	[sflag:s29] =	ssyncadd.s32 $0xFFFFFFFF  }
0xc6: {  	_ =	strace $0x9000004B  }
0xc7: {  	_ =	sfence  }
0xc8: {  	s30 =	sld [smem:$0x0];
	_ =	sdelay $0x2  }
0xc9: {  	s31 =	sshll.u32 s1, $0xD;
	s1 =	sshrl.u32 s1, $0x2  }
0xca: {  	s4 =	sand.u32 $0x4000, s31;
	s1 =	sadd.s32 s1, s30  }
0xcb: {  	s0 =	sor.u32 s4, s0;
	s1 =	sshll.u32 s1, $0x11  }
0xcc: {  	s0 =	sor.u32 s1, s0  }
0xcd: {  	s0 =	sadd.s32 $0x8F2B, s0  }
0xce: {  	[sflag:s0] =	ssyncadd.remote.s32 $0x1  }
0xcf: {  	_ =	sfence.sel $0xFFFF  }
0xd0: {  	[dreg:$0x0] =	wrdreg $0xFFFFFFFF;
	(pc) =	sbr.abs _section_cstart, $3  }
0xd1: {  	[dreg:$0x1] =	wrdreg $0xFFFFFFFF  }
0xd2: {  	_ =	task.clear_ibuf [dreg:s22], $0x2FFFF;
	_ =	strace $0x9FFFFFFF  }
0xd3: {  	(tm) =	ssettm $0x7FFFFFFF  }
tec
execute0_lowered:
.L_overlay_start_1:
0x0: {  	(tag) =	ssettag $0x1  }
0x1: {  	s1 =	rddreg [dreg:$0x0]  }
0x2: {  	s4 =	rddreg [dreg:$0x1];
	s2 =	srdreg.scid;
	vm0 =	vmmov $0x1;
	vm1 =	vcmask $0x70C;
	vm2 =	vcmask $0xB10  }
0x3: {  	s0 =	stileid.u32;
	s5 =	rddreg [dreg:$0x2];
	vm3 =	vcmask $0xF14;
	vm4 =	vcmask $0x1318;
	v0 =	vlaneseq.u32;
	s3 =	simm.s32 $0x0  }
0x4: {  	vm5 =	vcmask $0x171C;
	vm6 =	vcmask $0x1B20;
	vm7 =	vcmask $0x308;
	s28 =	simm.s32 $0x2080;
	s29 =	simm.s32 $0x4080;
	s30 =	simm.s32 $0x6080  }
0x5: {  	v2 =	vimm.s32 $0x0;
	vm8 =	vcmask $0x300;
	s12 =	simm.s32 $0x8080;
	s13 =	simm.s32 $0xA080;
	s14 =	simm.s32 $0xC080;
	v1 =	vmul.u32 $0x80, v0  }
0x6: {  	s31 =	simm.s32 $0xE080;
	s15 =	simm.s32 $0x0;
	[smem:$0x7FF] =	sst s3;
	v2 =	vsel vm8, $0x7, v2;
	v4 =	vor.u32 $0x10, v0;
	v6 =	vor.u32 $0x20, v0  }
0x7: {  	s8 =	sand.u32 $0x1, s2;
	v8 =	vor.u32 $0x30, v0;
	v10 =	vor.u32 $0x40, v0;
	v12 =	vor.u32 $0x50, v0;
	_ =	strace $0x8000004A;
	[dreg:$0x5] =	wrdreg s28  }
0x8: {  	s6 =	sshll.u32 s0, $0x1;
	s24 =	sshll.u32 s0, $0xD;
	v14 =	vor.u32 $0x60, v0;
	v16 =	vor.u32 $0x70, v0;
	[dreg:$0x6] =	wrdreg s29;
	v3 =	vor.u32 $0x800, v1  }
0x9: {  	s10 =	sshll.u32 s0, $0x7;
	s26 =	sshll.u32 s0, $0x15;
	[dreg:$0x7] =	wrdreg s30;
	v5 =	vor.u32 $0x1000, v1;
	v7 =	vor.u32 $0x1800, v1;
	v9 =	vor.u32 $0x2000, v1  }
0xa: {  	s6 =	sor.u32 s8, s6;
	s9 =	ssub.s32 $0x2, s8;
	[dreg:$0x8] =	wrdreg s12;
	v11 =	vor.u32 $0x2800, v1;
	v13 =	vor.u32 $0x3000, v1;
	v15 =	vor.u32 $0x3800, v1  }
0xb: {  	s25 =	sshll.u32 s8, $0xC;
	s11 =	sshll.u32 s8, $0x6;
	[dreg:$0x9] =	wrdreg s13;
	v17 =	vor.u32 $0x4000, v1;
	v18 =	vor.u32 $0x4800, v1;
	v19 =	vor.u32 $0x5000, v1  }
0xc: {  	s8 =	sshll.u32 s8, $0x14;
	s12 =	simm.s32 $0x10000;
	[dreg:$0xa] =	wrdreg s14;
	v20 =	vor.u32 $0x5800, v1;
	v21 =	vor.u32 $0x6000, v1;
	v22 =	vor.u32 $0x6800, v1  }
0xd: {  	s13 =	simm.s32 $0x80;
	[dreg:$0xb] =	wrdreg s31;
	s14 =	simm.s32 $0x10080;
	v23 =	vor.u32 $0x7000, v1;
	v24 =	vor.u32 $0x7800, v1;
	v25 =	vor.u32 $0x8000, v1  }
0xe: {  	s7 =	sshll.u32 s6, $0x3;
	s23 =	sshrl.u32 s9, $0x1;
	s6 =	sshll.u32 s6, $0x9;
	v26 =	vor.u32 $0x8800, v1;
	v27 =	vor.u32 $0x9000, v1;
	v28 =	vor.u32 $0x9800, v1  }
0xf: {  	s8 =	sor.u32 s8, s26;
	v29 =	vor.u32 $0xA000, v1;
	v30 =	vor.u32 $0xA800, v1;
	v31 =	vor.u32 $0xB000, v1;
	s4 =	sadd.s32 s7, s4;
	s7 =	ssub.s32 s9, s23  }
0x10: {  	v32 =	vor.u32 $0xB800, v1;
	v33 =	vor.u32 $0xC000, v1;
	v34 =	vor.u32 $0xC800, v1;
	s5 =	sadd.s32 s5, s6;
	s9 =	sor.u32 s25, s24;
	s4 =	sadd.s32 $0x6000, s4  }
0x11: {  	v35 =	vor.u32 $0xD000, v1;
	v36 =	vor.u32 $0xD800, v1;
	v37 =	vor.u32 $0xE000, v1;
	s6 =	smax.u32 s7, $0x1;
	s7 =	sor.u32 s11, s10;
	[dreg:$0x4] =	wrdreg s9  }
0x12: {  	v38 =	vor.u32 $0xE800, v1;
	v39 =	vor.u32 $0xF000, v1;
	v40 =	vor.u32 $0xF800, v1;
	s9 =	simm.s32 $0x2;
	s10 =	simm.s32 $0x1;
	s11 =	simm.s32 $0x400  }
.LBB2_1:
0x13: {  	[tilespmem:s3], [sflag:$0x2] =	stream.linear.gather [hbm4b:s4+s3], $0x40, $0x38;
	[tilespmem:$0x11080] =	vst v63  }
0x14: {  	s16 =	simm.s32 $0x1F0;
	_ =	swait.ge [sflag:s9], $0x40  }
0x15: {  	s17 =	simm.s32 $0x0;
	s18 =	smov.u32 s8;
	[sflag:s9] =	ssyncset.done $0x0  }
0x16: {  	s19 =	smov.u32 s7;
	s20 =	simm.s32 $0x0;
	[sflag:s9] =	ssyncadd.s32 $0xFFFFFFC0  }
.LBB2_2:
0x17: {  	v41 =	vld [tilespmem:s17+$0x0];
	_ =	sdelay $0x4  }
0x18: {  	v42 =	vnsel vm0, $0x0, v41  }
0x19: {  	v42 =	vxor.u32 $0x80000000, v42  }
0x1a: {  	(xrf0) =	vmax.scan.msk.u32 $0xffff, v42  }
0x1b: {  	v58 =	vsel vm1, $0x0, v41  }
0x1c: {  	v43 =	vsel vm2, $0x0, v41;
	v42 =	vxor.u32 $0x80000000, v58  }
0x1d: {  	v59 =	vxor.u32 $0x80000000, v43;
	(xrf0) =	vmax.scan.msk.u32 $0xffff, v42  }
0x1e: {  	v60 =	vsel vm3, $0x0, v41;
	(xrf0) =	vmax.scan.msk.u32 $0xffff, v59  }
0x1f: {  	v42 =	vxor.u32 $0x80000000, v60  }
0x20: {  	(xrf0) =	vmax.scan.msk.u32 $0xffff, v42;
	v61, _, _ =	vpop (xrf0)  }
0x21: {  	v45 =	vsel vm4, $0x0, v41;
	(v2sf) =	vpush v61, $0xF  }
0x22: {  	v47 =	vsel vm5, $0x0, v41;
	v46 =	vxor.u32 $0x80000000, v45  }
0x23: {  	v49 =	vsel vm6, $0x0, v41;
	v48 =	vxor.u32 $0x80000000, v47;
	v62, _, _ =	vpop (xrf0);
	(xrf0) =	vmax.scan.msk.u32 $0xffff, v46  }
0x24: {  	v41 =	vsel vm7, $0x0, v41;
	v50 =	vxor.u32 $0x80000000, v49;
	v63, _, _ =	vpop (xrf0);
	(xrf0) =	vmax.scan.msk.u32 $0xffff, v48  }
0x25: {  	v41 =	vxor.u32 $0x80000000, v41;
	(xrf0) =	vmax.scan.msk.u32 $0xffff, v50  }
0x26: {  	v51, _, _ =	vpop (xrf0);
	(xrf0) =	vmax.scan.msk.u32 $0xffff, v41  }
0x27: {  	(v2sf) =	vpush v62, $0xF  }
0x28: {  	(v2sf) =	vpush v63, $0xF  }
0x29: {  	(v2sf) =	vpush v51, $0xF;
	v52, _, _ =	vpop (xrf0)  }
0x2a: {  	v53, _, _ =	vpop (xrf0);
	(v2sf) =	vpush v52, $0xF  }
0x2b: {  	v54, _, _ =	vpop (xrf0);
	(v2sf) =	vpush v53, $0xF  }
0x2c: {  	(v2sf) =	vpush v54, $0xF;
	v55, _, _ =	vpop (xrf0)  }
0x2d: {  	(v2sf) =	vpush v55, $0xF;
	_ =	sdelay $0x2  }
0x2e: {  	s22 =	rddreg [dreg:$0x4];
	s28 =	spop (v2sf)  }
0x2f: {  	s24 =	sand.u32 $0x3, s20;
	s22 =	sadd.s32 s16, s22;
	s21 =	sxor.u32 $0x80000000, s28  }
0x30: {  	p1 =	sne.s32 s24, $0x0;
	p0 =	seq.s32 s22, $0x1F0;
	s23 =	sshra.s32 s21, $0x1F  }
0x31: {  	s30 =	sshrl.u32 s19, $0x5;
	p0 =	por !p1, !p0;
	s23 =	sshrl.u32 s23, $0x19  }
0x32: {  	s22 =	simm.s32 $0x1;
	p0 =	por !p0, !p0;
	s23 =	sadd.s32 s23, s21  }
0x33: {  	p6 =	sgt.s32 s28, $0xFFFFFFFF;
	p2 =	slt.s32 s21, $0x1;
	s29 =	sand.u32 $0xFFFFFF80, s23  }
0x34: {  	s26 =	spop (v2sf);
	p1 =	por p6, p2;
	p3 =	sne.s32 s21, s29  }
0x35: {  	s22 =	simm.s32 @!p0 $0x0;
	s25 =	spop (v2sf);
	p1 =	por !p1, !p3  }
0x36: {  	s24 =	spop (v2sf);
	s29 =	simm.s32 $0x1;
	p1 =	por !p1, !p1  }
0x37: {  	s2 =	sshrl.u32 s23, $0x7;
	s23 =	spop (v2sf);
	s29 =	simm.s32 @!p1 $0x0  }
0x38: {  	s30 =	ssub.s32 s30, s22;
	s22 =	spop (v2sf);
	s21 =	ssub.s32 s2, s29  }
0x39: {  	s31 =	sshll.u32 s30, $0x13;
	s0 =	sshll.u32 s21, $0xA;
	s21 =	spop (v2sf)  }
0x3a: {  	s30 =	sadd.s32 s31, s0;
	s29 =	spop (v2sf)  }
0x3b: {  	s30 =	sshrl.u32 s30, $0x3;
	s31 =	sxor.u32 $0x80000000, s29  }
0x3c: {  	s30 =	sadd.s32 s1, s30;
	s2 =	sshra.s32 s31, $0x1F  }
0x3d: {  	[tilespmem:s13], [sflag:$0x1] =	stream.strided.gather [hbm4b:s30+s11], $0x2000, s12, s11, $0x38;
	[tilespmem:$0x11080] =	vst v63  }
0x3e: {  	s30 =	sshrl.u32 s2, $0x19  }
0x3f: {  	s30 =	sadd.s32 s30, s31  }
0x40: {  	p4 =	sgt.s32 s29, $0xFFFFFFFF;
	p5 =	slt.s32 s31, $0x1;
	s2 =	sand.u32 $0xFFFFFF80, s30  }
0x41: {  	p0 =	por p4, p5;
	p6 =	sne.s32 s31, s2  }
0x42: {  	p0 =	por !p0, !p6  }
0x43: {  	s2 =	simm.s32 $0x1;
	p0 =	por !p0, !p0  }
0x44: {  	s30 =	sshrl.u32 s30, $0x7;
	s2 =	simm.s32 @!p0 $0x0  }
0x45: {  	s2 =	ssub.s32 s30, s2  }
0x46: {  	s30 =	sand.u32 $0x7FF80000, s18;
	s2 =	sshll.u32 s2, $0xA  }
0x47: {  	s2 =	sadd.s32 s30, s2  }
0x48: {  	s2 =	sshrl.u32 s2, $0x3  }
0x49: {  	s0 =	sxor.u32 $0x80000000, s26;
	s31 =	rddreg [dreg:$0x5];
	s2 =	sadd.s32 s1, s2  }
0x4a: {  	[tilespmem:s31], [sflag:$0x1] =	stream.strided.gather [hbm4b:s2+s11], $0x2000, s12, s11, $0x38;
	[tilespmem:$0x11080] =	vst v63  }
0x4b: {  	s31 =	sshra.s32 s0, $0x1F  }
0x4c: {  	s2 =	sshrl.u32 s31, $0x19  }
0x4d: {  	s2 =	sadd.s32 s2, s0  }
0x4e: {  	p1 =	sgt.s32 s26, $0xFFFFFFFF;
	p2 =	slt.s32 s0, $0x1;
	s31 =	sand.u32 $0xFFFFFF80, s2  }
0x4f: {  	p0 =	por p1, p2;
	p3 =	sne.s32 s0, s31  }
0x50: {  	p0 =	por !p0, !p3  }
0x51: {  	s0 =	simm.s32 $0x1;
	p0 =	por !p0, !p0  }
0x52: {  	s2 =	sshrl.u32 s2, $0x7;
	s0 =	simm.s32 @!p0 $0x0  }
0x53: {  	s0 =	ssub.s32 s2, s0  }
0x54: {  	s0 =	sshll.u32 s0, $0xA  }
0x55: {  	s0 =	sadd.s32 s30, s0  }
0x56: {  	s0 =	sshrl.u32 s0, $0x3  }
0x57: {  	s31 =	sxor.u32 $0x80000000, s25;
	s2 =	rddreg [dreg:$0x6];
	s0 =	sadd.s32 s1, s0  }
0x58: {  	[tilespmem:s2], [sflag:$0x1] =	stream.strided.gather [hbm4b:s0+s11], $0x2000, s12, s11, $0x38;
	[tilespmem:$0x11080] =	vst v63  }
0x59: {  	s2 =	sshra.s32 s31, $0x1F  }
0x5a: {  	s0 =	sshrl.u32 s2, $0x19  }
0x5b: {  	s0 =	sadd.s32 s0, s31  }
0x5c: {  	p4 =	sgt.s32 s25, $0xFFFFFFFF;
	p5 =	slt.s32 s31, $0x1;
	s2 =	sand.u32 $0xFFFFFF80, s0  }
0x5d: {  	p0 =	por p4, p5;
	p6 =	sne.s32 s31, s2  }
0x5e: {  	p0 =	por !p0, !p6  }
0x5f: {  	s2 =	simm.s32 $0x1;
	p0 =	por !p0, !p0  }
0x60: {  	s0 =	sshrl.u32 s0, $0x7;
	s2 =	simm.s32 @!p0 $0x0  }
0x61: {  	s0 =	ssub.s32 s0, s2  }
0x62: {  	s0 =	sshll.u32 s0, $0xA  }
0x63: {  	s0 =	sadd.s32 s30, s0  }
0x64: {  	s0 =	sshrl.u32 s0, $0x3  }
0x65: {  	s31 =	sxor.u32 $0x80000000, s24;
	s2 =	rddreg [dreg:$0x7];
	s0 =	sadd.s32 s1, s0  }
0x66: {  	[tilespmem:s2], [sflag:$0x1] =	stream.strided.gather [hbm4b:s0+s11], $0x2000, s12, s11, $0x38;
	[tilespmem:$0x11080] =	vst v63  }
0x67: {  	s2 =	sshra.s32 s31, $0x1F  }
0x68: {  	s0 =	sshrl.u32 s2, $0x19  }
0x69: {  	s0 =	sadd.s32 s0, s31  }
0x6a: {  	p1 =	sgt.s32 s24, $0xFFFFFFFF;
	p2 =	slt.s32 s31, $0x1;
	s2 =	sand.u32 $0xFFFFFF80, s0  }
0x6b: {  	p0 =	por p1, p2;
	p3 =	sne.s32 s31, s2  }
0x6c: {  	p0 =	por !p0, !p3  }
0x6d: {  	s2 =	simm.s32 $0x1;
	p0 =	por !p0, !p0  }
0x6e: {  	s0 =	sshrl.u32 s0, $0x7;
	s2 =	simm.s32 @!p0 $0x0  }
0x6f: {  	s0 =	ssub.s32 s0, s2  }
0x70: {  	s0 =	sshll.u32 s0, $0xA  }
0x71: {  	s0 =	sadd.s32 s30, s0  }
0x72: {  	s0 =	sshrl.u32 s0, $0x3  }
0x73: {  	s31 =	sxor.u32 $0x80000000, s23;
	s2 =	rddreg [dreg:$0x8];
	s0 =	sadd.s32 s1, s0  }
0x74: {  	[tilespmem:s2], [sflag:$0x1] =	stream.strided.gather [hbm4b:s0+s11], $0x2000, s12, s11, $0x38;
	[tilespmem:$0x11080] =	vst v63  }
0x75: {  	s2 =	sshra.s32 s31, $0x1F  }
0x76: {  	s0 =	sshrl.u32 s2, $0x19  }
0x77: {  	s0 =	sadd.s32 s0, s31  }
0x78: {  	p4 =	sgt.s32 s23, $0xFFFFFFFF;
	p5 =	slt.s32 s31, $0x1;
	s2 =	sand.u32 $0xFFFFFF80, s0  }
0x79: {  	p0 =	por p4, p5;
	p6 =	sne.s32 s31, s2  }
0x7a: {  	p0 =	por !p0, !p6  }
0x7b: {  	s2 =	simm.s32 $0x1;
	p0 =	por !p0, !p0  }
0x7c: {  	s0 =	sshrl.u32 s0, $0x7;
	s2 =	simm.s32 @!p0 $0x0  }
0x7d: {  	s0 =	ssub.s32 s0, s2  }
0x7e: {  	s0 =	sshll.u32 s0, $0xA  }
0x7f: {  	s0 =	sadd.s32 s30, s0  }
0x80: {  	s0 =	sshrl.u32 s0, $0x3  }
0x81: {  	s31 =	sxor.u32 $0x80000000, s22;
	s2 =	rddreg [dreg:$0x9];
	s0 =	sadd.s32 s1, s0  }
0x82: {  	[tilespmem:s2], [sflag:$0x1] =	stream.strided.gather [hbm4b:s0+s11], $0x2000, s12, s11, $0x38;
	[tilespmem:$0x11080] =	vst v63  }
0x83: {  	s2 =	sshra.s32 s31, $0x1F  }
0x84: {  	s0 =	sshrl.u32 s2, $0x19  }
0x85: {  	s0 =	sadd.s32 s0, s31  }
0x86: {  	p1 =	sgt.s32 s22, $0xFFFFFFFF;
	p2 =	slt.s32 s31, $0x1;
	s2 =	sand.u32 $0xFFFFFF80, s0  }
0x87: {  	p0 =	por p1, p2;
	p3 =	sne.s32 s31, s2  }
0x88: {  	p0 =	por !p0, !p3  }
0x89: {  	s2 =	simm.s32 $0x1;
	p0 =	por !p0, !p0  }
0x8a: {  	s0 =	sshrl.u32 s0, $0x7;
	s2 =	simm.s32 @!p0 $0x0  }
0x8b: {  	s0 =	ssub.s32 s0, s2  }
0x8c: {  	s0 =	sshll.u32 s0, $0xA  }
0x8d: {  	s0 =	sadd.s32 s30, s0  }
0x8e: {  	s0 =	sshrl.u32 s0, $0x3  }
0x8f: {  	s31 =	sxor.u32 $0x80000000, s21;
	s2 =	rddreg [dreg:$0xa];
	s0 =	sadd.s32 s1, s0  }
0x90: {  	[tilespmem:s2], [sflag:$0x1] =	stream.strided.gather [hbm4b:s0+s11], $0x2000, s12, s11, $0x38;
	[tilespmem:$0x11080] =	vst v63  }
0x91: {  	s2 =	sshra.s32 s31, $0x1F  }
0x92: {  	s0 =	sshrl.u32 s2, $0x19  }
0x93: {  	s0 =	sadd.s32 s0, s31  }
0x94: {  	p4 =	sgt.s32 s21, $0xFFFFFFFF;
	p5 =	slt.s32 s31, $0x1;
	s2 =	sand.u32 $0xFFFFFF80, s0  }
0x95: {  	p0 =	por p4, p5;
	p6 =	sne.s32 s31, s2  }
0x96: {  	p0 =	por !p0, !p6  }
0x97: {  	s2 =	simm.s32 $0x1;
	p0 =	por !p0, !p0  }
0x98: {  	s0 =	sshrl.u32 s0, $0x7;
	s2 =	simm.s32 @!p0 $0x0  }
0x99: {  	s0 =	ssub.s32 s0, s2  }
0x9a: {  	s0 =	sshll.u32 s0, $0xA  }
0x9b: {  	s0 =	sadd.s32 s30, s0  }
0x9c: {  	s0 =	sshrl.u32 s0, $0x3  }
0x9d: {  	s30 =	rddreg [dreg:$0xb];
	s0 =	sadd.s32 s1, s0  }
0x9e: {  	[tilespmem:s30], [sflag:$0x1] =	stream.strided.gather [hbm4b:s0+s11], $0x2000, s12, s11, $0x38;
	[tilespmem:$0x11080] =	vst v63  }
0x9f: {  	_ =	swait.ge [sflag:s10], $0x2000  }
0xa0: {  	[sflag:s10] =	ssyncset.done $0x0  }
0xa1: {  	[sflag:s10] =	ssyncadd.s32 $0xFFFFE000  }
0xa2: {  	_ =	swait.ge [sflag:s10], $0x2000  }
0xa3: {  	[sflag:s10] =	ssyncset.done $0x0  }
0xa4: {  	[sflag:s10] =	ssyncadd.s32 $0xFFFFE000  }
0xa5: {  	_ =	swait.ge [sflag:s10], $0x2000  }
0xa6: {  	[sflag:s10] =	ssyncset.done $0x0  }
0xa7: {  	[sflag:s10] =	ssyncadd.s32 $0xFFFFE000  }
0xa8: {  	_ =	swait.ge [sflag:s10], $0x2000  }
0xa9: {  	[sflag:s10] =	ssyncset.done $0x0  }
0xaa: {  	[sflag:s10] =	ssyncadd.s32 $0xFFFFE000  }
0xab: {  	_ =	swait.ge [sflag:s10], $0x2000  }
0xac: {  	[sflag:s10] =	ssyncset.done $0x0  }
0xad: {  	[sflag:s10] =	ssyncadd.s32 $0xFFFFE000  }
0xae: {  	_ =	swait.ge [sflag:s10], $0x2000  }
0xaf: {  	[sflag:s10] =	ssyncset.done $0x0  }
0xb0: {  	[sflag:s10] =	ssyncadd.s32 $0xFFFFE000  }
0xb1: {  	s31 =	sand.u32 $0x7F, s28;
	s28 =	sadd.s32 $0xFFFFFE10, s16;
	_ =	swait.ge [sflag:s10], $0x2000  }
0xb2: {  	v56 =	vmov s28;
	v57 =	vor.u32 s31, v1;
	[sflag:s10] =	ssyncset.done $0x0  }
0xb3: {  	v41 =	vshrl.u32 v56, $0x7;
	[sflag:s10] =	ssyncadd.s32 $0xFFFFE000  }
0xb4: {  	v41 =	vshll.u32 v41, v2;
	_ =	swait.ge [sflag:s10], $0x2000  }
0xb5: {  	v41 =	vbroadcast v41, $0x0;
	[sflag:s10] =	ssyncset.done $0x0  }
0xb6: {  	[sflag:s10] =	ssyncadd.s32 $0xFFFFE000  }
0xb7: {  	v58 =	vor.u32 v0, v41;
	v42 =	vld.idx.msk [tilespmem:v57+s13+$0x0], $0xffff  }
0xb8: {  	v44 =	vor.u32 s31, v3;
	_ =	sdelay $0x3  }
0xb9: {  	[tilespmem:v58+s14+$0x0] =	vst.idx.msk $0xffff, v42  }
0xba: {  	v59 =	vor.u32 v4, v41;
	v42 =	vld.idx.msk [tilespmem:v44+s13+$0x0], $0xffff  }
0xbb: {  	v60 =	vor.u32 s31, v5;
	_ =	sdelay $0x3  }
0xbc: {  	[tilespmem:v59+s14+$0x0] =	vst.idx.msk $0xffff, v42  }
0xbd: {  	v61 =	vor.u32 v6, v41;
	v42 =	vld.idx.msk [tilespmem:v60+s13+$0x0], $0xffff  }
0xbe: {  	v62 =	vor.u32 s31, v7;
	_ =	sdelay $0x3  }
0xbf: {  	[tilespmem:v61+s14+$0x0] =	vst.idx.msk $0xffff, v42  }
0xc0: {  	s29 =	sand.u32 $0x7F, s29;
	v63 =	vor.u32 v8, v41;
	v42 =	vld.idx.msk [tilespmem:v62+s13+$0x0], $0xffff  }
0xc1: {  	v48 =	vor.u32 s29, v9;
	_ =	sdelay $0x3  }
0xc2: {  	[tilespmem:v63+s14+$0x0] =	vst.idx.msk $0xffff, v42  }
0xc3: {  	v49 =	vor.u32 v10, v41;
	v42 =	vld.idx.msk [tilespmem:v48+s13+$0x0], $0xffff  }
0xc4: {  	v50 =	vor.u32 s29, v11;
	_ =	sdelay $0x3  }
0xc5: {  	[tilespmem:v49+s14+$0x0] =	vst.idx.msk $0xffff, v42  }
0xc6: {  	v51 =	vor.u32 v12, v41;
	v42 =	vld.idx.msk [tilespmem:v50+s13+$0x0], $0xffff  }
0xc7: {  	v52 =	vor.u32 s29, v13;
	_ =	sdelay $0x3  }
0xc8: {  	[tilespmem:v51+s14+$0x0] =	vst.idx.msk $0xffff, v42  }
0xc9: {  	v53 =	vor.u32 v14, v41;
	v42 =	vld.idx.msk [tilespmem:v52+s13+$0x0], $0xffff  }
0xca: {  	v54 =	vor.u32 s29, v15;
	_ =	sdelay $0x3  }
0xcb: {  	[tilespmem:v53+s14+$0x0] =	vst.idx.msk $0xffff, v42  }
0xcc: {  	s31 =	sadd.s32 $0xFFFFFE90, s16;
	v41 =	vor.u32 v16, v41;
	s30 =	sand.u32 $0x7F, s26;
	v42 =	vld.idx.msk [tilespmem:v54+s13+$0x0], $0xffff  }
0xcd: {  	v56 =	vmov s31;
	v55 =	vor.u32 s30, v17  }
0xce: {  	v44 =	vshrl.u32 v56, $0x7  }
0xcf: {  	v44 =	vshll.u32 v44, v2  }
0xd0: {  	v44 =	vbroadcast v44, $0x0  }
0xd1: {  	[tilespmem:v41+s14+$0x0] =	vst.idx.msk $0xffff, v42  }
0xd2: {  	v57 =	vor.u32 v0, v44;
	v41 =	vld.idx.msk [tilespmem:v55+s13+$0x0], $0xffff  }
0xd3: {  	v58 =	vor.u32 s30, v18;
	_ =	sdelay $0x3  }
0xd4: {  	s26 =	sadd.s32 $0xFFFFFEA0, s16;
	[tilespmem:v57+s14+$0x0] =	vst.idx.msk $0xffff, v41  }
0xd5: {  	v59 =	vor.u32 s26, v0;
	v41 =	vld.idx.msk [tilespmem:v58+s13+$0x0], $0xffff  }
0xd6: {  	v60 =	vor.u32 s30, v19;
	_ =	sdelay $0x3  }
0xd7: {  	s28 =	sadd.s32 $0xFFFFFEB0, s16;
	[tilespmem:v59+s14+$0x0] =	vst.idx.msk $0xffff, v41  }
0xd8: {  	v61 =	vor.u32 s28, v0;
	v42 =	vld.idx.msk [tilespmem:v60+s13+$0x0], $0xffff  }
0xd9: {  	v62 =	vor.u32 s30, v20;
	_ =	sdelay $0x3  }
0xda: {  	s29 =	sadd.s32 $0xFFFFFEC0, s16;
	[tilespmem:v61+s14+$0x0] =	vst.idx.msk $0xffff, v42  }
0xdb: {  	s31 =	sadd.s32 $0xFFFFFED0, s16;
	s30 =	sand.u32 $0x7F, s25;
	v63 =	vor.u32 s29, v0;
	v41 =	vld.idx.msk [tilespmem:v62+s13+$0x0], $0xffff  }
0xdc: {  	v48 =	vor.u32 s30, v21;
	v49 =	vmov s31  }
0xdd: {  	v44 =	vshrl.u32 v49, $0x7  }
0xde: {  	v44 =	vshll.u32 v44, v2  }
0xdf: {  	v44 =	vbroadcast v44, $0x0  }
0xe0: {  	[tilespmem:v63+s14+$0x0] =	vst.idx.msk $0xffff, v41  }
0xe1: {  	s25 =	sadd.s32 $0xFFFFFEE0, s16;
	v50 =	vor.u32 v10, v44;
	v41 =	vld.idx.msk [tilespmem:v48+s13+$0x0], $0xffff  }
0xe2: {  	v51 =	vor.u32 s30, v22;
	v52 =	vmov s25  }
0xe3: {  	v44 =	vshrl.u32 v52, $0x7  }
0xe4: {  	v44 =	vshll.u32 v44, v2  }
0xe5: {  	v44 =	vbroadcast v44, $0x0  }
0xe6: {  	[tilespmem:v50+s14+$0x0] =	vst.idx.msk $0xffff, v41  }
0xe7: {  	s26 =	sadd.s32 $0xFFFFFEF0, s16;
	v53 =	vor.u32 v12, v44;
	v41 =	vld.idx.msk [tilespmem:v51+s13+$0x0], $0xffff  }
0xe8: {  	v54 =	vor.u32 s30, v23;
	v55 =	vmov s26  }
0xe9: {  	v44 =	vshrl.u32 v55, $0x7  }
0xea: {  	v44 =	vshll.u32 v44, v2  }
0xeb: {  	v44 =	vbroadcast v44, $0x0  }
0xec: {  	[tilespmem:v53+s14+$0x0] =	vst.idx.msk $0xffff, v41  }
0xed: {  	s28 =	sadd.s32 $0xFFFFFF00, s16;
	v56 =	vor.u32 v14, v44;
	v41 =	vld.idx.msk [tilespmem:v54+s13+$0x0], $0xffff  }
0xee: {  	v57 =	vor.u32 s30, v24;
	v58 =	vmov s28  }
0xef: {  	v44 =	vshrl.u32 v58, $0x7  }
0xf0: {  	v44 =	vshll.u32 v44, v2  }
0xf1: {  	v44 =	vbroadcast v44, $0x0  }
0xf2: {  	[tilespmem:v56+s14+$0x0] =	vst.idx.msk $0xffff, v41  }
0xf3: {  	s29 =	sand.u32 $0x7F, s24;
	s30 =	sadd.s32 $0xFFFFFF10, s16;
	v59 =	vor.u32 v16, v44;
	v41 =	vld.idx.msk [tilespmem:v57+s13+$0x0], $0xffff  }
0xf4: {  	v60 =	vor.u32 s29, v25;
	v61 =	vmov s30  }
0xf5: {  	v44 =	vshrl.u32 v61, $0x7  }
0xf6: {  	v44 =	vshll.u32 v44, v2  }
0xf7: {  	v44 =	vbroadcast v44, $0x0  }
0xf8: {  	[tilespmem:v59+s14+$0x0] =	vst.idx.msk $0xffff, v41  }
0xf9: {  	v62 =	vor.u32 v0, v44;
	v41 =	vld.idx.msk [tilespmem:v60+s13+$0x0], $0xffff  }
0xfa: {  	v63 =	vor.u32 s29, v26;
	_ =	sdelay $0x3  }
0xfb: {  	s31 =	sadd.s32 $0xFFFFFF20, s16;
	[tilespmem:v62+s14+$0x0] =	vst.idx.msk $0xffff, v41  }
0xfc: {  	v45 =	vor.u32 s31, v0;
	v41 =	vld.idx.msk [tilespmem:v63+s13+$0x0], $0xffff  }
0xfd: {  	v46 =	vor.u32 s29, v27;
	_ =	sdelay $0x3  }
0xfe: {  	s24 =	sadd.s32 $0xFFFFFF30, s16;
	[tilespmem:v45+s14+$0x0] =	vst.idx.msk $0xffff, v41  }
0xff: {  	v47 =	vor.u32 s24, v0;
	v42 =	vld.idx.msk [tilespmem:v46+s13+$0x0], $0xffff  }
0x100: {  	v48 =	vor.u32 s29, v28;
	_ =	sdelay $0x3  }
0x101: {  	s25 =	sadd.s32 $0xFFFFFF40, s16;
	[tilespmem:v47+s14+$0x0] =	vst.idx.msk $0xffff, v42  }
0x102: {  	v49 =	vor.u32 s25, v0;
	s26 =	sand.u32 $0x7F, s23;
	s28 =	sadd.s32 $0xFFFFFF50, s16;
	v41 =	vld.idx.msk [tilespmem:v48+s13+$0x0], $0xffff  }
0x103: {  	v50 =	vor.u32 s26, v29;
	v51 =	vmov s28  }
0x104: {  	v44 =	vshrl.u32 v51, $0x7  }
0x105: {  	v44 =	vshll.u32 v44, v2  }
0x106: {  	v44 =	vbroadcast v44, $0x0  }
0x107: {  	[tilespmem:v49+s14+$0x0] =	vst.idx.msk $0xffff, v41  }
0x108: {  	s29 =	sadd.s32 $0xFFFFFF60, s16;
	v52 =	vor.u32 v10, v44;
	v41 =	vld.idx.msk [tilespmem:v50+s13+$0x0], $0xffff  }
0x109: {  	v53 =	vor.u32 s26, v30;
	v54 =	vmov s29  }
0x10a: {  	v44 =	vshrl.u32 v54, $0x7  }
0x10b: {  	v44 =	vshll.u32 v44, v2  }
0x10c: {  	v44 =	vbroadcast v44, $0x0  }
0x10d: {  	[tilespmem:v52+s14+$0x0] =	vst.idx.msk $0xffff, v41  }
0x10e: {  	s30 =	sadd.s32 $0xFFFFFF70, s16;
	v55 =	vor.u32 v12, v44;
	v41 =	vld.idx.msk [tilespmem:v53+s13+$0x0], $0xffff  }
0x10f: {  	v56 =	vor.u32 s26, v31;
	v57 =	vmov s30  }
0x110: {  	v44 =	vshrl.u32 v57, $0x7  }
0x111: {  	v44 =	vshll.u32 v44, v2  }
0x112: {  	v44 =	vbroadcast v44, $0x0  }
0x113: {  	[tilespmem:v55+s14+$0x0] =	vst.idx.msk $0xffff, v41  }
0x114: {  	s31 =	sadd.s32 $0xFFFFFF80, s16;
	v58 =	vor.u32 v14, v44;
	v41 =	vld.idx.msk [tilespmem:v56+s13+$0x0], $0xffff  }
0x115: {  	v59 =	vor.u32 s26, v32;
	v60 =	vmov s31  }
0x116: {  	v44 =	vshrl.u32 v60, $0x7  }
0x117: {  	v44 =	vshll.u32 v44, v2  }
0x118: {  	v44 =	vbroadcast v44, $0x0  }
0x119: {  	[tilespmem:v58+s14+$0x0] =	vst.idx.msk $0xffff, v41  }
0x11a: {  	s22 =	sand.u32 $0x7F, s22;
	s23 =	sadd.s32 $0xFFFFFF90, s16;
	v61 =	vor.u32 v16, v44;
	v41 =	vld.idx.msk [tilespmem:v59+s13+$0x0], $0xffff  }
0x11b: {  	v62 =	vor.u32 s22, v33;
	v63 =	vmov s23  }
0x11c: {  	v44 =	vshrl.u32 v63, $0x7  }
0x11d: {  	v44 =	vshll.u32 v44, v2  }
0x11e: {  	v44 =	vbroadcast v44, $0x0  }
0x11f: {  	[tilespmem:v61+s14+$0x0] =	vst.idx.msk $0xffff, v41  }
0x120: {  	v45 =	vor.u32 v0, v44;
	v41 =	vld.idx.msk [tilespmem:v62+s13+$0x0], $0xffff  }
0x121: {  	v46 =	vor.u32 s22, v34;
	_ =	sdelay $0x3  }
0x122: {  	s24 =	sadd.s32 $0xFFFFFFA0, s16;
	[tilespmem:v45+s14+$0x0] =	vst.idx.msk $0xffff, v41  }
0x123: {  	v47 =	vor.u32 s24, v0;
	v41 =	vld.idx.msk [tilespmem:v46+s13+$0x0], $0xffff  }
0x124: {  	v48 =	vor.u32 s22, v35;
	_ =	sdelay $0x3  }
0x125: {  	s25 =	sadd.s32 $0xFFFFFFB0, s16;
	[tilespmem:v47+s14+$0x0] =	vst.idx.msk $0xffff, v41  }
0x126: {  	v49 =	vor.u32 s25, v0;
	v42 =	vld.idx.msk [tilespmem:v48+s13+$0x0], $0xffff  }
0x127: {  	v50 =	vor.u32 s22, v36;
	_ =	sdelay $0x3  }
0x128: {  	s26 =	sadd.s32 $0xFFFFFFC0, s16;
	[tilespmem:v49+s14+$0x0] =	vst.idx.msk $0xffff, v42  }
0x129: {  	s28 =	sand.u32 $0x7F, s21;
	s29 =	sadd.s32 $0xFFFFFFD0, s16;
	v51 =	vor.u32 s26, v0;
	v41 =	vld.idx.msk [tilespmem:v50+s13+$0x0], $0xffff  }
0x12a: {  	v52 =	vor.u32 s28, v37;
	v53 =	vmov s29  }
0x12b: {  	v44 =	vshrl.u32 v53, $0x7  }
0x12c: {  	v44 =	vshll.u32 v44, v2  }
0x12d: {  	v44 =	vbroadcast v44, $0x0  }
0x12e: {  	[tilespmem:v51+s14+$0x0] =	vst.idx.msk $0xffff, v41  }
0x12f: {  	s30 =	sadd.s32 $0xFFFFFFE0, s16;
	v54 =	vor.u32 v10, v44;
	v41 =	vld.idx.msk [tilespmem:v52+s13+$0x0], $0xffff  }
0x130: {  	v55 =	vor.u32 s28, v38;
	v56 =	vmov s30  }
0x131: {  	v44 =	vshrl.u32 v56, $0x7  }
0x132: {  	v44 =	vshll.u32 v44, v2  }
0x133: {  	v44 =	vbroadcast v44, $0x0  }
0x134: {  	[tilespmem:v54+s14+$0x0] =	vst.idx.msk $0xffff, v41  }
0x135: {  	s31 =	sadd.s32 $0xFFFFFFF0, s16;
	v57 =	vor.u32 v12, v44;
	v41 =	vld.idx.msk [tilespmem:v55+s13+$0x0], $0xffff  }
0x136: {  	v58 =	vmov s31;
	v59 =	vor.u32 s28, v39  }
0x137: {  	v43 =	vshrl.u32 v58, $0x7  }
0x138: {  	v43 =	vshll.u32 v43, v2  }
0x139: {  	v43 =	vbroadcast v43, $0x0  }
0x13a: {  	[tilespmem:v57+s14+$0x0] =	vst.idx.msk $0xffff, v41  }
0x13b: {  	v60 =	vor.u32 v14, v43;
	v41 =	vld.idx.msk [tilespmem:v59+s13+$0x0], $0xffff  }
0x13c: {  	v61 =	vor.u32 s28, v40;
	v62 =	vmov s16  }
0x13d: {  	v44 =	vshrl.u32 v62, $0x7  }
0x13e: {  	v44 =	vshll.u32 v44, v2  }
0x13f: {  	v44 =	vbroadcast v44, $0x0  }
0x140: {  	[tilespmem:v60+s14+$0x0] =	vst.idx.msk $0xffff, v41  }
0x141: {  	p0 =	sne.s32 s16, $0xFF0;
	v63 =	vor.u32 v16, v44;
	v41 =	vld.idx.msk [tilespmem:v61+s13+$0x0], $0xffff  }
.Ltmp0:
0x142: {  	_ = 	snop;
	(pc) =	sbr.rel @p0 .LBB2_2-.Ltmp0, $3  }
0x143: {  	_ =	sdelay $0x1  }
0x144: {  	s20 =	sadd.s32 $0x1, s20;
	s19 =	sadd.s32 $0x8, s19  }
0x145: {  	s17 =	sadd.s32 $0x8, s17;
	s18 =	sadd.s32 $0x20000, s18;
	s16 =	sadd.s32 $0x200, s16;
	[tilespmem:v63+s14+$0x0] =	vst.idx.msk $0xffff, v41  }
0x146: {  	s15 =	sadd.s32 $0x1, s15  }
0x147: {  	p0 =	sne.s32 s15, s6  }
.Ltmp1:
0x148: {  	_ = 	snop;
	(pc) =	sbr.rel @p0 .LBB2_1-.Ltmp1, $4  }
0x149: {  	[hbm4b:s5+s3] =	stream.linear.scatter [tilespmem:s14], [sflag:$0x2], $0x1000, $0x38;
	[tilespmem:$0x11080] =	vst v63  }
0x14a: {  	_ =	swait.ge [sflag:s9], $0x1000  }
0x14b: {  	[sflag:s9] =	ssyncset.done $0x0  }
0x14c: {  	[sflag:s9] =	ssyncadd.s32 $0xFFFFF000  }
0x14d: {  	_ =	sfence.sel $0x180000  }
0x14e: {  	[bflag:$0x0] =	sbarrier.arrive $0xFFFF  }
0x14f: {  	_ =	strace $0x9000004A  }
0x150: {  	s0 =	stileid.u32;
	[bflag:$0x2] =	sbarrier.arrive $0xFFFF  }
0x151: {  	p0 =	sne.s32 s0, $0x0;
	s0 =	rddreg [dreg:$0x3]  }
0x152: {  	s0 =	sadd.s32 @!p0 $0x100000, s0  }
0x153: {  	[sflag:s0] =	ssyncadd.tile.s32 @!p0 $0x1;
	_ =	shalt  }
.Lfunc_end2:
_tile_overlayer_lowered:
.L_overlay_start_2:
0x154: {  	(tag) =	ssettag $0x2  }
0x155: {  	s0 =	rddreg [dreg:$0x0];
	s2 =	stileid.u32  }
0x156: {  	s1 =	rddreg [dreg:$0x1];
	p0 =	sne.s32 s2, $0x0  }
0x157: {  	s3 =	rddreg [dreg:$0x2];
	[bflag:$0x3] =	sbarrier.arrive $0xFFFF;
	s2 =	simm.s32 @!p0 $0x1C02  }
0x158: {  	[timem:s3], [sflag:s2] =	dma.local @!p0 [hbm:s0], s1  }
0x159: {  	s0 =	simm.s32 @!p0 $0x2  }
0x15a: {  	_ =	swait.ge @!p0 [sflag:s0], s1  }
0x15b: {  	s1 =	ssub.s32 @!p0 $0x0, s1;
	[sflag:s0] =	ssyncset.done @!p0 $0x0  }
0x15c: {  	[sflag:s0] =	ssyncadd.s32 @!p0 s1  }
0x15d: {  	[bflag:$0x3] =	sbarrier.arrive $0xFFFF  }
0x15e: {  	_ =	shalt  }

// kernel: kernel.9.cloned.1.call-start
scs
__scs_entry_jumppad:
0x0: {  	(pc) =	sbr.rel $0x88, $3  }
0x1: {  	(tag) =	ssettag $0x0;
	lr =	simm.s32 $0x1  }
0x2: {  	[smem:$0x3F9F] =	sst lr;
	_ =	strace $0xD0000000  }
0x3: {  	_ = 	snop  }
0x4: {  	_ = 	snop  }
0x5: {  	_ = 	snop  }
0x6: {  	_ = 	snop  }
0x7: {  	_ = 	snop  }
__scs_overlays_trampoline_lowered:
0x8: {  	[smem:$0x3FAE] =	sst s0  }
0x9: {  	[smem:$0x3FAF] =	sst s1  }
0xa: {  	[smem:$0x3FB0] =	sst s2  }
0xb: {  	[smem:$0x3FB1] =	sst s3  }
0xc: {  	[smem:$0x3FB2] =	sst s4  }
0xd: {  	[smem:$0x3FB3] =	sst s5  }
0xe: {  	[smem:$0x3FB4] =	sst s6  }
0xf: {  	[smem:$0x3FB5] =	sst s7  }
0x10: {  	[smem:$0x3FB6] =	sst s8  }
0x11: {  	[smem:$0x3FB7] =	sst s9;
	s0 =	simm.s32 @!p0 $0x0  }
0x12: {  	s1 =	sld [smem:$0x3F9D];
	s0 =	simm.s32 @p0 $0x1  }
0x13: {  	[smem:$0x3FB8] =	sst s0;
	s0 =	simm.s32 @!p1 $0x0  }
0x14: {  	s2 =	sld [smem:$0x3F9C];
	s0 =	simm.s32 @p1 $0x1  }
0x15: {  	[smem:$0x3FB9] =	sst s0;
	s0 =	simm.s32 @!p2 $0x0  }
0x16: {  	s3 =	sld [smem:$0x3FDB];
	s0 =	simm.s32 @p2 $0x1  }
0x17: {  	s4 =	simm.s32 $0x1BF5;
	[smem:$0x3FBB] =	sst s0  }
0x18: {  	s0 =	sld [smem:$0x3F9E];
	_ =	swait.ge [sflag:s4], $0x0  }
0x19: {  	s7 =	sld [smem:$0x3F9F]  }
0x1a: {  	s8 =	sadd.s32 $0xFFFFE003, lr  }
0x1b: {  	s9 =	sadd.s32 $0xFFFFFEF7, lr;
	s5 =	simm.s32 $0xFFFFFFFF;
	p2 =	slt.u32 s8, $0xFFFFF086  }
0x1c: {  	p1 =	slt.u32 s9, $0xF7A;
	s5 =	simm.s32 @!p2 $0x0  }
0x1d: {  	s5 =	simm.s32 @p1 $0x1;
	p0 =	seq.s32 s7, s2  }
0x1e: {  	s7 =	smul.u32 @!p0 $0xF7A, s2;
	p2 =	seq.s32 @!p0 s5, $0x0  }
0x1f: {  	s9 =	smul.u32 $0xF7A, s1;
	s8 =	simm.s32 @!p0 $0x1BF5;
	p2 =	por !p2, p0  }
0x20: {  	[sflag:s8] =	ssyncset.s32 @!p0 $0xFFFFF086;
	s6 =	sadd.s32 @!p0 s3, s7;
	s7 =	simm.s32 @!p0 $0x108  }
0x21: {  	s3 =	sadd.s32 s3, s9;
	s6 =	sadd.s32 @!p0 $0x88, s6;
	s7 =	simm.s32 @p2 $0x1082  }
0x22: {  	[simem:s7], [sflag:s8] =	dma.local @!p0 [hbm:s6], $0xF7A  }
0x23: {  	s9 =	sor.u32 $0xD0000000, s2;
	s6 =	simm.s32 $0x108;
	_ =	swait.ge @!p0 [sflag:s8], $0x0  }
0x24: {  	s3 =	sadd.s32 $0x88, s3;
	s6 =	simm.s32 @!p1 $0x1082;
	[sflag:s4] =	ssyncset.s32 $0xFFFFF086  }
0x25: {  	[simem:s6], [sflag:s4] =	dma.local [hbm:s3], $0xF7A  }
0x26: {  	[smem:$0x3F9F] =	sst s1;
	(tag) =	ssettag s2;
	_ =	strace s9  }
0x27: {  	s1 =	sld [smem:$0x3FAF]  }
0x28: {  	s2 =	sld [smem:$0x3FB0]  }
0x29: {  	s4 =	sld [smem:$0x3FB2]  }
0x2a: {  	p0 =	seq.s32 s5, $0x0;
	s5 =	sld [smem:$0x3FB3]  }
0x2b: {  	s6 =	sld [smem:$0x3FB4]  }
0x2c: {  	s7 =	sld [smem:$0x3FB5]  }
0x2d: {  	s3 =	simm.s32 $0x108;
	s8 =	sld [smem:$0x3FB6]  }
0x2e: {  	s3 =	simm.s32 @!p0 $0x1082;
	s9 =	sld [smem:$0x3FB7]  }
0x2f: {  	lr =	sadd.s32 s0, s3;
	s0 =	sld [smem:$0x3FAE]  }
0x30: {  	s3 =	sld [smem:$0x3FB1]  }
0x31: {  	[smem:$0x3FBA] =	sst s10  }
0x32: {  	s10 =	sld [smem:$0x3FB8];
	_ =	sdelay $0x3  }
0x33: {  	p0 =	seq.s32 s10, $0x1;
	s10 =	sld [smem:$0x3FBA];
	_ =	sdelay $0x3  }
0x34: {  	[smem:$0x3FBA] =	sst s10  }
0x35: {  	s10 =	sld [smem:$0x3FB9];
	_ =	sdelay $0x3  }
0x36: {  	p1 =	seq.s32 s10, $0x1;
	s10 =	sld [smem:$0x3FBA];
	_ =	sdelay $0x3  }
0x37: {  	[smem:$0x3FBA] =	sst s10  }
0x38: {  	s10 =	sld [smem:$0x3FBB]  }
0x39: {  	_ = 	snop;
	(pc) =	sbr.ind lr, $3  }
0x3a: {  	_ = 	snop  }
0x3b: {  	_ = 	snop  }
0x3c: {  	p2 =	seq.s32 s10, $0x1;
	s10 =	sld [smem:$0x3FBA]  }
0x3d: {  	_ =	shalt  }
0x3e: {  	_ =	shalt  }
0x3f: {  	_ =	shalt  }
0x40: {  	_ =	shalt  }
0x41: {  	_ =	shalt  }
0x42: {  	_ =	shalt  }
0x43: {  	_ =	shalt  }
0x44: {  	_ =	shalt  }
0x45: {  	_ =	shalt  }
0x46: {  	_ =	shalt  }
0x47: {  	_ =	shalt  }
0x48: {  	_ =	shalt  }
0x49: {  	_ =	shalt  }
0x4a: {  	_ =	shalt  }
0x4b: {  	_ =	shalt  }
0x4c: {  	_ =	shalt  }
0x4d: {  	_ =	shalt  }
0x4e: {  	_ =	shalt  }
0x4f: {  	_ =	shalt  }
0x50: {  	_ =	shalt  }
0x51: {  	_ =	shalt  }
0x52: {  	_ =	shalt  }
0x53: {  	_ =	shalt  }
0x54: {  	_ =	shalt  }
0x55: {  	_ =	shalt  }
0x56: {  	_ =	shalt  }
0x57: {  	_ =	shalt  }
0x58: {  	_ =	shalt  }
0x59: {  	_ =	shalt  }
0x5a: {  	_ =	shalt  }
0x5b: {  	_ =	shalt  }
0x5c: {  	_ =	shalt  }
0x5d: {  	_ =	shalt  }
0x5e: {  	_ =	shalt  }
0x5f: {  	_ =	shalt  }
0x60: {  	_ =	shalt  }
0x61: {  	_ =	shalt  }
0x62: {  	_ =	shalt  }
0x63: {  	_ =	shalt  }
0x64: {  	_ =	shalt  }
0x65: {  	_ =	shalt  }
0x66: {  	_ =	shalt  }
0x67: {  	_ =	shalt  }
0x68: {  	_ =	shalt  }
0x69: {  	_ =	shalt  }
0x6a: {  	_ =	shalt  }
0x6b: {  	_ =	shalt  }
0x6c: {  	_ =	shalt  }
0x6d: {  	_ =	shalt  }
0x6e: {  	_ =	shalt  }
0x6f: {  	_ =	shalt  }
0x70: {  	_ =	shalt  }
0x71: {  	_ =	shalt  }
0x72: {  	_ =	shalt  }
0x73: {  	_ =	shalt  }
0x74: {  	_ =	shalt  }
0x75: {  	_ =	shalt  }
0x76: {  	_ =	shalt  }
0x77: {  	_ =	shalt  }
0x78: {  	_ =	shalt  }
0x79: {  	_ =	shalt  }
0x7a: {  	_ =	shalt  }
0x7b: {  	_ =	shalt  }
0x7c: {  	_ =	shalt  }
0x7d: {  	_ =	shalt  }
0x7e: {  	_ =	shalt  }
0x7f: {  	_ =	shalt  }
0x80: {  	_ =	shalt  }
0x81: {  	_ =	shalt  }
0x82: {  	_ =	shalt  }
0x83: {  	_ =	shalt  }
0x84: {  	_ =	shalt  }
0x85: {  	_ =	shalt  }
0x86: {  	_ =	shalt  }
0x87: {  	_ =	shalt  }
.Lfunc_end0:
.L_simem_size_0:
called_computation.1_lowered:
.L_overlay_start_0:
0x88: {  	s2 =	sld [smem:$0x3FD9]  }
0x89: {  	s3 =	sld [smem:$0x3FFE];
	_ =	sdelay $0x1  }
0x8a: {  	s1 =	srdreg.scid  }
0x8b: {  	s0 =	sand.u32 $0x1, s1  }
0x8c: {  	s17 =	sshll.u32 s0, $0xA;
	s2 =	sadd.s32 s3, s2  }
0x8d: {  	s2 =	sadd.s32 s2, s17  }
0x8e: {  	[smem:$0x3FC6] =	sst s2  }
0x8f: {  	_ = 	snop  }
0x90: {  	s2 =	sld [smem:$0x3FC8];
	(tm) =	ssettm $0x1  }
0x91: {  	s18 =	sld [smem:$0x3FFB];
	_ =	sdelay $0x3  }
0x92: {  	_ =	strace s18  }
0x93: {  	s3 =	sld [smem:$0x3FFC];
	_ =	sdelay $0x3  }
0x94: {  	_ =	strace s3  }
0x95: {  	s3 =	sld [smem:$0x3FFD];
	_ =	sdelay $0x3  }
0x96: {  	_ =	strace s3  }
0x97: {  	_ =	strace $0x8FFFFFFF  }
0x98: {  	s19 =	sld [smem:$0x3FDB];
	_ =	sdelay $0x1  }
0x99: {  	s4 =	simm.s32 $_scs_section_size  }
0x9a: {  	s5 =	simm.s32 $_size__tile_overlayer_lowered;
	s6 =	simm.s32 $_tile_overlayer_lowered  }
0x9b: {  	s22 =	simm.s32 $0x1BFF;
	s21 =	sshll.u32 s6, $0x1;
	s3 =	sadd.s32 s4, s19  }
0x9c: {  	s7 =	simm.s32 $0x0;
	s20 =	sshll.u32 s5, $0x1;
	s5 =	sadd.s32 s21, s3  }
0x9d: {  	[timem:s7], [sflag:s22] =	dma.local [hbm:s5], s20  }
0x9e: {  	_ =	swait.ge [sflag:s22], s20  }
0x9f: {  	s4 =	ssub.s32 $0x0, s20;
	[sflag:s22] =	ssyncset.done $0x0  }
0xa0: {  	[sflag:s22] =	ssyncadd.s32 s4;
	_ =	sdelay $0x1  }
0xa1: {  	s23 =	simm.s32 $0x1B8B  }
0xa2: {  	_ =	swait.ge [sflag:s23], $0x1  }
0xa3: {  	[sflag:s23] =	ssyncset.done $0x0  }
0xa4: {  	s25 =	simm.s32 $0x1B8E;
	s24 =	sld [smem:$0x3FFE];
	[sflag:s23] =	ssyncadd.s32 $0xFFFFFFFF  }
0xa5: {  	s26 =	simm.s32 $execute0_lowered;
	[smem:$0x3FD2] =	sst s25  }
0xa6: {  	s5 =	sshll.u32 s26, $0x1;
	_ =	strace $0x80000046;
	[dreg:$0x1] =	wrdreg $0xFFFFFFFF  }
0xa7: {  	s28 =	simm.s32 $_size_execute0_lowered;
	s3 =	sadd.s32 s3, s5;
	[dreg:$0x0] =	wrdreg $0x0  }
0xa8: {  	s5 =	sshll.u32 s28, $0x1;
	[dreg:$0x2] =	wrdreg s3  }
0xa9: {  	[dreg:$0x3] =	wrdreg s5  }
0xaa: {  	[dreg:$0x4] =	wrdreg $0xC0  }
0xab: {  	_ =	task [dreg:s7], $0x5FFFF  }
0xac: {  	[dreg:$0x1] =	wrdreg $0xFFFFFFFF  }
0xad: {  	[dreg:$0x0] =	wrdreg $0x60  }
0xae: {  	[dreg:$0x2] =	wrdreg s2  }
0xaf: {  	[dreg:$0x3] =	wrdreg s24  }
0xb0: {  	[dreg:$0x4] =	wrdreg $0xA  }
0xb1: {  	_ =	task.clear_ibuf [dreg:s7], $0x5FFFF;
	_ =	strace $0x90000046  }
0xb2: {  	s29 =	simm.s32 $0xA;
	_ =	strace $0x80000048  }
0xb3: {  	_ =	swait.ge [sflag:s29], $0x1  }
0xb4: {  	[sflag:s29] =	ssyncadd.s32 $0xFFFFFFFF  }
0xb5: {  	_ =	strace $0x90000048  }
0xb6: {  	_ =	sfence  }
0xb7: {  	s30 =	sld [smem:$0x0];
	_ =	sdelay $0x2  }
0xb8: {  	s31 =	sshll.u32 s1, $0xD;
	s1 =	sshrl.u32 s1, $0x2  }
0xb9: {  	s3 =	sand.u32 $0x4000, s31;
	s1 =	sadd.s32 s1, s30  }
0xba: {  	s0 =	sor.u32 s3, s0;
	s1 =	sshll.u32 s1, $0x11  }
0xbb: {  	s0 =	sor.u32 s1, s0  }
0xbc: {  	s0 =	sadd.s32 $0x8F2B, s0  }
0xbd: {  	[sflag:s0] =	ssyncadd.remote.s32 $0x1  }
0xbe: {  	_ =	sfence.sel $0xFFFF  }
0xbf: {  	[dreg:$0x0] =	wrdreg $0xFFFFFFFF;
	(pc) =	sbr.abs _section_cstart, $3  }
0xc0: {  	[dreg:$0x1] =	wrdreg $0xFFFFFFFF  }
0xc1: {  	_ =	task.clear_ibuf [dreg:s7], $0x2FFFF;
	_ =	strace $0x9FFFFFFF  }
0xc2: {  	(tm) =	ssettm $0x7FFFFFFF  }
0xc3: {  	_ =	shalt  }
tec
execute0_lowered:
.L_overlay_start_1:
0x0: {  	(tag) =	ssettag $0x1  }
0x1: {  	s2 =	rddreg [dreg:$0x0]  }
0x2: {  	s4 =	rddreg [dreg:$0x1];
	s5 =	srdreg.scid;
	vm0 =	vmmov $0x1;
	vm1 =	vcmask $0x70C;
	vm2 =	vcmask $0xB10  }
0x3: {  	s0 =	stileid.u32;
	s3 =	simm.s32 $0x0;
	vm3 =	vcmask $0xF14;
	vm4 =	vcmask $0x1318;
	v0 =	vlaneseq.u32;
	s28 =	simm.s32 $0x2080  }
0x4: {  	vm5 =	vcmask $0x171C;
	vm6 =	vcmask $0x1B20;
	vm7 =	vcmask $0x308;
	s29 =	simm.s32 $0x4080;
	s30 =	simm.s32 $0x6080;
	s12 =	simm.s32 $0x8080  }
0x5: {  	v2 =	vimm.s32 $0x0;
	vm8 =	vcmask $0x300;
	s13 =	simm.s32 $0xA080;
	s14 =	simm.s32 $0xC080;
	s31 =	simm.s32 $0xE080;
	v1 =	vmul.u32 $0x80, v0  }
0x6: {  	s15 =	simm.s32 $0x0;
	s8 =	sand.u32 $0x1, s5;
	[smem:$0x7FF] =	sst s3;
	v2 =	vsel vm8, $0x7, v2;
	v4 =	vor.u32 $0x10, v0;
	v6 =	vor.u32 $0x20, v0  }
0x7: {  	s23 =	sshll.u32 s0, $0x1;
	v8 =	vor.u32 $0x30, v0;
	v10 =	vor.u32 $0x40, v0;
	v12 =	vor.u32 $0x50, v0;
	_ =	strace $0x80000047;
	[dreg:$0x4] =	wrdreg s28  }
0x8: {  	s24 =	sshll.u32 s0, $0xD;
	s10 =	sshll.u32 s0, $0x7;
	v14 =	vor.u32 $0x60, v0;
	v16 =	vor.u32 $0x70, v0;
	[dreg:$0x5] =	wrdreg s29;
	v3 =	vor.u32 $0x800, v1  }
0x9: {  	s26 =	sshll.u32 s0, $0x15;
	s5 =	sor.u32 s8, s23;
	[dreg:$0x6] =	wrdreg s30;
	v5 =	vor.u32 $0x1000, v1;
	v7 =	vor.u32 $0x1800, v1;
	v9 =	vor.u32 $0x2000, v1  }
0xa: {  	s7 =	ssub.s32 $0x2, s8;
	s25 =	sshll.u32 s8, $0xC;
	[dreg:$0x7] =	wrdreg s12;
	v11 =	vor.u32 $0x2800, v1;
	v13 =	vor.u32 $0x3000, v1;
	v15 =	vor.u32 $0x3800, v1  }
0xb: {  	s11 =	sshll.u32 s8, $0x6;
	s8 =	sshll.u32 s8, $0x14;
	[dreg:$0x8] =	wrdreg s13;
	v17 =	vor.u32 $0x4000, v1;
	v18 =	vor.u32 $0x4800, v1;
	v19 =	vor.u32 $0x5000, v1  }
0xc: {  	s12 =	simm.s32 $0x10000;
	s13 =	simm.s32 $0x80;
	[dreg:$0x9] =	wrdreg s14;
	v20 =	vor.u32 $0x5800, v1;
	v21 =	vor.u32 $0x6000, v1;
	v22 =	vor.u32 $0x6800, v1  }
0xd: {  	[dreg:$0xa] =	wrdreg s31;
	s14 =	simm.s32 $0x10080;
	s6 =	sshll.u32 s5, $0x3;
	v23 =	vor.u32 $0x7000, v1;
	v24 =	vor.u32 $0x7800, v1;
	v25 =	vor.u32 $0x8000, v1  }
0xe: {  	s5 =	sshll.u32 s5, $0x9;
	s9 =	sshrl.u32 s7, $0x1;
	s8 =	sor.u32 s8, s26;
	v26 =	vor.u32 $0x8800, v1;
	v27 =	vor.u32 $0x9000, v1;
	v28 =	vor.u32 $0x9800, v1  }
0xf: {  	v29 =	vor.u32 $0xA000, v1;
	v30 =	vor.u32 $0xA800, v1;
	v31 =	vor.u32 $0xB000, v1;
	s6 =	sadd.s32 s6, s4;
	s5 =	sadd.s32 s5, s4;
	s7 =	ssub.s32 s7, s9  }
0x10: {  	v32 =	vor.u32 $0xB800, v1;
	v33 =	vor.u32 $0xC000, v1;
	v34 =	vor.u32 $0xC800, v1;
	s9 =	sor.u32 s25, s24;
	s4 =	sadd.s32 $0x1A00, s6;
	s5 =	sadd.s32 $0x1C00, s5  }
0x11: {  	v35 =	vor.u32 $0xD000, v1;
	v36 =	vor.u32 $0xD800, v1;
	v37 =	vor.u32 $0xE000, v1;
	s6 =	smax.u32 s7, $0x1;
	s7 =	sor.u32 s11, s10;
	[dreg:$0x3] =	wrdreg s9  }
0x12: {  	v38 =	vor.u32 $0xE800, v1;
	v39 =	vor.u32 $0xF000, v1;
	v40 =	vor.u32 $0xF800, v1;
	s9 =	simm.s32 $0x2;
	s10 =	simm.s32 $0x1;
	s11 =	simm.s32 $0x400  }
.LBB2_1:
0x13: {  	[tilespmem:s3], [sflag:$0x2] =	stream.linear.gather [hbm4b:s4+s3], $0x40, $0x38;
	[tilespmem:$0x11080] =	vst v63  }
0x14: {  	s16 =	simm.s32 $0x1F0;
	_ =	swait.ge [sflag:s9], $0x40  }
0x15: {  	s17 =	simm.s32 $0x0;
	s18 =	smov.u32 s8;
	[sflag:s9] =	ssyncset.done $0x0  }
0x16: {  	s19 =	smov.u32 s7;
	s20 =	simm.s32 $0x0;
	[sflag:s9] =	ssyncadd.s32 $0xFFFFFFC0  }
.LBB2_2:
0x17: {  	v41 =	vld [tilespmem:s17+$0x0];
	_ =	sdelay $0x4  }
0x18: {  	v42 =	vnsel vm0, $0x0, v41  }
0x19: {  	v42 =	vxor.u32 $0x80000000, v42  }
0x1a: {  	(xrf0) =	vmax.scan.msk.u32 $0xffff, v42;
	_ =	sdelay $0x2  }
0x1b: {  	v55 =	vsel vm1, $0x0, v41  }
0x1c: {  	v42 =	vxor.u32 $0x80000000, v55  }
0x1d: {  	(xrf0) =	vmax.scan.msk.u32 $0xffff, v42  }
0x1e: {  	v43, _, _ =	vpop (xrf0)  }
0x1f: {  	v56 =	vsel vm2, $0x0, v41;
	(v2sf) =	vpush v43, $0xF  }
0x20: {  	v42 =	vxor.u32 $0x80000000, v56  }
0x21: {  	v58 =	vsel vm3, $0x0, v41;
	(xrf0) =	vmax.scan.msk.u32 $0xffff, v42  }
0x22: {  	v60 =	vsel vm4, $0x0, v41;
	v59 =	vxor.u32 $0x80000000, v58  }
0x23: {  	v62 =	vsel vm5, $0x0, v41;
	v61 =	vxor.u32 $0x80000000, v60;
	v57, _, _ =	vpop (xrf0);
	(xrf0) =	vmax.scan.msk.u32 $0xffff, v59  }
0x24: {  	v48 =	vsel vm6, $0x0, v41;
	v63 =	vxor.u32 $0x80000000, v62;
	(xrf0) =	vmax.scan.msk.u32 $0xffff, v61  }
0x25: {  	v41 =	vsel vm7, $0x0, v41;
	v49 =	vxor.u32 $0x80000000, v48;
	(xrf0) =	vmax.scan.msk.u32 $0xffff, v63  }
0x26: {  	v41 =	vxor.u32 $0x80000000, v41;
	(xrf0) =	vmax.scan.msk.u32 $0xffff, v49  }
0x27: {  	(v2sf) =	vpush v57, $0xF;
	v44, _, _ =	vpop (xrf0);
	(xrf0) =	vmax.scan.msk.u32 $0xffff, v41;
	_ =	sdelay $0x1  }
0x28: {  	(v2sf) =	vpush v44, $0xF;
	v50, _, _ =	vpop (xrf0)  }
0x29: {  	v51, _, _ =	vpop (xrf0);
	(v2sf) =	vpush v50, $0xF  }
0x2a: {  	v52, _, _ =	vpop (xrf0);
	(v2sf) =	vpush v51, $0xF  }
0x2b: {  	v53, _, _ =	vpop (xrf0);
	(v2sf) =	vpush v52, $0xF  }
0x2c: {  	(v2sf) =	vpush v53, $0xF;
	v54, _, _ =	vpop (xrf0)  }
0x2d: {  	s28 =	spop (v2sf);
	(v2sf) =	vpush v54, $0xF;
	_ =	sdelay $0x1  }
0x2e: {  	s22 =	rddreg [dreg:$0x3];
	s21 =	sxor.u32 $0x80000000, s28  }
0x2f: {  	s24 =	sand.u32 $0x3, s20;
	s31 =	sshrl.u32 s19, $0x5;
	s23 =	sshra.s32 s21, $0x1F  }
0x30: {  	s22 =	sadd.s32 s16, s22;
	p1 =	sne.s32 s24, $0x0;
	s23 =	sshrl.u32 s23, $0x19  }
0x31: {  	p0 =	seq.s32 s22, $0x1F0;
	s22 =	simm.s32 $0x1;
	s23 =	sadd.s32 s23, s21  }
0x32: {  	p6 =	sgt.s32 s28, $0xFFFFFFFF;
	p2 =	slt.s32 s21, $0x1;
	s29 =	sand.u32 $0xFFFFFF80, s23  }
0x33: {  	p0 =	por !p1, !p0;
	p1 =	por p6, p2;
	p3 =	sne.s32 s21, s29  }
0x34: {  	p0 =	por !p0, !p0;
	s26 =	spop (v2sf);
	p1 =	por !p1, !p3  }
0x35: {  	s30 =	sshrl.u32 s23, $0x7;
	s23 =	simm.s32 $0x1;
	p1 =	por !p1, !p1  }
0x36: {  	s22 =	simm.s32 @!p0 $0x0;
	s25 =	spop (v2sf);
	s23 =	simm.s32 @!p1 $0x0  }
0x37: {  	s22 =	ssub.s32 s31, s22;
	s24 =	spop (v2sf);
	s21 =	ssub.s32 s30, s23  }
0x38: {  	s29 =	sshll.u32 s22, $0x13;
	s23 =	spop (v2sf);
	s21 =	sshll.u32 s21, $0xA  }
0x39: {  	s22 =	spop (v2sf);
	s29 =	sadd.s32 s21, s29  }
0x3a: {  	s21 =	spop (v2sf);
	s30 =	sadd.s32 $0x2000000, s29  }
0x3b: {  	s30 =	sshrl.u32 s30, $0x3;
	s29 =	spop (v2sf)  }
0x3c: {  	s30 =	sadd.s32 s2, s30;
	s31 =	sxor.u32 $0x80000000, s29  }
0x3d: {  	[tilespmem:s13], [sflag:$0x1] =	stream.strided.gather [hbm4b:s30+s11], $0x2000, s12, s11, $0x38;
	[tilespmem:$0x11080] =	vst v63  }
0x3e: {  	s0 =	sshra.s32 s31, $0x1F  }
0x3f: {  	s30 =	sshrl.u32 s0, $0x19  }
0x40: {  	s30 =	sadd.s32 s30, s31  }
0x41: {  	p4 =	sgt.s32 s29, $0xFFFFFFFF;
	p5 =	slt.s32 s31, $0x1;
	s0 =	sand.u32 $0xFFFFFF80, s30  }
0x42: {  	p0 =	por p4, p5;
	p6 =	sne.s32 s31, s0  }
0x43: {  	p0 =	por !p0, !p6  }
0x44: {  	s0 =	simm.s32 $0x1;
	p0 =	por !p0, !p0  }
0x45: {  	s30 =	sshrl.u32 s30, $0x7;
	s0 =	simm.s32 @!p0 $0x0  }
0x46: {  	s1 =	sand.u32 $0x7FF80000, s18;
	s0 =	ssub.s32 s30, s0  }
0x47: {  	s30 =	sadd.s32 $0x2000000, s1;
	s0 =	sshll.u32 s0, $0xA  }
0x48: {  	s0 =	sadd.s32 s30, s0  }
0x49: {  	s0 =	sshrl.u32 s0, $0x3  }
0x4a: {  	s31 =	rddreg [dreg:$0x4];
	s1 =	sxor.u32 $0x80000000, s26;
	s0 =	sadd.s32 s2, s0  }
0x4b: {  	[tilespmem:s31], [sflag:$0x1] =	stream.strided.gather [hbm4b:s0+s11], $0x2000, s12, s11, $0x38;
	[tilespmem:$0x11080] =	vst v63  }
0x4c: {  	s31 =	sshra.s32 s1, $0x1F  }
0x4d: {  	s0 =	sshrl.u32 s31, $0x19  }
0x4e: {  	s0 =	sadd.s32 s0, s1  }
0x4f: {  	p1 =	sgt.s32 s26, $0xFFFFFFFF;
	p2 =	slt.s32 s1, $0x1;
	s31 =	sand.u32 $0xFFFFFF80, s0  }
0x50: {  	p0 =	por p1, p2;
	p3 =	sne.s32 s1, s31  }
0x51: {  	p0 =	por !p0, !p3  }
0x52: {  	s1 =	simm.s32 $0x1;
	p0 =	por !p0, !p0  }
0x53: {  	s0 =	sshrl.u32 s0, $0x7;
	s1 =	simm.s32 @!p0 $0x0  }
0x54: {  	s0 =	ssub.s32 s0, s1  }
0x55: {  	s0 =	sshll.u32 s0, $0xA  }
0x56: {  	s0 =	sadd.s32 s30, s0  }
0x57: {  	s0 =	sshrl.u32 s0, $0x3  }
0x58: {  	s31 =	sxor.u32 $0x80000000, s25;
	s1 =	rddreg [dreg:$0x5];
	s0 =	sadd.s32 s2, s0  }
0x59: {  	[tilespmem:s1], [sflag:$0x1] =	stream.strided.gather [hbm4b:s0+s11], $0x2000, s12, s11, $0x38;
	[tilespmem:$0x11080] =	vst v63  }
0x5a: {  	s1 =	sshra.s32 s31, $0x1F  }
0x5b: {  	s0 =	sshrl.u32 s1, $0x19  }
0x5c: {  	s0 =	sadd.s32 s0, s31  }
0x5d: {  	p4 =	sgt.s32 s25, $0xFFFFFFFF;
	p5 =	slt.s32 s31, $0x1;
	s1 =	sand.u32 $0xFFFFFF80, s0  }
0x5e: {  	p0 =	por p4, p5;
	p6 =	sne.s32 s31, s1  }
0x5f: {  	p0 =	por !p0, !p6  }
0x60: {  	s1 =	simm.s32 $0x1;
	p0 =	por !p0, !p0  }
0x61: {  	s0 =	sshrl.u32 s0, $0x7;
	s1 =	simm.s32 @!p0 $0x0  }
0x62: {  	s0 =	ssub.s32 s0, s1  }
0x63: {  	s0 =	sshll.u32 s0, $0xA  }
0x64: {  	s0 =	sadd.s32 s30, s0  }
0x65: {  	s0 =	sshrl.u32 s0, $0x3  }
0x66: {  	s31 =	sxor.u32 $0x80000000, s24;
	s1 =	rddreg [dreg:$0x6];
	s0 =	sadd.s32 s2, s0  }
0x67: {  	[tilespmem:s1], [sflag:$0x1] =	stream.strided.gather [hbm4b:s0+s11], $0x2000, s12, s11, $0x38;
	[tilespmem:$0x11080] =	vst v63  }
0x68: {  	s1 =	sshra.s32 s31, $0x1F  }
0x69: {  	s0 =	sshrl.u32 s1, $0x19  }
0x6a: {  	s0 =	sadd.s32 s0, s31  }
0x6b: {  	p1 =	sgt.s32 s24, $0xFFFFFFFF;
	p2 =	slt.s32 s31, $0x1;
	s1 =	sand.u32 $0xFFFFFF80, s0  }
0x6c: {  	p0 =	por p1, p2;
	p3 =	sne.s32 s31, s1  }
0x6d: {  	p0 =	por !p0, !p3  }
0x6e: {  	s1 =	simm.s32 $0x1;
	p0 =	por !p0, !p0  }
0x6f: {  	s0 =	sshrl.u32 s0, $0x7;
	s1 =	simm.s32 @!p0 $0x0  }
0x70: {  	s0 =	ssub.s32 s0, s1  }
0x71: {  	s0 =	sshll.u32 s0, $0xA  }
0x72: {  	s0 =	sadd.s32 s30, s0  }
0x73: {  	s0 =	sshrl.u32 s0, $0x3  }
0x74: {  	s31 =	sxor.u32 $0x80000000, s23;
	s1 =	rddreg [dreg:$0x7];
	s0 =	sadd.s32 s2, s0  }
0x75: {  	[tilespmem:s1], [sflag:$0x1] =	stream.strided.gather [hbm4b:s0+s11], $0x2000, s12, s11, $0x38;
	[tilespmem:$0x11080] =	vst v63  }
0x76: {  	s1 =	sshra.s32 s31, $0x1F  }
0x77: {  	s0 =	sshrl.u32 s1, $0x19  }
0x78: {  	s0 =	sadd.s32 s0, s31  }
0x79: {  	p4 =	sgt.s32 s23, $0xFFFFFFFF;
	p5 =	slt.s32 s31, $0x1;
	s1 =	sand.u32 $0xFFFFFF80, s0  }
0x7a: {  	p0 =	por p4, p5;
	p6 =	sne.s32 s31, s1  }
0x7b: {  	p0 =	por !p0, !p6  }
0x7c: {  	s1 =	simm.s32 $0x1;
	p0 =	por !p0, !p0  }
0x7d: {  	s0 =	sshrl.u32 s0, $0x7;
	s1 =	simm.s32 @!p0 $0x0  }
0x7e: {  	s0 =	ssub.s32 s0, s1  }
0x7f: {  	s0 =	sshll.u32 s0, $0xA  }
0x80: {  	s0 =	sadd.s32 s30, s0  }
0x81: {  	s0 =	sshrl.u32 s0, $0x3  }
0x82: {  	s31 =	sxor.u32 $0x80000000, s22;
	s1 =	rddreg [dreg:$0x8];
	s0 =	sadd.s32 s2, s0  }
0x83: {  	[tilespmem:s1], [sflag:$0x1] =	stream.strided.gather [hbm4b:s0+s11], $0x2000, s12, s11, $0x38;
	[tilespmem:$0x11080] =	vst v63  }
0x84: {  	s1 =	sshra.s32 s31, $0x1F  }
0x85: {  	s0 =	sshrl.u32 s1, $0x19  }
0x86: {  	s0 =	sadd.s32 s0, s31  }
0x87: {  	p1 =	sgt.s32 s22, $0xFFFFFFFF;
	p2 =	slt.s32 s31, $0x1;
	s1 =	sand.u32 $0xFFFFFF80, s0  }
0x88: {  	p0 =	por p1, p2;
	p3 =	sne.s32 s31, s1  }
0x89: {  	p0 =	por !p0, !p3  }
0x8a: {  	s1 =	simm.s32 $0x1;
	p0 =	por !p0, !p0  }
0x8b: {  	s0 =	sshrl.u32 s0, $0x7;
	s1 =	simm.s32 @!p0 $0x0  }
0x8c: {  	s0 =	ssub.s32 s0, s1  }
0x8d: {  	s0 =	sshll.u32 s0, $0xA  }
0x8e: {  	s0 =	sadd.s32 s30, s0  }
0x8f: {  	s0 =	sshrl.u32 s0, $0x3  }
0x90: {  	s31 =	sxor.u32 $0x80000000, s21;
	s1 =	rddreg [dreg:$0x9];
	s0 =	sadd.s32 s2, s0  }
0x91: {  	[tilespmem:s1], [sflag:$0x1] =	stream.strided.gather [hbm4b:s0+s11], $0x2000, s12, s11, $0x38;
	[tilespmem:$0x11080] =	vst v63  }
0x92: {  	s1 =	sshra.s32 s31, $0x1F  }
0x93: {  	s0 =	sshrl.u32 s1, $0x19  }
0x94: {  	s0 =	sadd.s32 s0, s31  }
0x95: {  	p4 =	sgt.s32 s21, $0xFFFFFFFF;
	p5 =	slt.s32 s31, $0x1;
	s1 =	sand.u32 $0xFFFFFF80, s0  }
0x96: {  	p0 =	por p4, p5;
	p6 =	sne.s32 s31, s1  }
0x97: {  	p0 =	por !p0, !p6  }
0x98: {  	s1 =	simm.s32 $0x1;
	p0 =	por !p0, !p0  }
0x99: {  	s0 =	sshrl.u32 s0, $0x7;
	s1 =	simm.s32 @!p0 $0x0  }
0x9a: {  	s0 =	ssub.s32 s0, s1  }
0x9b: {  	s0 =	sshll.u32 s0, $0xA  }
0x9c: {  	s0 =	sadd.s32 s30, s0  }
0x9d: {  	s0 =	sshrl.u32 s0, $0x3  }
0x9e: {  	s30 =	rddreg [dreg:$0xa];
	s0 =	sadd.s32 s2, s0  }
0x9f: {  	[tilespmem:s30], [sflag:$0x1] =	stream.strided.gather [hbm4b:s0+s11], $0x2000, s12, s11, $0x38;
	[tilespmem:$0x11080] =	vst v63  }
0xa0: {  	_ =	swait.ge [sflag:s10], $0x2000  }
0xa1: {  	[sflag:s10] =	ssyncset.done $0x0  }
0xa2: {  	[sflag:s10] =	ssyncadd.s32 $0xFFFFE000  }
0xa3: {  	_ =	swait.ge [sflag:s10], $0x2000  }
0xa4: {  	[sflag:s10] =	ssyncset.done $0x0  }
0xa5: {  	[sflag:s10] =	ssyncadd.s32 $0xFFFFE000  }
0xa6: {  	_ =	swait.ge [sflag:s10], $0x2000  }
0xa7: {  	[sflag:s10] =	ssyncset.done $0x0  }
0xa8: {  	[sflag:s10] =	ssyncadd.s32 $0xFFFFE000  }
0xa9: {  	_ =	swait.ge [sflag:s10], $0x2000  }
0xaa: {  	[sflag:s10] =	ssyncset.done $0x0  }
0xab: {  	[sflag:s10] =	ssyncadd.s32 $0xFFFFE000  }
0xac: {  	_ =	swait.ge [sflag:s10], $0x2000  }
0xad: {  	[sflag:s10] =	ssyncset.done $0x0  }
0xae: {  	[sflag:s10] =	ssyncadd.s32 $0xFFFFE000  }
0xaf: {  	_ =	swait.ge [sflag:s10], $0x2000  }
0xb0: {  	[sflag:s10] =	ssyncset.done $0x0  }
0xb1: {  	[sflag:s10] =	ssyncadd.s32 $0xFFFFE000  }
0xb2: {  	s31 =	sand.u32 $0x7F, s28;
	s28 =	sadd.s32 $0xFFFFFE10, s16;
	_ =	swait.ge [sflag:s10], $0x2000  }
0xb3: {  	v55 =	vmov s28;
	v56 =	vor.u32 s31, v1;
	[sflag:s10] =	ssyncset.done $0x0  }
0xb4: {  	v41 =	vshrl.u32 v55, $0x7;
	[sflag:s10] =	ssyncadd.s32 $0xFFFFE000  }
0xb5: {  	v41 =	vshll.u32 v41, v2;
	_ =	swait.ge [sflag:s10], $0x2000  }
0xb6: {  	v41 =	vbroadcast v41, $0x0;
	[sflag:s10] =	ssyncset.done $0x0  }
0xb7: {  	[sflag:s10] =	ssyncadd.s32 $0xFFFFE000  }
0xb8: {  	v57 =	vor.u32 v0, v41;
	v42 =	vld.idx.msk [tilespmem:v56+s13+$0x0], $0xffff  }
0xb9: {  	v58 =	vor.u32 s31, v3;
	_ =	sdelay $0x3  }
0xba: {  	[tilespmem:v57+s14+$0x0] =	vst.idx.msk $0xffff, v42  }
0xbb: {  	v59 =	vor.u32 v4, v41;
	v42 =	vld.idx.msk [tilespmem:v58+s13+$0x0], $0xffff  }
0xbc: {  	v60 =	vor.u32 s31, v5;
	_ =	sdelay $0x3  }
0xbd: {  	[tilespmem:v59+s14+$0x0] =	vst.idx.msk $0xffff, v42  }
0xbe: {  	v61 =	vor.u32 v6, v41;
	v42 =	vld.idx.msk [tilespmem:v60+s13+$0x0], $0xffff  }
0xbf: {  	v62 =	vor.u32 s31, v7;
	_ =	sdelay $0x3  }
0xc0: {  	[tilespmem:v61+s14+$0x0] =	vst.idx.msk $0xffff, v42  }
0xc1: {  	s29 =	sand.u32 $0x7F, s29;
	v63 =	vor.u32 v8, v41;
	v42 =	vld.idx.msk [tilespmem:v62+s13+$0x0], $0xffff  }
0xc2: {  	v48 =	vor.u32 s29, v9;
	_ =	sdelay $0x3  }
0xc3: {  	[tilespmem:v63+s14+$0x0] =	vst.idx.msk $0xffff, v42  }
0xc4: {  	v49 =	vor.u32 v10, v41;
	v42 =	vld.idx.msk [tilespmem:v48+s13+$0x0], $0xffff  }
0xc5: {  	v50 =	vor.u32 s29, v11;
	_ =	sdelay $0x3  }
0xc6: {  	[tilespmem:v49+s14+$0x0] =	vst.idx.msk $0xffff, v42  }
0xc7: {  	v51 =	vor.u32 v12, v41;
	v42 =	vld.idx.msk [tilespmem:v50+s13+$0x0], $0xffff  }
0xc8: {  	v52 =	vor.u32 s29, v13;
	_ =	sdelay $0x3  }
0xc9: {  	[tilespmem:v51+s14+$0x0] =	vst.idx.msk $0xffff, v42  }
0xca: {  	v53 =	vor.u32 v14, v41;
	v42 =	vld.idx.msk [tilespmem:v52+s13+$0x0], $0xffff  }
0xcb: {  	v54 =	vor.u32 s29, v15;
	_ =	sdelay $0x3  }
0xcc: {  	[tilespmem:v53+s14+$0x0] =	vst.idx.msk $0xffff, v42  }
0xcd: {  	s31 =	sadd.s32 $0xFFFFFE90, s16;
	v41 =	vor.u32 v16, v41;
	s30 =	sand.u32 $0x7F, s26;
	v42 =	vld.idx.msk [tilespmem:v54+s13+$0x0], $0xffff  }
0xce: {  	v55 =	vor.u32 s30, v17;
	v56 =	vmov s31  }
0xcf: {  	v44 =	vshrl.u32 v56, $0x7  }
0xd0: {  	v44 =	vshll.u32 v44, v2  }
0xd1: {  	v44 =	vbroadcast v44, $0x0  }
0xd2: {  	[tilespmem:v41+s14+$0x0] =	vst.idx.msk $0xffff, v42  }
0xd3: {  	v57 =	vor.u32 v0, v44;
	v41 =	vld.idx.msk [tilespmem:v55+s13+$0x0], $0xffff  }
0xd4: {  	v58 =	vor.u32 s30, v18;
	_ =	sdelay $0x3  }
0xd5: {  	s26 =	sadd.s32 $0xFFFFFEA0, s16;
	[tilespmem:v57+s14+$0x0] =	vst.idx.msk $0xffff, v41  }
0xd6: {  	v59 =	vor.u32 s26, v0;
	v41 =	vld.idx.msk [tilespmem:v58+s13+$0x0], $0xffff  }
0xd7: {  	v60 =	vor.u32 s30, v19;
	_ =	sdelay $0x3  }
0xd8: {  	s28 =	sadd.s32 $0xFFFFFEB0, s16;
	[tilespmem:v59+s14+$0x0] =	vst.idx.msk $0xffff, v41  }
0xd9: {  	v61 =	vor.u32 s28, v0;
	v42 =	vld.idx.msk [tilespmem:v60+s13+$0x0], $0xffff  }
0xda: {  	v62 =	vor.u32 s30, v20;
	_ =	sdelay $0x3  }
0xdb: {  	s29 =	sadd.s32 $0xFFFFFEC0, s16;
	[tilespmem:v61+s14+$0x0] =	vst.idx.msk $0xffff, v42  }
0xdc: {  	s31 =	sadd.s32 $0xFFFFFED0, s16;
	s30 =	sand.u32 $0x7F, s25;
	v63 =	vor.u32 s29, v0;
	v41 =	vld.idx.msk [tilespmem:v62+s13+$0x0], $0xffff  }
0xdd: {  	v48 =	vor.u32 s30, v21;
	v49 =	vmov s31  }
0xde: {  	v44 =	vshrl.u32 v49, $0x7  }
0xdf: {  	v44 =	vshll.u32 v44, v2  }
0xe0: {  	v44 =	vbroadcast v44, $0x0  }
0xe1: {  	[tilespmem:v63+s14+$0x0] =	vst.idx.msk $0xffff, v41  }
0xe2: {  	s25 =	sadd.s32 $0xFFFFFEE0, s16;
	v50 =	vor.u32 v10, v44;
	v41 =	vld.idx.msk [tilespmem:v48+s13+$0x0], $0xffff  }
0xe3: {  	v51 =	vor.u32 s30, v22;
	v52 =	vmov s25  }
0xe4: {  	v44 =	vshrl.u32 v52, $0x7  }
0xe5: {  	v44 =	vshll.u32 v44, v2  }
0xe6: {  	v44 =	vbroadcast v44, $0x0  }
0xe7: {  	[tilespmem:v50+s14+$0x0] =	vst.idx.msk $0xffff, v41  }
0xe8: {  	s26 =	sadd.s32 $0xFFFFFEF0, s16;
	v53 =	vor.u32 v12, v44;
	v41 =	vld.idx.msk [tilespmem:v51+s13+$0x0], $0xffff  }
0xe9: {  	v54 =	vor.u32 s30, v23;
	v55 =	vmov s26  }
0xea: {  	v44 =	vshrl.u32 v55, $0x7  }
0xeb: {  	v44 =	vshll.u32 v44, v2  }
0xec: {  	v44 =	vbroadcast v44, $0x0  }
0xed: {  	[tilespmem:v53+s14+$0x0] =	vst.idx.msk $0xffff, v41  }
0xee: {  	s28 =	sadd.s32 $0xFFFFFF00, s16;
	v56 =	vor.u32 v14, v44;
	v41 =	vld.idx.msk [tilespmem:v54+s13+$0x0], $0xffff  }
0xef: {  	v57 =	vor.u32 s30, v24;
	v58 =	vmov s28  }
0xf0: {  	v44 =	vshrl.u32 v58, $0x7  }
0xf1: {  	v44 =	vshll.u32 v44, v2  }
0xf2: {  	v44 =	vbroadcast v44, $0x0  }
0xf3: {  	[tilespmem:v56+s14+$0x0] =	vst.idx.msk $0xffff, v41  }
0xf4: {  	s29 =	sand.u32 $0x7F, s24;
	s30 =	sadd.s32 $0xFFFFFF10, s16;
	v59 =	vor.u32 v16, v44;
	v41 =	vld.idx.msk [tilespmem:v57+s13+$0x0], $0xffff  }
0xf5: {  	v60 =	vor.u32 s29, v25;
	v61 =	vmov s30  }
0xf6: {  	v44 =	vshrl.u32 v61, $0x7  }
0xf7: {  	v44 =	vshll.u32 v44, v2  }
0xf8: {  	v44 =	vbroadcast v44, $0x0  }
0xf9: {  	[tilespmem:v59+s14+$0x0] =	vst.idx.msk $0xffff, v41  }
0xfa: {  	v62 =	vor.u32 v0, v44;
	v41 =	vld.idx.msk [tilespmem:v60+s13+$0x0], $0xffff  }
0xfb: {  	v63 =	vor.u32 s29, v26;
	_ =	sdelay $0x3  }
0xfc: {  	s31 =	sadd.s32 $0xFFFFFF20, s16;
	[tilespmem:v62+s14+$0x0] =	vst.idx.msk $0xffff, v41  }
0xfd: {  	v45 =	vor.u32 s31, v0;
	v41 =	vld.idx.msk [tilespmem:v63+s13+$0x0], $0xffff  }
0xfe: {  	v46 =	vor.u32 s29, v27;
	_ =	sdelay $0x3  }
0xff: {  	s24 =	sadd.s32 $0xFFFFFF30, s16;
	[tilespmem:v45+s14+$0x0] =	vst.idx.msk $0xffff, v41  }
0x100: {  	v47 =	vor.u32 s24, v0;
	v42 =	vld.idx.msk [tilespmem:v46+s13+$0x0], $0xffff  }
0x101: {  	v48 =	vor.u32 s29, v28;
	_ =	sdelay $0x3  }
0x102: {  	s25 =	sadd.s32 $0xFFFFFF40, s16;
	[tilespmem:v47+s14+$0x0] =	vst.idx.msk $0xffff, v42  }
0x103: {  	v49 =	vor.u32 s25, v0;
	s26 =	sand.u32 $0x7F, s23;
	s28 =	sadd.s32 $0xFFFFFF50, s16;
	v41 =	vld.idx.msk [tilespmem:v48+s13+$0x0], $0xffff  }
0x104: {  	v50 =	vor.u32 s26, v29;
	v51 =	vmov s28  }
0x105: {  	v44 =	vshrl.u32 v51, $0x7  }
0x106: {  	v44 =	vshll.u32 v44, v2  }
0x107: {  	v44 =	vbroadcast v44, $0x0  }
0x108: {  	[tilespmem:v49+s14+$0x0] =	vst.idx.msk $0xffff, v41  }
0x109: {  	s29 =	sadd.s32 $0xFFFFFF60, s16;
	v52 =	vor.u32 v10, v44;
	v41 =	vld.idx.msk [tilespmem:v50+s13+$0x0], $0xffff  }
0x10a: {  	v53 =	vor.u32 s26, v30;
	v54 =	vmov s29  }
0x10b: {  	v44 =	vshrl.u32 v54, $0x7  }
0x10c: {  	v44 =	vshll.u32 v44, v2  }
0x10d: {  	v44 =	vbroadcast v44, $0x0  }
0x10e: {  	[tilespmem:v52+s14+$0x0] =	vst.idx.msk $0xffff, v41  }
0x10f: {  	s30 =	sadd.s32 $0xFFFFFF70, s16;
	v55 =	vor.u32 v12, v44;
	v41 =	vld.idx.msk [tilespmem:v53+s13+$0x0], $0xffff  }
0x110: {  	v56 =	vor.u32 s26, v31;
	v57 =	vmov s30  }
0x111: {  	v44 =	vshrl.u32 v57, $0x7  }
0x112: {  	v44 =	vshll.u32 v44, v2  }
0x113: {  	v44 =	vbroadcast v44, $0x0  }
0x114: {  	[tilespmem:v55+s14+$0x0] =	vst.idx.msk $0xffff, v41  }
0x115: {  	s31 =	sadd.s32 $0xFFFFFF80, s16;
	v58 =	vor.u32 v14, v44;
	v41 =	vld.idx.msk [tilespmem:v56+s13+$0x0], $0xffff  }
0x116: {  	v59 =	vor.u32 s26, v32;
	v60 =	vmov s31  }
0x117: {  	v44 =	vshrl.u32 v60, $0x7  }
0x118: {  	v44 =	vshll.u32 v44, v2  }
0x119: {  	v44 =	vbroadcast v44, $0x0  }
0x11a: {  	[tilespmem:v58+s14+$0x0] =	vst.idx.msk $0xffff, v41  }
0x11b: {  	s22 =	sand.u32 $0x7F, s22;
	s23 =	sadd.s32 $0xFFFFFF90, s16;
	v61 =	vor.u32 v16, v44;
	v41 =	vld.idx.msk [tilespmem:v59+s13+$0x0], $0xffff  }
0x11c: {  	v62 =	vor.u32 s22, v33;
	v63 =	vmov s23  }
0x11d: {  	v44 =	vshrl.u32 v63, $0x7  }
0x11e: {  	v44 =	vshll.u32 v44, v2  }
0x11f: {  	v44 =	vbroadcast v44, $0x0  }
0x120: {  	[tilespmem:v61+s14+$0x0] =	vst.idx.msk $0xffff, v41  }
0x121: {  	v45 =	vor.u32 v0, v44;
	v41 =	vld.idx.msk [tilespmem:v62+s13+$0x0], $0xffff  }
0x122: {  	v46 =	vor.u32 s22, v34;
	_ =	sdelay $0x3  }
0x123: {  	s24 =	sadd.s32 $0xFFFFFFA0, s16;
	[tilespmem:v45+s14+$0x0] =	vst.idx.msk $0xffff, v41  }
0x124: {  	v47 =	vor.u32 s24, v0;
	v41 =	vld.idx.msk [tilespmem:v46+s13+$0x0], $0xffff  }
0x125: {  	v48 =	vor.u32 s22, v35;
	_ =	sdelay $0x3  }
0x126: {  	s25 =	sadd.s32 $0xFFFFFFB0, s16;
	[tilespmem:v47+s14+$0x0] =	vst.idx.msk $0xffff, v41  }
0x127: {  	v49 =	vor.u32 s25, v0;
	v42 =	vld.idx.msk [tilespmem:v48+s13+$0x0], $0xffff  }
0x128: {  	v50 =	vor.u32 s22, v36;
	_ =	sdelay $0x3  }
0x129: {  	s26 =	sadd.s32 $0xFFFFFFC0, s16;
	[tilespmem:v49+s14+$0x0] =	vst.idx.msk $0xffff, v42  }
0x12a: {  	s28 =	sand.u32 $0x7F, s21;
	s29 =	sadd.s32 $0xFFFFFFD0, s16;
	v51 =	vor.u32 s26, v0;
	v41 =	vld.idx.msk [tilespmem:v50+s13+$0x0], $0xffff  }
0x12b: {  	v52 =	vor.u32 s28, v37;
	v53 =	vmov s29  }
0x12c: {  	v44 =	vshrl.u32 v53, $0x7  }
0x12d: {  	v44 =	vshll.u32 v44, v2  }
0x12e: {  	v44 =	vbroadcast v44, $0x0  }
0x12f: {  	[tilespmem:v51+s14+$0x0] =	vst.idx.msk $0xffff, v41  }
0x130: {  	s30 =	sadd.s32 $0xFFFFFFE0, s16;
	v54 =	vor.u32 v10, v44;
	v41 =	vld.idx.msk [tilespmem:v52+s13+$0x0], $0xffff  }
0x131: {  	v55 =	vor.u32 s28, v38;
	v56 =	vmov s30  }
0x132: {  	v44 =	vshrl.u32 v56, $0x7  }
0x133: {  	v44 =	vshll.u32 v44, v2  }
0x134: {  	v44 =	vbroadcast v44, $0x0  }
0x135: {  	[tilespmem:v54+s14+$0x0] =	vst.idx.msk $0xffff, v41  }
0x136: {  	s31 =	sadd.s32 $0xFFFFFFF0, s16;
	v57 =	vor.u32 v12, v44;
	v41 =	vld.idx.msk [tilespmem:v55+s13+$0x0], $0xffff  }
0x137: {  	v58 =	vmov s31;
	v59 =	vor.u32 s28, v39  }
0x138: {  	v43 =	vshrl.u32 v58, $0x7  }
0x139: {  	v43 =	vshll.u32 v43, v2  }
0x13a: {  	v43 =	vbroadcast v43, $0x0  }
0x13b: {  	[tilespmem:v57+s14+$0x0] =	vst.idx.msk $0xffff, v41  }
0x13c: {  	v60 =	vor.u32 v14, v43;
	v41 =	vld.idx.msk [tilespmem:v59+s13+$0x0], $0xffff  }
0x13d: {  	v61 =	vor.u32 s28, v40;
	v62 =	vmov s16  }
0x13e: {  	v44 =	vshrl.u32 v62, $0x7  }
0x13f: {  	v44 =	vshll.u32 v44, v2  }
0x140: {  	v44 =	vbroadcast v44, $0x0  }
0x141: {  	[tilespmem:v60+s14+$0x0] =	vst.idx.msk $0xffff, v41  }
0x142: {  	p0 =	sne.s32 s16, $0xFF0;
	v63 =	vor.u32 v16, v44;
	v41 =	vld.idx.msk [tilespmem:v61+s13+$0x0], $0xffff  }
.Ltmp0:
0x143: {  	_ = 	snop;
	(pc) =	sbr.rel @p0 .LBB2_2-.Ltmp0, $3  }
0x144: {  	_ =	sdelay $0x1  }
0x145: {  	s20 =	sadd.s32 $0x1, s20;
	s19 =	sadd.s32 $0x8, s19  }
0x146: {  	s18 =	sadd.s32 $0x20000, s18;
	s17 =	sadd.s32 $0x8, s17;
	s16 =	sadd.s32 $0x200, s16;
	[tilespmem:v63+s14+$0x0] =	vst.idx.msk $0xffff, v41  }
0x147: {  	s15 =	sadd.s32 $0x1, s15  }
0x148: {  	p0 =	sne.s32 s15, s6  }
.Ltmp1:
0x149: {  	_ = 	snop;
	(pc) =	sbr.rel @p0 .LBB2_1-.Ltmp1, $4  }
0x14a: {  	[hbm4b:s5+s3] =	stream.linear.scatter [tilespmem:s14], [sflag:$0x2], $0x1000, $0x38;
	[tilespmem:$0x11080] =	vst v63  }
0x14b: {  	_ =	swait.ge [sflag:s9], $0x1000  }
0x14c: {  	[sflag:s9] =	ssyncset.done $0x0  }
0x14d: {  	[sflag:s9] =	ssyncadd.s32 $0xFFFFF000  }
0x14e: {  	_ =	sfence.sel $0x180000  }
0x14f: {  	[bflag:$0x0] =	sbarrier.arrive $0xFFFF  }
0x150: {  	_ =	strace $0x90000047  }
0x151: {  	s0 =	stileid.u32;
	[bflag:$0x2] =	sbarrier.arrive $0xFFFF  }
0x152: {  	p0 =	sne.s32 s0, $0x0;
	s0 =	rddreg [dreg:$0x2]  }
0x153: {  	s0 =	sadd.s32 @!p0 $0x100000, s0  }
0x154: {  	[sflag:s0] =	ssyncadd.tile.s32 @!p0 $0x1;
	_ =	shalt  }
.Lfunc_end2:
_tile_overlayer_lowered:
.L_overlay_start_2:
0x155: {  	(tag) =	ssettag $0x2  }
0x156: {  	s0 =	rddreg [dreg:$0x0];
	s2 =	stileid.u32  }
0x157: {  	s1 =	rddreg [dreg:$0x1];
	p0 =	sne.s32 s2, $0x0  }
0x158: {  	s3 =	rddreg [dreg:$0x2];
	[bflag:$0x3] =	sbarrier.arrive $0xFFFF;
	s2 =	simm.s32 @!p0 $0x1C02  }
0x159: {  	[timem:s3], [sflag:s2] =	dma.local @!p0 [hbm:s0], s1  }
0x15a: {  	s0 =	simm.s32 @!p0 $0x2  }
0x15b: {  	_ =	swait.ge @!p0 [sflag:s0], s1  }
0x15c: {  	s1 =	ssub.s32 @!p0 $0x0, s1;
	[sflag:s0] =	ssyncset.done @!p0 $0x0  }
0x15d: {  	[sflag:s0] =	ssyncadd.s32 @!p0 s1  }
0x15e: {  	[bflag:$0x3] =	sbarrier.arrive $0xFFFF  }
0x15f: {  	_ =	shalt  }

</sc_bundles>
